<compile_context>
chip_gen: v7x
topology: tpu7x:2x2x1
jax: 0.10.2.dev20260603
libtpu: 0.0.44.dev20260713+nightly
codegen_flags: <defaults>
</compile_context>

<pallas_src>
import functools

import jax
import jax.numpy as jnp
from jax import lax
from jax.experimental import pallas as pl
from jax.experimental.pallas import tpu as pltpu
from jax.experimental.pallas import tpu_sc as plsc

N = 10000
E = 320000
D = 128
H = 128
C = 10
G = 64

NC = 2
NS = 16
NW = NC * NS
CHUNK = 80
N_CHUNKS = 128
GRP = 32
N_GRP = N_CHUNKS // GRP
EPW = N_CHUNKS * CHUNK
E_PAD = EPW * NW
N_PAD = 10240
RPS = N_PAD // NS


def _sc_aggregate(h, src_p, dst_p, zrows):
    mesh = plsc.VectorSubcoreMesh(core_axis_name="c", subcore_axis_name="s")

    @functools.partial(
        pl.kernel,
        mesh=mesh,
        out_type=jax.ShapeDtypeStruct((NC * N_PAD, D), jnp.float32),
        scratch_types=[
            pltpu.VMEM((GRP * CHUNK,), jnp.int32),
            pltpu.VMEM((GRP, CHUNK), jnp.int32),
            pltpu.VMEM((CHUNK, D), jnp.float32),
            pltpu.VMEM((CHUNK, D), jnp.float32),
            pltpu.VMEM((CHUNK, D), jnp.float32),
            pltpu.VMEM((CHUNK, D), jnp.float32),
            pltpu.VMEM_SHARED((N_PAD, D), jnp.float32),
            pltpu.SemaphoreType.DMA,
            pltpu.SemaphoreType.DMA,
            pltpu.SemaphoreType.DMA,
            pltpu.SemaphoreType.DMA,
            pltpu.SemaphoreType.DMA,
            pltpu.SemaphoreType.DMA,
            pltpu.SemaphoreType.DMA,
            pltpu.SemaphoreType.DMA,
        ],
    )
    def k(h_hbm, src_hbm, dst4_hbm, z_hbm, out_hbm, sidx, didx, rows0, rows1,
          rows2, rows3, acc, gsem0, gsem1, gsem2, gsem3, ssem0, ssem1, ssem2,
          ssem3):
        rows_b = [rows0, rows1, rows2, rows3]
        gsem_b = [gsem0, gsem1, gsem2, gsem3]
        ssem_b = [ssem0, ssem1, ssem2, ssem3]
        cid = lax.axis_index("c")
        sid = lax.axis_index("s")
        wid = sid * NC + cid

        def gather(i, rows, sem):
            return pltpu.async_copy(
                h_hbm.at[sidx.at[pl.ds(i * CHUNK, CHUNK)]], rows, sem)

        def gather_wait(i, rows, sem):
            pltpu.make_async_copy(
                h_hbm.at[sidx.at[pl.ds(i * CHUNK, CHUNK)]], rows, sem).wait()

        def stage_idx(g):
            c0 = pltpu.async_copy(
                src_hbm.at[pl.ds(wid * EPW + g * GRP * CHUNK, GRP * CHUNK)],
                sidx, gsem0)
            c1 = pltpu.async_copy(dst4_hbm.at[wid, g], didx, gsem1)
            return c0, c1

        def run_group():
            for b in range(4):
                gather(b, rows_b[b], gsem_b[b])

            @pl.loop(0, GRP - 4, step=4)
            def _(i):
                ss = []
                for b in range(4):
                    gather_wait(i + b, rows_b[b], gsem_b[b])
                    ss.append(pltpu.async_copy(
                        rows_b[b], acc.at[didx.at[i + b]], ssem_b[b],
                        add=True))
                for b in range(4):
                    ss[b].wait()
                    gather(i + b + 4, rows_b[b], gsem_b[b])

            last = GRP - 4
            for b in range(4):
                gather_wait(last + b, rows_b[b], gsem_b[b])
                pltpu.sync_copy(rows_b[b], acc.at[didx.at[last + b]],
                                add=True)

        z = pltpu.async_copy(z_hbm, acc.at[pl.ds(sid * RPS, RPS)], ssem0)
        c0, c1 = stage_idx(0)
        z.wait()
        plsc.subcore_barrier()
        c0.wait()
        c1.wait()
        run_group()

        @pl.loop(1, N_GRP)
        def _(g):
            c0, c1 = stage_idx(g)
            c0.wait()
            c1.wait()
            run_group()

        plsc.subcore_barrier()
        out_row = cid * N_PAD + sid * RPS
        pltpu.sync_copy(acc.at[pl.ds(sid * RPS, RPS)],
                        out_hbm.at[pl.ds(out_row, RPS)])

    return k(h, src_p, dst_p.reshape(NW, N_GRP, GRP, CHUNK), zrows)


def _tc_layer(h, agg, Wa, ba, Wb, bb):

    def body(h_ref, a_ref, wa_ref, ba_ref, wb_ref, bb_ref, out_ref):
        s = h_ref[...] + a_ref[0, :N, :] + a_ref[1, :N, :]
        t = jnp.dot(s, wa_ref[...], preferred_element_type=jnp.float32)
        t = jnp.maximum(t + ba_ref[...], 0.0)
        u = jnp.dot(t, wb_ref[...], preferred_element_type=jnp.float32)
        out_ref[...] = jnp.maximum(u + bb_ref[...], 0.0)

    return pl.pallas_call(
        body,
        out_shape=jax.ShapeDtypeStruct((N, H), jnp.float32),
    )(h, agg, Wa, ba.reshape(1, H), Wb, bb.reshape(1, H))


def _tc_final(h, agg, Wa, ba, Wb, bb, batch_t, Wc, bc):

    def body(h_ref, a_ref, wa_ref, ba_ref, wb_ref, bb_ref, bt_ref, wc_ref,
             bc_ref, out_ref):
        s = h_ref[...] + a_ref[0, :N, :] + a_ref[1, :N, :]
        t = jnp.dot(s, wa_ref[...], preferred_element_type=jnp.float32)
        t = jnp.maximum(t + ba_ref[...], 0.0)
        u = jnp.dot(t, wb_ref[...], preferred_element_type=jnp.float32)
        h3 = jnp.maximum(u + bb_ref[...], 0.0)
        seg = (bt_ref[...] == lax.broadcasted_iota(jnp.int32, (G, 1), 0)
               ).astype(jnp.float32)
        sums = jnp.dot(seg, h3, preferred_element_type=jnp.float32)
        counts = jnp.sum(seg, axis=1, keepdims=True)
        pooled = sums / jnp.maximum(counts, 1.0)
        out = jnp.dot(pooled, wc_ref[...], preferred_element_type=jnp.float32)
        out_ref[...] = out + bc_ref[...]

    return pl.pallas_call(
        body,
        out_shape=jax.ShapeDtypeStruct((G, C), jnp.float32),
    )(h, agg, Wa, ba.reshape(1, H), Wb, bb.reshape(1, H), batch_t, Wc,
      bc.reshape(1, C))


def kernel(x, edge_index, batch, W1_0, b1_0, W2_0, b2_0, W1_1, b1_1, W2_1,
           b2_1, W1_2, b1_2, W2_2, b2_2, Wc, bc):
    rpw = E // NW
    dpw = EPW - rpw
    dummy_src = (jnp.arange(NW * dpw, dtype=jnp.int32) * 37 % N).reshape(
        NW, dpw)
    dummy_dst = (N + jnp.arange(NW * dpw, dtype=jnp.int32) % (N_PAD - N)
                 ).reshape(NW, dpw)
    src_p = jnp.concatenate(
        [edge_index[0].reshape(NW, rpw), dummy_src], axis=1).reshape(-1)
    dst_p = jnp.concatenate(
        [edge_index[1].reshape(NW, rpw), dummy_dst], axis=1).reshape(-1)
    zrows = jnp.zeros((RPS, D), jnp.float32)
    batch_t = batch.reshape(1, N)

    agg = _sc_aggregate(x, src_p, dst_p, zrows)
    agg = agg.reshape(NC, N_PAD, D)
    h = _tc_layer(x, agg, W1_0, b1_0, W2_0, b2_0)
    agg = _sc_aggregate(h, src_p, dst_p, zrows).reshape(NC, N_PAD, D)
    h = _tc_layer(h, agg, W1_1, b1_1, W2_1, b2_1)
    agg = _sc_aggregate(h, src_p, dst_p, zrows).reshape(NC, N_PAD, D)
    return _tc_final(h, agg, W1_2, b1_2, W2_2, b2_2, batch_t, Wc, bc)

# --- scband reference (transcript-rebuilt; emitter-appended) ---
"""Pipeline reference for scband-gin-18846316494850 (READ-ONLY COPY).

The authoritative reference and input builder live on the scoring server;
editing this copy changes nothing except your own understanding.
"""

import jax, jax.numpy as jnp
import numpy as np

N = 10000
E = 320000
D = 128
H = 128
C = 10
G = 64


def setup_inputs(seed: int = 0) -> dict:
    key = jax.random.key(seed)
    ks = jax.random.split(key, 20)
    inp = {}
    inp["x"] = jax.random.normal(ks[0], (N, D), dtype=jnp.float32)
    inp["edge_index"] = jax.random.randint(ks[1], (2, E), 0, N, dtype=jnp.int32)
    inp["batch"] = jnp.sort(jax.random.randint(ks[2], (N,), 0, G, dtype=jnp.int32))
    def lin(k, fan_in, fan_out):
        s = 1.0 / np.sqrt(fan_in)
        kw, kb = jax.random.split(k)
        W = jax.random.uniform(kw, (fan_in, fan_out), minval=-s, maxval=s, dtype=jnp.float32)
        b = jax.random.uniform(kb, (fan_out,), minval=-s, maxval=s, dtype=jnp.float32)
        return W, b
    # conv1 MLP: Linear(D,H), ReLU, Linear(H,H)
    inp["W1_0"], inp["b1_0"] = lin(ks[3], D, H)
    inp["W2_0"], inp["b2_0"] = lin(ks[4], H, H)
    # convs[0]
    inp["W1_1"], inp["b1_1"] = lin(ks[5], H, H)
    inp["W2_1"], inp["b2_1"] = lin(ks[6], H, H)
    # convs[1]
    inp["W1_2"], inp["b1_2"] = lin(ks[7], H, H)
    inp["W2_2"], inp["b2_2"] = lin(ks[8], H, H)
    # classify head
    inp["Wc"], inp["bc"] = lin(ks[9], H, C)
    return inp


def reference(x, edge_index, batch, W1_0, b1_0, W2_0, b2_0, W1_1, b1_1, W2_1, b2_1, W1_2, b1_2, W2_2, b2_2, Wc, bc):
    src = edge_index[0]
    dst = edge_index[1]

    def gin_conv(h, Wa, ba, Wb, bb):
        # GINConv with eps=0: mlp((1+eps)*x + sum_{j in N(i)} x_j)
        agg = jnp.zeros_like(h).at[dst].add(h[src])
        s = h + agg
        return jax.nn.relu(s @ Wa + ba) @ Wb + bb

    h = jax.nn.relu(gin_conv(x, W1_0, b1_0, W2_0, b2_0))
    h = jax.nn.relu(gin_conv(h, W1_1, b1_1, W2_1, b2_1))
    h = jax.nn.relu(gin_conv(h, W1_2, b1_2, W2_2, b2_2))
    # global_mean_pool over batch segment ids
    sums = jax.ops.segment_sum(h, batch, num_segments=G)
    counts = jax.ops.segment_sum(jnp.ones((h.shape[0], 1), dtype=h.dtype), batch, num_segments=G)
    pooled = sums / jnp.maximum(counts, 1.0)
    return pooled @ Wc + bc

if __name__ == "__main__":
    import jax
    _d = setup_inputs()
    print(jax.jit(kernel)(*tuple(_d.values())))

</pallas_src>

<mosaic_0001>
#map = affine_map<(d0, d1) -> (0, 0)>
#map1 = affine_map<(d0, d1) -> (0)>
#map2 = affine_map<(d0, d1) -> (0, 0, 0, 0)>
module attributes {stable_mosaic.version = 14 : i64} {
  func.func @k(%arg0: i32, %arg1: i32, %arg2: memref<10000x128xf32, #tpu.memory_space<hbm>>, %arg3: memref<327680xi32, #tpu.memory_space<hbm>>, %arg4: memref<32x4x32x80xi32, #tpu.memory_space<hbm>>, %arg5: memref<640x128xf32, #tpu.memory_space<hbm>>, %arg6: memref<20480x128xf32, #tpu.memory_space<hbm>>, %arg7: memref<2560xi32, #tpu.memory_space<vmem>>, %arg8: memref<32x80xi32, #tpu.memory_space<vmem>>, %arg9: memref<80x128xf32, #tpu.memory_space<vmem>>, %arg10: memref<80x128xf32, #tpu.memory_space<vmem>>, %arg11: memref<80x128xf32, #tpu.memory_space<vmem>>, %arg12: memref<80x128xf32, #tpu.memory_space<vmem>>, %arg13: memref<10240x128xf32, #tpu.memory_space<vmem_shared>>, %arg14: memref<!tpu.dma_semaphore, #tpu.memory_space<semaphore_mem>>, %arg15: memref<!tpu.dma_semaphore, #tpu.memory_space<semaphore_mem>>, %arg16: memref<!tpu.dma_semaphore, #tpu.memory_space<semaphore_mem>>, %arg17: memref<!tpu.dma_semaphore, #tpu.memory_space<semaphore_mem>>, %arg18: memref<!tpu.dma_semaphore, #tpu.memory_space<semaphore_mem>>, %arg19: memref<!tpu.dma_semaphore, #tpu.memory_space<semaphore_mem>>, %arg20: memref<!tpu.dma_semaphore, #tpu.memory_space<semaphore_mem>>, %arg21: memref<!tpu.dma_semaphore, #tpu.memory_space<semaphore_mem>>) attributes {dimension_semantics = [#tpu.dimension_semantics<core_parallel>, #tpu.dimension_semantics<subcore_parallel>], iteration_bounds = array<i64: 2, 16>, scalar_prefetch = 0 : i64, scratch_operands = 15 : i64, tpu.core_type = #tpu.core_type<sc_vector_subcore>, window_params = [{transform_indices = #map}, {transform_indices = #map1}, {transform_indices = #map2}, {transform_indices = #map}, {transform_indices = #map}]} {
    %mul3A = arith.constant 2 : i32
    %mul3A_0 = arith.muli %arg1, %mul3A : i32
    %add3A = arith.addi %mul3A_0, %arg0 : i32
    %mul3A_1 = arith.constant 640 : i32
    %mul3A_2 = arith.muli %arg1, %mul3A_1 : i32
    %dma_start3A = arith.constant 0 : i32
    %dma_start3A_3 = tpu.memref_slice %arg13[%mul3A_2, %dma_start3A] : memref<10240x128xf32, #tpu.memory_space<vmem_shared>> -> memref<640x128xf32, #tpu.memory_space<vmem_shared>>
    tpu.enqueue_dma source(%arg5 : memref<640x128xf32, #tpu.memory_space<hbm>>) target(%dma_start3A_3 : memref<640x128xf32, #tpu.memory_space<vmem_shared>>) target_semaphore(%arg18 : memref<!tpu.dma_semaphore, #tpu.memory_space<semaphore_mem>>)
    %mul3A_4 = arith.constant 10240 : i32
    %mul3A_5 = arith.muli %add3A, %mul3A_4 : i32
    %add3A_6 = arith.constant 0 : i32
    %add3A_7 = arith.addi %mul3A_5, %add3A_6 : i32
    %dma_start3A_8 = tpu.memref_slice %arg3[%add3A_7] : memref<327680xi32, #tpu.memory_space<hbm>> -> memref<2560xi32, #tpu.memory_space<hbm>>
    %dma_start3A_9 = tpu.memref_slice %arg3[%add3A_7] : memref<327680xi32, #tpu.memory_space<hbm>> -> memref<2560xi32, #tpu.memory_space<hbm>>
    tpu.enqueue_dma source(%dma_start3A_9 : memref<2560xi32, #tpu.memory_space<hbm>>) target(%arg7 : memref<2560xi32, #tpu.memory_space<vmem>>) target_semaphore(%arg14 : memref<!tpu.dma_semaphore, #tpu.memory_space<semaphore_mem>>)
    %dma_start3A_10 = arith.constant 0 : i32
    %dma_start3A_11 = arith.constant 0 : i32
    %dma_start3A_12 = arith.constant 0 : i32
    %dma_start3A_13 = tpu.memref_slice %arg4[%add3A, %dma_start3A_10, %dma_start3A_11, %dma_start3A_12] : memref<32x4x32x80xi32, #tpu.memory_space<hbm>> -> memref<1x1x32x80xi32, #tpu.memory_space<hbm>>
    %dma_start3A_14 = tpu.memref_squeeze %dma_start3A_13 : memref<1x1x32x80xi32, #tpu.memory_space<hbm>> -> memref<32x80xi32, #tpu.memory_space<hbm>>
    %dma_start3A_15 = arith.constant 0 : i32
    %dma_start3A_16 = arith.constant 0 : i32
    %dma_start3A_17 = tpu.memref_slice %arg4[%add3A, %dma_start3A_10, %dma_start3A_15, %dma_start3A_16] : memref<32x4x32x80xi32, #tpu.memory_space<hbm>> -> memref<1x1x32x80xi32, #tpu.memory_space<hbm>>
    %dma_start3A_18 = tpu.memref_squeeze %dma_start3A_17 : memref<1x1x32x80xi32, #tpu.memory_space<hbm>> -> memref<32x80xi32, #tpu.memory_space<hbm>>
    tpu.enqueue_dma source(%dma_start3A_18 : memref<32x80xi32, #tpu.memory_space<hbm>>) target(%arg8 : memref<32x80xi32, #tpu.memory_space<vmem>>) target_semaphore(%arg15 : memref<!tpu.dma_semaphore, #tpu.memory_space<semaphore_mem>>)
    %dma_wait3A = arith.constant 0 : i32
    %dma_wait3A_19 = tpu.memref_slice %arg13[%mul3A_2, %dma_wait3A] : memref<10240x128xf32, #tpu.memory_space<vmem_shared>> -> memref<640x128xf32, #tpu.memory_space<vmem_shared>>
    tpu.wait_dma2 semaphore(%arg18 : memref<!tpu.dma_semaphore, #tpu.memory_space<semaphore_mem>>) src(%arg5 : memref<640x128xf32, #tpu.memory_space<hbm>>) dst(%dma_wait3A_19 : memref<640x128xf32, #tpu.memory_space<vmem_shared>>)
    %barrier3A = arith.constant 0 : index
    tpu.barrier barrier_id(%barrier3A)
    %dma_wait3A_20 = tpu.memref_slice %arg3[%add3A_7] : memref<327680xi32, #tpu.memory_space<hbm>> -> memref<2560xi32, #tpu.memory_space<hbm>>
    %dma_wait3A_21 = tpu.memref_slice %arg3[%add3A_7] : memref<327680xi32, #tpu.memory_space<hbm>> -> memref<2560xi32, #tpu.memory_space<hbm>>
    tpu.wait_dma2 semaphore(%arg14 : memref<!tpu.dma_semaphore, #tpu.memory_space<semaphore_mem>>) src(%dma_wait3A_21 : memref<2560xi32, #tpu.memory_space<hbm>>) dst(%arg7 : memref<2560xi32, #tpu.memory_space<vmem>>)
    %dma_wait3A_22 = arith.constant 0 : i32
    %dma_wait3A_23 = arith.constant 0 : i32
    %dma_wait3A_24 = arith.constant 0 : i32
    %dma_wait3A_25 = tpu.memref_slice %arg4[%add3A, %dma_wait3A_22, %dma_wait3A_23, %dma_wait3A_24] : memref<32x4x32x80xi32, #tpu.memory_space<hbm>> -> memref<1x1x32x80xi32, #tpu.memory_space<hbm>>
    %dma_wait3A_26 = tpu.memref_squeeze %dma_wait3A_25 : memref<1x1x32x80xi32, #tpu.memory_space<hbm>> -> memref<32x80xi32, #tpu.memory_space<hbm>>
    %dma_wait3A_27 = arith.constant 0 : i32
    %dma_wait3A_28 = arith.constant 0 : i32
    %dma_wait3A_29 = tpu.memref_slice %arg4[%add3A, %dma_wait3A_22, %dma_wait3A_27, %dma_wait3A_28] : memref<32x4x32x80xi32, #tpu.memory_space<hbm>> -> memref<1x1x32x80xi32, #tpu.memory_space<hbm>>
    %dma_wait3A_30 = tpu.memref_squeeze %dma_wait3A_29 : memref<1x1x32x80xi32, #tpu.memory_space<hbm>> -> memref<32x80xi32, #tpu.memory_space<hbm>>
    tpu.wait_dma2 semaphore(%arg15 : memref<!tpu.dma_semaphore, #tpu.memory_space<semaphore_mem>>) src(%dma_wait3A_30 : memref<32x80xi32, #tpu.memory_space<hbm>>) dst(%arg8 : memref<32x80xi32, #tpu.memory_space<vmem>>)
    %dma_start3A_31 = arith.constant 0 : i32
    %dma_start3A_32 = tpu.memref_slice %arg7[%dma_start3A_31] : memref<2560xi32, #tpu.memory_space<vmem>> -> memref<80xi32, #tpu.memory_space<vmem>>
    %dma_start3A_33 = arith.constant 0 : i32
    %dma_start3A_34 = arith.constant 0 : i32
    %dma_start3A_35 = tpu.memref_slice %arg2[%dma_start3A_33, %dma_start3A_34] : memref<10000x128xf32, #tpu.memory_space<hbm>> -> memref<10000x128xf32, #tpu.memory_space<hbm>>
    tpu.enqueue_indirect_dma source(%dma_start3A_35 : memref<10000x128xf32, #tpu.memory_space<hbm>>) target(%arg9 : memref<80x128xf32, #tpu.memory_space<vmem>>) offsets(%dma_start3A_32 : memref<80xi32, #tpu.memory_space<vmem>>) semaphore(%arg14 : memref<!tpu.dma_semaphore, #tpu.memory_space<semaphore_mem>>)
    %dma_start3A_36 = arith.constant 80 : i32
    %dma_start3A_37 = tpu.memref_slice %arg7[%dma_start3A_36] : memref<2560xi32, #tpu.memory_space<vmem>> -> memref<80xi32, #tpu.memory_space<vmem>>
    %dma_start3A_38 = arith.constant 0 : i32
    %dma_start3A_39 = arith.constant 0 : i32
    %dma_start3A_40 = tpu.memref_slice %arg2[%dma_start3A_38, %dma_start3A_39] : memref<10000x128xf32, #tpu.memory_space<hbm>> -> memref<10000x128xf32, #tpu.memory_space<hbm>>
    tpu.enqueue_indirect_dma source(%dma_start3A_40 : memref<10000x128xf32, #tpu.memory_space<hbm>>) target(%arg10 : memref<80x128xf32, #tpu.memory_space<vmem>>) offsets(%dma_start3A_37 : memref<80xi32, #tpu.memory_space<vmem>>) semaphore(%arg15 : memref<!tpu.dma_semaphore, #tpu.memory_space<semaphore_mem>>)
    %dma_start3A_41 = arith.constant 160 : i32
    %dma_start3A_42 = tpu.memref_slice %arg7[%dma_start3A_41] : memref<2560xi32, #tpu.memory_space<vmem>> -> memref<80xi32, #tpu.memory_space<vmem>>
    %dma_start3A_43 = arith.constant 0 : i32
    %dma_start3A_44 = arith.constant 0 : i32
    %dma_start3A_45 = tpu.memref_slice %arg2[%dma_start3A_43, %dma_start3A_44] : memref<10000x128xf32, #tpu.memory_space<hbm>> -> memref<10000x128xf32, #tpu.memory_space<hbm>>
    tpu.enqueue_indirect_dma source(%dma_start3A_45 : memref<10000x128xf32, #tpu.memory_space<hbm>>) target(%arg11 : memref<80x128xf32, #tpu.memory_space<vmem>>) offsets(%dma_start3A_42 : memref<80xi32, #tpu.memory_space<vmem>>) semaphore(%arg16 : memref<!tpu.dma_semaphore, #tpu.memory_space<semaphore_mem>>)
    %dma_start3A_46 = arith.constant 240 : i32
    %dma_start3A_47 = tpu.memref_slice %arg7[%dma_start3A_46] : memref<2560xi32, #tpu.memory_space<vmem>> -> memref<80xi32, #tpu.memory_space<vmem>>
    %dma_start3A_48 = arith.constant 0 : i32
    %dma_start3A_49 = arith.constant 0 : i32
    %dma_start3A_50 = tpu.memref_slice %arg2[%dma_start3A_48, %dma_start3A_49] : memref<10000x128xf32, #tpu.memory_space<hbm>> -> memref<10000x128xf32, #tpu.memory_space<hbm>>
    tpu.enqueue_indirect_dma source(%dma_start3A_50 : memref<10000x128xf32, #tpu.memory_space<hbm>>) target(%arg12 : memref<80x128xf32, #tpu.memory_space<vmem>>) offsets(%dma_start3A_47 : memref<80xi32, #tpu.memory_space<vmem>>) semaphore(%arg17 : memref<!tpu.dma_semaphore, #tpu.memory_space<semaphore_mem>>)
    %scan3A = arith.constant 0 : i32
    %scan3A_51 = arith.constant 7 : i32
    %scan3A_52 = arith.addi %scan3A, %scan3A_51 : i32
    %scan3A_53 = arith.constant 1 : i32
    scf.for %scan3A_91 = %scan3A to %scan3A_52 step %scan3A_53  : i32 {
      %mul3A_92 = arith.constant 4 : i32
      %mul3A_93 = arith.muli %scan3A_91, %mul3A_92 : i32
      %add3A_94 = arith.constant 0 : i32
      %add3A_95 = arith.addi %add3A_94, %mul3A_93 : i32
      %add3A_96 = arith.constant 0 : i32
      %add3A_97 = arith.addi %add3A_95, %add3A_96 : i32
      %mul3A_98 = arith.constant 80 : i32
      %mul3A_99 = arith.muli %add3A_97, %mul3A_98 : i32
      %dma_wait3A_100 = tpu.memref_slice %arg7[%mul3A_99] : memref<2560xi32, #tpu.memory_space<vmem>> -> memref<80xi32, #tpu.memory_space<vmem>>
      %dma_wait3A_101 = arith.constant 0 : i32
      %dma_wait3A_102 = arith.constant 0 : i32
      %dma_wait3A_103 = tpu.memref_slice %arg2[%dma_wait3A_101, %dma_wait3A_102] : memref<10000x128xf32, #tpu.memory_space<hbm>> -> memref<10000x128xf32, #tpu.memory_space<hbm>>
      tpu.wait_indirect_dma semaphore(%arg14 : memref<!tpu.dma_semaphore, #tpu.memory_space<semaphore_mem>>) src(%dma_wait3A_103 : memref<10000x128xf32, #tpu.memory_space<hbm>>) dst(%arg9 : memref<80x128xf32, #tpu.memory_space<vmem>>)
      %add3A_104 = arith.constant 0 : i32
      %add3A_105 = arith.addi %add3A_95, %add3A_104 : i32
      %dma_start3A_106 = arith.constant 0 : i32
      %dma_start3A_107 = tpu.memref_slice %arg8[%add3A_105, %dma_start3A_106] : memref<32x80xi32, #tpu.memory_space<vmem>> -> memref<1x80xi32, #tpu.memory_space<vmem>>
      %dma_start3A_108 = tpu.memref_squeeze %dma_start3A_107 : memref<1x80xi32, #tpu.memory_space<vmem>> -> memref<80xi32, #tpu.memory_space<vmem>>
      %dma_start3A_109 = arith.constant 0 : i32
      %dma_start3A_110 = arith.constant 0 : i32
      %dma_start3A_111 = tpu.memref_slice %arg13[%dma_start3A_109, %dma_start3A_110] : memref<10240x128xf32, #tpu.memory_space<vmem_shared>> -> memref<10240x128xf32, #tpu.memory_space<vmem_shared>>
      tpu.enqueue_indirect_dma source(%arg9 : memref<80x128xf32, #tpu.memory_space<vmem>>) target(%dma_start3A_111 : memref<10240x128xf32, #tpu.memory_space<vmem_shared>>) offsets(%dma_start3A_108 : memref<80xi32, #tpu.memory_space<vmem>>) semaphore(%arg18 : memref<!tpu.dma_semaphore, #tpu.memory_space<semaphore_mem>>) {add = true}
      %add3A_112 = arith.constant 1 : i32
      %add3A_113 = arith.addi %add3A_95, %add3A_112 : i32
      %mul3A_114 = arith.constant 80 : i32
      %mul3A_115 = arith.muli %add3A_113, %mul3A_114 : i32
      %dma_wait3A_116 = tpu.memref_slice %arg7[%mul3A_115] : memref<2560xi32, #tpu.memory_space<vmem>> -> memref<80xi32, #tpu.memory_space<vmem>>
      %dma_wait3A_117 = arith.constant 0 : i32
      %dma_wait3A_118 = arith.constant 0 : i32
      %dma_wait3A_119 = tpu.memref_slice %arg2[%dma_wait3A_117, %dma_wait3A_118] : memref<10000x128xf32, #tpu.memory_space<hbm>> -> memref<10000x128xf32, #tpu.memory_space<hbm>>
      tpu.wait_indirect_dma semaphore(%arg15 : memref<!tpu.dma_semaphore, #tpu.memory_space<semaphore_mem>>) src(%dma_wait3A_119 : memref<10000x128xf32, #tpu.memory_space<hbm>>) dst(%arg10 : memref<80x128xf32, #tpu.memory_space<vmem>>)
      %add3A_120 = arith.constant 1 : i32
      %add3A_121 = arith.addi %add3A_95, %add3A_120 : i32
      %dma_start3A_122 = arith.constant 0 : i32
      %dma_start3A_123 = tpu.memref_slice %arg8[%add3A_121, %dma_start3A_122] : memref<32x80xi32, #tpu.memory_space<vmem>> -> memref<1x80xi32, #tpu.memory_space<vmem>>
      %dma_start3A_124 = tpu.memref_squeeze %dma_start3A_123 : memref<1x80xi32, #tpu.memory_space<vmem>> -> memref<80xi32, #tpu.memory_space<vmem>>
      %dma_start3A_125 = arith.constant 0 : i32
      %dma_start3A_126 = arith.constant 0 : i32
      %dma_start3A_127 = tpu.memref_slice %arg13[%dma_start3A_125, %dma_start3A_126] : memref<10240x128xf32, #tpu.memory_space<vmem_shared>> -> memref<10240x128xf32, #tpu.memory_space<vmem_shared>>
      tpu.enqueue_indirect_dma source(%arg10 : memref<80x128xf32, #tpu.memory_space<vmem>>) target(%dma_start3A_127 : memref<10240x128xf32, #tpu.memory_space<vmem_shared>>) offsets(%dma_start3A_124 : memref<80xi32, #tpu.memory_space<vmem>>) semaphore(%arg19 : memref<!tpu.dma_semaphore, #tpu.memory_space<semaphore_mem>>) {add = true}
      %add3A_128 = arith.constant 2 : i32
      %add3A_129 = arith.addi %add3A_95, %add3A_128 : i32
      %mul3A_130 = arith.constant 80 : i32
      %mul3A_131 = arith.muli %add3A_129, %mul3A_130 : i32
      %dma_wait3A_132 = tpu.memref_slice %arg7[%mul3A_131] : memref<2560xi32, #tpu.memory_space<vmem>> -> memref<80xi32, #tpu.memory_space<vmem>>
      %dma_wait3A_133 = arith.constant 0 : i32
      %dma_wait3A_134 = arith.constant 0 : i32
      %dma_wait3A_135 = tpu.memref_slice %arg2[%dma_wait3A_133, %dma_wait3A_134] : memref<10000x128xf32, #tpu.memory_space<hbm>> -> memref<10000x128xf32, #tpu.memory_space<hbm>>
      tpu.wait_indirect_dma semaphore(%arg16 : memref<!tpu.dma_semaphore, #tpu.memory_space<semaphore_mem>>) src(%dma_wait3A_135 : memref<10000x128xf32, #tpu.memory_space<hbm>>) dst(%arg11 : memref<80x128xf32, #tpu.memory_space<vmem>>)
      %add3A_136 = arith.constant 2 : i32
      %add3A_137 = arith.addi %add3A_95, %add3A_136 : i32
      %dma_start3A_138 = arith.constant 0 : i32
      %dma_start3A_139 = tpu.memref_slice %arg8[%add3A_137, %dma_start3A_138] : memref<32x80xi32, #tpu.memory_space<vmem>> -> memref<1x80xi32, #tpu.memory_space<vmem>>
      %dma_start3A_140 = tpu.memref_squeeze %dma_start3A_139 : memref<1x80xi32, #tpu.memory_space<vmem>> -> memref<80xi32, #tpu.memory_space<vmem>>
      %dma_start3A_141 = arith.constant 0 : i32
      %dma_start3A_142 = arith.constant 0 : i32
      %dma_start3A_143 = tpu.memref_slice %arg13[%dma_start3A_141, %dma_start3A_142] : memref<10240x128xf32, #tpu.memory_space<vmem_shared>> -> memref<10240x128xf32, #tpu.memory_space<vmem_shared>>
      tpu.enqueue_indirect_dma source(%arg11 : memref<80x128xf32, #tpu.memory_space<vmem>>) target(%dma_start3A_143 : memref<10240x128xf32, #tpu.memory_space<vmem_shared>>) offsets(%dma_start3A_140 : memref<80xi32, #tpu.memory_space<vmem>>) semaphore(%arg20 : memref<!tpu.dma_semaphore, #tpu.memory_space<semaphore_mem>>) {add = true}
      %add3A_144 = arith.constant 3 : i32
      %add3A_145 = arith.addi %add3A_95, %add3A_144 : i32
      %mul3A_146 = arith.constant 80 : i32
      %mul3A_147 = arith.muli %add3A_145, %mul3A_146 : i32
      %dma_wait3A_148 = tpu.memref_slice %arg7[%mul3A_147] : memref<2560xi32, #tpu.memory_space<vmem>> -> memref<80xi32, #tpu.memory_space<vmem>>
      %dma_wait3A_149 = arith.constant 0 : i32
      %dma_wait3A_150 = arith.constant 0 : i32
      %dma_wait3A_151 = tpu.memref_slice %arg2[%dma_wait3A_149, %dma_wait3A_150] : memref<10000x128xf32, #tpu.memory_space<hbm>> -> memref<10000x128xf32, #tpu.memory_space<hbm>>
      tpu.wait_indirect_dma semaphore(%arg17 : memref<!tpu.dma_semaphore, #tpu.memory_space<semaphore_mem>>) src(%dma_wait3A_151 : memref<10000x128xf32, #tpu.memory_space<hbm>>) dst(%arg12 : memref<80x128xf32, #tpu.memory_space<vmem>>)
      %add3A_152 = arith.constant 3 : i32
      %add3A_153 = arith.addi %add3A_95, %add3A_152 : i32
      %dma_start3A_154 = arith.constant 0 : i32
      %dma_start3A_155 = tpu.memref_slice %arg8[%add3A_153, %dma_start3A_154] : memref<32x80xi32, #tpu.memory_space<vmem>> -> memref<1x80xi32, #tpu.memory_space<vmem>>
      %dma_start3A_156 = tpu.memref_squeeze %dma_start3A_155 : memref<1x80xi32, #tpu.memory_space<vmem>> -> memref<80xi32, #tpu.memory_space<vmem>>
      %dma_start3A_157 = arith.constant 0 : i32
      %dma_start3A_158 = arith.constant 0 : i32
      %dma_start3A_159 = tpu.memref_slice %arg13[%dma_start3A_157, %dma_start3A_158] : memref<10240x128xf32, #tpu.memory_space<vmem_shared>> -> memref<10240x128xf32, #tpu.memory_space<vmem_shared>>
      tpu.enqueue_indirect_dma source(%arg12 : memref<80x128xf32, #tpu.memory_space<vmem>>) target(%dma_start3A_159 : memref<10240x128xf32, #tpu.memory_space<vmem_shared>>) offsets(%dma_start3A_156 : memref<80xi32, #tpu.memory_space<vmem>>) semaphore(%arg21 : memref<!tpu.dma_semaphore, #tpu.memory_space<semaphore_mem>>) {add = true}
      %dma_wait3A_160 = arith.constant 0 : i32
      %dma_wait3A_161 = tpu.memref_slice %arg8[%add3A_105, %dma_wait3A_160] : memref<32x80xi32, #tpu.memory_space<vmem>> -> memref<1x80xi32, #tpu.memory_space<vmem>>
      %dma_wait3A_162 = tpu.memref_squeeze %dma_wait3A_161 : memref<1x80xi32, #tpu.memory_space<vmem>> -> memref<80xi32, #tpu.memory_space<vmem>>
      %dma_wait3A_163 = arith.constant 0 : i32
      %dma_wait3A_164 = arith.constant 0 : i32
      %dma_wait3A_165 = tpu.memref_slice %arg13[%dma_wait3A_163, %dma_wait3A_164] : memref<10240x128xf32, #tpu.memory_space<vmem_shared>> -> memref<10240x128xf32, #tpu.memory_space<vmem_shared>>
      tpu.wait_indirect_dma semaphore(%arg18 : memref<!tpu.dma_semaphore, #tpu.memory_space<semaphore_mem>>) src(%arg9 : memref<80x128xf32, #tpu.memory_space<vmem>>) dst(%dma_wait3A_165 : memref<10240x128xf32, #tpu.memory_space<vmem_shared>>)
      %add3A_166 = arith.constant 0 : i32
      %add3A_167 = arith.addi %add3A_95, %add3A_166 : i32
      %add3A_168 = arith.constant 4 : i32
      %add3A_169 = arith.addi %add3A_167, %add3A_168 : i32
      %mul3A_170 = arith.constant 80 : i32
      %mul3A_171 = arith.muli %add3A_169, %mul3A_170 : i32
      %dma_start3A_172 = tpu.memref_slice %arg7[%mul3A_171] : memref<2560xi32, #tpu.memory_space<vmem>> -> memref<80xi32, #tpu.memory_space<vmem>>
      %dma_start3A_173 = arith.constant 0 : i32
      %dma_start3A_174 = arith.constant 0 : i32
      %dma_start3A_175 = tpu.memref_slice %arg2[%dma_start3A_173, %dma_start3A_174] : memref<10000x128xf32, #tpu.memory_space<hbm>> -> memref<10000x128xf32, #tpu.memory_space<hbm>>
      tpu.enqueue_indirect_dma source(%dma_start3A_175 : memref<10000x128xf32, #tpu.memory_space<hbm>>) target(%arg9 : memref<80x128xf32, #tpu.memory_space<vmem>>) offsets(%dma_start3A_172 : memref<80xi32, #tpu.memory_space<vmem>>) semaphore(%arg14 : memref<!tpu.dma_semaphore, #tpu.memory_space<semaphore_mem>>)
      %dma_wait3A_176 = arith.constant 0 : i32
      %dma_wait3A_177 = tpu.memref_slice %arg8[%add3A_121, %dma_wait3A_176] : memref<32x80xi32, #tpu.memory_space<vmem>> -> memref<1x80xi32, #tpu.memory_space<vmem>>
      %dma_wait3A_178 = tpu.memref_squeeze %dma_wait3A_177 : memref<1x80xi32, #tpu.memory_space<vmem>> -> memref<80xi32, #tpu.memory_space<vmem>>
      %dma_wait3A_179 = arith.constant 0 : i32
      %dma_wait3A_180 = arith.constant 0 : i32
      %dma_wait3A_181 = tpu.memref_slice %arg13[%dma_wait3A_179, %dma_wait3A_180] : memref<10240x128xf32, #tpu.memory_space<vmem_shared>> -> memref<10240x128xf32, #tpu.memory_space<vmem_shared>>
      tpu.wait_indirect_dma semaphore(%arg19 : memref<!tpu.dma_semaphore, #tpu.memory_space<semaphore_mem>>) src(%arg10 : memref<80x128xf32, #tpu.memory_space<vmem>>) dst(%dma_wait3A_181 : memref<10240x128xf32, #tpu.memory_space<vmem_shared>>)
      %add3A_182 = arith.constant 1 : i32
      %add3A_183 = arith.addi %add3A_95, %add3A_182 : i32
      %add3A_184 = arith.constant 4 : i32
      %add3A_185 = arith.addi %add3A_183, %add3A_184 : i32
      %mul3A_186 = arith.constant 80 : i32
      %mul3A_187 = arith.muli %add3A_185, %mul3A_186 : i32
      %dma_start3A_188 = tpu.memref_slice %arg7[%mul3A_187] : memref<2560xi32, #tpu.memory_space<vmem>> -> memref<80xi32, #tpu.memory_space<vmem>>
      %dma_start3A_189 = arith.constant 0 : i32
      %dma_start3A_190 = arith.constant 0 : i32
      %dma_start3A_191 = tpu.memref_slice %arg2[%dma_start3A_189, %dma_start3A_190] : memref<10000x128xf32, #tpu.memory_space<hbm>> -> memref<10000x128xf32, #tpu.memory_space<hbm>>
      tpu.enqueue_indirect_dma source(%dma_start3A_191 : memref<10000x128xf32, #tpu.memory_space<hbm>>) target(%arg10 : memref<80x128xf32, #tpu.memory_space<vmem>>) offsets(%dma_start3A_188 : memref<80xi32, #tpu.memory_space<vmem>>) semaphore(%arg15 : memref<!tpu.dma_semaphore, #tpu.memory_space<semaphore_mem>>)
      %dma_wait3A_192 = arith.constant 0 : i32
      %dma_wait3A_193 = tpu.memref_slice %arg8[%add3A_137, %dma_wait3A_192] : memref<32x80xi32, #tpu.memory_space<vmem>> -> memref<1x80xi32, #tpu.memory_space<vmem>>
      %dma_wait3A_194 = tpu.memref_squeeze %dma_wait3A_193 : memref<1x80xi32, #tpu.memory_space<vmem>> -> memref<80xi32, #tpu.memory_space<vmem>>
      %dma_wait3A_195 = arith.constant 0 : i32
      %dma_wait3A_196 = arith.constant 0 : i32
      %dma_wait3A_197 = tpu.memref_slice %arg13[%dma_wait3A_195, %dma_wait3A_196] : memref<10240x128xf32, #tpu.memory_space<vmem_shared>> -> memref<10240x128xf32, #tpu.memory_space<vmem_shared>>
      tpu.wait_indirect_dma semaphore(%arg20 : memref<!tpu.dma_semaphore, #tpu.memory_space<semaphore_mem>>) src(%arg11 : memref<80x128xf32, #tpu.memory_space<vmem>>) dst(%dma_wait3A_197 : memref<10240x128xf32, #tpu.memory_space<vmem_shared>>)
      %add3A_198 = arith.constant 2 : i32
      %add3A_199 = arith.addi %add3A_95, %add3A_198 : i32
      %add3A_200 = arith.constant 4 : i32
      %add3A_201 = arith.addi %add3A_199, %add3A_200 : i32
      %mul3A_202 = arith.constant 80 : i32
      %mul3A_203 = arith.muli %add3A_201, %mul3A_202 : i32
      %dma_start3A_204 = tpu.memref_slice %arg7[%mul3A_203] : memref<2560xi32, #tpu.memory_space<vmem>> -> memref<80xi32, #tpu.memory_space<vmem>>
      %dma_start3A_205 = arith.constant 0 : i32
      %dma_start3A_206 = arith.constant 0 : i32
      %dma_start3A_207 = tpu.memref_slice %arg2[%dma_start3A_205, %dma_start3A_206] : memref<10000x128xf32, #tpu.memory_space<hbm>> -> memref<10000x128xf32, #tpu.memory_space<hbm>>
      tpu.enqueue_indirect_dma source(%dma_start3A_207 : memref<10000x128xf32, #tpu.memory_space<hbm>>) target(%arg11 : memref<80x128xf32, #tpu.memory_space<vmem>>) offsets(%dma_start3A_204 : memref<80xi32, #tpu.memory_space<vmem>>) semaphore(%arg16 : memref<!tpu.dma_semaphore, #tpu.memory_space<semaphore_mem>>)
      %dma_wait3A_208 = arith.constant 0 : i32
      %dma_wait3A_209 = tpu.memref_slice %arg8[%add3A_153, %dma_wait3A_208] : memref<32x80xi32, #tpu.memory_space<vmem>> -> memref<1x80xi32, #tpu.memory_space<vmem>>
      %dma_wait3A_210 = tpu.memref_squeeze %dma_wait3A_209 : memref<1x80xi32, #tpu.memory_space<vmem>> -> memref<80xi32, #tpu.memory_space<vmem>>
      %dma_wait3A_211 = arith.constant 0 : i32
      %dma_wait3A_212 = arith.constant 0 : i32
      %dma_wait3A_213 = tpu.memref_slice %arg13[%dma_wait3A_211, %dma_wait3A_212] : memref<10240x128xf32, #tpu.memory_space<vmem_shared>> -> memref<10240x128xf32, #tpu.memory_space<vmem_shared>>
      tpu.wait_indirect_dma semaphore(%arg21 : memref<!tpu.dma_semaphore, #tpu.memory_space<semaphore_mem>>) src(%arg12 : memref<80x128xf32, #tpu.memory_space<vmem>>) dst(%dma_wait3A_213 : memref<10240x128xf32, #tpu.memory_space<vmem_shared>>)
      %add3A_214 = arith.constant 3 : i32
      %add3A_215 = arith.addi %add3A_95, %add3A_214 : i32
      %add3A_216 = arith.constant 4 : i32
      %add3A_217 = arith.addi %add3A_215, %add3A_216 : i32
      %mul3A_218 = arith.constant 80 : i32
      %mul3A_219 = arith.muli %add3A_217, %mul3A_218 : i32
      %dma_start3A_220 = tpu.memref_slice %arg7[%mul3A_219] : memref<2560xi32, #tpu.memory_space<vmem>> -> memref<80xi32, #tpu.memory_space<vmem>>
      %dma_start3A_221 = arith.constant 0 : i32
      %dma_start3A_222 = arith.constant 0 : i32
      %dma_start3A_223 = tpu.memref_slice %arg2[%dma_start3A_221, %dma_start3A_222] : memref<10000x128xf32, #tpu.memory_space<hbm>> -> memref<10000x128xf32, #tpu.memory_space<hbm>>
      tpu.enqueue_indirect_dma source(%dma_start3A_223 : memref<10000x128xf32, #tpu.memory_space<hbm>>) target(%arg12 : memref<80x128xf32, #tpu.memory_space<vmem>>) offsets(%dma_start3A_220 : memref<80xi32, #tpu.memory_space<vmem>>) semaphore(%arg17 : memref<!tpu.dma_semaphore, #tpu.memory_space<semaphore_mem>>)
    }
    %scan3A_54 = arith.constant 7 : i32
    %dma_wait3A_55 = arith.constant 2240 : i32
    %dma_wait3A_56 = tpu.memref_slice %arg7[%dma_wait3A_55] : memref<2560xi32, #tpu.memory_space<vmem>> -> memref<80xi32, #tpu.memory_space<vmem>>
    %dma_wait3A_57 = arith.constant 0 : i32
    %dma_wait3A_58 = arith.constant 0 : i32
    %dma_wait3A_59 = tpu.memref_slice %arg2[%dma_wait3A_57, %dma_wait3A_58] : memref<10000x128xf32, #tpu.memory_space<hbm>> -> memref<10000x128xf32, #tpu.memory_space<hbm>>
    tpu.wait_indirect_dma semaphore(%arg14 : memref<!tpu.dma_semaphore, #tpu.memory_space<semaphore_mem>>) src(%dma_wait3A_59 : memref<10000x128xf32, #tpu.memory_space<hbm>>) dst(%arg9 : memref<80x128xf32, #tpu.memory_space<vmem>>)
    %run_scoped3A = arith.constant 28 : i32
    "tpu.region"() ({
      %run_scoped3A_91 = tpu.sem_alloc : memref<!tpu.dma_semaphore, #tpu.memory_space<semaphore_mem>>
      %dma_start3A_92 = arith.constant 0 : i32
      %dma_start3A_93 = tpu.memref_slice %arg8[%run_scoped3A, %dma_start3A_92] : memref<32x80xi32, #tpu.memory_space<vmem>> -> memref<1x80xi32, #tpu.memory_space<vmem>>
      %dma_start3A_94 = tpu.memref_squeeze %dma_start3A_93 : memref<1x80xi32, #tpu.memory_space<vmem>> -> memref<80xi32, #tpu.memory_space<vmem>>
      %dma_start3A_95 = arith.constant 0 : i32
      %dma_start3A_96 = arith.constant 0 : i32
      %dma_start3A_97 = tpu.memref_slice %arg13[%dma_start3A_95, %dma_start3A_96] : memref<10240x128xf32, #tpu.memory_space<vmem_shared>> -> memref<10240x128xf32, #tpu.memory_space<vmem_shared>>
      tpu.enqueue_indirect_dma source(%arg9 : memref<80x128xf32, #tpu.memory_space<vmem>>) target(%dma_start3A_97 : memref<10240x128xf32, #tpu.memory_space<vmem_shared>>) offsets(%dma_start3A_94 : memref<80xi32, #tpu.memory_space<vmem>>) semaphore(%run_scoped3A_91 : memref<!tpu.dma_semaphore, #tpu.memory_space<semaphore_mem>>) {add = true}
      %dma_wait3A_98 = arith.constant 0 : i32
      %dma_wait3A_99 = tpu.memref_slice %arg8[%run_scoped3A, %dma_wait3A_98] : memref<32x80xi32, #tpu.memory_space<vmem>> -> memref<1x80xi32, #tpu.memory_space<vmem>>
      %dma_wait3A_100 = tpu.memref_squeeze %dma_wait3A_99 : memref<1x80xi32, #tpu.memory_space<vmem>> -> memref<80xi32, #tpu.memory_space<vmem>>
      %dma_wait3A_101 = arith.constant 0 : i32
      %dma_wait3A_102 = arith.constant 0 : i32
      %dma_wait3A_103 = tpu.memref_slice %arg13[%dma_wait3A_101, %dma_wait3A_102] : memref<10240x128xf32, #tpu.memory_space<vmem_shared>> -> memref<10240x128xf32, #tpu.memory_space<vmem_shared>>
      tpu.wait_indirect_dma semaphore(%run_scoped3A_91 : memref<!tpu.dma_semaphore, #tpu.memory_space<semaphore_mem>>) src(%arg9 : memref<80x128xf32, #tpu.memory_space<vmem>>) dst(%dma_wait3A_103 : memref<10240x128xf32, #tpu.memory_space<vmem_shared>>)
      tpu.yield
    }) : () -> ()
    %dma_wait3A_60 = arith.constant 2320 : i32
    %dma_wait3A_61 = tpu.memref_slice %arg7[%dma_wait3A_60] : memref<2560xi32, #tpu.memory_space<vmem>> -> memref<80xi32, #tpu.memory_space<vmem>>
    %dma_wait3A_62 = arith.constant 0 : i32
    %dma_wait3A_63 = arith.constant 0 : i32
    %dma_wait3A_64 = tpu.memref_slice %arg2[%dma_wait3A_62, %dma_wait3A_63] : memref<10000x128xf32, #tpu.memory_space<hbm>> -> memref<10000x128xf32, #tpu.memory_space<hbm>>
    tpu.wait_indirect_dma semaphore(%arg15 : memref<!tpu.dma_semaphore, #tpu.memory_space<semaphore_mem>>) src(%dma_wait3A_64 : memref<10000x128xf32, #tpu.memory_space<hbm>>) dst(%arg10 : memref<80x128xf32, #tpu.memory_space<vmem>>)
    %run_scoped3A_65 = arith.constant 29 : i32
    "tpu.region"() ({
      %run_scoped3A_91 = tpu.sem_alloc : memref<!tpu.dma_semaphore, #tpu.memory_space<semaphore_mem>>
      %dma_start3A_92 = arith.constant 0 : i32
      %dma_start3A_93 = tpu.memref_slice %arg8[%run_scoped3A_65, %dma_start3A_92] : memref<32x80xi32, #tpu.memory_space<vmem>> -> memref<1x80xi32, #tpu.memory_space<vmem>>
      %dma_start3A_94 = tpu.memref_squeeze %dma_start3A_93 : memref<1x80xi32, #tpu.memory_space<vmem>> -> memref<80xi32, #tpu.memory_space<vmem>>
      %dma_start3A_95 = arith.constant 0 : i32
      %dma_start3A_96 = arith.constant 0 : i32
      %dma_start3A_97 = tpu.memref_slice %arg13[%dma_start3A_95, %dma_start3A_96] : memref<10240x128xf32, #tpu.memory_space<vmem_shared>> -> memref<10240x128xf32, #tpu.memory_space<vmem_shared>>
      tpu.enqueue_indirect_dma source(%arg10 : memref<80x128xf32, #tpu.memory_space<vmem>>) target(%dma_start3A_97 : memref<10240x128xf32, #tpu.memory_space<vmem_shared>>) offsets(%dma_start3A_94 : memref<80xi32, #tpu.memory_space<vmem>>) semaphore(%run_scoped3A_91 : memref<!tpu.dma_semaphore, #tpu.memory_space<semaphore_mem>>) {add = true}
      %dma_wait3A_98 = arith.constant 0 : i32
      %dma_wait3A_99 = tpu.memref_slice %arg8[%run_scoped3A_65, %dma_wait3A_98] : memref<32x80xi32, #tpu.memory_space<vmem>> -> memref<1x80xi32, #tpu.memory_space<vmem>>
      %dma_wait3A_100 = tpu.memref_squeeze %dma_wait3A_99 : memref<1x80xi32, #tpu.memory_space<vmem>> -> memref<80xi32, #tpu.memory_space<vmem>>
      %dma_wait3A_101 = arith.constant 0 : i32
      %dma_wait3A_102 = arith.constant 0 : i32
      %dma_wait3A_103 = tpu.memref_slice %arg13[%dma_wait3A_101, %dma_wait3A_102] : memref<10240x128xf32, #tpu.memory_space<vmem_shared>> -> memref<10240x128xf32, #tpu.memory_space<vmem_shared>>
      tpu.wait_indirect_dma semaphore(%run_scoped3A_91 : memref<!tpu.dma_semaphore, #tpu.memory_space<semaphore_mem>>) src(%arg10 : memref<80x128xf32, #tpu.memory_space<vmem>>) dst(%dma_wait3A_103 : memref<10240x128xf32, #tpu.memory_space<vmem_shared>>)
      tpu.yield
    }) : () -> ()
    %dma_wait3A_66 = arith.constant 2400 : i32
    %dma_wait3A_67 = tpu.memref_slice %arg7[%dma_wait3A_66] : memref<2560xi32, #tpu.memory_space<vmem>> -> memref<80xi32, #tpu.memory_space<vmem>>
    %dma_wait3A_68 = arith.constant 0 : i32
    %dma_wait3A_69 = arith.constant 0 : i32
    %dma_wait3A_70 = tpu.memref_slice %arg2[%dma_wait3A_68, %dma_wait3A_69] : memref<10000x128xf32, #tpu.memory_space<hbm>> -> memref<10000x128xf32, #tpu.memory_space<hbm>>
    tpu.wait_indirect_dma semaphore(%arg16 : memref<!tpu.dma_semaphore, #tpu.memory_space<semaphore_mem>>) src(%dma_wait3A_70 : memref<10000x128xf32, #tpu.memory_space<hbm>>) dst(%arg11 : memref<80x128xf32, #tpu.memory_space<vmem>>)
    %run_scoped3A_71 = arith.constant 30 : i32
    "tpu.region"() ({
      %run_scoped3A_91 = tpu.sem_alloc : memref<!tpu.dma_semaphore, #tpu.memory_space<semaphore_mem>>
      %dma_start3A_92 = arith.constant 0 : i32
      %dma_start3A_93 = tpu.memref_slice %arg8[%run_scoped3A_71, %dma_start3A_92] : memref<32x80xi32, #tpu.memory_space<vmem>> -> memref<1x80xi32, #tpu.memory_space<vmem>>
      %dma_start3A_94 = tpu.memref_squeeze %dma_start3A_93 : memref<1x80xi32, #tpu.memory_space<vmem>> -> memref<80xi32, #tpu.memory_space<vmem>>
      %dma_start3A_95 = arith.constant 0 : i32
      %dma_start3A_96 = arith.constant 0 : i32
      %dma_start3A_97 = tpu.memref_slice %arg13[%dma_start3A_95, %dma_start3A_96] : memref<10240x128xf32, #tpu.memory_space<vmem_shared>> -> memref<10240x128xf32, #tpu.memory_space<vmem_shared>>
      tpu.enqueue_indirect_dma source(%arg11 : memref<80x128xf32, #tpu.memory_space<vmem>>) target(%dma_start3A_97 : memref<10240x128xf32, #tpu.memory_space<vmem_shared>>) offsets(%dma_start3A_94 : memref<80xi32, #tpu.memory_space<vmem>>) semaphore(%run_scoped3A_91 : memref<!tpu.dma_semaphore, #tpu.memory_space<semaphore_mem>>) {add = true}
      %dma_wait3A_98 = arith.constant 0 : i32
      %dma_wait3A_99 = tpu.memref_slice %arg8[%run_scoped3A_71, %dma_wait3A_98] : memref<32x80xi32, #tpu.memory_space<vmem>> -> memref<1x80xi32, #tpu.memory_space<vmem>>
      %dma_wait3A_100 = tpu.memref_squeeze %dma_wait3A_99 : memref<1x80xi32, #tpu.memory_space<vmem>> -> memref<80xi32, #tpu.memory_space<vmem>>
      %dma_wait3A_101 = arith.constant 0 : i32
      %dma_wait3A_102 = arith.constant 0 : i32
      %dma_wait3A_103 = tpu.memref_slice %arg13[%dma_wait3A_101, %dma_wait3A_102] : memref<10240x128xf32, #tpu.memory_space<vmem_shared>> -> memref<10240x128xf32, #tpu.memory_space<vmem_shared>>
      tpu.wait_indirect_dma semaphore(%run_scoped3A_91 : memref<!tpu.dma_semaphore, #tpu.memory_space<semaphore_mem>>) src(%arg11 : memref<80x128xf32, #tpu.memory_space<vmem>>) dst(%dma_wait3A_103 : memref<10240x128xf32, #tpu.memory_space<vmem_shared>>)
      tpu.yield
    }) : () -> ()
    %dma_wait3A_72 = arith.constant 2480 : i32
    %dma_wait3A_73 = tpu.memref_slice %arg7[%dma_wait3A_72] : memref<2560xi32, #tpu.memory_space<vmem>> -> memref<80xi32, #tpu.memory_space<vmem>>
    %dma_wait3A_74 = arith.constant 0 : i32
    %dma_wait3A_75 = arith.constant 0 : i32
    %dma_wait3A_76 = tpu.memref_slice %arg2[%dma_wait3A_74, %dma_wait3A_75] : memref<10000x128xf32, #tpu.memory_space<hbm>> -> memref<10000x128xf32, #tpu.memory_space<hbm>>
    tpu.wait_indirect_dma semaphore(%arg17 : memref<!tpu.dma_semaphore, #tpu.memory_space<semaphore_mem>>) src(%dma_wait3A_76 : memref<10000x128xf32, #tpu.memory_space<hbm>>) dst(%arg12 : memref<80x128xf32, #tpu.memory_space<vmem>>)
    %run_scoped3A_77 = arith.constant 31 : i32
    "tpu.region"() ({
      %run_scoped3A_91 = tpu.sem_alloc : memref<!tpu.dma_semaphore, #tpu.memory_space<semaphore_mem>>
      %dma_start3A_92 = arith.constant 0 : i32
      %dma_start3A_93 = tpu.memref_slice %arg8[%run_scoped3A_77, %dma_start3A_92] : memref<32x80xi32, #tpu.memory_space<vmem>> -> memref<1x80xi32, #tpu.memory_space<vmem>>
      %dma_start3A_94 = tpu.memref_squeeze %dma_start3A_93 : memref<1x80xi32, #tpu.memory_space<vmem>> -> memref<80xi32, #tpu.memory_space<vmem>>
      %dma_start3A_95 = arith.constant 0 : i32
      %dma_start3A_96 = arith.constant 0 : i32
      %dma_start3A_97 = tpu.memref_slice %arg13[%dma_start3A_95, %dma_start3A_96] : memref<10240x128xf32, #tpu.memory_space<vmem_shared>> -> memref<10240x128xf32, #tpu.memory_space<vmem_shared>>
      tpu.enqueue_indirect_dma source(%arg12 : memref<80x128xf32, #tpu.memory_space<vmem>>) target(%dma_start3A_97 : memref<10240x128xf32, #tpu.memory_space<vmem_shared>>) offsets(%dma_start3A_94 : memref<80xi32, #tpu.memory_space<vmem>>) semaphore(%run_scoped3A_91 : memref<!tpu.dma_semaphore, #tpu.memory_space<semaphore_mem>>) {add = true}
      %dma_wait3A_98 = arith.constant 0 : i32
      %dma_wait3A_99 = tpu.memref_slice %arg8[%run_scoped3A_77, %dma_wait3A_98] : memref<32x80xi32, #tpu.memory_space<vmem>> -> memref<1x80xi32, #tpu.memory_space<vmem>>
      %dma_wait3A_100 = tpu.memref_squeeze %dma_wait3A_99 : memref<1x80xi32, #tpu.memory_space<vmem>> -> memref<80xi32, #tpu.memory_space<vmem>>
      %dma_wait3A_101 = arith.constant 0 : i32
      %dma_wait3A_102 = arith.constant 0 : i32
      %dma_wait3A_103 = tpu.memref_slice %arg13[%dma_wait3A_101, %dma_wait3A_102] : memref<10240x128xf32, #tpu.memory_space<vmem_shared>> -> memref<10240x128xf32, #tpu.memory_space<vmem_shared>>
      tpu.wait_indirect_dma semaphore(%run_scoped3A_91 : memref<!tpu.dma_semaphore, #tpu.memory_space<semaphore_mem>>) src(%arg12 : memref<80x128xf32, #tpu.memory_space<vmem>>) dst(%dma_wait3A_103 : memref<10240x128xf32, #tpu.memory_space<vmem_shared>>)
      tpu.yield
    }) : () -> ()
    %scan3A_78 = arith.constant 0 : i32
    %scan3A_79 = arith.constant 3 : i32
    %scan3A_80 = arith.addi %scan3A_78, %scan3A_79 : i32
    %scan3A_81 = arith.constant 1 : i32
    scf.for %scan3A_91 = %scan3A_78 to %scan3A_80 step %scan3A_81  : i32 {
      %mul3A_92 = arith.constant 1 : i32
      %mul3A_93 = arith.muli %scan3A_91, %mul3A_92 : i32
      %add3A_94 = arith.constant 1 : i32
      %add3A_95 = arith.addi %add3A_94, %mul3A_93 : i32
      %mul3A_96 = arith.constant 10240 : i32
      %mul3A_97 = arith.muli %add3A, %mul3A_96 : i32
      %mul3A_98 = arith.constant 32 : i32
      %mul3A_99 = arith.muli %add3A_95, %mul3A_98 : i32
      %mul3A_100 = arith.constant 80 : i32
      %mul3A_101 = arith.muli %mul3A_99, %mul3A_100 : i32
      %add3A_102 = arith.addi %mul3A_97, %mul3A_101 : i32
      %dma_start3A_103 = tpu.memref_slice %arg3[%add3A_102] : memref<327680xi32, #tpu.memory_space<hbm>> -> memref<2560xi32, #tpu.memory_space<hbm>>
      %dma_start3A_104 = tpu.memref_slice %arg3[%add3A_102] : memref<327680xi32, #tpu.memory_space<hbm>> -> memref<2560xi32, #tpu.memory_space<hbm>>
      tpu.enqueue_dma source(%dma_start3A_104 : memref<2560xi32, #tpu.memory_space<hbm>>) target(%arg7 : memref<2560xi32, #tpu.memory_space<vmem>>) target_semaphore(%arg14 : memref<!tpu.dma_semaphore, #tpu.memory_space<semaphore_mem>>)
      %dma_start3A_105 = arith.constant 0 : i32
      %dma_start3A_106 = arith.constant 0 : i32
      %dma_start3A_107 = tpu.memref_slice %arg4[%add3A, %add3A_95, %dma_start3A_105, %dma_start3A_106] : memref<32x4x32x80xi32, #tpu.memory_space<hbm>> -> memref<1x1x32x80xi32, #tpu.memory_space<hbm>>
      %dma_start3A_108 = tpu.memref_squeeze %dma_start3A_107 : memref<1x1x32x80xi32, #tpu.memory_space<hbm>> -> memref<32x80xi32, #tpu.memory_space<hbm>>
      %dma_start3A_109 = arith.constant 0 : i32
      %dma_start3A_110 = arith.constant 0 : i32
      %dma_start3A_111 = tpu.memref_slice %arg4[%add3A, %add3A_95, %dma_start3A_109, %dma_start3A_110] : memref<32x4x32x80xi32, #tpu.memory_space<hbm>> -> memref<1x1x32x80xi32, #tpu.memory_space<hbm>>
      %dma_start3A_112 = tpu.memref_squeeze %dma_start3A_111 : memref<1x1x32x80xi32, #tpu.memory_space<hbm>> -> memref<32x80xi32, #tpu.memory_space<hbm>>
      tpu.enqueue_dma source(%dma_start3A_112 : memref<32x80xi32, #tpu.memory_space<hbm>>) target(%arg8 : memref<32x80xi32, #tpu.memory_space<vmem>>) target_semaphore(%arg15 : memref<!tpu.dma_semaphore, #tpu.memory_space<semaphore_mem>>)
      %dma_wait3A_113 = tpu.memref_slice %arg3[%add3A_102] : memref<327680xi32, #tpu.memory_space<hbm>> -> memref<2560xi32, #tpu.memory_space<hbm>>
      %dma_wait3A_114 = tpu.memref_slice %arg3[%add3A_102] : memref<327680xi32, #tpu.memory_space<hbm>> -> memref<2560xi32, #tpu.memory_space<hbm>>
      tpu.wait_dma2 semaphore(%arg14 : memref<!tpu.dma_semaphore, #tpu.memory_space<semaphore_mem>>) src(%dma_wait3A_114 : memref<2560xi32, #tpu.memory_space<hbm>>) dst(%arg7 : memref<2560xi32, #tpu.memory_space<vmem>>)
      %dma_wait3A_115 = arith.constant 0 : i32
      %dma_wait3A_116 = arith.constant 0 : i32
      %dma_wait3A_117 = tpu.memref_slice %arg4[%add3A, %add3A_95, %dma_wait3A_115, %dma_wait3A_116] : memref<32x4x32x80xi32, #tpu.memory_space<hbm>> -> memref<1x1x32x80xi32, #tpu.memory_space<hbm>>
      %dma_wait3A_118 = tpu.memref_squeeze %dma_wait3A_117 : memref<1x1x32x80xi32, #tpu.memory_space<hbm>> -> memref<32x80xi32, #tpu.memory_space<hbm>>
      %dma_wait3A_119 = arith.constant 0 : i32
      %dma_wait3A_120 = arith.constant 0 : i32
      %dma_wait3A_121 = tpu.memref_slice %arg4[%add3A, %add3A_95, %dma_wait3A_119, %dma_wait3A_120] : memref<32x4x32x80xi32, #tpu.memory_space<hbm>> -> memref<1x1x32x80xi32, #tpu.memory_space<hbm>>
      %dma_wait3A_122 = tpu.memref_squeeze %dma_wait3A_121 : memref<1x1x32x80xi32, #tpu.memory_space<hbm>> -> memref<32x80xi32, #tpu.memory_space<hbm>>
      tpu.wait_dma2 semaphore(%arg15 : memref<!tpu.dma_semaphore, #tpu.memory_space<semaphore_mem>>) src(%dma_wait3A_122 : memref<32x80xi32, #tpu.memory_space<hbm>>) dst(%arg8 : memref<32x80xi32, #tpu.memory_space<vmem>>)
      %dma_start3A_123 = arith.constant 0 : i32
      %dma_start3A_124 = tpu.memref_slice %arg7[%dma_start3A_123] : memref<2560xi32, #tpu.memory_space<vmem>> -> memref<80xi32, #tpu.memory_space<vmem>>
      %dma_start3A_125 = arith.constant 0 : i32
      %dma_start3A_126 = arith.constant 0 : i32
      %dma_start3A_127 = tpu.memref_slice %arg2[%dma_start3A_125, %dma_start3A_126] : memref<10000x128xf32, #tpu.memory_space<hbm>> -> memref<10000x128xf32, #tpu.memory_space<hbm>>
      tpu.enqueue_indirect_dma source(%dma_start3A_127 : memref<10000x128xf32, #tpu.memory_space<hbm>>) target(%arg9 : memref<80x128xf32, #tpu.memory_space<vmem>>) offsets(%dma_start3A_124 : memref<80xi32, #tpu.memory_space<vmem>>) semaphore(%arg14 : memref<!tpu.dma_semaphore, #tpu.memory_space<semaphore_mem>>)
      %dma_start3A_128 = arith.constant 80 : i32
      %dma_start3A_129 = tpu.memref_slice %arg7[%dma_start3A_128] : memref<2560xi32, #tpu.memory_space<vmem>> -> memref<80xi32, #tpu.memory_space<vmem>>
      %dma_start3A_130 = arith.constant 0 : i32
      %dma_start3A_131 = arith.constant 0 : i32
      %dma_start3A_132 = tpu.memref_slice %arg2[%dma_start3A_130, %dma_start3A_131] : memref<10000x128xf32, #tpu.memory_space<hbm>> -> memref<10000x128xf32, #tpu.memory_space<hbm>>
      tpu.enqueue_indirect_dma source(%dma_start3A_132 : memref<10000x128xf32, #tpu.memory_space<hbm>>) target(%arg10 : memref<80x128xf32, #tpu.memory_space<vmem>>) offsets(%dma_start3A_129 : memref<80xi32, #tpu.memory_space<vmem>>) semaphore(%arg15 : memref<!tpu.dma_semaphore, #tpu.memory_space<semaphore_mem>>)
      %dma_start3A_133 = arith.constant 160 : i32
      %dma_start3A_134 = tpu.memref_slice %arg7[%dma_start3A_133] : memref<2560xi32, #tpu.memory_space<vmem>> -> memref<80xi32, #tpu.memory_space<vmem>>
      %dma_start3A_135 = arith.constant 0 : i32
      %dma_start3A_136 = arith.constant 0 : i32
      %dma_start3A_137 = tpu.memref_slice %arg2[%dma_start3A_135, %dma_start3A_136] : memref<10000x128xf32, #tpu.memory_space<hbm>> -> memref<10000x128xf32, #tpu.memory_space<hbm>>
      tpu.enqueue_indirect_dma source(%dma_start3A_137 : memref<10000x128xf32, #tpu.memory_space<hbm>>) target(%arg11 : memref<80x128xf32, #tpu.memory_space<vmem>>) offsets(%dma_start3A_134 : memref<80xi32, #tpu.memory_space<vmem>>) semaphore(%arg16 : memref<!tpu.dma_semaphore, #tpu.memory_space<semaphore_mem>>)
      %dma_start3A_138 = arith.constant 240 : i32
      %dma_start3A_139 = tpu.memref_slice %arg7[%dma_start3A_138] : memref<2560xi32, #tpu.memory_space<vmem>> -> memref<80xi32, #tpu.memory_space<vmem>>
      %dma_start3A_140 = arith.constant 0 : i32
      %dma_start3A_141 = arith.constant 0 : i32
      %dma_start3A_142 = tpu.memref_slice %arg2[%dma_start3A_140, %dma_start3A_141] : memref<10000x128xf32, #tpu.memory_space<hbm>> -> memref<10000x128xf32, #tpu.memory_space<hbm>>
      tpu.enqueue_indirect_dma source(%dma_start3A_142 : memref<10000x128xf32, #tpu.memory_space<hbm>>) target(%arg12 : memref<80x128xf32, #tpu.memory_space<vmem>>) offsets(%dma_start3A_139 : memref<80xi32, #tpu.memory_space<vmem>>) semaphore(%arg17 : memref<!tpu.dma_semaphore, #tpu.memory_space<semaphore_mem>>)
      %scan3A_143 = arith.constant 0 : i32
      %scan3A_144 = arith.constant 7 : i32
      %scan3A_145 = arith.addi %scan3A_143, %scan3A_144 : i32
      %scan3A_146 = arith.constant 1 : i32
      scf.for %scan3A_172 = %scan3A_143 to %scan3A_145 step %scan3A_146  : i32 {
        %mul3A_173 = arith.constant 4 : i32
        %mul3A_174 = arith.muli %scan3A_172, %mul3A_173 : i32
        %add3A_175 = arith.constant 0 : i32
        %add3A_176 = arith.addi %add3A_175, %mul3A_174 : i32
        %add3A_177 = arith.constant 0 : i32
        %add3A_178 = arith.addi %add3A_176, %add3A_177 : i32
        %mul3A_179 = arith.constant 80 : i32
        %mul3A_180 = arith.muli %add3A_178, %mul3A_179 : i32
        %dma_wait3A_181 = tpu.memref_slice %arg7[%mul3A_180] : memref<2560xi32, #tpu.memory_space<vmem>> -> memref<80xi32, #tpu.memory_space<vmem>>
        %dma_wait3A_182 = arith.constant 0 : i32
        %dma_wait3A_183 = arith.constant 0 : i32
        %dma_wait3A_184 = tpu.memref_slice %arg2[%dma_wait3A_182, %dma_wait3A_183] : memref<10000x128xf32, #tpu.memory_space<hbm>> -> memref<10000x128xf32, #tpu.memory_space<hbm>>
        tpu.wait_indirect_dma semaphore(%arg14 : memref<!tpu.dma_semaphore, #tpu.memory_space<semaphore_mem>>) src(%dma_wait3A_184 : memref<10000x128xf32, #tpu.memory_space<hbm>>) dst(%arg9 : memref<80x128xf32, #tpu.memory_space<vmem>>)
        %add3A_185 = arith.constant 0 : i32
        %add3A_186 = arith.addi %add3A_176, %add3A_185 : i32
        %dma_start3A_187 = arith.constant 0 : i32
        %dma_start3A_188 = tpu.memref_slice %arg8[%add3A_186, %dma_start3A_187] : memref<32x80xi32, #tpu.memory_space<vmem>> -> memref<1x80xi32, #tpu.memory_space<vmem>>
        %dma_start3A_189 = tpu.memref_squeeze %dma_start3A_188 : memref<1x80xi32, #tpu.memory_space<vmem>> -> memref<80xi32, #tpu.memory_space<vmem>>
        %dma_start3A_190 = arith.constant 0 : i32
        %dma_start3A_191 = arith.constant 0 : i32
        %dma_start3A_192 = tpu.memref_slice %arg13[%dma_start3A_190, %dma_start3A_191] : memref<10240x128xf32, #tpu.memory_space<vmem_shared>> -> memref<10240x128xf32, #tpu.memory_space<vmem_shared>>
        tpu.enqueue_indirect_dma source(%arg9 : memref<80x128xf32, #tpu.memory_space<vmem>>) target(%dma_start3A_192 : memref<10240x128xf32, #tpu.memory_space<vmem_shared>>) offsets(%dma_start3A_189 : memref<80xi32, #tpu.memory_space<vmem>>) semaphore(%arg18 : memref<!tpu.dma_semaphore, #tpu.memory_space<semaphore_mem>>) {add = true}
        %add3A_193 = arith.constant 1 : i32
        %add3A_194 = arith.addi %add3A_176, %add3A_193 : i32
        %mul3A_195 = arith.constant 80 : i32
        %mul3A_196 = arith.muli %add3A_194, %mul3A_195 : i32
        %dma_wait3A_197 = tpu.memref_slice %arg7[%mul3A_196] : memref<2560xi32, #tpu.memory_space<vmem>> -> memref<80xi32, #tpu.memory_space<vmem>>
        %dma_wait3A_198 = arith.constant 0 : i32
        %dma_wait3A_199 = arith.constant 0 : i32
        %dma_wait3A_200 = tpu.memref_slice %arg2[%dma_wait3A_198, %dma_wait3A_199] : memref<10000x128xf32, #tpu.memory_space<hbm>> -> memref<10000x128xf32, #tpu.memory_space<hbm>>
        tpu.wait_indirect_dma semaphore(%arg15 : memref<!tpu.dma_semaphore, #tpu.memory_space<semaphore_mem>>) src(%dma_wait3A_200 : memref<10000x128xf32, #tpu.memory_space<hbm>>) dst(%arg10 : memref<80x128xf32, #tpu.memory_space<vmem>>)
        %add3A_201 = arith.constant 1 : i32
        %add3A_202 = arith.addi %add3A_176, %add3A_201 : i32
        %dma_start3A_203 = arith.constant 0 : i32
        %dma_start3A_204 = tpu.memref_slice %arg8[%add3A_202, %dma_start3A_203] : memref<32x80xi32, #tpu.memory_space<vmem>> -> memref<1x80xi32, #tpu.memory_space<vmem>>
        %dma_start3A_205 = tpu.memref_squeeze %dma_start3A_204 : memref<1x80xi32, #tpu.memory_space<vmem>> -> memref<80xi32, #tpu.memory_space<vmem>>
        %dma_start3A_206 = arith.constant 0 : i32
        %dma_start3A_207 = arith.constant 0 : i32
        %dma_start3A_208 = tpu.memref_slice %arg13[%dma_start3A_206, %dma_start3A_207] : memref<10240x128xf32, #tpu.memory_space<vmem_shared>> -> memref<10240x128xf32, #tpu.memory_space<vmem_shared>>
        tpu.enqueue_indirect_dma source(%arg10 : memref<80x128xf32, #tpu.memory_space<vmem>>) target(%dma_start3A_208 : memref<10240x128xf32, #tpu.memory_space<vmem_shared>>) offsets(%dma_start3A_205 : memref<80xi32, #tpu.memory_space<vmem>>) semaphore(%arg19 : memref<!tpu.dma_semaphore, #tpu.memory_space<semaphore_mem>>) {add = true}
        %add3A_209 = arith.constant 2 : i32
        %add3A_210 = arith.addi %add3A_176, %add3A_209 : i32
        %mul3A_211 = arith.constant 80 : i32
        %mul3A_212 = arith.muli %add3A_210, %mul3A_211 : i32
        %dma_wait3A_213 = tpu.memref_slice %arg7[%mul3A_212] : memref<2560xi32, #tpu.memory_space<vmem>> -> memref<80xi32, #tpu.memory_space<vmem>>
        %dma_wait3A_214 = arith.constant 0 : i32
        %dma_wait3A_215 = arith.constant 0 : i32
        %dma_wait3A_216 = tpu.memref_slice %arg2[%dma_wait3A_214, %dma_wait3A_215] : memref<10000x128xf32, #tpu.memory_space<hbm>> -> memref<10000x128xf32, #tpu.memory_space<hbm>>
        tpu.wait_indirect_dma semaphore(%arg16 : memref<!tpu.dma_semaphore, #tpu.memory_space<semaphore_mem>>) src(%dma_wait3A_216 : memref<10000x128xf32, #tpu.memory_space<hbm>>) dst(%arg11 : memref<80x128xf32, #tpu.memory_space<vmem>>)
        %add3A_217 = arith.constant 2 : i32
        %add3A_218 = arith.addi %add3A_176, %add3A_217 : i32
        %dma_start3A_219 = arith.constant 0 : i32
        %dma_start3A_220 = tpu.memref_slice %arg8[%add3A_218, %dma_start3A_219] : memref<32x80xi32, #tpu.memory_space<vmem>> -> memref<1x80xi32, #tpu.memory_space<vmem>>
        %dma_start3A_221 = tpu.memref_squeeze %dma_start3A_220 : memref<1x80xi32, #tpu.memory_space<vmem>> -> memref<80xi32, #tpu.memory_space<vmem>>
        %dma_start3A_222 = arith.constant 0 : i32
        %dma_start3A_223 = arith.constant 0 : i32
        %dma_start3A_224 = tpu.memref_slice %arg13[%dma_start3A_222, %dma_start3A_223] : memref<10240x128xf32, #tpu.memory_space<vmem_shared>> -> memref<10240x128xf32, #tpu.memory_space<vmem_shared>>
        tpu.enqueue_indirect_dma source(%arg11 : memref<80x128xf32, #tpu.memory_space<vmem>>) target(%dma_start3A_224 : memref<10240x128xf32, #tpu.memory_space<vmem_shared>>) offsets(%dma_start3A_221 : memref<80xi32, #tpu.memory_space<vmem>>) semaphore(%arg20 : memref<!tpu.dma_semaphore, #tpu.memory_space<semaphore_mem>>) {add = true}
        %add3A_225 = arith.constant 3 : i32
        %add3A_226 = arith.addi %add3A_176, %add3A_225 : i32
        %mul3A_227 = arith.constant 80 : i32
        %mul3A_228 = arith.muli %add3A_226, %mul3A_227 : i32
        %dma_wait3A_229 = tpu.memref_slice %arg7[%mul3A_228] : memref<2560xi32, #tpu.memory_space<vmem>> -> memref<80xi32, #tpu.memory_space<vmem>>
        %dma_wait3A_230 = arith.constant 0 : i32
        %dma_wait3A_231 = arith.constant 0 : i32
        %dma_wait3A_232 = tpu.memref_slice %arg2[%dma_wait3A_230, %dma_wait3A_231] : memref<10000x128xf32, #tpu.memory_space<hbm>> -> memref<10000x128xf32, #tpu.memory_space<hbm>>
        tpu.wait_indirect_dma semaphore(%arg17 : memref<!tpu.dma_semaphore, #tpu.memory_space<semaphore_mem>>) src(%dma_wait3A_232 : memref<10000x128xf32, #tpu.memory_space<hbm>>) dst(%arg12 : memref<80x128xf32, #tpu.memory_space<vmem>>)
        %add3A_233 = arith.constant 3 : i32
        %add3A_234 = arith.addi %add3A_176, %add3A_233 : i32
        %dma_start3A_235 = arith.constant 0 : i32
        %dma_start3A_236 = tpu.memref_slice %arg8[%add3A_234, %dma_start3A_235] : memref<32x80xi32, #tpu.memory_space<vmem>> -> memref<1x80xi32, #tpu.memory_space<vmem>>
        %dma_start3A_237 = tpu.memref_squeeze %dma_start3A_236 : memref<1x80xi32, #tpu.memory_space<vmem>> -> memref<80xi32, #tpu.memory_space<vmem>>
        %dma_start3A_238 = arith.constant 0 : i32
        %dma_start3A_239 = arith.constant 0 : i32
        %dma_start3A_240 = tpu.memref_slice %arg13[%dma_start3A_238, %dma_start3A_239] : memref<10240x128xf32, #tpu.memory_space<vmem_shared>> -> memref<10240x128xf32, #tpu.memory_space<vmem_shared>>
        tpu.enqueue_indirect_dma source(%arg12 : memref<80x128xf32, #tpu.memory_space<vmem>>) target(%dma_start3A_240 : memref<10240x128xf32, #tpu.memory_space<vmem_shared>>) offsets(%dma_start3A_237 : memref<80xi32, #tpu.memory_space<vmem>>) semaphore(%arg21 : memref<!tpu.dma_semaphore, #tpu.memory_space<semaphore_mem>>) {add = true}
        %dma_wait3A_241 = arith.constant 0 : i32
        %dma_wait3A_242 = tpu.memref_slice %arg8[%add3A_186, %dma_wait3A_241] : memref<32x80xi32, #tpu.memory_space<vmem>> -> memref<1x80xi32, #tpu.memory_space<vmem>>
        %dma_wait3A_243 = tpu.memref_squeeze %dma_wait3A_242 : memref<1x80xi32, #tpu.memory_space<vmem>> -> memref<80xi32, #tpu.memory_space<vmem>>
        %dma_wait3A_244 = arith.constant 0 : i32
        %dma_wait3A_245 = arith.constant 0 : i32
        %dma_wait3A_246 = tpu.memref_slice %arg13[%dma_wait3A_244, %dma_wait3A_245] : memref<10240x128xf32, #tpu.memory_space<vmem_shared>> -> memref<10240x128xf32, #tpu.memory_space<vmem_shared>>
        tpu.wait_indirect_dma semaphore(%arg18 : memref<!tpu.dma_semaphore, #tpu.memory_space<semaphore_mem>>) src(%arg9 : memref<80x128xf32, #tpu.memory_space<vmem>>) dst(%dma_wait3A_246 : memref<10240x128xf32, #tpu.memory_space<vmem_shared>>)
        %add3A_247 = arith.constant 0 : i32
        %add3A_248 = arith.addi %add3A_176, %add3A_247 : i32
        %add3A_249 = arith.constant 4 : i32
        %add3A_250 = arith.addi %add3A_248, %add3A_249 : i32
        %mul3A_251 = arith.constant 80 : i32
        %mul3A_252 = arith.muli %add3A_250, %mul3A_251 : i32
        %dma_start3A_253 = tpu.memref_slice %arg7[%mul3A_252] : memref<2560xi32, #tpu.memory_space<vmem>> -> memref<80xi32, #tpu.memory_space<vmem>>
        %dma_start3A_254 = arith.constant 0 : i32
        %dma_start3A_255 = arith.constant 0 : i32
        %dma_start3A_256 = tpu.memref_slice %arg2[%dma_start3A_254, %dma_start3A_255] : memref<10000x128xf32, #tpu.memory_space<hbm>> -> memref<10000x128xf32, #tpu.memory_space<hbm>>
        tpu.enqueue_indirect_dma source(%dma_start3A_256 : memref<10000x128xf32, #tpu.memory_space<hbm>>) target(%arg9 : memref<80x128xf32, #tpu.memory_space<vmem>>) offsets(%dma_start3A_253 : memref<80xi32, #tpu.memory_space<vmem>>) semaphore(%arg14 : memref<!tpu.dma_semaphore, #tpu.memory_space<semaphore_mem>>)
        %dma_wait3A_257 = arith.constant 0 : i32
        %dma_wait3A_258 = tpu.memref_slice %arg8[%add3A_202, %dma_wait3A_257] : memref<32x80xi32, #tpu.memory_space<vmem>> -> memref<1x80xi32, #tpu.memory_space<vmem>>
        %dma_wait3A_259 = tpu.memref_squeeze %dma_wait3A_258 : memref<1x80xi32, #tpu.memory_space<vmem>> -> memref<80xi32, #tpu.memory_space<vmem>>
        %dma_wait3A_260 = arith.constant 0 : i32
        %dma_wait3A_261 = arith.constant 0 : i32
        %dma_wait3A_262 = tpu.memref_slice %arg13[%dma_wait3A_260, %dma_wait3A_261] : memref<10240x128xf32, #tpu.memory_space<vmem_shared>> -> memref<10240x128xf32, #tpu.memory_space<vmem_shared>>
        tpu.wait_indirect_dma semaphore(%arg19 : memref<!tpu.dma_semaphore, #tpu.memory_space<semaphore_mem>>) src(%arg10 : memref<80x128xf32, #tpu.memory_space<vmem>>) dst(%dma_wait3A_262 : memref<10240x128xf32, #tpu.memory_space<vmem_shared>>)
        %add3A_263 = arith.constant 1 : i32
        %add3A_264 = arith.addi %add3A_176, %add3A_263 : i32
        %add3A_265 = arith.constant 4 : i32
        %add3A_266 = arith.addi %add3A_264, %add3A_265 : i32
        %mul3A_267 = arith.constant 80 : i32
        %mul3A_268 = arith.muli %add3A_266, %mul3A_267 : i32
        %dma_start3A_269 = tpu.memref_slice %arg7[%mul3A_268] : memref<2560xi32, #tpu.memory_space<vmem>> -> memref<80xi32, #tpu.memory_space<vmem>>
        %dma_start3A_270 = arith.constant 0 : i32
        %dma_start3A_271 = arith.constant 0 : i32
        %dma_start3A_272 = tpu.memref_slice %arg2[%dma_start3A_270, %dma_start3A_271] : memref<10000x128xf32, #tpu.memory_space<hbm>> -> memref<10000x128xf32, #tpu.memory_space<hbm>>
        tpu.enqueue_indirect_dma source(%dma_start3A_272 : memref<10000x128xf32, #tpu.memory_space<hbm>>) target(%arg10 : memref<80x128xf32, #tpu.memory_space<vmem>>) offsets(%dma_start3A_269 : memref<80xi32, #tpu.memory_space<vmem>>) semaphore(%arg15 : memref<!tpu.dma_semaphore, #tpu.memory_space<semaphore_mem>>)
        %dma_wait3A_273 = arith.constant 0 : i32
        %dma_wait3A_274 = tpu.memref_slice %arg8[%add3A_218, %dma_wait3A_273] : memref<32x80xi32, #tpu.memory_space<vmem>> -> memref<1x80xi32, #tpu.memory_space<vmem>>
        %dma_wait3A_275 = tpu.memref_squeeze %dma_wait3A_274 : memref<1x80xi32, #tpu.memory_space<vmem>> -> memref<80xi32, #tpu.memory_space<vmem>>
        %dma_wait3A_276 = arith.constant 0 : i32
        %dma_wait3A_277 = arith.constant 0 : i32
        %dma_wait3A_278 = tpu.memref_slice %arg13[%dma_wait3A_276, %dma_wait3A_277] : memref<10240x128xf32, #tpu.memory_space<vmem_shared>> -> memref<10240x128xf32, #tpu.memory_space<vmem_shared>>
        tpu.wait_indirect_dma semaphore(%arg20 : memref<!tpu.dma_semaphore, #tpu.memory_space<semaphore_mem>>) src(%arg11 : memref<80x128xf32, #tpu.memory_space<vmem>>) dst(%dma_wait3A_278 : memref<10240x128xf32, #tpu.memory_space<vmem_shared>>)
        %add3A_279 = arith.constant 2 : i32
        %add3A_280 = arith.addi %add3A_176, %add3A_279 : i32
        %add3A_281 = arith.constant 4 : i32
        %add3A_282 = arith.addi %add3A_280, %add3A_281 : i32
        %mul3A_283 = arith.constant 80 : i32
        %mul3A_284 = arith.muli %add3A_282, %mul3A_283 : i32
        %dma_start3A_285 = tpu.memref_slice %arg7[%mul3A_284] : memref<2560xi32, #tpu.memory_space<vmem>> -> memref<80xi32, #tpu.memory_space<vmem>>
        %dma_start3A_286 = arith.constant 0 : i32
        %dma_start3A_287 = arith.constant 0 : i32
        %dma_start3A_288 = tpu.memref_slice %arg2[%dma_start3A_286, %dma_start3A_287] : memref<10000x128xf32, #tpu.memory_space<hbm>> -> memref<10000x128xf32, #tpu.memory_space<hbm>>
        tpu.enqueue_indirect_dma source(%dma_start3A_288 : memref<10000x128xf32, #tpu.memory_space<hbm>>) target(%arg11 : memref<80x128xf32, #tpu.memory_space<vmem>>) offsets(%dma_start3A_285 : memref<80xi32, #tpu.memory_space<vmem>>) semaphore(%arg16 : memref<!tpu.dma_semaphore, #tpu.memory_space<semaphore_mem>>)
        %dma_wait3A_289 = arith.constant 0 : i32
        %dma_wait3A_290 = tpu.memref_slice %arg8[%add3A_234, %dma_wait3A_289] : memref<32x80xi32, #tpu.memory_space<vmem>> -> memref<1x80xi32, #tpu.memory_space<vmem>>
        %dma_wait3A_291 = tpu.memref_squeeze %dma_wait3A_290 : memref<1x80xi32, #tpu.memory_space<vmem>> -> memref<80xi32, #tpu.memory_space<vmem>>
        %dma_wait3A_292 = arith.constant 0 : i32
        %dma_wait3A_293 = arith.constant 0 : i32
        %dma_wait3A_294 = tpu.memref_slice %arg13[%dma_wait3A_292, %dma_wait3A_293] : memref<10240x128xf32, #tpu.memory_space<vmem_shared>> -> memref<10240x128xf32, #tpu.memory_space<vmem_shared>>
        tpu.wait_indirect_dma semaphore(%arg21 : memref<!tpu.dma_semaphore, #tpu.memory_space<semaphore_mem>>) src(%arg12 : memref<80x128xf32, #tpu.memory_space<vmem>>) dst(%dma_wait3A_294 : memref<10240x128xf32, #tpu.memory_space<vmem_shared>>)
        %add3A_295 = arith.constant 3 : i32
        %add3A_296 = arith.addi %add3A_176, %add3A_295 : i32
        %add3A_297 = arith.constant 4 : i32
        %add3A_298 = arith.addi %add3A_296, %add3A_297 : i32
        %mul3A_299 = arith.constant 80 : i32
        %mul3A_300 = arith.muli %add3A_298, %mul3A_299 : i32
        %dma_start3A_301 = tpu.memref_slice %arg7[%mul3A_300] : memref<2560xi32, #tpu.memory_space<vmem>> -> memref<80xi32, #tpu.memory_space<vmem>>
        %dma_start3A_302 = arith.constant 0 : i32
        %dma_start3A_303 = arith.constant 0 : i32
        %dma_start3A_304 = tpu.memref_slice %arg2[%dma_start3A_302, %dma_start3A_303] : memref<10000x128xf32, #tpu.memory_space<hbm>> -> memref<10000x128xf32, #tpu.memory_space<hbm>>
        tpu.enqueue_indirect_dma source(%dma_start3A_304 : memref<10000x128xf32, #tpu.memory_space<hbm>>) target(%arg12 : memref<80x128xf32, #tpu.memory_space<vmem>>) offsets(%dma_start3A_301 : memref<80xi32, #tpu.memory_space<vmem>>) semaphore(%arg17 : memref<!tpu.dma_semaphore, #tpu.memory_space<semaphore_mem>>)
      }
      %scan3A_147 = arith.constant 7 : i32
      %dma_wait3A_148 = arith.constant 2240 : i32
      %dma_wait3A_149 = tpu.memref_slice %arg7[%dma_wait3A_148] : memref<2560xi32, #tpu.memory_space<vmem>> -> memref<80xi32, #tpu.memory_space<vmem>>
      %dma_wait3A_150 = arith.constant 0 : i32
      %dma_wait3A_151 = arith.constant 0 : i32
      %dma_wait3A_152 = tpu.memref_slice %arg2[%dma_wait3A_150, %dma_wait3A_151] : memref<10000x128xf32, #tpu.memory_space<hbm>> -> memref<10000x128xf32, #tpu.memory_space<hbm>>
      tpu.wait_indirect_dma semaphore(%arg14 : memref<!tpu.dma_semaphore, #tpu.memory_space<semaphore_mem>>) src(%dma_wait3A_152 : memref<10000x128xf32, #tpu.memory_space<hbm>>) dst(%arg9 : memref<80x128xf32, #tpu.memory_space<vmem>>)
      %run_scoped3A_153 = arith.constant 28 : i32
      "tpu.region"() ({
        %run_scoped3A_172 = tpu.sem_alloc : memref<!tpu.dma_semaphore, #tpu.memory_space<semaphore_mem>>
        %dma_start3A_173 = arith.constant 0 : i32
        %dma_start3A_174 = tpu.memref_slice %arg8[%run_scoped3A_153, %dma_start3A_173] : memref<32x80xi32, #tpu.memory_space<vmem>> -> memref<1x80xi32, #tpu.memory_space<vmem>>
        %dma_start3A_175 = tpu.memref_squeeze %dma_start3A_174 : memref<1x80xi32, #tpu.memory_space<vmem>> -> memref<80xi32, #tpu.memory_space<vmem>>
        %dma_start3A_176 = arith.constant 0 : i32
        %dma_start3A_177 = arith.constant 0 : i32
        %dma_start3A_178 = tpu.memref_slice %arg13[%dma_start3A_176, %dma_start3A_177] : memref<10240x128xf32, #tpu.memory_space<vmem_shared>> -> memref<10240x128xf32, #tpu.memory_space<vmem_shared>>
        tpu.enqueue_indirect_dma source(%arg9 : memref<80x128xf32, #tpu.memory_space<vmem>>) target(%dma_start3A_178 : memref<10240x128xf32, #tpu.memory_space<vmem_shared>>) offsets(%dma_start3A_175 : memref<80xi32, #tpu.memory_space<vmem>>) semaphore(%run_scoped3A_172 : memref<!tpu.dma_semaphore, #tpu.memory_space<semaphore_mem>>) {add = true}
        %dma_wait3A_179 = arith.constant 0 : i32
        %dma_wait3A_180 = tpu.memref_slice %arg8[%run_scoped3A_153, %dma_wait3A_179] : memref<32x80xi32, #tpu.memory_space<vmem>> -> memref<1x80xi32, #tpu.memory_space<vmem>>
        %dma_wait3A_181 = tpu.memref_squeeze %dma_wait3A_180 : memref<1x80xi32, #tpu.memory_space<vmem>> -> memref<80xi32, #tpu.memory_space<vmem>>
        %dma_wait3A_182 = arith.constant 0 : i32
        %dma_wait3A_183 = arith.constant 0 : i32
        %dma_wait3A_184 = tpu.memref_slice %arg13[%dma_wait3A_182, %dma_wait3A_183] : memref<10240x128xf32, #tpu.memory_space<vmem_shared>> -> memref<10240x128xf32, #tpu.memory_space<vmem_shared>>
        tpu.wait_indirect_dma semaphore(%run_scoped3A_172 : memref<!tpu.dma_semaphore, #tpu.memory_space<semaphore_mem>>) src(%arg9 : memref<80x128xf32, #tpu.memory_space<vmem>>) dst(%dma_wait3A_184 : memref<10240x128xf32, #tpu.memory_space<vmem_shared>>)
        tpu.yield
      }) : () -> ()
      %dma_wait3A_154 = arith.constant 2320 : i32
      %dma_wait3A_155 = tpu.memref_slice %arg7[%dma_wait3A_154] : memref<2560xi32, #tpu.memory_space<vmem>> -> memref<80xi32, #tpu.memory_space<vmem>>
      %dma_wait3A_156 = arith.constant 0 : i32
      %dma_wait3A_157 = arith.constant 0 : i32
      %dma_wait3A_158 = tpu.memref_slice %arg2[%dma_wait3A_156, %dma_wait3A_157] : memref<10000x128xf32, #tpu.memory_space<hbm>> -> memref<10000x128xf32, #tpu.memory_space<hbm>>
      tpu.wait_indirect_dma semaphore(%arg15 : memref<!tpu.dma_semaphore, #tpu.memory_space<semaphore_mem>>) src(%dma_wait3A_158 : memref<10000x128xf32, #tpu.memory_space<hbm>>) dst(%arg10 : memref<80x128xf32, #tpu.memory_space<vmem>>)
      %run_scoped3A_159 = arith.constant 29 : i32
      "tpu.region"() ({
        %run_scoped3A_172 = tpu.sem_alloc : memref<!tpu.dma_semaphore, #tpu.memory_space<semaphore_mem>>
        %dma_start3A_173 = arith.constant 0 : i32
        %dma_start3A_174 = tpu.memref_slice %arg8[%run_scoped3A_159, %dma_start3A_173] : memref<32x80xi32, #tpu.memory_space<vmem>> -> memref<1x80xi32, #tpu.memory_space<vmem>>
        %dma_start3A_175 = tpu.memref_squeeze %dma_start3A_174 : memref<1x80xi32, #tpu.memory_space<vmem>> -> memref<80xi32, #tpu.memory_space<vmem>>
        %dma_start3A_176 = arith.constant 0 : i32
        %dma_start3A_177 = arith.constant 0 : i32
        %dma_start3A_178 = tpu.memref_slice %arg13[%dma_start3A_176, %dma_start3A_177] : memref<10240x128xf32, #tpu.memory_space<vmem_shared>> -> memref<10240x128xf32, #tpu.memory_space<vmem_shared>>
        tpu.enqueue_indirect_dma source(%arg10 : memref<80x128xf32, #tpu.memory_space<vmem>>) target(%dma_start3A_178 : memref<10240x128xf32, #tpu.memory_space<vmem_shared>>) offsets(%dma_start3A_175 : memref<80xi32, #tpu.memory_space<vmem>>) semaphore(%run_scoped3A_172 : memref<!tpu.dma_semaphore, #tpu.memory_space<semaphore_mem>>) {add = true}
        %dma_wait3A_179 = arith.constant 0 : i32
        %dma_wait3A_180 = tpu.memref_slice %arg8[%run_scoped3A_159, %dma_wait3A_179] : memref<32x80xi32, #tpu.memory_space<vmem>> -> memref<1x80xi32, #tpu.memory_space<vmem>>
        %dma_wait3A_181 = tpu.memref_squeeze %dma_wait3A_180 : memref<1x80xi32, #tpu.memory_space<vmem>> -> memref<80xi32, #tpu.memory_space<vmem>>
        %dma_wait3A_182 = arith.constant 0 : i32
        %dma_wait3A_183 = arith.constant 0 : i32
        %dma_wait3A_184 = tpu.memref_slice %arg13[%dma_wait3A_182, %dma_wait3A_183] : memref<10240x128xf32, #tpu.memory_space<vmem_shared>> -> memref<10240x128xf32, #tpu.memory_space<vmem_shared>>
        tpu.wait_indirect_dma semaphore(%run_scoped3A_172 : memref<!tpu.dma_semaphore, #tpu.memory_space<semaphore_mem>>) src(%arg10 : memref<80x128xf32, #tpu.memory_space<vmem>>) dst(%dma_wait3A_184 : memref<10240x128xf32, #tpu.memory_space<vmem_shared>>)
        tpu.yield
      }) : () -> ()
      %dma_wait3A_160 = arith.constant 2400 : i32
      %dma_wait3A_161 = tpu.memref_slice %arg7[%dma_wait3A_160] : memref<2560xi32, #tpu.memory_space<vmem>> -> memref<80xi32, #tpu.memory_space<vmem>>
      %dma_wait3A_162 = arith.constant 0 : i32
      %dma_wait3A_163 = arith.constant 0 : i32
      %dma_wait3A_164 = tpu.memref_slice %arg2[%dma_wait3A_162, %dma_wait3A_163] : memref<10000x128xf32, #tpu.memory_space<hbm>> -> memref<10000x128xf32, #tpu.memory_space<hbm>>
      tpu.wait_indirect_dma semaphore(%arg16 : memref<!tpu.dma_semaphore, #tpu.memory_space<semaphore_mem>>) src(%dma_wait3A_164 : memref<10000x128xf32, #tpu.memory_space<hbm>>) dst(%arg11 : memref<80x128xf32, #tpu.memory_space<vmem>>)
      %run_scoped3A_165 = arith.constant 30 : i32
      "tpu.region"() ({
        %run_scoped3A_172 = tpu.sem_alloc : memref<!tpu.dma_semaphore, #tpu.memory_space<semaphore_mem>>
        %dma_start3A_173 = arith.constant 0 : i32
        %dma_start3A_174 = tpu.memref_slice %arg8[%run_scoped3A_165, %dma_start3A_173] : memref<32x80xi32, #tpu.memory_space<vmem>> -> memref<1x80xi32, #tpu.memory_space<vmem>>
        %dma_start3A_175 = tpu.memref_squeeze %dma_start3A_174 : memref<1x80xi32, #tpu.memory_space<vmem>> -> memref<80xi32, #tpu.memory_space<vmem>>
        %dma_start3A_176 = arith.constant 0 : i32
        %dma_start3A_177 = arith.constant 0 : i32
        %dma_start3A_178 = tpu.memref_slice %arg13[%dma_start3A_176, %dma_start3A_177] : memref<10240x128xf32, #tpu.memory_space<vmem_shared>> -> memref<10240x128xf32, #tpu.memory_space<vmem_shared>>
        tpu.enqueue_indirect_dma source(%arg11 : memref<80x128xf32, #tpu.memory_space<vmem>>) target(%dma_start3A_178 : memref<10240x128xf32, #tpu.memory_space<vmem_shared>>) offsets(%dma_start3A_175 : memref<80xi32, #tpu.memory_space<vmem>>) semaphore(%run_scoped3A_172 : memref<!tpu.dma_semaphore, #tpu.memory_space<semaphore_mem>>) {add = true}
        %dma_wait3A_179 = arith.constant 0 : i32
        %dma_wait3A_180 = tpu.memref_slice %arg8[%run_scoped3A_165, %dma_wait3A_179] : memref<32x80xi32, #tpu.memory_space<vmem>> -> memref<1x80xi32, #tpu.memory_space<vmem>>
        %dma_wait3A_181 = tpu.memref_squeeze %dma_wait3A_180 : memref<1x80xi32, #tpu.memory_space<vmem>> -> memref<80xi32, #tpu.memory_space<vmem>>
        %dma_wait3A_182 = arith.constant 0 : i32
        %dma_wait3A_183 = arith.constant 0 : i32
        %dma_wait3A_184 = tpu.memref_slice %arg13[%dma_wait3A_182, %dma_wait3A_183] : memref<10240x128xf32, #tpu.memory_space<vmem_shared>> -> memref<10240x128xf32, #tpu.memory_space<vmem_shared>>
        tpu.wait_indirect_dma semaphore(%run_scoped3A_172 : memref<!tpu.dma_semaphore, #tpu.memory_space<semaphore_mem>>) src(%arg11 : memref<80x128xf32, #tpu.memory_space<vmem>>) dst(%dma_wait3A_184 : memref<10240x128xf32, #tpu.memory_space<vmem_shared>>)
        tpu.yield
      }) : () -> ()
      %dma_wait3A_166 = arith.constant 2480 : i32
      %dma_wait3A_167 = tpu.memref_slice %arg7[%dma_wait3A_166] : memref<2560xi32, #tpu.memory_space<vmem>> -> memref<80xi32, #tpu.memory_space<vmem>>
      %dma_wait3A_168 = arith.constant 0 : i32
      %dma_wait3A_169 = arith.constant 0 : i32
      %dma_wait3A_170 = tpu.memref_slice %arg2[%dma_wait3A_168, %dma_wait3A_169] : memref<10000x128xf32, #tpu.memory_space<hbm>> -> memref<10000x128xf32, #tpu.memory_space<hbm>>
      tpu.wait_indirect_dma semaphore(%arg17 : memref<!tpu.dma_semaphore, #tpu.memory_space<semaphore_mem>>) src(%dma_wait3A_170 : memref<10000x128xf32, #tpu.memory_space<hbm>>) dst(%arg12 : memref<80x128xf32, #tpu.memory_space<vmem>>)
      %run_scoped3A_171 = arith.constant 31 : i32
      "tpu.region"() ({
        %run_scoped3A_172 = tpu.sem_alloc : memref<!tpu.dma_semaphore, #tpu.memory_space<semaphore_mem>>
        %dma_start3A_173 = arith.constant 0 : i32
        %dma_start3A_174 = tpu.memref_slice %arg8[%run_scoped3A_171, %dma_start3A_173] : memref<32x80xi32, #tpu.memory_space<vmem>> -> memref<1x80xi32, #tpu.memory_space<vmem>>
        %dma_start3A_175 = tpu.memref_squeeze %dma_start3A_174 : memref<1x80xi32, #tpu.memory_space<vmem>> -> memref<80xi32, #tpu.memory_space<vmem>>
        %dma_start3A_176 = arith.constant 0 : i32
        %dma_start3A_177 = arith.constant 0 : i32
        %dma_start3A_178 = tpu.memref_slice %arg13[%dma_start3A_176, %dma_start3A_177] : memref<10240x128xf32, #tpu.memory_space<vmem_shared>> -> memref<10240x128xf32, #tpu.memory_space<vmem_shared>>
        tpu.enqueue_indirect_dma source(%arg12 : memref<80x128xf32, #tpu.memory_space<vmem>>) target(%dma_start3A_178 : memref<10240x128xf32, #tpu.memory_space<vmem_shared>>) offsets(%dma_start3A_175 : memref<80xi32, #tpu.memory_space<vmem>>) semaphore(%run_scoped3A_172 : memref<!tpu.dma_semaphore, #tpu.memory_space<semaphore_mem>>) {add = true}
        %dma_wait3A_179 = arith.constant 0 : i32
        %dma_wait3A_180 = tpu.memref_slice %arg8[%run_scoped3A_171, %dma_wait3A_179] : memref<32x80xi32, #tpu.memory_space<vmem>> -> memref<1x80xi32, #tpu.memory_space<vmem>>
        %dma_wait3A_181 = tpu.memref_squeeze %dma_wait3A_180 : memref<1x80xi32, #tpu.memory_space<vmem>> -> memref<80xi32, #tpu.memory_space<vmem>>
        %dma_wait3A_182 = arith.constant 0 : i32
        %dma_wait3A_183 = arith.constant 0 : i32
        %dma_wait3A_184 = tpu.memref_slice %arg13[%dma_wait3A_182, %dma_wait3A_183] : memref<10240x128xf32, #tpu.memory_space<vmem_shared>> -> memref<10240x128xf32, #tpu.memory_space<vmem_shared>>
        tpu.wait_indirect_dma semaphore(%run_scoped3A_172 : memref<!tpu.dma_semaphore, #tpu.memory_space<semaphore_mem>>) src(%arg12 : memref<80x128xf32, #tpu.memory_space<vmem>>) dst(%dma_wait3A_184 : memref<10240x128xf32, #tpu.memory_space<vmem_shared>>)
        tpu.yield
      }) : () -> ()
    }
    %scan3A_82 = arith.constant 3 : i32
    %barrier3A_83 = arith.constant 0 : index
    tpu.barrier barrier_id(%barrier3A_83)
    %mul3A_84 = arith.constant 10240 : i32
    %mul3A_85 = arith.muli %arg0, %mul3A_84 : i32
    %mul3A_86 = arith.constant 640 : i32
    %mul3A_87 = arith.muli %arg1, %mul3A_86 : i32
    %add3A_88 = arith.addi %mul3A_85, %mul3A_87 : i32
    %mul3A_89 = arith.constant 640 : i32
    %mul3A_90 = arith.muli %arg1, %mul3A_89 : i32
    "tpu.region"() ({
      %run_scoped3A_91 = tpu.sem_alloc : memref<!tpu.dma_semaphore, #tpu.memory_space<semaphore_mem>>
      %dma_start3A_92 = arith.constant 0 : i32
      %dma_start3A_93 = tpu.memref_slice %arg6[%add3A_88, %dma_start3A_92] : memref<20480x128xf32, #tpu.memory_space<hbm>> -> memref<640x128xf32, #tpu.memory_space<hbm>>
      %dma_start3A_94 = arith.constant 0 : i32
      %dma_start3A_95 = tpu.memref_slice %arg13[%mul3A_90, %dma_start3A_94] : memref<10240x128xf32, #tpu.memory_space<vmem_shared>> -> memref<640x128xf32, #tpu.memory_space<vmem_shared>>
      tpu.enqueue_dma source(%dma_start3A_95 : memref<640x128xf32, #tpu.memory_space<vmem_shared>>) target(%dma_start3A_93 : memref<640x128xf32, #tpu.memory_space<hbm>>) target_semaphore(%run_scoped3A_91 : memref<!tpu.dma_semaphore, #tpu.memory_space<semaphore_mem>>)
      %dma_wait3A_96 = arith.constant 0 : i32
      %dma_wait3A_97 = tpu.memref_slice %arg6[%add3A_88, %dma_wait3A_96] : memref<20480x128xf32, #tpu.memory_space<hbm>> -> memref<640x128xf32, #tpu.memory_space<hbm>>
      %dma_wait3A_98 = arith.constant 0 : i32
      %dma_wait3A_99 = tpu.memref_slice %arg13[%mul3A_90, %dma_wait3A_98] : memref<10240x128xf32, #tpu.memory_space<vmem_shared>> -> memref<640x128xf32, #tpu.memory_space<vmem_shared>>
      tpu.wait_dma2 semaphore(%run_scoped3A_91 : memref<!tpu.dma_semaphore, #tpu.memory_space<semaphore_mem>>) src(%dma_wait3A_99 : memref<640x128xf32, #tpu.memory_space<vmem_shared>>) dst(%dma_wait3A_97 : memref<640x128xf32, #tpu.memory_space<hbm>>)
      tpu.yield
    }) : () -> ()
    return
  }
}

#map = affine_map<(d0, d1) -> (0, 0)>
#map1 = affine_map<(d0, d1) -> (0)>
#map2 = affine_map<(d0, d1) -> (0, 0, 0, 0)>
module attributes {stable_mosaic.version = 14 : i64} {
  func.func @k(%arg0: i32, %arg1: i32, %arg2: memref<10000x128xf32, #tpu.memory_space<hbm>>, %arg3: memref<327680xi32, #tpu.memory_space<hbm>>, %arg4: memref<32x4x32x80xi32, #tpu.memory_space<hbm>>, %arg5: memref<640x128xf32, #tpu.memory_space<hbm>>, %arg6: memref<20480x128xf32, #tpu.memory_space<hbm>>, %arg7: memref<2560xi32, #tpu.memory_space<vmem>>, %arg8: memref<32x80xi32, #tpu.memory_space<vmem>>, %arg9: memref<80x128xf32, #tpu.memory_space<vmem>>, %arg10: memref<80x128xf32, #tpu.memory_space<vmem>>, %arg11: memref<80x128xf32, #tpu.memory_space<vmem>>, %arg12: memref<80x128xf32, #tpu.memory_space<vmem>>, %arg13: memref<10240x128xf32, #tpu.memory_space<vmem_shared>>, %arg14: memref<!tpu.dma_semaphore, #tpu.memory_space<semaphore_mem>>, %arg15: memref<!tpu.dma_semaphore, #tpu.memory_space<semaphore_mem>>, %arg16: memref<!tpu.dma_semaphore, #tpu.memory_space<semaphore_mem>>, %arg17: memref<!tpu.dma_semaphore, #tpu.memory_space<semaphore_mem>>, %arg18: memref<!tpu.dma_semaphore, #tpu.memory_space<semaphore_mem>>, %arg19: memref<!tpu.dma_semaphore, #tpu.memory_space<semaphore_mem>>, %arg20: memref<!tpu.dma_semaphore, #tpu.memory_space<semaphore_mem>>, %arg21: memref<!tpu.dma_semaphore, #tpu.memory_space<semaphore_mem>>) attributes {dimension_semantics = [#tpu.dimension_semantics<core_parallel>, #tpu.dimension_semantics<subcore_parallel>], iteration_bounds = array<i64: 2, 16>, scalar_prefetch = 0 : i64, scratch_operands = 15 : i64, tpu.core_type = #tpu.core_type<sc_vector_subcore>, window_params = [{transform_indices = #map}, {transform_indices = #map1}, {transform_indices = #map2}, {transform_indices = #map}, {transform_indices = #map}]} {
    %mul3A = arith.constant 2 : i32
    %mul3A_0 = arith.muli %arg1, %mul3A : i32
    %add3A = arith.addi %mul3A_0, %arg0 : i32
    %mul3A_1 = arith.constant 640 : i32
    %mul3A_2 = arith.muli %arg1, %mul3A_1 : i32
    %dma_start3A = arith.constant 0 : i32
    %dma_start3A_3 = tpu.memref_slice %arg13[%mul3A_2, %dma_start3A] : memref<10240x128xf32, #tpu.memory_space<vmem_shared>> -> memref<640x128xf32, #tpu.memory_space<vmem_shared>>
    tpu.enqueue_dma source(%arg5 : memref<640x128xf32, #tpu.memory_space<hbm>>) target(%dma_start3A_3 : memref<640x128xf32, #tpu.memory_space<vmem_shared>>) target_semaphore(%arg18 : memref<!tpu.dma_semaphore, #tpu.memory_space<semaphore_mem>>)
    %mul3A_4 = arith.constant 10240 : i32
    %mul3A_5 = arith.muli %add3A, %mul3A_4 : i32
    %add3A_6 = arith.constant 0 : i32
    %add3A_7 = arith.addi %mul3A_5, %add3A_6 : i32
    %dma_start3A_8 = tpu.memref_slice %arg3[%add3A_7] : memref<327680xi32, #tpu.memory_space<hbm>> -> memref<2560xi32, #tpu.memory_space<hbm>>
    %dma_start3A_9 = tpu.memref_slice %arg3[%add3A_7] : memref<327680xi32, #tpu.memory_space<hbm>> -> memref<2560xi32, #tpu.memory_space<hbm>>
    tpu.enqueue_dma source(%dma_start3A_9 : memref<2560xi32, #tpu.memory_space<hbm>>) target(%arg7 : memref<2560xi32, #tpu.memory_space<vmem>>) target_semaphore(%arg14 : memref<!tpu.dma_semaphore, #tpu.memory_space<semaphore_mem>>)
    %dma_start3A_10 = arith.constant 0 : i32
    %dma_start3A_11 = arith.constant 0 : i32
    %dma_start3A_12 = arith.constant 0 : i32
    %dma_start3A_13 = tpu.memref_slice %arg4[%add3A, %dma_start3A_10, %dma_start3A_11, %dma_start3A_12] : memref<32x4x32x80xi32, #tpu.memory_space<hbm>> -> memref<1x1x32x80xi32, #tpu.memory_space<hbm>>
    %dma_start3A_14 = tpu.memref_squeeze %dma_start3A_13 : memref<1x1x32x80xi32, #tpu.memory_space<hbm>> -> memref<32x80xi32, #tpu.memory_space<hbm>>
    %dma_start3A_15 = arith.constant 0 : i32
    %dma_start3A_16 = arith.constant 0 : i32
    %dma_start3A_17 = tpu.memref_slice %arg4[%add3A, %dma_start3A_10, %dma_start3A_15, %dma_start3A_16] : memref<32x4x32x80xi32, #tpu.memory_space<hbm>> -> memref<1x1x32x80xi32, #tpu.memory_space<hbm>>
    %dma_start3A_18 = tpu.memref_squeeze %dma_start3A_17 : memref<1x1x32x80xi32, #tpu.memory_space<hbm>> -> memref<32x80xi32, #tpu.memory_space<hbm>>
    tpu.enqueue_dma source(%dma_start3A_18 : memref<32x80xi32, #tpu.memory_space<hbm>>) target(%arg8 : memref<32x80xi32, #tpu.memory_space<vmem>>) target_semaphore(%arg15 : memref<!tpu.dma_semaphore, #tpu.memory_space<semaphore_mem>>)
    %dma_wait3A = arith.constant 0 : i32
    %dma_wait3A_19 = tpu.memref_slice %arg13[%mul3A_2, %dma_wait3A] : memref<10240x128xf32, #tpu.memory_space<vmem_shared>> -> memref<640x128xf32, #tpu.memory_space<vmem_shared>>
    tpu.wait_dma2 semaphore(%arg18 : memref<!tpu.dma_semaphore, #tpu.memory_space<semaphore_mem>>) src(%arg5 : memref<640x128xf32, #tpu.memory_space<hbm>>) dst(%dma_wait3A_19 : memref<640x128xf32, #tpu.memory_space<vmem_shared>>)
    %barrier3A = arith.constant 0 : index
    tpu.barrier barrier_id(%barrier3A)
    %dma_wait3A_20 = tpu.memref_slice %arg3[%add3A_7] : memref<327680xi32, #tpu.memory_space<hbm>> -> memref<2560xi32, #tpu.memory_space<hbm>>
    %dma_wait3A_21 = tpu.memref_slice %arg3[%add3A_7] : memref<327680xi32, #tpu.memory_space<hbm>> -> memref<2560xi32, #tpu.memory_space<hbm>>
    tpu.wait_dma2 semaphore(%arg14 : memref<!tpu.dma_semaphore, #tpu.memory_space<semaphore_mem>>) src(%dma_wait3A_21 : memref<2560xi32, #tpu.memory_space<hbm>>) dst(%arg7 : memref<2560xi32, #tpu.memory_space<vmem>>)
    %dma_wait3A_22 = arith.constant 0 : i32
    %dma_wait3A_23 = arith.constant 0 : i32
    %dma_wait3A_24 = arith.constant 0 : i32
    %dma_wait3A_25 = tpu.memref_slice %arg4[%add3A, %dma_wait3A_22, %dma_wait3A_23, %dma_wait3A_24] : memref<32x4x32x80xi32, #tpu.memory_space<hbm>> -> memref<1x1x32x80xi32, #tpu.memory_space<hbm>>
    %dma_wait3A_26 = tpu.memref_squeeze %dma_wait3A_25 : memref<1x1x32x80xi32, #tpu.memory_space<hbm>> -> memref<32x80xi32, #tpu.memory_space<hbm>>
    %dma_wait3A_27 = arith.constant 0 : i32
    %dma_wait3A_28 = arith.constant 0 : i32
    %dma_wait3A_29 = tpu.memref_slice %arg4[%add3A, %dma_wait3A_22, %dma_wait3A_27, %dma_wait3A_28] : memref<32x4x32x80xi32, #tpu.memory_space<hbm>> -> memref<1x1x32x80xi32, #tpu.memory_space<hbm>>
    %dma_wait3A_30 = tpu.memref_squeeze %dma_wait3A_29 : memref<1x1x32x80xi32, #tpu.memory_space<hbm>> -> memref<32x80xi32, #tpu.memory_space<hbm>>
    tpu.wait_dma2 semaphore(%arg15 : memref<!tpu.dma_semaphore, #tpu.memory_space<semaphore_mem>>) src(%dma_wait3A_30 : memref<32x80xi32, #tpu.memory_space<hbm>>) dst(%arg8 : memref<32x80xi32, #tpu.memory_space<vmem>>)
    %dma_start3A_31 = arith.constant 0 : i32
    %dma_start3A_32 = tpu.memref_slice %arg7[%dma_start3A_31] : memref<2560xi32, #tpu.memory_space<vmem>> -> memref<80xi32, #tpu.memory_space<vmem>>
    %dma_start3A_33 = arith.constant 0 : i32
    %dma_start3A_34 = arith.constant 0 : i32
    %dma_start3A_35 = tpu.memref_slice %arg2[%dma_start3A_33, %dma_start3A_34] : memref<10000x128xf32, #tpu.memory_space<hbm>> -> memref<10000x128xf32, #tpu.memory_space<hbm>>
    tpu.enqueue_indirect_dma source(%dma_start3A_35 : memref<10000x128xf32, #tpu.memory_space<hbm>>) target(%arg9 : memref<80x128xf32, #tpu.memory_space<vmem>>) offsets(%dma_start3A_32 : memref<80xi32, #tpu.memory_space<vmem>>) semaphore(%arg14 : memref<!tpu.dma_semaphore, #tpu.memory_space<semaphore_mem>>)
    %dma_start3A_36 = arith.constant 80 : i32
    %dma_start3A_37 = tpu.memref_slice %arg7[%dma_start3A_36] : memref<2560xi32, #tpu.memory_space<vmem>> -> memref<80xi32, #tpu.memory_space<vmem>>
    %dma_start3A_38 = arith.constant 0 : i32
    %dma_start3A_39 = arith.constant 0 : i32
    %dma_start3A_40 = tpu.memref_slice %arg2[%dma_start3A_38, %dma_start3A_39] : memref<10000x128xf32, #tpu.memory_space<hbm>> -> memref<10000x128xf32, #tpu.memory_space<hbm>>
    tpu.enqueue_indirect_dma source(%dma_start3A_40 : memref<10000x128xf32, #tpu.memory_space<hbm>>) target(%arg10 : memref<80x128xf32, #tpu.memory_space<vmem>>) offsets(%dma_start3A_37 : memref<80xi32, #tpu.memory_space<vmem>>) semaphore(%arg15 : memref<!tpu.dma_semaphore, #tpu.memory_space<semaphore_mem>>)
    %dma_start3A_41 = arith.constant 160 : i32
    %dma_start3A_42 = tpu.memref_slice %arg7[%dma_start3A_41] : memref<2560xi32, #tpu.memory_space<vmem>> -> memref<80xi32, #tpu.memory_space<vmem>>
    %dma_start3A_43 = arith.constant 0 : i32
    %dma_start3A_44 = arith.constant 0 : i32
    %dma_start3A_45 = tpu.memref_slice %arg2[%dma_start3A_43, %dma_start3A_44] : memref<10000x128xf32, #tpu.memory_space<hbm>> -> memref<10000x128xf32, #tpu.memory_space<hbm>>
    tpu.enqueue_indirect_dma source(%dma_start3A_45 : memref<10000x128xf32, #tpu.memory_space<hbm>>) target(%arg11 : memref<80x128xf32, #tpu.memory_space<vmem>>) offsets(%dma_start3A_42 : memref<80xi32, #tpu.memory_space<vmem>>) semaphore(%arg16 : memref<!tpu.dma_semaphore, #tpu.memory_space<semaphore_mem>>)
    %dma_start3A_46 = arith.constant 240 : i32
    %dma_start3A_47 = tpu.memref_slice %arg7[%dma_start3A_46] : memref<2560xi32, #tpu.memory_space<vmem>> -> memref<80xi32, #tpu.memory_space<vmem>>
    %dma_start3A_48 = arith.constant 0 : i32
    %dma_start3A_49 = arith.constant 0 : i32
    %dma_start3A_50 = tpu.memref_slice %arg2[%dma_start3A_48, %dma_start3A_49] : memref<10000x128xf32, #tpu.memory_space<hbm>> -> memref<10000x128xf32, #tpu.memory_space<hbm>>
    tpu.enqueue_indirect_dma source(%dma_start3A_50 : memref<10000x128xf32, #tpu.memory_space<hbm>>) target(%arg12 : memref<80x128xf32, #tpu.memory_space<vmem>>) offsets(%dma_start3A_47 : memref<80xi32, #tpu.memory_space<vmem>>) semaphore(%arg17 : memref<!tpu.dma_semaphore, #tpu.memory_space<semaphore_mem>>)
    %scan3A = arith.constant 0 : i32
    %scan3A_51 = arith.constant 7 : i32
    %scan3A_52 = arith.addi %scan3A, %scan3A_51 : i32
    %scan3A_53 = arith.constant 1 : i32
    scf.for %scan3A_91 = %scan3A to %scan3A_52 step %scan3A_53  : i32 {
      %mul3A_92 = arith.constant 4 : i32
      %mul3A_93 = arith.muli %scan3A_91, %mul3A_92 : i32
      %add3A_94 = arith.constant 0 : i32
      %add3A_95 = arith.addi %add3A_94, %mul3A_93 : i32
      %add3A_96 = arith.constant 0 : i32
      %add3A_97 = arith.addi %add3A_95, %add3A_96 : i32
      %mul3A_98 = arith.constant 80 : i32
      %mul3A_99 = arith.muli %add3A_97, %mul3A_98 : i32
      %dma_wait3A_100 = tpu.memref_slice %arg7[%mul3A_99] : memref<2560xi32, #tpu.memory_space<vmem>> -> memref<80xi32, #tpu.memory_space<vmem>>
      %dma_wait3A_101 = arith.constant 0 : i32
      %dma_wait3A_102 = arith.constant 0 : i32
      %dma_wait3A_103 = tpu.memref_slice %arg2[%dma_wait3A_101, %dma_wait3A_102] : memref<10000x128xf32, #tpu.memory_space<hbm>> -> memref<10000x128xf32, #tpu.memory_space<hbm>>
      tpu.wait_indirect_dma semaphore(%arg14 : memref<!tpu.dma_semaphore, #tpu.memory_space<semaphore_mem>>) src(%dma_wait3A_103 : memref<10000x128xf32, #tpu.memory_space<hbm>>) dst(%arg9 : memref<80x128xf32, #tpu.memory_space<vmem>>)
      %add3A_104 = arith.constant 0 : i32
      %add3A_105 = arith.addi %add3A_95, %add3A_104 : i32
      %dma_start3A_106 = arith.constant 0 : i32
      %dma_start3A_107 = tpu.memref_slice %arg8[%add3A_105, %dma_start3A_106] : memref<32x80xi32, #tpu.memory_space<vmem>> -> memref<1x80xi32, #tpu.memory_space<vmem>>
      %dma_start3A_108 = tpu.memref_squeeze %dma_start3A_107 : memref<1x80xi32, #tpu.memory_space<vmem>> -> memref<80xi32, #tpu.memory_space<vmem>>
      %dma_start3A_109 = arith.constant 0 : i32
      %dma_start3A_110 = arith.constant 0 : i32
      %dma_start3A_111 = tpu.memref_slice %arg13[%dma_start3A_109, %dma_start3A_110] : memref<10240x128xf32, #tpu.memory_space<vmem_shared>> -> memref<10240x128xf32, #tpu.memory_space<vmem_shared>>
      tpu.enqueue_indirect_dma source(%arg9 : memref<80x128xf32, #tpu.memory_space<vmem>>) target(%dma_start3A_111 : memref<10240x128xf32, #tpu.memory_space<vmem_shared>>) offsets(%dma_start3A_108 : memref<80xi32, #tpu.memory_space<vmem>>) semaphore(%arg18 : memref<!tpu.dma_semaphore, #tpu.memory_space<semaphore_mem>>) {add = true}
      %add3A_112 = arith.constant 1 : i32
      %add3A_113 = arith.addi %add3A_95, %add3A_112 : i32
      %mul3A_114 = arith.constant 80 : i32
      %mul3A_115 = arith.muli %add3A_113, %mul3A_114 : i32
      %dma_wait3A_116 = tpu.memref_slice %arg7[%mul3A_115] : memref<2560xi32, #tpu.memory_space<vmem>> -> memref<80xi32, #tpu.memory_space<vmem>>
      %dma_wait3A_117 = arith.constant 0 : i32
      %dma_wait3A_118 = arith.constant 0 : i32
      %dma_wait3A_119 = tpu.memref_slice %arg2[%dma_wait3A_117, %dma_wait3A_118] : memref<10000x128xf32, #tpu.memory_space<hbm>> -> memref<10000x128xf32, #tpu.memory_space<hbm>>
      tpu.wait_indirect_dma semaphore(%arg15 : memref<!tpu.dma_semaphore, #tpu.memory_space<semaphore_mem>>) src(%dma_wait3A_119 : memref<10000x128xf32, #tpu.memory_space<hbm>>) dst(%arg10 : memref<80x128xf32, #tpu.memory_space<vmem>>)
      %add3A_120 = arith.constant 1 : i32
      %add3A_121 = arith.addi %add3A_95, %add3A_120 : i32
      %dma_start3A_122 = arith.constant 0 : i32
      %dma_start3A_123 = tpu.memref_slice %arg8[%add3A_121, %dma_start3A_122] : memref<32x80xi32, #tpu.memory_space<vmem>> -> memref<1x80xi32, #tpu.memory_space<vmem>>
      %dma_start3A_124 = tpu.memref_squeeze %dma_start3A_123 : memref<1x80xi32, #tpu.memory_space<vmem>> -> memref<80xi32, #tpu.memory_space<vmem>>
      %dma_start3A_125 = arith.constant 0 : i32
      %dma_start3A_126 = arith.constant 0 : i32
      %dma_start3A_127 = tpu.memref_slice %arg13[%dma_start3A_125, %dma_start3A_126] : memref<10240x128xf32, #tpu.memory_space<vmem_shared>> -> memref<10240x128xf32, #tpu.memory_space<vmem_shared>>
      tpu.enqueue_indirect_dma source(%arg10 : memref<80x128xf32, #tpu.memory_space<vmem>>) target(%dma_start3A_127 : memref<10240x128xf32, #tpu.memory_space<vmem_shared>>) offsets(%dma_start3A_124 : memref<80xi32, #tpu.memory_space<vmem>>) semaphore(%arg19 : memref<!tpu.dma_semaphore, #tpu.memory_space<semaphore_mem>>) {add = true}
      %add3A_128 = arith.constant 2 : i32
      %add3A_129 = arith.addi %add3A_95, %add3A_128 : i32
      %mul3A_130 = arith.constant 80 : i32
      %mul3A_131 = arith.muli %add3A_129, %mul3A_130 : i32
      %dma_wait3A_132 = tpu.memref_slice %arg7[%mul3A_131] : memref<2560xi32, #tpu.memory_space<vmem>> -> memref<80xi32, #tpu.memory_space<vmem>>
      %dma_wait3A_133 = arith.constant 0 : i32
      %dma_wait3A_134 = arith.constant 0 : i32
      %dma_wait3A_135 = tpu.memref_slice %arg2[%dma_wait3A_133, %dma_wait3A_134] : memref<10000x128xf32, #tpu.memory_space<hbm>> -> memref<10000x128xf32, #tpu.memory_space<hbm>>
      tpu.wait_indirect_dma semaphore(%arg16 : memref<!tpu.dma_semaphore, #tpu.memory_space<semaphore_mem>>) src(%dma_wait3A_135 : memref<10000x128xf32, #tpu.memory_space<hbm>>) dst(%arg11 : memref<80x128xf32, #tpu.memory_space<vmem>>)
      %add3A_136 = arith.constant 2 : i32
      %add3A_137 = arith.addi %add3A_95, %add3A_136 : i32
      %dma_start3A_138 = arith.constant 0 : i32
      %dma_start3A_139 = tpu.memref_slice %arg8[%add3A_137, %dma_start3A_138] : memref<32x80xi32, #tpu.memory_space<vmem>> -> memref<1x80xi32, #tpu.memory_space<vmem>>
      %dma_start3A_140 = tpu.memref_squeeze %dma_start3A_139 : memref<1x80xi32, #tpu.memory_space<vmem>> -> memref<80xi32, #tpu.memory_space<vmem>>
      %dma_start3A_141 = arith.constant 0 : i32
      %dma_start3A_142 = arith.constant 0 : i32
      %dma_start3A_143 = tpu.memref_slice %arg13[%dma_start3A_141, %dma_start3A_142] : memref<10240x128xf32, #tpu.memory_space<vmem_shared>> -> memref<10240x128xf32, #tpu.memory_space<vmem_shared>>
      tpu.enqueue_indirect_dma source(%arg11 : memref<80x128xf32, #tpu.memory_space<vmem>>) target(%dma_start3A_143 : memref<10240x128xf32, #tpu.memory_space<vmem_shared>>) offsets(%dma_start3A_140 : memref<80xi32, #tpu.memory_space<vmem>>) semaphore(%arg20 : memref<!tpu.dma_semaphore, #tpu.memory_space<semaphore_mem>>) {add = true}
      %add3A_144 = arith.constant 3 : i32
      %add3A_145 = arith.addi %add3A_95, %add3A_144 : i32
      %mul3A_146 = arith.constant 80 : i32
      %mul3A_147 = arith.muli %add3A_145, %mul3A_146 : i32
      %dma_wait3A_148 = tpu.memref_slice %arg7[%mul3A_147] : memref<2560xi32, #tpu.memory_space<vmem>> -> memref<80xi32, #tpu.memory_space<vmem>>
      %dma_wait3A_149 = arith.constant 0 : i32
      %dma_wait3A_150 = arith.constant 0 : i32
      %dma_wait3A_151 = tpu.memref_slice %arg2[%dma_wait3A_149, %dma_wait3A_150] : memref<10000x128xf32, #tpu.memory_space<hbm>> -> memref<10000x128xf32, #tpu.memory_space<hbm>>
      tpu.wait_indirect_dma semaphore(%arg17 : memref<!tpu.dma_semaphore, #tpu.memory_space<semaphore_mem>>) src(%dma_wait3A_151 : memref<10000x128xf32, #tpu.memory_space<hbm>>) dst(%arg12 : memref<80x128xf32, #tpu.memory_space<vmem>>)
      %add3A_152 = arith.constant 3 : i32
      %add3A_153 = arith.addi %add3A_95, %add3A_152 : i32
      %dma_start3A_154 = arith.constant 0 : i32
      %dma_start3A_155 = tpu.memref_slice %arg8[%add3A_153, %dma_start3A_154] : memref<32x80xi32, #tpu.memory_space<vmem>> -> memref<1x80xi32, #tpu.memory_space<vmem>>
      %dma_start3A_156 = tpu.memref_squeeze %dma_start3A_155 : memref<1x80xi32, #tpu.memory_space<vmem>> -> memref<80xi32, #tpu.memory_space<vmem>>
      %dma_start3A_157 = arith.constant 0 : i32
      %dma_start3A_158 = arith.constant 0 : i32
      %dma_start3A_159 = tpu.memref_slice %arg13[%dma_start3A_157, %dma_start3A_158] : memref<10240x128xf32, #tpu.memory_space<vmem_shared>> -> memref<10240x128xf32, #tpu.memory_space<vmem_shared>>
      tpu.enqueue_indirect_dma source(%arg12 : memref<80x128xf32, #tpu.memory_space<vmem>>) target(%dma_start3A_159 : memref<10240x128xf32, #tpu.memory_space<vmem_shared>>) offsets(%dma_start3A_156 : memref<80xi32, #tpu.memory_space<vmem>>) semaphore(%arg21 : memref<!tpu.dma_semaphore, #tpu.memory_space<semaphore_mem>>) {add = true}
      %dma_wait3A_160 = arith.constant 0 : i32
      %dma_wait3A_161 = tpu.memref_slice %arg8[%add3A_105, %dma_wait3A_160] : memref<32x80xi32, #tpu.memory_space<vmem>> -> memref<1x80xi32, #tpu.memory_space<vmem>>
      %dma_wait3A_162 = tpu.memref_squeeze %dma_wait3A_161 : memref<1x80xi32, #tpu.memory_space<vmem>> -> memref<80xi32, #tpu.memory_space<vmem>>
      %dma_wait3A_163 = arith.constant 0 : i32
      %dma_wait3A_164 = arith.constant 0 : i32
      %dma_wait3A_165 = tpu.memref_slice %arg13[%dma_wait3A_163, %dma_wait3A_164] : memref<10240x128xf32, #tpu.memory_space<vmem_shared>> -> memref<10240x128xf32, #tpu.memory_space<vmem_shared>>
      tpu.wait_indirect_dma semaphore(%arg18 : memref<!tpu.dma_semaphore, #tpu.memory_space<semaphore_mem>>) src(%arg9 : memref<80x128xf32, #tpu.memory_space<vmem>>) dst(%dma_wait3A_165 : memref<10240x128xf32, #tpu.memory_space<vmem_shared>>)
      %add3A_166 = arith.constant 0 : i32
      %add3A_167 = arith.addi %add3A_95, %add3A_166 : i32
      %add3A_168 = arith.constant 4 : i32
      %add3A_169 = arith.addi %add3A_167, %add3A_168 : i32
      %mul3A_170 = arith.constant 80 : i32
      %mul3A_171 = arith.muli %add3A_169, %mul3A_170 : i32
      %dma_start3A_172 = tpu.memref_slice %arg7[%mul3A_171] : memref<2560xi32, #tpu.memory_space<vmem>> -> memref<80xi32, #tpu.memory_space<vmem>>
      %dma_start3A_173 = arith.constant 0 : i32
      %dma_start3A_174 = arith.constant 0 : i32
      %dma_start3A_175 = tpu.memref_slice %arg2[%dma_start3A_173, %dma_start3A_174] : memref<10000x128xf32, #tpu.memory_space<hbm>> -> memref<10000x128xf32, #tpu.memory_space<hbm>>
      tpu.enqueue_indirect_dma source(%dma_start3A_175 : memref<10000x128xf32, #tpu.memory_space<hbm>>) target(%arg9 : memref<80x128xf32, #tpu.memory_space<vmem>>) offsets(%dma_start3A_172 : memref<80xi32, #tpu.memory_space<vmem>>) semaphore(%arg14 : memref<!tpu.dma_semaphore, #tpu.memory_space<semaphore_mem>>)
      %dma_wait3A_176 = arith.constant 0 : i32
      %dma_wait3A_177 = tpu.memref_slice %arg8[%add3A_121, %dma_wait3A_176] : memref<32x80xi32, #tpu.memory_space<vmem>> -> memref<1x80xi32, #tpu.memory_space<vmem>>
      %dma_wait3A_178 = tpu.memref_squeeze %dma_wait3A_177 : memref<1x80xi32, #tpu.memory_space<vmem>> -> memref<80xi32, #tpu.memory_space<vmem>>
      %dma_wait3A_179 = arith.constant 0 : i32
      %dma_wait3A_180 = arith.constant 0 : i32
      %dma_wait3A_181 = tpu.memref_slice %arg13[%dma_wait3A_179, %dma_wait3A_180] : memref<10240x128xf32, #tpu.memory_space<vmem_shared>> -> memref<10240x128xf32, #tpu.memory_space<vmem_shared>>
      tpu.wait_indirect_dma semaphore(%arg19 : memref<!tpu.dma_semaphore, #tpu.memory_space<semaphore_mem>>) src(%arg10 : memref<80x128xf32, #tpu.memory_space<vmem>>) dst(%dma_wait3A_181 : memref<10240x128xf32, #tpu.memory_space<vmem_shared>>)
      %add3A_182 = arith.constant 1 : i32
      %add3A_183 = arith.addi %add3A_95, %add3A_182 : i32
      %add3A_184 = arith.constant 4 : i32
      %add3A_185 = arith.addi %add3A_183, %add3A_184 : i32
      %mul3A_186 = arith.constant 80 : i32
      %mul3A_187 = arith.muli %add3A_185, %mul3A_186 : i32
      %dma_start3A_188 = tpu.memref_slice %arg7[%mul3A_187] : memref<2560xi32, #tpu.memory_space<vmem>> -> memref<80xi32, #tpu.memory_space<vmem>>
      %dma_start3A_189 = arith.constant 0 : i32
      %dma_start3A_190 = arith.constant 0 : i32
      %dma_start3A_191 = tpu.memref_slice %arg2[%dma_start3A_189, %dma_start3A_190] : memref<10000x128xf32, #tpu.memory_space<hbm>> -> memref<10000x128xf32, #tpu.memory_space<hbm>>
      tpu.enqueue_indirect_dma source(%dma_start3A_191 : memref<10000x128xf32, #tpu.memory_space<hbm>>) target(%arg10 : memref<80x128xf32, #tpu.memory_space<vmem>>) offsets(%dma_start3A_188 : memref<80xi32, #tpu.memory_space<vmem>>) semaphore(%arg15 : memref<!tpu.dma_semaphore, #tpu.memory_space<semaphore_mem>>)
      %dma_wait3A_192 = arith.constant 0 : i32
      %dma_wait3A_193 = tpu.memref_slice %arg8[%add3A_137, %dma_wait3A_192] : memref<32x80xi32, #tpu.memory_space<vmem>> -> memref<1x80xi32, #tpu.memory_space<vmem>>
      %dma_wait3A_194 = tpu.memref_squeeze %dma_wait3A_193 : memref<1x80xi32, #tpu.memory_space<vmem>> -> memref<80xi32, #tpu.memory_space<vmem>>
      %dma_wait3A_195 = arith.constant 0 : i32
      %dma_wait3A_196 = arith.constant 0 : i32
      %dma_wait3A_197 = tpu.memref_slice %arg13[%dma_wait3A_195, %dma_wait3A_196] : memref<10240x128xf32, #tpu.memory_space<vmem_shared>> -> memref<10240x128xf32, #tpu.memory_space<vmem_shared>>
      tpu.wait_indirect_dma semaphore(%arg20 : memref<!tpu.dma_semaphore, #tpu.memory_space<semaphore_mem>>) src(%arg11 : memref<80x128xf32, #tpu.memory_space<vmem>>) dst(%dma_wait3A_197 : memref<10240x128xf32, #tpu.memory_space<vmem_shared>>)
      %add3A_198 = arith.constant 2 : i32
      %add3A_199 = arith.addi %add3A_95, %add3A_198 : i32
      %add3A_200 = arith.constant 4 : i32
      %add3A_201 = arith.addi %add3A_199, %add3A_200 : i32
      %mul3A_202 = arith.constant 80 : i32
      %mul3A_203 = arith.muli %add3A_201, %mul3A_202 : i32
      %dma_start3A_204 = tpu.memref_slice %arg7[%mul3A_203] : memref<2560xi32, #tpu.memory_space<vmem>> -> memref<80xi32, #tpu.memory_space<vmem>>
      %dma_start3A_205 = arith.constant 0 : i32
      %dma_start3A_206 = arith.constant 0 : i32
      %dma_start3A_207 = tpu.memref_slice %arg2[%dma_start3A_205, %dma_start3A_206] : memref<10000x128xf32, #tpu.memory_space<hbm>> -> memref<10000x128xf32, #tpu.memory_space<hbm>>
      tpu.enqueue_indirect_dma source(%dma_start3A_207 : memref<10000x128xf32, #tpu.memory_space<hbm>>) target(%arg11 : memref<80x128xf32, #tpu.memory_space<vmem>>) offsets(%dma_start3A_204 : memref<80xi32, #tpu.memory_space<vmem>>) semaphore(%arg16 : memref<!tpu.dma_semaphore, #tpu.memory_space<semaphore_mem>>)
      %dma_wait3A_208 = arith.constant 0 : i32
      %dma_wait3A_209 = tpu.memref_slice %arg8[%add3A_153, %dma_wait3A_208] : memref<32x80xi32, #tpu.memory_space<vmem>> -> memref<1x80xi32, #tpu.memory_space<vmem>>
      %dma_wait3A_210 = tpu.memref_squeeze %dma_wait3A_209 : memref<1x80xi32, #tpu.memory_space<vmem>> -> memref<80xi32, #tpu.memory_space<vmem>>
      %dma_wait3A_211 = arith.constant 0 : i32
      %dma_wait3A_212 = arith.constant 0 : i32
      %dma_wait3A_213 = tpu.memref_slice %arg13[%dma_wait3A_211, %dma_wait3A_212] : memref<10240x128xf32, #tpu.memory_space<vmem_shared>> -> memref<10240x128xf32, #tpu.memory_space<vmem_shared>>
      tpu.wait_indirect_dma semaphore(%arg21 : memref<!tpu.dma_semaphore, #tpu.memory_space<semaphore_mem>>) src(%arg12 : memref<80x128xf32, #tpu.memory_space<vmem>>) dst(%dma_wait3A_213 : memref<10240x128xf32, #tpu.memory_space<vmem_shared>>)
      %add3A_214 = arith.constant 3 : i32
      %add3A_215 = arith.addi %add3A_95, %add3A_214 : i32
      %add3A_216 = arith.constant 4 : i32
      %add3A_217 = arith.addi %add3A_215, %add3A_216 : i32
      %mul3A_218 = arith.constant 80 : i32
      %mul3A_219 = arith.muli %add3A_217, %mul3A_218 : i32
      %dma_start3A_220 = tpu.memref_slice %arg7[%mul3A_219] : memref<2560xi32, #tpu.memory_space<vmem>> -> memref<80xi32, #tpu.memory_space<vmem>>
      %dma_start3A_221 = arith.constant 0 : i32
      %dma_start3A_222 = arith.constant 0 : i32
      %dma_start3A_223 = tpu.memref_slice %arg2[%dma_start3A_221, %dma_start3A_222] : memref<10000x128xf32, #tpu.memory_space<hbm>> -> memref<10000x128xf32, #tpu.memory_space<hbm>>
      tpu.enqueue_indirect_dma source(%dma_start3A_223 : memref<10000x128xf32, #tpu.memory_space<hbm>>) target(%arg12 : memref<80x128xf32, #tpu.memory_space<vmem>>) offsets(%dma_start3A_220 : memref<80xi32, #tpu.memory_space<vmem>>) semaphore(%arg17 : memref<!tpu.dma_semaphore, #tpu.memory_space<semaphore_mem>>)
    }
    %scan3A_54 = arith.constant 7 : i32
    %dma_wait3A_55 = arith.constant 2240 : i32
    %dma_wait3A_56 = tpu.memref_slice %arg7[%dma_wait3A_55] : memref<2560xi32, #tpu.memory_space<vmem>> -> memref<80xi32, #tpu.memory_space<vmem>>
    %dma_wait3A_57 = arith.constant 0 : i32
    %dma_wait3A_58 = arith.constant 0 : i32
    %dma_wait3A_59 = tpu.memref_slice %arg2[%dma_wait3A_57, %dma_wait3A_58] : memref<10000x128xf32, #tpu.memory_space<hbm>> -> memref<10000x128xf32, #tpu.memory_space<hbm>>
    tpu.wait_indirect_dma semaphore(%arg14 : memref<!tpu.dma_semaphore, #tpu.memory_space<semaphore_mem>>) src(%dma_wait3A_59 : memref<10000x128xf32, #tpu.memory_space<hbm>>) dst(%arg9 : memref<80x128xf32, #tpu.memory_space<vmem>>)
    %run_scoped3A = arith.constant 28 : i32
    "tpu.region"() ({
      %run_scoped3A_91 = tpu.sem_alloc : memref<!tpu.dma_semaphore, #tpu.memory_space<semaphore_mem>>
      %dma_start3A_92 = arith.constant 0 : i32
      %dma_start3A_93 = tpu.memref_slice %arg8[%run_scoped3A, %dma_start3A_92] : memref<32x80xi32, #tpu.memory_space<vmem>> -> memref<1x80xi32, #tpu.memory_space<vmem>>
      %dma_start3A_94 = tpu.memref_squeeze %dma_start3A_93 : memref<1x80xi32, #tpu.memory_space<vmem>> -> memref<80xi32, #tpu.memory_space<vmem>>
      %dma_start3A_95 = arith.constant 0 : i32
      %dma_start3A_96 = arith.constant 0 : i32
      %dma_start3A_97 = tpu.memref_slice %arg13[%dma_start3A_95, %dma_start3A_96] : memref<10240x128xf32, #tpu.memory_space<vmem_shared>> -> memref<10240x128xf32, #tpu.memory_space<vmem_shared>>
      tpu.enqueue_indirect_dma source(%arg9 : memref<80x128xf32, #tpu.memory_space<vmem>>) target(%dma_start3A_97 : memref<10240x128xf32, #tpu.memory_space<vmem_shared>>) offsets(%dma_start3A_94 : memref<80xi32, #tpu.memory_space<vmem>>) semaphore(%run_scoped3A_91 : memref<!tpu.dma_semaphore, #tpu.memory_space<semaphore_mem>>) {add = true}
      %dma_wait3A_98 = arith.constant 0 : i32
      %dma_wait3A_99 = tpu.memref_slice %arg8[%run_scoped3A, %dma_wait3A_98] : memref<32x80xi32, #tpu.memory_space<vmem>> -> memref<1x80xi32, #tpu.memory_space<vmem>>
      %dma_wait3A_100 = tpu.memref_squeeze %dma_wait3A_99 : memref<1x80xi32, #tpu.memory_space<vmem>> -> memref<80xi32, #tpu.memory_space<vmem>>
      %dma_wait3A_101 = arith.constant 0 : i32
      %dma_wait3A_102 = arith.constant 0 : i32
      %dma_wait3A_103 = tpu.memref_slice %arg13[%dma_wait3A_101, %dma_wait3A_102] : memref<10240x128xf32, #tpu.memory_space<vmem_shared>> -> memref<10240x128xf32, #tpu.memory_space<vmem_shared>>
      tpu.wait_indirect_dma semaphore(%run_scoped3A_91 : memref<!tpu.dma_semaphore, #tpu.memory_space<semaphore_mem>>) src(%arg9 : memref<80x128xf32, #tpu.memory_space<vmem>>) dst(%dma_wait3A_103 : memref<10240x128xf32, #tpu.memory_space<vmem_shared>>)
      tpu.yield
    }) : () -> ()
    %dma_wait3A_60 = arith.constant 2320 : i32
    %dma_wait3A_61 = tpu.memref_slice %arg7[%dma_wait3A_60] : memref<2560xi32, #tpu.memory_space<vmem>> -> memref<80xi32, #tpu.memory_space<vmem>>
    %dma_wait3A_62 = arith.constant 0 : i32
    %dma_wait3A_63 = arith.constant 0 : i32
    %dma_wait3A_64 = tpu.memref_slice %arg2[%dma_wait3A_62, %dma_wait3A_63] : memref<10000x128xf32, #tpu.memory_space<hbm>> -> memref<10000x128xf32, #tpu.memory_space<hbm>>
    tpu.wait_indirect_dma semaphore(%arg15 : memref<!tpu.dma_semaphore, #tpu.memory_space<semaphore_mem>>) src(%dma_wait3A_64 : memref<10000x128xf32, #tpu.memory_space<hbm>>) dst(%arg10 : memref<80x128xf32, #tpu.memory_space<vmem>>)
    %run_scoped3A_65 = arith.constant 29 : i32
    "tpu.region"() ({
      %run_scoped3A_91 = tpu.sem_alloc : memref<!tpu.dma_semaphore, #tpu.memory_space<semaphore_mem>>
      %dma_start3A_92 = arith.constant 0 : i32
      %dma_start3A_93 = tpu.memref_slice %arg8[%run_scoped3A_65, %dma_start3A_92] : memref<32x80xi32, #tpu.memory_space<vmem>> -> memref<1x80xi32, #tpu.memory_space<vmem>>
      %dma_start3A_94 = tpu.memref_squeeze %dma_start3A_93 : memref<1x80xi32, #tpu.memory_space<vmem>> -> memref<80xi32, #tpu.memory_space<vmem>>
      %dma_start3A_95 = arith.constant 0 : i32
      %dma_start3A_96 = arith.constant 0 : i32
      %dma_start3A_97 = tpu.memref_slice %arg13[%dma_start3A_95, %dma_start3A_96] : memref<10240x128xf32, #tpu.memory_space<vmem_shared>> -> memref<10240x128xf32, #tpu.memory_space<vmem_shared>>
      tpu.enqueue_indirect_dma source(%arg10 : memref<80x128xf32, #tpu.memory_space<vmem>>) target(%dma_start3A_97 : memref<10240x128xf32, #tpu.memory_space<vmem_shared>>) offsets(%dma_start3A_94 : memref<80xi32, #tpu.memory_space<vmem>>) semaphore(%run_scoped3A_91 : memref<!tpu.dma_semaphore, #tpu.memory_space<semaphore_mem>>) {add = true}
      %dma_wait3A_98 = arith.constant 0 : i32
      %dma_wait3A_99 = tpu.memref_slice %arg8[%run_scoped3A_65, %dma_wait3A_98] : memref<32x80xi32, #tpu.memory_space<vmem>> -> memref<1x80xi32, #tpu.memory_space<vmem>>
      %dma_wait3A_100 = tpu.memref_squeeze %dma_wait3A_99 : memref<1x80xi32, #tpu.memory_space<vmem>> -> memref<80xi32, #tpu.memory_space<vmem>>
      %dma_wait3A_101 = arith.constant 0 : i32
      %dma_wait3A_102 = arith.constant 0 : i32
      %dma_wait3A_103 = tpu.memref_slice %arg13[%dma_wait3A_101, %dma_wait3A_102] : memref<10240x128xf32, #tpu.memory_space<vmem_shared>> -> memref<10240x128xf32, #tpu.memory_space<vmem_shared>>
      tpu.wait_indirect_dma semaphore(%run_scoped3A_91 : memref<!tpu.dma_semaphore, #tpu.memory_space<semaphore_mem>>) src(%arg10 : memref<80x128xf32, #tpu.memory_space<vmem>>) dst(%dma_wait3A_103 : memref<10240x128xf32, #tpu.memory_space<vmem_shared>>)
      tpu.yield
    }) : () -> ()
    %dma_wait3A_66 = arith.constant 2400 : i32
    %dma_wait3A_67 = tpu.memref_slice %arg7[%dma_wait3A_66] : memref<2560xi32, #tpu.memory_space<vmem>> -> memref<80xi32, #tpu.memory_space<vmem>>
    %dma_wait3A_68 = arith.constant 0 : i32
    %dma_wait3A_69 = arith.constant 0 : i32
    %dma_wait3A_70 = tpu.memref_slice %arg2[%dma_wait3A_68, %dma_wait3A_69] : memref<10000x128xf32, #tpu.memory_space<hbm>> -> memref<10000x128xf32, #tpu.memory_space<hbm>>
    tpu.wait_indirect_dma semaphore(%arg16 : memref<!tpu.dma_semaphore, #tpu.memory_space<semaphore_mem>>) src(%dma_wait3A_70 : memref<10000x128xf32, #tpu.memory_space<hbm>>) dst(%arg11 : memref<80x128xf32, #tpu.memory_space<vmem>>)
    %run_scoped3A_71 = arith.constant 30 : i32
    "tpu.region"() ({
      %run_scoped3A_91 = tpu.sem_alloc : memref<!tpu.dma_semaphore, #tpu.memory_space<semaphore_mem>>
      %dma_start3A_92 = arith.constant 0 : i32
      %dma_start3A_93 = tpu.memref_slice %arg8[%run_scoped3A_71, %dma_start3A_92] : memref<32x80xi32, #tpu.memory_space<vmem>> -> memref<1x80xi32, #tpu.memory_space<vmem>>
      %dma_start3A_94 = tpu.memref_squeeze %dma_start3A_93 : memref<1x80xi32, #tpu.memory_space<vmem>> -> memref<80xi32, #tpu.memory_space<vmem>>
      %dma_start3A_95 = arith.constant 0 : i32
      %dma_start3A_96 = arith.constant 0 : i32
      %dma_start3A_97 = tpu.memref_slice %arg13[%dma_start3A_95, %dma_start3A_96] : memref<10240x128xf32, #tpu.memory_space<vmem_shared>> -> memref<10240x128xf32, #tpu.memory_space<vmem_shared>>
      tpu.enqueue_indirect_dma source(%arg11 : memref<80x128xf32, #tpu.memory_space<vmem>>) target(%dma_start3A_97 : memref<10240x128xf32, #tpu.memory_space<vmem_shared>>) offsets(%dma_start3A_94 : memref<80xi32, #tpu.memory_space<vmem>>) semaphore(%run_scoped3A_91 : memref<!tpu.dma_semaphore, #tpu.memory_space<semaphore_mem>>) {add = true}
      %dma_wait3A_98 = arith.constant 0 : i32
      %dma_wait3A_99 = tpu.memref_slice %arg8[%run_scoped3A_71, %dma_wait3A_98] : memref<32x80xi32, #tpu.memory_space<vmem>> -> memref<1x80xi32, #tpu.memory_space<vmem>>
      %dma_wait3A_100 = tpu.memref_squeeze %dma_wait3A_99 : memref<1x80xi32, #tpu.memory_space<vmem>> -> memref<80xi32, #tpu.memory_space<vmem>>
      %dma_wait3A_101 = arith.constant 0 : i32
      %dma_wait3A_102 = arith.constant 0 : i32
      %dma_wait3A_103 = tpu.memref_slice %arg13[%dma_wait3A_101, %dma_wait3A_102] : memref<10240x128xf32, #tpu.memory_space<vmem_shared>> -> memref<10240x128xf32, #tpu.memory_space<vmem_shared>>
      tpu.wait_indirect_dma semaphore(%run_scoped3A_91 : memref<!tpu.dma_semaphore, #tpu.memory_space<semaphore_mem>>) src(%arg11 : memref<80x128xf32, #tpu.memory_space<vmem>>) dst(%dma_wait3A_103 : memref<10240x128xf32, #tpu.memory_space<vmem_shared>>)
      tpu.yield
    }) : () -> ()
    %dma_wait3A_72 = arith.constant 2480 : i32
    %dma_wait3A_73 = tpu.memref_slice %arg7[%dma_wait3A_72] : memref<2560xi32, #tpu.memory_space<vmem>> -> memref<80xi32, #tpu.memory_space<vmem>>
    %dma_wait3A_74 = arith.constant 0 : i32
    %dma_wait3A_75 = arith.constant 0 : i32
    %dma_wait3A_76 = tpu.memref_slice %arg2[%dma_wait3A_74, %dma_wait3A_75] : memref<10000x128xf32, #tpu.memory_space<hbm>> -> memref<10000x128xf32, #tpu.memory_space<hbm>>
    tpu.wait_indirect_dma semaphore(%arg17 : memref<!tpu.dma_semaphore, #tpu.memory_space<semaphore_mem>>) src(%dma_wait3A_76 : memref<10000x128xf32, #tpu.memory_space<hbm>>) dst(%arg12 : memref<80x128xf32, #tpu.memory_space<vmem>>)
    %run_scoped3A_77 = arith.constant 31 : i32
    "tpu.region"() ({
      %run_scoped3A_91 = tpu.sem_alloc : memref<!tpu.dma_semaphore, #tpu.memory_space<semaphore_mem>>
      %dma_start3A_92 = arith.constant 0 : i32
      %dma_start3A_93 = tpu.memref_slice %arg8[%run_scoped3A_77, %dma_start3A_92] : memref<32x80xi32, #tpu.memory_space<vmem>> -> memref<1x80xi32, #tpu.memory_space<vmem>>
      %dma_start3A_94 = tpu.memref_squeeze %dma_start3A_93 : memref<1x80xi32, #tpu.memory_space<vmem>> -> memref<80xi32, #tpu.memory_space<vmem>>
      %dma_start3A_95 = arith.constant 0 : i32
      %dma_start3A_96 = arith.constant 0 : i32
      %dma_start3A_97 = tpu.memref_slice %arg13[%dma_start3A_95, %dma_start3A_96] : memref<10240x128xf32, #tpu.memory_space<vmem_shared>> -> memref<10240x128xf32, #tpu.memory_space<vmem_shared>>
      tpu.enqueue_indirect_dma source(%arg12 : memref<80x128xf32, #tpu.memory_space<vmem>>) target(%dma_start3A_97 : memref<10240x128xf32, #tpu.memory_space<vmem_shared>>) offsets(%dma_start3A_94 : memref<80xi32, #tpu.memory_space<vmem>>) semaphore(%run_scoped3A_91 : memref<!tpu.dma_semaphore, #tpu.memory_space<semaphore_mem>>) {add = true}
      %dma_wait3A_98 = arith.constant 0 : i32
      %dma_wait3A_99 = tpu.memref_slice %arg8[%run_scoped3A_77, %dma_wait3A_98] : memref<32x80xi32, #tpu.memory_space<vmem>> -> memref<1x80xi32, #tpu.memory_space<vmem>>
      %dma_wait3A_100 = tpu.memref_squeeze %dma_wait3A_99 : memref<1x80xi32, #tpu.memory_space<vmem>> -> memref<80xi32, #tpu.memory_space<vmem>>
      %dma_wait3A_101 = arith.constant 0 : i32
      %dma_wait3A_102 = arith.constant 0 : i32
      %dma_wait3A_103 = tpu.memref_slice %arg13[%dma_wait3A_101, %dma_wait3A_102] : memref<10240x128xf32, #tpu.memory_space<vmem_shared>> -> memref<10240x128xf32, #tpu.memory_space<vmem_shared>>
      tpu.wait_indirect_dma semaphore(%run_scoped3A_91 : memref<!tpu.dma_semaphore, #tpu.memory_space<semaphore_mem>>) src(%arg12 : memref<80x128xf32, #tpu.memory_space<vmem>>) dst(%dma_wait3A_103 : memref<10240x128xf32, #tpu.memory_space<vmem_shared>>)
      tpu.yield
    }) : () -> ()
    %scan3A_78 = arith.constant 0 : i32
    %scan3A_79 = arith.constant 3 : i32
    %scan3A_80 = arith.addi %scan3A_78, %scan3A_79 : i32
    %scan3A_81 = arith.constant 1 : i32
    scf.for %scan3A_91 = %scan3A_78 to %scan3A_80 step %scan3A_81  : i32 {
      %mul3A_92 = arith.constant 1 : i32
      %mul3A_93 = arith.muli %scan3A_91, %mul3A_92 : i32
      %add3A_94 = arith.constant 1 : i32
      %add3A_95 = arith.addi %add3A_94, %mul3A_93 : i32
      %mul3A_96 = arith.constant 10240 : i32
      %mul3A_97 = arith.muli %add3A, %mul3A_96 : i32
      %mul3A_98 = arith.constant 32 : i32
      %mul3A_99 = arith.muli %add3A_95, %mul3A_98 : i32
      %mul3A_100 = arith.constant 80 : i32
      %mul3A_101 = arith.muli %mul3A_99, %mul3A_100 : i32
      %add3A_102 = arith.addi %mul3A_97, %mul3A_101 : i32
      %dma_start3A_103 = tpu.memref_slice %arg3[%add3A_102] : memref<327680xi32, #tpu.memory_space<hbm>> -> memref<2560xi32, #tpu.memory_space<hbm>>
      %dma_start3A_104 = tpu.memref_slice %arg3[%add3A_102] : memref<327680xi32, #tpu.memory_space<hbm>> -> memref<2560xi32, #tpu.memory_space<hbm>>
      tpu.enqueue_dma source(%dma_start3A_104 : memref<2560xi32, #tpu.memory_space<hbm>>) target(%arg7 : memref<2560xi32, #tpu.memory_space<vmem>>) target_semaphore(%arg14 : memref<!tpu.dma_semaphore, #tpu.memory_space<semaphore_mem>>)
      %dma_start3A_105 = arith.constant 0 : i32
      %dma_start3A_106 = arith.constant 0 : i32
      %dma_start3A_107 = tpu.memref_slice %arg4[%add3A, %add3A_95, %dma_start3A_105, %dma_start3A_106] : memref<32x4x32x80xi32, #tpu.memory_space<hbm>> -> memref<1x1x32x80xi32, #tpu.memory_space<hbm>>
      %dma_start3A_108 = tpu.memref_squeeze %dma_start3A_107 : memref<1x1x32x80xi32, #tpu.memory_space<hbm>> -> memref<32x80xi32, #tpu.memory_space<hbm>>
      %dma_start3A_109 = arith.constant 0 : i32
      %dma_start3A_110 = arith.constant 0 : i32
      %dma_start3A_111 = tpu.memref_slice %arg4[%add3A, %add3A_95, %dma_start3A_109, %dma_start3A_110] : memref<32x4x32x80xi32, #tpu.memory_space<hbm>> -> memref<1x1x32x80xi32, #tpu.memory_space<hbm>>
      %dma_start3A_112 = tpu.memref_squeeze %dma_start3A_111 : memref<1x1x32x80xi32, #tpu.memory_space<hbm>> -> memref<32x80xi32, #tpu.memory_space<hbm>>
      tpu.enqueue_dma source(%dma_start3A_112 : memref<32x80xi32, #tpu.memory_space<hbm>>) target(%arg8 : memref<32x80xi32, #tpu.memory_space<vmem>>) target_semaphore(%arg15 : memref<!tpu.dma_semaphore, #tpu.memory_space<semaphore_mem>>)
      %dma_wait3A_113 = tpu.memref_slice %arg3[%add3A_102] : memref<327680xi32, #tpu.memory_space<hbm>> -> memref<2560xi32, #tpu.memory_space<hbm>>
      %dma_wait3A_114 = tpu.memref_slice %arg3[%add3A_102] : memref<327680xi32, #tpu.memory_space<hbm>> -> memref<2560xi32, #tpu.memory_space<hbm>>
      tpu.wait_dma2 semaphore(%arg14 : memref<!tpu.dma_semaphore, #tpu.memory_space<semaphore_mem>>) src(%dma_wait3A_114 : memref<2560xi32, #tpu.memory_space<hbm>>) dst(%arg7 : memref<2560xi32, #tpu.memory_space<vmem>>)
      %dma_wait3A_115 = arith.constant 0 : i32
      %dma_wait3A_116 = arith.constant 0 : i32
      %dma_wait3A_117 = tpu.memref_slice %arg4[%add3A, %add3A_95, %dma_wait3A_115, %dma_wait3A_116] : memref<32x4x32x80xi32, #tpu.memory_space<hbm>> -> memref<1x1x32x80xi32, #tpu.memory_space<hbm>>
      %dma_wait3A_118 = tpu.memref_squeeze %dma_wait3A_117 : memref<1x1x32x80xi32, #tpu.memory_space<hbm>> -> memref<32x80xi32, #tpu.memory_space<hbm>>
      %dma_wait3A_119 = arith.constant 0 : i32
      %dma_wait3A_120 = arith.constant 0 : i32
      %dma_wait3A_121 = tpu.memref_slice %arg4[%add3A, %add3A_95, %dma_wait3A_119, %dma_wait3A_120] : memref<32x4x32x80xi32, #tpu.memory_space<hbm>> -> memref<1x1x32x80xi32, #tpu.memory_space<hbm>>
      %dma_wait3A_122 = tpu.memref_squeeze %dma_wait3A_121 : memref<1x1x32x80xi32, #tpu.memory_space<hbm>> -> memref<32x80xi32, #tpu.memory_space<hbm>>
      tpu.wait_dma2 semaphore(%arg15 : memref<!tpu.dma_semaphore, #tpu.memory_space<semaphore_mem>>) src(%dma_wait3A_122 : memref<32x80xi32, #tpu.memory_space<hbm>>) dst(%arg8 : memref<32x80xi32, #tpu.memory_space<vmem>>)
      %dma_start3A_123 = arith.constant 0 : i32
      %dma_start3A_124 = tpu.memref_slice %arg7[%dma_start3A_123] : memref<2560xi32, #tpu.memory_space<vmem>> -> memref<80xi32, #tpu.memory_space<vmem>>
      %dma_start3A_125 = arith.constant 0 : i32
      %dma_start3A_126 = arith.constant 0 : i32
      %dma_start3A_127 = tpu.memref_slice %arg2[%dma_start3A_125, %dma_start3A_126] : memref<10000x128xf32, #tpu.memory_space<hbm>> -> memref<10000x128xf32, #tpu.memory_space<hbm>>
      tpu.enqueue_indirect_dma source(%dma_start3A_127 : memref<10000x128xf32, #tpu.memory_space<hbm>>) target(%arg9 : memref<80x128xf32, #tpu.memory_space<vmem>>) offsets(%dma_start3A_124 : memref<80xi32, #tpu.memory_space<vmem>>) semaphore(%arg14 : memref<!tpu.dma_semaphore, #tpu.memory_space<semaphore_mem>>)
      %dma_start3A_128 = arith.constant 80 : i32
      %dma_start3A_129 = tpu.memref_slice %arg7[%dma_start3A_128] : memref<2560xi32, #tpu.memory_space<vmem>> -> memref<80xi32, #tpu.memory_space<vmem>>
      %dma_start3A_130 = arith.constant 0 : i32
      %dma_start3A_131 = arith.constant 0 : i32
      %dma_start3A_132 = tpu.memref_slice %arg2[%dma_start3A_130, %dma_start3A_131] : memref<10000x128xf32, #tpu.memory_space<hbm>> -> memref<10000x128xf32, #tpu.memory_space<hbm>>
      tpu.enqueue_indirect_dma source(%dma_start3A_132 : memref<10000x128xf32, #tpu.memory_space<hbm>>) target(%arg10 : memref<80x128xf32, #tpu.memory_space<vmem>>) offsets(%dma_start3A_129 : memref<80xi32, #tpu.memory_space<vmem>>) semaphore(%arg15 : memref<!tpu.dma_semaphore, #tpu.memory_space<semaphore_mem>>)
      %dma_start3A_133 = arith.constant 160 : i32
      %dma_start3A_134 = tpu.memref_slice %arg7[%dma_start3A_133] : memref<2560xi32, #tpu.memory_space<vmem>> -> memref<80xi32, #tpu.memory_space<vmem>>
      %dma_start3A_135 = arith.constant 0 : i32
      %dma_start3A_136 = arith.constant 0 : i32
      %dma_start3A_137 = tpu.memref_slice %arg2[%dma_start3A_135, %dma_start3A_136] : memref<10000x128xf32, #tpu.memory_space<hbm>> -> memref<10000x128xf32, #tpu.memory_space<hbm>>
      tpu.enqueue_indirect_dma source(%dma_start3A_137 : memref<10000x128xf32, #tpu.memory_space<hbm>>) target(%arg11 : memref<80x128xf32, #tpu.memory_space<vmem>>) offsets(%dma_start3A_134 : memref<80xi32, #tpu.memory_space<vmem>>) semaphore(%arg16 : memref<!tpu.dma_semaphore, #tpu.memory_space<semaphore_mem>>)
      %dma_start3A_138 = arith.constant 240 : i32
      %dma_start3A_139 = tpu.memref_slice %arg7[%dma_start3A_138] : memref<2560xi32, #tpu.memory_space<vmem>> -> memref<80xi32, #tpu.memory_space<vmem>>
      %dma_start3A_140 = arith.constant 0 : i32
      %dma_start3A_141 = arith.constant 0 : i32
      %dma_start3A_142 = tpu.memref_slice %arg2[%dma_start3A_140, %dma_start3A_141] : memref<10000x128xf32, #tpu.memory_space<hbm>> -> memref<10000x128xf32, #tpu.memory_space<hbm>>
      tpu.enqueue_indirect_dma source(%dma_start3A_142 : memref<10000x128xf32, #tpu.memory_space<hbm>>) target(%arg12 : memref<80x128xf32, #tpu.memory_space<vmem>>) offsets(%dma_start3A_139 : memref<80xi32, #tpu.memory_space<vmem>>) semaphore(%arg17 : memref<!tpu.dma_semaphore, #tpu.memory_space<semaphore_mem>>)
      %scan3A_143 = arith.constant 0 : i32
      %scan3A_144 = arith.constant 7 : i32
      %scan3A_145 = arith.addi %scan3A_143, %scan3A_144 : i32
      %scan3A_146 = arith.constant 1 : i32
      scf.for %scan3A_172 = %scan3A_143 to %scan3A_145 step %scan3A_146  : i32 {
        %mul3A_173 = arith.constant 4 : i32
        %mul3A_174 = arith.muli %scan3A_172, %mul3A_173 : i32
        %add3A_175 = arith.constant 0 : i32
        %add3A_176 = arith.addi %add3A_175, %mul3A_174 : i32
        %add3A_177 = arith.constant 0 : i32
        %add3A_178 = arith.addi %add3A_176, %add3A_177 : i32
        %mul3A_179 = arith.constant 80 : i32
        %mul3A_180 = arith.muli %add3A_178, %mul3A_179 : i32
        %dma_wait3A_181 = tpu.memref_slice %arg7[%mul3A_180] : memref<2560xi32, #tpu.memory_space<vmem>> -> memref<80xi32, #tpu.memory_space<vmem>>
        %dma_wait3A_182 = arith.constant 0 : i32
        %dma_wait3A_183 = arith.constant 0 : i32
        %dma_wait3A_184 = tpu.memref_slice %arg2[%dma_wait3A_182, %dma_wait3A_183] : memref<10000x128xf32, #tpu.memory_space<hbm>> -> memref<10000x128xf32, #tpu.memory_space<hbm>>
        tpu.wait_indirect_dma semaphore(%arg14 : memref<!tpu.dma_semaphore, #tpu.memory_space<semaphore_mem>>) src(%dma_wait3A_184 : memref<10000x128xf32, #tpu.memory_space<hbm>>) dst(%arg9 : memref<80x128xf32, #tpu.memory_space<vmem>>)
        %add3A_185 = arith.constant 0 : i32
        %add3A_186 = arith.addi %add3A_176, %add3A_185 : i32
        %dma_start3A_187 = arith.constant 0 : i32
        %dma_start3A_188 = tpu.memref_slice %arg8[%add3A_186, %dma_start3A_187] : memref<32x80xi32, #tpu.memory_space<vmem>> -> memref<1x80xi32, #tpu.memory_space<vmem>>
        %dma_start3A_189 = tpu.memref_squeeze %dma_start3A_188 : memref<1x80xi32, #tpu.memory_space<vmem>> -> memref<80xi32, #tpu.memory_space<vmem>>
        %dma_start3A_190 = arith.constant 0 : i32
        %dma_start3A_191 = arith.constant 0 : i32
        %dma_start3A_192 = tpu.memref_slice %arg13[%dma_start3A_190, %dma_start3A_191] : memref<10240x128xf32, #tpu.memory_space<vmem_shared>> -> memref<10240x128xf32, #tpu.memory_space<vmem_shared>>
        tpu.enqueue_indirect_dma source(%arg9 : memref<80x128xf32, #tpu.memory_space<vmem>>) target(%dma_start3A_192 : memref<10240x128xf32, #tpu.memory_space<vmem_shared>>) offsets(%dma_start3A_189 : memref<80xi32, #tpu.memory_space<vmem>>) semaphore(%arg18 : memref<!tpu.dma_semaphore, #tpu.memory_space<semaphore_mem>>) {add = true}
        %add3A_193 = arith.constant 1 : i32
        %add3A_194 = arith.addi %add3A_176, %add3A_193 : i32
        %mul3A_195 = arith.constant 80 : i32
        %mul3A_196 = arith.muli %add3A_194, %mul3A_195 : i32
        %dma_wait3A_197 = tpu.memref_slice %arg7[%mul3A_196] : memref<2560xi32, #tpu.memory_space<vmem>> -> memref<80xi32, #tpu.memory_space<vmem>>
        %dma_wait3A_198 = arith.constant 0 : i32
        %dma_wait3A_199 = arith.constant 0 : i32
        %dma_wait3A_200 = tpu.memref_slice %arg2[%dma_wait3A_198, %dma_wait3A_199] : memref<10000x128xf32, #tpu.memory_space<hbm>> -> memref<10000x128xf32, #tpu.memory_space<hbm>>
        tpu.wait_indirect_dma semaphore(%arg15 : memref<!tpu.dma_semaphore, #tpu.memory_space<semaphore_mem>>) src(%dma_wait3A_200 : memref<10000x128xf32, #tpu.memory_space<hbm>>) dst(%arg10 : memref<80x128xf32, #tpu.memory_space<vmem>>)
        %add3A_201 = arith.constant 1 : i32
        %add3A_202 = arith.addi %add3A_176, %add3A_201 : i32
        %dma_start3A_203 = arith.constant 0 : i32
        %dma_start3A_204 = tpu.memref_slice %arg8[%add3A_202, %dma_start3A_203] : memref<32x80xi32, #tpu.memory_space<vmem>> -> memref<1x80xi32, #tpu.memory_space<vmem>>
        %dma_start3A_205 = tpu.memref_squeeze %dma_start3A_204 : memref<1x80xi32, #tpu.memory_space<vmem>> -> memref<80xi32, #tpu.memory_space<vmem>>
        %dma_start3A_206 = arith.constant 0 : i32
        %dma_start3A_207 = arith.constant 0 : i32
        %dma_start3A_208 = tpu.memref_slice %arg13[%dma_start3A_206, %dma_start3A_207] : memref<10240x128xf32, #tpu.memory_space<vmem_shared>> -> memref<10240x128xf32, #tpu.memory_space<vmem_shared>>
        tpu.enqueue_indirect_dma source(%arg10 : memref<80x128xf32, #tpu.memory_space<vmem>>) target(%dma_start3A_208 : memref<10240x128xf32, #tpu.memory_space<vmem_shared>>) offsets(%dma_start3A_205 : memref<80xi32, #tpu.memory_space<vmem>>) semaphore(%arg19 : memref<!tpu.dma_semaphore, #tpu.memory_space<semaphore_mem>>) {add = true}
        %add3A_209 = arith.constant 2 : i32
        %add3A_210 = arith.addi %add3A_176, %add3A_209 : i32
        %mul3A_211 = arith.constant 80 : i32
        %mul3A_212 = arith.muli %add3A_210, %mul3A_211 : i32
        %dma_wait3A_213 = tpu.memref_slice %arg7[%mul3A_212] : memref<2560xi32, #tpu.memory_space<vmem>> -> memref<80xi32, #tpu.memory_space<vmem>>
        %dma_wait3A_214 = arith.constant 0 : i32
        %dma_wait3A_215 = arith.constant 0 : i32
        %dma_wait3A_216 = tpu.memref_slice %arg2[%dma_wait3A_214, %dma_wait3A_215] : memref<10000x128xf32, #tpu.memory_space<hbm>> -> memref<10000x128xf32, #tpu.memory_space<hbm>>
        tpu.wait_indirect_dma semaphore(%arg16 : memref<!tpu.dma_semaphore, #tpu.memory_space<semaphore_mem>>) src(%dma_wait3A_216 : memref<10000x128xf32, #tpu.memory_space<hbm>>) dst(%arg11 : memref<80x128xf32, #tpu.memory_space<vmem>>)
        %add3A_217 = arith.constant 2 : i32
        %add3A_218 = arith.addi %add3A_176, %add3A_217 : i32
        %dma_start3A_219 = arith.constant 0 : i32
        %dma_start3A_220 = tpu.memref_slice %arg8[%add3A_218, %dma_start3A_219] : memref<32x80xi32, #tpu.memory_space<vmem>> -> memref<1x80xi32, #tpu.memory_space<vmem>>
        %dma_start3A_221 = tpu.memref_squeeze %dma_start3A_220 : memref<1x80xi32, #tpu.memory_space<vmem>> -> memref<80xi32, #tpu.memory_space<vmem>>
        %dma_start3A_222 = arith.constant 0 : i32
        %dma_start3A_223 = arith.constant 0 : i32
        %dma_start3A_224 = tpu.memref_slice %arg13[%dma_start3A_222, %dma_start3A_223] : memref<10240x128xf32, #tpu.memory_space<vmem_shared>> -> memref<10240x128xf32, #tpu.memory_space<vmem_shared>>
        tpu.enqueue_indirect_dma source(%arg11 : memref<80x128xf32, #tpu.memory_space<vmem>>) target(%dma_start3A_224 : memref<10240x128xf32, #tpu.memory_space<vmem_shared>>) offsets(%dma_start3A_221 : memref<80xi32, #tpu.memory_space<vmem>>) semaphore(%arg20 : memref<!tpu.dma_semaphore, #tpu.memory_space<semaphore_mem>>) {add = true}
        %add3A_225 = arith.constant 3 : i32
        %add3A_226 = arith.addi %add3A_176, %add3A_225 : i32
        %mul3A_227 = arith.constant 80 : i32
        %mul3A_228 = arith.muli %add3A_226, %mul3A_227 : i32
        %dma_wait3A_229 = tpu.memref_slice %arg7[%mul3A_228] : memref<2560xi32, #tpu.memory_space<vmem>> -> memref<80xi32, #tpu.memory_space<vmem>>
        %dma_wait3A_230 = arith.constant 0 : i32
        %dma_wait3A_231 = arith.constant 0 : i32
        %dma_wait3A_232 = tpu.memref_slice %arg2[%dma_wait3A_230, %dma_wait3A_231] : memref<10000x128xf32, #tpu.memory_space<hbm>> -> memref<10000x128xf32, #tpu.memory_space<hbm>>
        tpu.wait_indirect_dma semaphore(%arg17 : memref<!tpu.dma_semaphore, #tpu.memory_space<semaphore_mem>>) src(%dma_wait3A_232 : memref<10000x128xf32, #tpu.memory_space<hbm>>) dst(%arg12 : memref<80x128xf32, #tpu.memory_space<vmem>>)
        %add3A_233 = arith.constant 3 : i32
        %add3A_234 = arith.addi %add3A_176, %add3A_233 : i32
        %dma_start3A_235 = arith.constant 0 : i32
        %dma_start3A_236 = tpu.memref_slice %arg8[%add3A_234, %dma_start3A_235] : memref<32x80xi32, #tpu.memory_space<vmem>> -> memref<1x80xi32, #tpu.memory_space<vmem>>
        %dma_start3A_237 = tpu.memref_squeeze %dma_start3A_236 : memref<1x80xi32, #tpu.memory_space<vmem>> -> memref<80xi32, #tpu.memory_space<vmem>>
        %dma_start3A_238 = arith.constant 0 : i32
        %dma_start3A_239 = arith.constant 0 : i32
        %dma_start3A_240 = tpu.memref_slice %arg13[%dma_start3A_238, %dma_start3A_239] : memref<10240x128xf32, #tpu.memory_space<vmem_shared>> -> memref<10240x128xf32, #tpu.memory_space<vmem_shared>>
        tpu.enqueue_indirect_dma source(%arg12 : memref<80x128xf32, #tpu.memory_space<vmem>>) target(%dma_start3A_240 : memref<10240x128xf32, #tpu.memory_space<vmem_shared>>) offsets(%dma_start3A_237 : memref<80xi32, #tpu.memory_space<vmem>>) semaphore(%arg21 : memref<!tpu.dma_semaphore, #tpu.memory_space<semaphore_mem>>) {add = true}
        %dma_wait3A_241 = arith.constant 0 : i32
        %dma_wait3A_242 = tpu.memref_slice %arg8[%add3A_186, %dma_wait3A_241] : memref<32x80xi32, #tpu.memory_space<vmem>> -> memref<1x80xi32, #tpu.memory_space<vmem>>
        %dma_wait3A_243 = tpu.memref_squeeze %dma_wait3A_242 : memref<1x80xi32, #tpu.memory_space<vmem>> -> memref<80xi32, #tpu.memory_space<vmem>>
        %dma_wait3A_244 = arith.constant 0 : i32
        %dma_wait3A_245 = arith.constant 0 : i32
        %dma_wait3A_246 = tpu.memref_slice %arg13[%dma_wait3A_244, %dma_wait3A_245] : memref<10240x128xf32, #tpu.memory_space<vmem_shared>> -> memref<10240x128xf32, #tpu.memory_space<vmem_shared>>
        tpu.wait_indirect_dma semaphore(%arg18 : memref<!tpu.dma_semaphore, #tpu.memory_space<semaphore_mem>>) src(%arg9 : memref<80x128xf32, #tpu.memory_space<vmem>>) dst(%dma_wait3A_246 : memref<10240x128xf32, #tpu.memory_space<vmem_shared>>)
        %add3A_247 = arith.constant 0 : i32
        %add3A_248 = arith.addi %add3A_176, %add3A_247 : i32
        %add3A_249 = arith.constant 4 : i32
        %add3A_250 = arith.addi %add3A_248, %add3A_249 : i32
        %mul3A_251 = arith.constant 80 : i32
        %mul3A_252 = arith.muli %add3A_250, %mul3A_251 : i32
        %dma_start3A_253 = tpu.memref_slice %arg7[%mul3A_252] : memref<2560xi32, #tpu.memory_space<vmem>> -> memref<80xi32, #tpu.memory_space<vmem>>
        %dma_start3A_254 = arith.constant 0 : i32
        %dma_start3A_255 = arith.constant 0 : i32
        %dma_start3A_256 = tpu.memref_slice %arg2[%dma_start3A_254, %dma_start3A_255] : memref<10000x128xf32, #tpu.memory_space<hbm>> -> memref<10000x128xf32, #tpu.memory_space<hbm>>
        tpu.enqueue_indirect_dma source(%dma_start3A_256 : memref<10000x128xf32, #tpu.memory_space<hbm>>) target(%arg9 : memref<80x128xf32, #tpu.memory_space<vmem>>) offsets(%dma_start3A_253 : memref<80xi32, #tpu.memory_space<vmem>>) semaphore(%arg14 : memref<!tpu.dma_semaphore, #tpu.memory_space<semaphore_mem>>)
        %dma_wait3A_257 = arith.constant 0 : i32
        %dma_wait3A_258 = tpu.memref_slice %arg8[%add3A_202, %dma_wait3A_257] : memref<32x80xi32, #tpu.memory_space<vmem>> -> memref<1x80xi32, #tpu.memory_space<vmem>>
        %dma_wait3A_259 = tpu.memref_squeeze %dma_wait3A_258 : memref<1x80xi32, #tpu.memory_space<vmem>> -> memref<80xi32, #tpu.memory_space<vmem>>
        %dma_wait3A_260 = arith.constant 0 : i32
        %dma_wait3A_261 = arith.constant 0 : i32
        %dma_wait3A_262 = tpu.memref_slice %arg13[%dma_wait3A_260, %dma_wait3A_261] : memref<10240x128xf32, #tpu.memory_space<vmem_shared>> -> memref<10240x128xf32, #tpu.memory_space<vmem_shared>>
        tpu.wait_indirect_dma semaphore(%arg19 : memref<!tpu.dma_semaphore, #tpu.memory_space<semaphore_mem>>) src(%arg10 : memref<80x128xf32, #tpu.memory_space<vmem>>) dst(%dma_wait3A_262 : memref<10240x128xf32, #tpu.memory_space<vmem_shared>>)
        %add3A_263 = arith.constant 1 : i32
        %add3A_264 = arith.addi %add3A_176, %add3A_263 : i32
        %add3A_265 = arith.constant 4 : i32
        %add3A_266 = arith.addi %add3A_264, %add3A_265 : i32
        %mul3A_267 = arith.constant 80 : i32
        %mul3A_268 = arith.muli %add3A_266, %mul3A_267 : i32
        %dma_start3A_269 = tpu.memref_slice %arg7[%mul3A_268] : memref<2560xi32, #tpu.memory_space<vmem>> -> memref<80xi32, #tpu.memory_space<vmem>>
        %dma_start3A_270 = arith.constant 0 : i32
        %dma_start3A_271 = arith.constant 0 : i32
        %dma_start3A_272 = tpu.memref_slice %arg2[%dma_start3A_270, %dma_start3A_271] : memref<10000x128xf32, #tpu.memory_space<hbm>> -> memref<10000x128xf32, #tpu.memory_space<hbm>>
        tpu.enqueue_indirect_dma source(%dma_start3A_272 : memref<10000x128xf32, #tpu.memory_space<hbm>>) target(%arg10 : memref<80x128xf32, #tpu.memory_space<vmem>>) offsets(%dma_start3A_269 : memref<80xi32, #tpu.memory_space<vmem>>) semaphore(%arg15 : memref<!tpu.dma_semaphore, #tpu.memory_space<semaphore_mem>>)
        %dma_wait3A_273 = arith.constant 0 : i32
        %dma_wait3A_274 = tpu.memref_slice %arg8[%add3A_218, %dma_wait3A_273] : memref<32x80xi32, #tpu.memory_space<vmem>> -> memref<1x80xi32, #tpu.memory_space<vmem>>
        %dma_wait3A_275 = tpu.memref_squeeze %dma_wait3A_274 : memref<1x80xi32, #tpu.memory_space<vmem>> -> memref<80xi32, #tpu.memory_space<vmem>>
        %dma_wait3A_276 = arith.constant 0 : i32
        %dma_wait3A_277 = arith.constant 0 : i32
        %dma_wait3A_278 = tpu.memref_slice %arg13[%dma_wait3A_276, %dma_wait3A_277] : memref<10240x128xf32, #tpu.memory_space<vmem_shared>> -> memref<10240x128xf32, #tpu.memory_space<vmem_shared>>
        tpu.wait_indirect_dma semaphore(%arg20 : memref<!tpu.dma_semaphore, #tpu.memory_space<semaphore_mem>>) src(%arg11 : memref<80x128xf32, #tpu.memory_space<vmem>>) dst(%dma_wait3A_278 : memref<10240x128xf32, #tpu.memory_space<vmem_shared>>)
        %add3A_279 = arith.constant 2 : i32
        %add3A_280 = arith.addi %add3A_176, %add3A_279 : i32
        %add3A_281 = arith.constant 4 : i32
        %add3A_282 = arith.addi %add3A_280, %add3A_281 : i32
        %mul3A_283 = arith.constant 80 : i32
        %mul3A_284 = arith.muli %add3A_282, %mul3A_283 : i32
        %dma_start3A_285 = tpu.memref_slice %arg7[%mul3A_284] : memref<2560xi32, #tpu.memory_space<vmem>> -> memref<80xi32, #tpu.memory_space<vmem>>
        %dma_start3A_286 = arith.constant 0 : i32
        %dma_start3A_287 = arith.constant 0 : i32
        %dma_start3A_288 = tpu.memref_slice %arg2[%dma_start3A_286, %dma_start3A_287] : memref<10000x128xf32, #tpu.memory_space<hbm>> -> memref<10000x128xf32, #tpu.memory_space<hbm>>
        tpu.enqueue_indirect_dma source(%dma_start3A_288 : memref<10000x128xf32, #tpu.memory_space<hbm>>) target(%arg11 : memref<80x128xf32, #tpu.memory_space<vmem>>) offsets(%dma_start3A_285 : memref<80xi32, #tpu.memory_space<vmem>>) semaphore(%arg16 : memref<!tpu.dma_semaphore, #tpu.memory_space<semaphore_mem>>)
        %dma_wait3A_289 = arith.constant 0 : i32
        %dma_wait3A_290 = tpu.memref_slice %arg8[%add3A_234, %dma_wait3A_289] : memref<32x80xi32, #tpu.memory_space<vmem>> -> memref<1x80xi32, #tpu.memory_space<vmem>>
        %dma_wait3A_291 = tpu.memref_squeeze %dma_wait3A_290 : memref<1x80xi32, #tpu.memory_space<vmem>> -> memref<80xi32, #tpu.memory_space<vmem>>
        %dma_wait3A_292 = arith.constant 0 : i32
        %dma_wait3A_293 = arith.constant 0 : i32
        %dma_wait3A_294 = tpu.memref_slice %arg13[%dma_wait3A_292, %dma_wait3A_293] : memref<10240x128xf32, #tpu.memory_space<vmem_shared>> -> memref<10240x128xf32, #tpu.memory_space<vmem_shared>>
        tpu.wait_indirect_dma semaphore(%arg21 : memref<!tpu.dma_semaphore, #tpu.memory_space<semaphore_mem>>) src(%arg12 : memref<80x128xf32, #tpu.memory_space<vmem>>) dst(%dma_wait3A_294 : memref<10240x128xf32, #tpu.memory_space<vmem_shared>>)
        %add3A_295 = arith.constant 3 : i32
        %add3A_296 = arith.addi %add3A_176, %add3A_295 : i32
        %add3A_297 = arith.constant 4 : i32
        %add3A_298 = arith.addi %add3A_296, %add3A_297 : i32
        %mul3A_299 = arith.constant 80 : i32
        %mul3A_300 = arith.muli %add3A_298, %mul3A_299 : i32
        %dma_start3A_301 = tpu.memref_slice %arg7[%mul3A_300] : memref<2560xi32, #tpu.memory_space<vmem>> -> memref<80xi32, #tpu.memory_space<vmem>>
        %dma_start3A_302 = arith.constant 0 : i32
        %dma_start3A_303 = arith.constant 0 : i32
        %dma_start3A_304 = tpu.memref_slice %arg2[%dma_start3A_302, %dma_start3A_303] : memref<10000x128xf32, #tpu.memory_space<hbm>> -> memref<10000x128xf32, #tpu.memory_space<hbm>>
        tpu.enqueue_indirect_dma source(%dma_start3A_304 : memref<10000x128xf32, #tpu.memory_space<hbm>>) target(%arg12 : memref<80x128xf32, #tpu.memory_space<vmem>>) offsets(%dma_start3A_301 : memref<80xi32, #tpu.memory_space<vmem>>) semaphore(%arg17 : memref<!tpu.dma_semaphore, #tpu.memory_space<semaphore_mem>>)
      }
      %scan3A_147 = arith.constant 7 : i32
      %dma_wait3A_148 = arith.constant 2240 : i32
      %dma_wait3A_149 = tpu.memref_slice %arg7[%dma_wait3A_148] : memref<2560xi32, #tpu.memory_space<vmem>> -> memref<80xi32, #tpu.memory_space<vmem>>
      %dma_wait3A_150 = arith.constant 0 : i32
      %dma_wait3A_151 = arith.constant 0 : i32
      %dma_wait3A_152 = tpu.memref_slice %arg2[%dma_wait3A_150, %dma_wait3A_151] : memref<10000x128xf32, #tpu.memory_space<hbm>> -> memref<10000x128xf32, #tpu.memory_space<hbm>>
      tpu.wait_indirect_dma semaphore(%arg14 : memref<!tpu.dma_semaphore, #tpu.memory_space<semaphore_mem>>) src(%dma_wait3A_152 : memref<10000x128xf32, #tpu.memory_space<hbm>>) dst(%arg9 : memref<80x128xf32, #tpu.memory_space<vmem>>)
      %run_scoped3A_153 = arith.constant 28 : i32
      "tpu.region"() ({
        %run_scoped3A_172 = tpu.sem_alloc : memref<!tpu.dma_semaphore, #tpu.memory_space<semaphore_mem>>
        %dma_start3A_173 = arith.constant 0 : i32
        %dma_start3A_174 = tpu.memref_slice %arg8[%run_scoped3A_153, %dma_start3A_173] : memref<32x80xi32, #tpu.memory_space<vmem>> -> memref<1x80xi32, #tpu.memory_space<vmem>>
        %dma_start3A_175 = tpu.memref_squeeze %dma_start3A_174 : memref<1x80xi32, #tpu.memory_space<vmem>> -> memref<80xi32, #tpu.memory_space<vmem>>
        %dma_start3A_176 = arith.constant 0 : i32
        %dma_start3A_177 = arith.constant 0 : i32
        %dma_start3A_178 = tpu.memref_slice %arg13[%dma_start3A_176, %dma_start3A_177] : memref<10240x128xf32, #tpu.memory_space<vmem_shared>> -> memref<10240x128xf32, #tpu.memory_space<vmem_shared>>
        tpu.enqueue_indirect_dma source(%arg9 : memref<80x128xf32, #tpu.memory_space<vmem>>) target(%dma_start3A_178 : memref<10240x128xf32, #tpu.memory_space<vmem_shared>>) offsets(%dma_start3A_175 : memref<80xi32, #tpu.memory_space<vmem>>) semaphore(%run_scoped3A_172 : memref<!tpu.dma_semaphore, #tpu.memory_space<semaphore_mem>>) {add = true}
        %dma_wait3A_179 = arith.constant 0 : i32
        %dma_wait3A_180 = tpu.memref_slice %arg8[%run_scoped3A_153, %dma_wait3A_179] : memref<32x80xi32, #tpu.memory_space<vmem>> -> memref<1x80xi32, #tpu.memory_space<vmem>>
        %dma_wait3A_181 = tpu.memref_squeeze %dma_wait3A_180 : memref<1x80xi32, #tpu.memory_space<vmem>> -> memref<80xi32, #tpu.memory_space<vmem>>
        %dma_wait3A_182 = arith.constant 0 : i32
        %dma_wait3A_183 = arith.constant 0 : i32
        %dma_wait3A_184 = tpu.memref_slice %arg13[%dma_wait3A_182, %dma_wait3A_183] : memref<10240x128xf32, #tpu.memory_space<vmem_shared>> -> memref<10240x128xf32, #tpu.memory_space<vmem_shared>>
        tpu.wait_indirect_dma semaphore(%run_scoped3A_172 : memref<!tpu.dma_semaphore, #tpu.memory_space<semaphore_mem>>) src(%arg9 : memref<80x128xf32, #tpu.memory_space<vmem>>) dst(%dma_wait3A_184 : memref<10240x128xf32, #tpu.memory_space<vmem_shared>>)
        tpu.yield
      }) : () -> ()
      %dma_wait3A_154 = arith.constant 2320 : i32
      %dma_wait3A_155 = tpu.memref_slice %arg7[%dma_wait3A_154] : memref<2560xi32, #tpu.memory_space<vmem>> -> memref<80xi32, #tpu.memory_space<vmem>>
      %dma_wait3A_156 = arith.constant 0 : i32
      %dma_wait3A_157 = arith.constant 0 : i32
      %dma_wait3A_158 = tpu.memref_slice %arg2[%dma_wait3A_156, %dma_wait3A_157] : memref<10000x128xf32, #tpu.memory_space<hbm>> -> memref<10000x128xf32, #tpu.memory_space<hbm>>
      tpu.wait_indirect_dma semaphore(%arg15 : memref<!tpu.dma_semaphore, #tpu.memory_space<semaphore_mem>>) src(%dma_wait3A_158 : memref<10000x128xf32, #tpu.memory_space<hbm>>) dst(%arg10 : memref<80x128xf32, #tpu.memory_space<vmem>>)
      %run_scoped3A_159 = arith.constant 29 : i32
      "tpu.region"() ({
        %run_scoped3A_172 = tpu.sem_alloc : memref<!tpu.dma_semaphore, #tpu.memory_space<semaphore_mem>>
        %dma_start3A_173 = arith.constant 0 : i32
        %dma_start3A_174 = tpu.memref_slice %arg8[%run_scoped3A_159, %dma_start3A_173] : memref<32x80xi32, #tpu.memory_space<vmem>> -> memref<1x80xi32, #tpu.memory_space<vmem>>
        %dma_start3A_175 = tpu.memref_squeeze %dma_start3A_174 : memref<1x80xi32, #tpu.memory_space<vmem>> -> memref<80xi32, #tpu.memory_space<vmem>>
        %dma_start3A_176 = arith.constant 0 : i32
        %dma_start3A_177 = arith.constant 0 : i32
        %dma_start3A_178 = tpu.memref_slice %arg13[%dma_start3A_176, %dma_start3A_177] : memref<10240x128xf32, #tpu.memory_space<vmem_shared>> -> memref<10240x128xf32, #tpu.memory_space<vmem_shared>>
        tpu.enqueue_indirect_dma source(%arg10 : memref<80x128xf32, #tpu.memory_space<vmem>>) target(%dma_start3A_178 : memref<10240x128xf32, #tpu.memory_space<vmem_shared>>) offsets(%dma_start3A_175 : memref<80xi32, #tpu.memory_space<vmem>>) semaphore(%run_scoped3A_172 : memref<!tpu.dma_semaphore, #tpu.memory_space<semaphore_mem>>) {add = true}
        %dma_wait3A_179 = arith.constant 0 : i32
        %dma_wait3A_180 = tpu.memref_slice %arg8[%run_scoped3A_159, %dma_wait3A_179] : memref<32x80xi32, #tpu.memory_space<vmem>> -> memref<1x80xi32, #tpu.memory_space<vmem>>
        %dma_wait3A_181 = tpu.memref_squeeze %dma_wait3A_180 : memref<1x80xi32, #tpu.memory_space<vmem>> -> memref<80xi32, #tpu.memory_space<vmem>>
        %dma_wait3A_182 = arith.constant 0 : i32
        %dma_wait3A_183 = arith.constant 0 : i32
        %dma_wait3A_184 = tpu.memref_slice %arg13[%dma_wait3A_182, %dma_wait3A_183] : memref<10240x128xf32, #tpu.memory_space<vmem_shared>> -> memref<10240x128xf32, #tpu.memory_space<vmem_shared>>
        tpu.wait_indirect_dma semaphore(%run_scoped3A_172 : memref<!tpu.dma_semaphore, #tpu.memory_space<semaphore_mem>>) src(%arg10 : memref<80x128xf32, #tpu.memory_space<vmem>>) dst(%dma_wait3A_184 : memref<10240x128xf32, #tpu.memory_space<vmem_shared>>)
        tpu.yield
      }) : () -> ()
      %dma_wait3A_160 = arith.constant 2400 : i32
      %dma_wait3A_161 = tpu.memref_slice %arg7[%dma_wait3A_160] : memref<2560xi32, #tpu.memory_space<vmem>> -> memref<80xi32, #tpu.memory_space<vmem>>
      %dma_wait3A_162 = arith.constant 0 : i32
      %dma_wait3A_163 = arith.constant 0 : i32
      %dma_wait3A_164 = tpu.memref_slice %arg2[%dma_wait3A_162, %dma_wait3A_163] : memref<10000x128xf32, #tpu.memory_space<hbm>> -> memref<10000x128xf32, #tpu.memory_space<hbm>>
      tpu.wait_indirect_dma semaphore(%arg16 : memref<!tpu.dma_semaphore, #tpu.memory_space<semaphore_mem>>) src(%dma_wait3A_164 : memref<10000x128xf32, #tpu.memory_space<hbm>>) dst(%arg11 : memref<80x128xf32, #tpu.memory_space<vmem>>)
      %run_scoped3A_165 = arith.constant 30 : i32
      "tpu.region"() ({
        %run_scoped3A_172 = tpu.sem_alloc : memref<!tpu.dma_semaphore, #tpu.memory_space<semaphore_mem>>
        %dma_start3A_173 = arith.constant 0 : i32
        %dma_start3A_174 = tpu.memref_slice %arg8[%run_scoped3A_165, %dma_start3A_173] : memref<32x80xi32, #tpu.memory_space<vmem>> -> memref<1x80xi32, #tpu.memory_space<vmem>>
        %dma_start3A_175 = tpu.memref_squeeze %dma_start3A_174 : memref<1x80xi32, #tpu.memory_space<vmem>> -> memref<80xi32, #tpu.memory_space<vmem>>
        %dma_start3A_176 = arith.constant 0 : i32
        %dma_start3A_177 = arith.constant 0 : i32
        %dma_start3A_178 = tpu.memref_slice %arg13[%dma_start3A_176, %dma_start3A_177] : memref<10240x128xf32, #tpu.memory_space<vmem_shared>> -> memref<10240x128xf32, #tpu.memory_space<vmem_shared>>
        tpu.enqueue_indirect_dma source(%arg11 : memref<80x128xf32, #tpu.memory_space<vmem>>) target(%dma_start3A_178 : memref<10240x128xf32, #tpu.memory_space<vmem_shared>>) offsets(%dma_start3A_175 : memref<80xi32, #tpu.memory_space<vmem>>) semaphore(%run_scoped3A_172 : memref<!tpu.dma_semaphore, #tpu.memory_space<semaphore_mem>>) {add = true}
        %dma_wait3A_179 = arith.constant 0 : i32
        %dma_wait3A_180 = tpu.memref_slice %arg8[%run_scoped3A_165, %dma_wait3A_179] : memref<32x80xi32, #tpu.memory_space<vmem>> -> memref<1x80xi32, #tpu.memory_space<vmem>>
        %dma_wait3A_181 = tpu.memref_squeeze %dma_wait3A_180 : memref<1x80xi32, #tpu.memory_space<vmem>> -> memref<80xi32, #tpu.memory_space<vmem>>
        %dma_wait3A_182 = arith.constant 0 : i32
        %dma_wait3A_183 = arith.constant 0 : i32
        %dma_wait3A_184 = tpu.memref_slice %arg13[%dma_wait3A_182, %dma_wait3A_183] : memref<10240x128xf32, #tpu.memory_space<vmem_shared>> -> memref<10240x128xf32, #tpu.memory_space<vmem_shared>>
        tpu.wait_indirect_dma semaphore(%run_scoped3A_172 : memref<!tpu.dma_semaphore, #tpu.memory_space<semaphore_mem>>) src(%arg11 : memref<80x128xf32, #tpu.memory_space<vmem>>) dst(%dma_wait3A_184 : memref<10240x128xf32, #tpu.memory_space<vmem_shared>>)
        tpu.yield
      }) : () -> ()
      %dma_wait3A_166 = arith.constant 2480 : i32
      %dma_wait3A_167 = tpu.memref_slice %arg7[%dma_wait3A_166] : memref<2560xi32, #tpu.memory_space<vmem>> -> memref<80xi32, #tpu.memory_space<vmem>>
      %dma_wait3A_168 = arith.constant 0 : i32
      %dma_wait3A_169 = arith.constant 0 : i32
      %dma_wait3A_170 = tpu.memref_slice %arg2[%dma_wait3A_168, %dma_wait3A_169] : memref<10000x128xf32, #tpu.memory_space<hbm>> -> memref<10000x128xf32, #tpu.memory_space<hbm>>
      tpu.wait_indirect_dma semaphore(%arg17 : memref<!tpu.dma_semaphore, #tpu.memory_space<semaphore_mem>>) src(%dma_wait3A_170 : memref<10000x128xf32, #tpu.memory_space<hbm>>) dst(%arg12 : memref<80x128xf32, #tpu.memory_space<vmem>>)
      %run_scoped3A_171 = arith.constant 31 : i32
      "tpu.region"() ({
        %run_scoped3A_172 = tpu.sem_alloc : memref<!tpu.dma_semaphore, #tpu.memory_space<semaphore_mem>>
        %dma_start3A_173 = arith.constant 0 : i32
        %dma_start3A_174 = tpu.memref_slice %arg8[%run_scoped3A_171, %dma_start3A_173] : memref<32x80xi32, #tpu.memory_space<vmem>> -> memref<1x80xi32, #tpu.memory_space<vmem>>
        %dma_start3A_175 = tpu.memref_squeeze %dma_start3A_174 : memref<1x80xi32, #tpu.memory_space<vmem>> -> memref<80xi32, #tpu.memory_space<vmem>>
        %dma_start3A_176 = arith.constant 0 : i32
        %dma_start3A_177 = arith.constant 0 : i32
        %dma_start3A_178 = tpu.memref_slice %arg13[%dma_start3A_176, %dma_start3A_177] : memref<10240x128xf32, #tpu.memory_space<vmem_shared>> -> memref<10240x128xf32, #tpu.memory_space<vmem_shared>>
        tpu.enqueue_indirect_dma source(%arg12 : memref<80x128xf32, #tpu.memory_space<vmem>>) target(%dma_start3A_178 : memref<10240x128xf32, #tpu.memory_space<vmem_shared>>) offsets(%dma_start3A_175 : memref<80xi32, #tpu.memory_space<vmem>>) semaphore(%run_scoped3A_172 : memref<!tpu.dma_semaphore, #tpu.memory_space<semaphore_mem>>) {add = true}
        %dma_wait3A_179 = arith.constant 0 : i32
        %dma_wait3A_180 = tpu.memref_slice %arg8[%run_scoped3A_171, %dma_wait3A_179] : memref<32x80xi32, #tpu.memory_space<vmem>> -> memref<1x80xi32, #tpu.memory_space<vmem>>
        %dma_wait3A_181 = tpu.memref_squeeze %dma_wait3A_180 : memref<1x80xi32, #tpu.memory_space<vmem>> -> memref<80xi32, #tpu.memory_space<vmem>>
        %dma_wait3A_182 = arith.constant 0 : i32
        %dma_wait3A_183 = arith.constant 0 : i32
        %dma_wait3A_184 = tpu.memref_slice %arg13[%dma_wait3A_182, %dma_wait3A_183] : memref<10240x128xf32, #tpu.memory_space<vmem_shared>> -> memref<10240x128xf32, #tpu.memory_space<vmem_shared>>
        tpu.wait_indirect_dma semaphore(%run_scoped3A_172 : memref<!tpu.dma_semaphore, #tpu.memory_space<semaphore_mem>>) src(%arg12 : memref<80x128xf32, #tpu.memory_space<vmem>>) dst(%dma_wait3A_184 : memref<10240x128xf32, #tpu.memory_space<vmem_shared>>)
        tpu.yield
      }) : () -> ()
    }
    %scan3A_82 = arith.constant 3 : i32
    %barrier3A_83 = arith.constant 0 : index
    tpu.barrier barrier_id(%barrier3A_83)
    %mul3A_84 = arith.constant 10240 : i32
    %mul3A_85 = arith.muli %arg0, %mul3A_84 : i32
    %mul3A_86 = arith.constant 640 : i32
    %mul3A_87 = arith.muli %arg1, %mul3A_86 : i32
    %add3A_88 = arith.addi %mul3A_85, %mul3A_87 : i32
    %mul3A_89 = arith.constant 640 : i32
    %mul3A_90 = arith.muli %arg1, %mul3A_89 : i32
    "tpu.region"() ({
      %run_scoped3A_91 = tpu.sem_alloc : memref<!tpu.dma_semaphore, #tpu.memory_space<semaphore_mem>>
      %dma_start3A_92 = arith.constant 0 : i32
      %dma_start3A_93 = tpu.memref_slice %arg6[%add3A_88, %dma_start3A_92] : memref<20480x128xf32, #tpu.memory_space<hbm>> -> memref<640x128xf32, #tpu.memory_space<hbm>>
      %dma_start3A_94 = arith.constant 0 : i32
      %dma_start3A_95 = tpu.memref_slice %arg13[%mul3A_90, %dma_start3A_94] : memref<10240x128xf32, #tpu.memory_space<vmem_shared>> -> memref<640x128xf32, #tpu.memory_space<vmem_shared>>
      tpu.enqueue_dma source(%dma_start3A_95 : memref<640x128xf32, #tpu.memory_space<vmem_shared>>) target(%dma_start3A_93 : memref<640x128xf32, #tpu.memory_space<hbm>>) target_semaphore(%run_scoped3A_91 : memref<!tpu.dma_semaphore, #tpu.memory_space<semaphore_mem>>)
      %dma_wait3A_96 = arith.constant 0 : i32
      %dma_wait3A_97 = tpu.memref_slice %arg6[%add3A_88, %dma_wait3A_96] : memref<20480x128xf32, #tpu.memory_space<hbm>> -> memref<640x128xf32, #tpu.memory_space<hbm>>
      %dma_wait3A_98 = arith.constant 0 : i32
      %dma_wait3A_99 = tpu.memref_slice %arg13[%mul3A_90, %dma_wait3A_98] : memref<10240x128xf32, #tpu.memory_space<vmem_shared>> -> memref<640x128xf32, #tpu.memory_space<vmem_shared>>
      tpu.wait_dma2 semaphore(%run_scoped3A_91 : memref<!tpu.dma_semaphore, #tpu.memory_space<semaphore_mem>>) src(%dma_wait3A_99 : memref<640x128xf32, #tpu.memory_space<vmem_shared>>) dst(%dma_wait3A_97 : memref<640x128xf32, #tpu.memory_space<hbm>>)
      tpu.yield
    }) : () -> ()
    return
  }
}

#map = affine_map<(d0, d1) -> (0, 0)>
#map1 = affine_map<(d0, d1) -> (0)>
#map2 = affine_map<(d0, d1) -> (0, 0, 0, 0)>
module attributes {stable_mosaic.version = 14 : i64} {
  func.func @k(%arg0: i32, %arg1: i32, %arg2: memref<10000x128xf32, #tpu.memory_space<hbm>>, %arg3: memref<327680xi32, #tpu.memory_space<hbm>>, %arg4: memref<32x4x32x80xi32, #tpu.memory_space<hbm>>, %arg5: memref<640x128xf32, #tpu.memory_space<hbm>>, %arg6: memref<20480x128xf32, #tpu.memory_space<hbm>>, %arg7: memref<2560xi32, #tpu.memory_space<vmem>>, %arg8: memref<32x80xi32, #tpu.memory_space<vmem>>, %arg9: memref<80x128xf32, #tpu.memory_space<vmem>>, %arg10: memref<80x128xf32, #tpu.memory_space<vmem>>, %arg11: memref<80x128xf32, #tpu.memory_space<vmem>>, %arg12: memref<80x128xf32, #tpu.memory_space<vmem>>, %arg13: memref<10240x128xf32, #tpu.memory_space<vmem_shared>>, %arg14: memref<!tpu.dma_semaphore, #tpu.memory_space<semaphore_mem>>, %arg15: memref<!tpu.dma_semaphore, #tpu.memory_space<semaphore_mem>>, %arg16: memref<!tpu.dma_semaphore, #tpu.memory_space<semaphore_mem>>, %arg17: memref<!tpu.dma_semaphore, #tpu.memory_space<semaphore_mem>>, %arg18: memref<!tpu.dma_semaphore, #tpu.memory_space<semaphore_mem>>, %arg19: memref<!tpu.dma_semaphore, #tpu.memory_space<semaphore_mem>>, %arg20: memref<!tpu.dma_semaphore, #tpu.memory_space<semaphore_mem>>, %arg21: memref<!tpu.dma_semaphore, #tpu.memory_space<semaphore_mem>>) attributes {dimension_semantics = [#tpu.dimension_semantics<core_parallel>, #tpu.dimension_semantics<subcore_parallel>], iteration_bounds = array<i64: 2, 16>, scalar_prefetch = 0 : i64, scratch_operands = 15 : i64, tpu.core_type = #tpu.core_type<sc_vector_subcore>, window_params = [{transform_indices = #map}, {transform_indices = #map1}, {transform_indices = #map2}, {transform_indices = #map}, {transform_indices = #map}]} {
    %mul3A = arith.constant 2 : i32
    %mul3A_0 = arith.muli %arg1, %mul3A : i32
    %add3A = arith.addi %mul3A_0, %arg0 : i32
    %mul3A_1 = arith.constant 640 : i32
    %mul3A_2 = arith.muli %arg1, %mul3A_1 : i32
    %dma_start3A = arith.constant 0 : i32
    %dma_start3A_3 = tpu.memref_slice %arg13[%mul3A_2, %dma_start3A] : memref<10240x128xf32, #tpu.memory_space<vmem_shared>> -> memref<640x128xf32, #tpu.memory_space<vmem_shared>>
    tpu.enqueue_dma source(%arg5 : memref<640x128xf32, #tpu.memory_space<hbm>>) target(%dma_start3A_3 : memref<640x128xf32, #tpu.memory_space<vmem_shared>>) target_semaphore(%arg18 : memref<!tpu.dma_semaphore, #tpu.memory_space<semaphore_mem>>)
    %mul3A_4 = arith.constant 10240 : i32
    %mul3A_5 = arith.muli %add3A, %mul3A_4 : i32
    %add3A_6 = arith.constant 0 : i32
    %add3A_7 = arith.addi %mul3A_5, %add3A_6 : i32
    %dma_start3A_8 = tpu.memref_slice %arg3[%add3A_7] : memref<327680xi32, #tpu.memory_space<hbm>> -> memref<2560xi32, #tpu.memory_space<hbm>>
    %dma_start3A_9 = tpu.memref_slice %arg3[%add3A_7] : memref<327680xi32, #tpu.memory_space<hbm>> -> memref<2560xi32, #tpu.memory_space<hbm>>
    tpu.enqueue_dma source(%dma_start3A_9 : memref<2560xi32, #tpu.memory_space<hbm>>) target(%arg7 : memref<2560xi32, #tpu.memory_space<vmem>>) target_semaphore(%arg14 : memref<!tpu.dma_semaphore, #tpu.memory_space<semaphore_mem>>)
    %dma_start3A_10 = arith.constant 0 : i32
    %dma_start3A_11 = arith.constant 0 : i32
    %dma_start3A_12 = arith.constant 0 : i32
    %dma_start3A_13 = tpu.memref_slice %arg4[%add3A, %dma_start3A_10, %dma_start3A_11, %dma_start3A_12] : memref<32x4x32x80xi32, #tpu.memory_space<hbm>> -> memref<1x1x32x80xi32, #tpu.memory_space<hbm>>
    %dma_start3A_14 = tpu.memref_squeeze %dma_start3A_13 : memref<1x1x32x80xi32, #tpu.memory_space<hbm>> -> memref<32x80xi32, #tpu.memory_space<hbm>>
    %dma_start3A_15 = arith.constant 0 : i32
    %dma_start3A_16 = arith.constant 0 : i32
    %dma_start3A_17 = tpu.memref_slice %arg4[%add3A, %dma_start3A_10, %dma_start3A_15, %dma_start3A_16] : memref<32x4x32x80xi32, #tpu.memory_space<hbm>> -> memref<1x1x32x80xi32, #tpu.memory_space<hbm>>
    %dma_start3A_18 = tpu.memref_squeeze %dma_start3A_17 : memref<1x1x32x80xi32, #tpu.memory_space<hbm>> -> memref<32x80xi32, #tpu.memory_space<hbm>>
    tpu.enqueue_dma source(%dma_start3A_18 : memref<32x80xi32, #tpu.memory_space<hbm>>) target(%arg8 : memref<32x80xi32, #tpu.memory_space<vmem>>) target_semaphore(%arg15 : memref<!tpu.dma_semaphore, #tpu.memory_space<semaphore_mem>>)
    %dma_wait3A = arith.constant 0 : i32
    %dma_wait3A_19 = tpu.memref_slice %arg13[%mul3A_2, %dma_wait3A] : memref<10240x128xf32, #tpu.memory_space<vmem_shared>> -> memref<640x128xf32, #tpu.memory_space<vmem_shared>>
    tpu.wait_dma2 semaphore(%arg18 : memref<!tpu.dma_semaphore, #tpu.memory_space<semaphore_mem>>) src(%arg5 : memref<640x128xf32, #tpu.memory_space<hbm>>) dst(%dma_wait3A_19 : memref<640x128xf32, #tpu.memory_space<vmem_shared>>)
    %barrier3A = arith.constant 0 : index
    tpu.barrier barrier_id(%barrier3A)
    %dma_wait3A_20 = tpu.memref_slice %arg3[%add3A_7] : memref<327680xi32, #tpu.memory_space<hbm>> -> memref<2560xi32, #tpu.memory_space<hbm>>
    %dma_wait3A_21 = tpu.memref_slice %arg3[%add3A_7] : memref<327680xi32, #tpu.memory_space<hbm>> -> memref<2560xi32, #tpu.memory_space<hbm>>
    tpu.wait_dma2 semaphore(%arg14 : memref<!tpu.dma_semaphore, #tpu.memory_space<semaphore_mem>>) src(%dma_wait3A_21 : memref<2560xi32, #tpu.memory_space<hbm>>) dst(%arg7 : memref<2560xi32, #tpu.memory_space<vmem>>)
    %dma_wait3A_22 = arith.constant 0 : i32
    %dma_wait3A_23 = arith.constant 0 : i32
    %dma_wait3A_24 = arith.constant 0 : i32
    %dma_wait3A_25 = tpu.memref_slice %arg4[%add3A, %dma_wait3A_22, %dma_wait3A_23, %dma_wait3A_24] : memref<32x4x32x80xi32, #tpu.memory_space<hbm>> -> memref<1x1x32x80xi32, #tpu.memory_space<hbm>>
    %dma_wait3A_26 = tpu.memref_squeeze %dma_wait3A_25 : memref<1x1x32x80xi32, #tpu.memory_space<hbm>> -> memref<32x80xi32, #tpu.memory_space<hbm>>
    %dma_wait3A_27 = arith.constant 0 : i32
    %dma_wait3A_28 = arith.constant 0 : i32
    %dma_wait3A_29 = tpu.memref_slice %arg4[%add3A, %dma_wait3A_22, %dma_wait3A_27, %dma_wait3A_28] : memref<32x4x32x80xi32, #tpu.memory_space<hbm>> -> memref<1x1x32x80xi32, #tpu.memory_space<hbm>>
    %dma_wait3A_30 = tpu.memref_squeeze %dma_wait3A_29 : memref<1x1x32x80xi32, #tpu.memory_space<hbm>> -> memref<32x80xi32, #tpu.memory_space<hbm>>
    tpu.wait_dma2 semaphore(%arg15 : memref<!tpu.dma_semaphore, #tpu.memory_space<semaphore_mem>>) src(%dma_wait3A_30 : memref<32x80xi32, #tpu.memory_space<hbm>>) dst(%arg8 : memref<32x80xi32, #tpu.memory_space<vmem>>)
    %dma_start3A_31 = arith.constant 0 : i32
    %dma_start3A_32 = tpu.memref_slice %arg7[%dma_start3A_31] : memref<2560xi32, #tpu.memory_space<vmem>> -> memref<80xi32, #tpu.memory_space<vmem>>
    %dma_start3A_33 = arith.constant 0 : i32
    %dma_start3A_34 = arith.constant 0 : i32
    %dma_start3A_35 = tpu.memref_slice %arg2[%dma_start3A_33, %dma_start3A_34] : memref<10000x128xf32, #tpu.memory_space<hbm>> -> memref<10000x128xf32, #tpu.memory_space<hbm>>
    tpu.enqueue_indirect_dma source(%dma_start3A_35 : memref<10000x128xf32, #tpu.memory_space<hbm>>) target(%arg9 : memref<80x128xf32, #tpu.memory_space<vmem>>) offsets(%dma_start3A_32 : memref<80xi32, #tpu.memory_space<vmem>>) semaphore(%arg14 : memref<!tpu.dma_semaphore, #tpu.memory_space<semaphore_mem>>)
    %dma_start3A_36 = arith.constant 80 : i32
    %dma_start3A_37 = tpu.memref_slice %arg7[%dma_start3A_36] : memref<2560xi32, #tpu.memory_space<vmem>> -> memref<80xi32, #tpu.memory_space<vmem>>
    %dma_start3A_38 = arith.constant 0 : i32
    %dma_start3A_39 = arith.constant 0 : i32
    %dma_start3A_40 = tpu.memref_slice %arg2[%dma_start3A_38, %dma_start3A_39] : memref<10000x128xf32, #tpu.memory_space<hbm>> -> memref<10000x128xf32, #tpu.memory_space<hbm>>
    tpu.enqueue_indirect_dma source(%dma_start3A_40 : memref<10000x128xf32, #tpu.memory_space<hbm>>) target(%arg10 : memref<80x128xf32, #tpu.memory_space<vmem>>) offsets(%dma_start3A_37 : memref<80xi32, #tpu.memory_space<vmem>>) semaphore(%arg15 : memref<!tpu.dma_semaphore, #tpu.memory_space<semaphore_mem>>)
    %dma_start3A_41 = arith.constant 160 : i32
    %dma_start3A_42 = tpu.memref_slice %arg7[%dma_start3A_41] : memref<2560xi32, #tpu.memory_space<vmem>> -> memref<80xi32, #tpu.memory_space<vmem>>
    %dma_start3A_43 = arith.constant 0 : i32
    %dma_start3A_44 = arith.constant 0 : i32
    %dma_start3A_45 = tpu.memref_slice %arg2[%dma_start3A_43, %dma_start3A_44] : memref<10000x128xf32, #tpu.memory_space<hbm>> -> memref<10000x128xf32, #tpu.memory_space<hbm>>
    tpu.enqueue_indirect_dma source(%dma_start3A_45 : memref<10000x128xf32, #tpu.memory_space<hbm>>) target(%arg11 : memref<80x128xf32, #tpu.memory_space<vmem>>) offsets(%dma_start3A_42 : memref<80xi32, #tpu.memory_space<vmem>>) semaphore(%arg16 : memref<!tpu.dma_semaphore, #tpu.memory_space<semaphore_mem>>)
    %dma_start3A_46 = arith.constant 240 : i32
    %dma_start3A_47 = tpu.memref_slice %arg7[%dma_start3A_46] : memref<2560xi32, #tpu.memory_space<vmem>> -> memref<80xi32, #tpu.memory_space<vmem>>
    %dma_start3A_48 = arith.constant 0 : i32
    %dma_start3A_49 = arith.constant 0 : i32
    %dma_start3A_50 = tpu.memref_slice %arg2[%dma_start3A_48, %dma_start3A_49] : memref<10000x128xf32, #tpu.memory_space<hbm>> -> memref<10000x128xf32, #tpu.memory_space<hbm>>
    tpu.enqueue_indirect_dma source(%dma_start3A_50 : memref<10000x128xf32, #tpu.memory_space<hbm>>) target(%arg12 : memref<80x128xf32, #tpu.memory_space<vmem>>) offsets(%dma_start3A_47 : memref<80xi32, #tpu.memory_space<vmem>>) semaphore(%arg17 : memref<!tpu.dma_semaphore, #tpu.memory_space<semaphore_mem>>)
    %scan3A = arith.constant 0 : i32
    %scan3A_51 = arith.constant 7 : i32
    %scan3A_52 = arith.addi %scan3A, %scan3A_51 : i32
    %scan3A_53 = arith.constant 1 : i32
    scf.for %scan3A_91 = %scan3A to %scan3A_52 step %scan3A_53  : i32 {
      %mul3A_92 = arith.constant 4 : i32
      %mul3A_93 = arith.muli %scan3A_91, %mul3A_92 : i32
      %add3A_94 = arith.constant 0 : i32
      %add3A_95 = arith.addi %add3A_94, %mul3A_93 : i32
      %add3A_96 = arith.constant 0 : i32
      %add3A_97 = arith.addi %add3A_95, %add3A_96 : i32
      %mul3A_98 = arith.constant 80 : i32
      %mul3A_99 = arith.muli %add3A_97, %mul3A_98 : i32
      %dma_wait3A_100 = tpu.memref_slice %arg7[%mul3A_99] : memref<2560xi32, #tpu.memory_space<vmem>> -> memref<80xi32, #tpu.memory_space<vmem>>
      %dma_wait3A_101 = arith.constant 0 : i32
      %dma_wait3A_102 = arith.constant 0 : i32
      %dma_wait3A_103 = tpu.memref_slice %arg2[%dma_wait3A_101, %dma_wait3A_102] : memref<10000x128xf32, #tpu.memory_space<hbm>> -> memref<10000x128xf32, #tpu.memory_space<hbm>>
      tpu.wait_indirect_dma semaphore(%arg14 : memref<!tpu.dma_semaphore, #tpu.memory_space<semaphore_mem>>) src(%dma_wait3A_103 : memref<10000x128xf32, #tpu.memory_space<hbm>>) dst(%arg9 : memref<80x128xf32, #tpu.memory_space<vmem>>)
      %add3A_104 = arith.constant 0 : i32
      %add3A_105 = arith.addi %add3A_95, %add3A_104 : i32
      %dma_start3A_106 = arith.constant 0 : i32
      %dma_start3A_107 = tpu.memref_slice %arg8[%add3A_105, %dma_start3A_106] : memref<32x80xi32, #tpu.memory_space<vmem>> -> memref<1x80xi32, #tpu.memory_space<vmem>>
      %dma_start3A_108 = tpu.memref_squeeze %dma_start3A_107 : memref<1x80xi32, #tpu.memory_space<vmem>> -> memref<80xi32, #tpu.memory_space<vmem>>
      %dma_start3A_109 = arith.constant 0 : i32
      %dma_start3A_110 = arith.constant 0 : i32
      %dma_start3A_111 = tpu.memref_slice %arg13[%dma_start3A_109, %dma_start3A_110] : memref<10240x128xf32, #tpu.memory_space<vmem_shared>> -> memref<10240x128xf32, #tpu.memory_space<vmem_shared>>
      tpu.enqueue_indirect_dma source(%arg9 : memref<80x128xf32, #tpu.memory_space<vmem>>) target(%dma_start3A_111 : memref<10240x128xf32, #tpu.memory_space<vmem_shared>>) offsets(%dma_start3A_108 : memref<80xi32, #tpu.memory_space<vmem>>) semaphore(%arg18 : memref<!tpu.dma_semaphore, #tpu.memory_space<semaphore_mem>>) {add = true}
      %add3A_112 = arith.constant 1 : i32
      %add3A_113 = arith.addi %add3A_95, %add3A_112 : i32
      %mul3A_114 = arith.constant 80 : i32
      %mul3A_115 = arith.muli %add3A_113, %mul3A_114 : i32
      %dma_wait3A_116 = tpu.memref_slice %arg7[%mul3A_115] : memref<2560xi32, #tpu.memory_space<vmem>> -> memref<80xi32, #tpu.memory_space<vmem>>
      %dma_wait3A_117 = arith.constant 0 : i32
      %dma_wait3A_118 = arith.constant 0 : i32
      %dma_wait3A_119 = tpu.memref_slice %arg2[%dma_wait3A_117, %dma_wait3A_118] : memref<10000x128xf32, #tpu.memory_space<hbm>> -> memref<10000x128xf32, #tpu.memory_space<hbm>>
      tpu.wait_indirect_dma semaphore(%arg15 : memref<!tpu.dma_semaphore, #tpu.memory_space<semaphore_mem>>) src(%dma_wait3A_119 : memref<10000x128xf32, #tpu.memory_space<hbm>>) dst(%arg10 : memref<80x128xf32, #tpu.memory_space<vmem>>)
      %add3A_120 = arith.constant 1 : i32
      %add3A_121 = arith.addi %add3A_95, %add3A_120 : i32
      %dma_start3A_122 = arith.constant 0 : i32
      %dma_start3A_123 = tpu.memref_slice %arg8[%add3A_121, %dma_start3A_122] : memref<32x80xi32, #tpu.memory_space<vmem>> -> memref<1x80xi32, #tpu.memory_space<vmem>>
      %dma_start3A_124 = tpu.memref_squeeze %dma_start3A_123 : memref<1x80xi32, #tpu.memory_space<vmem>> -> memref<80xi32, #tpu.memory_space<vmem>>
      %dma_start3A_125 = arith.constant 0 : i32
      %dma_start3A_126 = arith.constant 0 : i32
      %dma_start3A_127 = tpu.memref_slice %arg13[%dma_start3A_125, %dma_start3A_126] : memref<10240x128xf32, #tpu.memory_space<vmem_shared>> -> memref<10240x128xf32, #tpu.memory_space<vmem_shared>>
      tpu.enqueue_indirect_dma source(%arg10 : memref<80x128xf32, #tpu.memory_space<vmem>>) target(%dma_start3A_127 : memref<10240x128xf32, #tpu.memory_space<vmem_shared>>) offsets(%dma_start3A_124 : memref<80xi32, #tpu.memory_space<vmem>>) semaphore(%arg19 : memref<!tpu.dma_semaphore, #tpu.memory_space<semaphore_mem>>) {add = true}
      %add3A_128 = arith.constant 2 : i32
      %add3A_129 = arith.addi %add3A_95, %add3A_128 : i32
      %mul3A_130 = arith.constant 80 : i32
      %mul3A_131 = arith.muli %add3A_129, %mul3A_130 : i32
      %dma_wait3A_132 = tpu.memref_slice %arg7[%mul3A_131] : memref<2560xi32, #tpu.memory_space<vmem>> -> memref<80xi32, #tpu.memory_space<vmem>>
      %dma_wait3A_133 = arith.constant 0 : i32
      %dma_wait3A_134 = arith.constant 0 : i32
      %dma_wait3A_135 = tpu.memref_slice %arg2[%dma_wait3A_133, %dma_wait3A_134] : memref<10000x128xf32, #tpu.memory_space<hbm>> -> memref<10000x128xf32, #tpu.memory_space<hbm>>
      tpu.wait_indirect_dma semaphore(%arg16 : memref<!tpu.dma_semaphore, #tpu.memory_space<semaphore_mem>>) src(%dma_wait3A_135 : memref<10000x128xf32, #tpu.memory_space<hbm>>) dst(%arg11 : memref<80x128xf32, #tpu.memory_space<vmem>>)
      %add3A_136 = arith.constant 2 : i32
      %add3A_137 = arith.addi %add3A_95, %add3A_136 : i32
      %dma_start3A_138 = arith.constant 0 : i32
      %dma_start3A_139 = tpu.memref_slice %arg8[%add3A_137, %dma_start3A_138] : memref<32x80xi32, #tpu.memory_space<vmem>> -> memref<1x80xi32, #tpu.memory_space<vmem>>
      %dma_start3A_140 = tpu.memref_squeeze %dma_start3A_139 : memref<1x80xi32, #tpu.memory_space<vmem>> -> memref<80xi32, #tpu.memory_space<vmem>>
      %dma_start3A_141 = arith.constant 0 : i32
      %dma_start3A_142 = arith.constant 0 : i32
      %dma_start3A_143 = tpu.memref_slice %arg13[%dma_start3A_141, %dma_start3A_142] : memref<10240x128xf32, #tpu.memory_space<vmem_shared>> -> memref<10240x128xf32, #tpu.memory_space<vmem_shared>>
      tpu.enqueue_indirect_dma source(%arg11 : memref<80x128xf32, #tpu.memory_space<vmem>>) target(%dma_start3A_143 : memref<10240x128xf32, #tpu.memory_space<vmem_shared>>) offsets(%dma_start3A_140 : memref<80xi32, #tpu.memory_space<vmem>>) semaphore(%arg20 : memref<!tpu.dma_semaphore, #tpu.memory_space<semaphore_mem>>) {add = true}
      %add3A_144 = arith.constant 3 : i32
      %add3A_145 = arith.addi %add3A_95, %add3A_144 : i32
      %mul3A_146 = arith.constant 80 : i32
      %mul3A_147 = arith.muli %add3A_145, %mul3A_146 : i32
      %dma_wait3A_148 = tpu.memref_slice %arg7[%mul3A_147] : memref<2560xi32, #tpu.memory_space<vmem>> -> memref<80xi32, #tpu.memory_space<vmem>>
      %dma_wait3A_149 = arith.constant 0 : i32
      %dma_wait3A_150 = arith.constant 0 : i32
      %dma_wait3A_151 = tpu.memref_slice %arg2[%dma_wait3A_149, %dma_wait3A_150] : memref<10000x128xf32, #tpu.memory_space<hbm>> -> memref<10000x128xf32, #tpu.memory_space<hbm>>
      tpu.wait_indirect_dma semaphore(%arg17 : memref<!tpu.dma_semaphore, #tpu.memory_space<semaphore_mem>>) src(%dma_wait3A_151 : memref<10000x128xf32, #tpu.memory_space<hbm>>) dst(%arg12 : memref<80x128xf32, #tpu.memory_space<vmem>>)
      %add3A_152 = arith.constant 3 : i32
      %add3A_153 = arith.addi %add3A_95, %add3A_152 : i32
      %dma_start3A_154 = arith.constant 0 : i32
      %dma_start3A_155 = tpu.memref_slice %arg8[%add3A_153, %dma_start3A_154] : memref<32x80xi32, #tpu.memory_space<vmem>> -> memref<1x80xi32, #tpu.memory_space<vmem>>
      %dma_start3A_156 = tpu.memref_squeeze %dma_start3A_155 : memref<1x80xi32, #tpu.memory_space<vmem>> -> memref<80xi32, #tpu.memory_space<vmem>>
      %dma_start3A_157 = arith.constant 0 : i32
      %dma_start3A_158 = arith.constant 0 : i32
      %dma_start3A_159 = tpu.memref_slice %arg13[%dma_start3A_157, %dma_start3A_158] : memref<10240x128xf32, #tpu.memory_space<vmem_shared>> -> memref<10240x128xf32, #tpu.memory_space<vmem_shared>>
      tpu.enqueue_indirect_dma source(%arg12 : memref<80x128xf32, #tpu.memory_space<vmem>>) target(%dma_start3A_159 : memref<10240x128xf32, #tpu.memory_space<vmem_shared>>) offsets(%dma_start3A_156 : memref<80xi32, #tpu.memory_space<vmem>>) semaphore(%arg21 : memref<!tpu.dma_semaphore, #tpu.memory_space<semaphore_mem>>) {add = true}
      %dma_wait3A_160 = arith.constant 0 : i32
      %dma_wait3A_161 = tpu.memref_slice %arg8[%add3A_105, %dma_wait3A_160] : memref<32x80xi32, #tpu.memory_space<vmem>> -> memref<1x80xi32, #tpu.memory_space<vmem>>
      %dma_wait3A_162 = tpu.memref_squeeze %dma_wait3A_161 : memref<1x80xi32, #tpu.memory_space<vmem>> -> memref<80xi32, #tpu.memory_space<vmem>>
      %dma_wait3A_163 = arith.constant 0 : i32
      %dma_wait3A_164 = arith.constant 0 : i32
      %dma_wait3A_165 = tpu.memref_slice %arg13[%dma_wait3A_163, %dma_wait3A_164] : memref<10240x128xf32, #tpu.memory_space<vmem_shared>> -> memref<10240x128xf32, #tpu.memory_space<vmem_shared>>
      tpu.wait_indirect_dma semaphore(%arg18 : memref<!tpu.dma_semaphore, #tpu.memory_space<semaphore_mem>>) src(%arg9 : memref<80x128xf32, #tpu.memory_space<vmem>>) dst(%dma_wait3A_165 : memref<10240x128xf32, #tpu.memory_space<vmem_shared>>)
      %add3A_166 = arith.constant 0 : i32
      %add3A_167 = arith.addi %add3A_95, %add3A_166 : i32
      %add3A_168 = arith.constant 4 : i32
      %add3A_169 = arith.addi %add3A_167, %add3A_168 : i32
      %mul3A_170 = arith.constant 80 : i32
      %mul3A_171 = arith.muli %add3A_169, %mul3A_170 : i32
      %dma_start3A_172 = tpu.memref_slice %arg7[%mul3A_171] : memref<2560xi32, #tpu.memory_space<vmem>> -> memref<80xi32, #tpu.memory_space<vmem>>
      %dma_start3A_173 = arith.constant 0 : i32
      %dma_start3A_174 = arith.constant 0 : i32
      %dma_start3A_175 = tpu.memref_slice %arg2[%dma_start3A_173, %dma_start3A_174] : memref<10000x128xf32, #tpu.memory_space<hbm>> -> memref<10000x128xf32, #tpu.memory_space<hbm>>
      tpu.enqueue_indirect_dma source(%dma_start3A_175 : memref<10000x128xf32, #tpu.memory_space<hbm>>) target(%arg9 : memref<80x128xf32, #tpu.memory_space<vmem>>) offsets(%dma_start3A_172 : memref<80xi32, #tpu.memory_space<vmem>>) semaphore(%arg14 : memref<!tpu.dma_semaphore, #tpu.memory_space<semaphore_mem>>)
      %dma_wait3A_176 = arith.constant 0 : i32
      %dma_wait3A_177 = tpu.memref_slice %arg8[%add3A_121, %dma_wait3A_176] : memref<32x80xi32, #tpu.memory_space<vmem>> -> memref<1x80xi32, #tpu.memory_space<vmem>>
      %dma_wait3A_178 = tpu.memref_squeeze %dma_wait3A_177 : memref<1x80xi32, #tpu.memory_space<vmem>> -> memref<80xi32, #tpu.memory_space<vmem>>
      %dma_wait3A_179 = arith.constant 0 : i32
      %dma_wait3A_180 = arith.constant 0 : i32
      %dma_wait3A_181 = tpu.memref_slice %arg13[%dma_wait3A_179, %dma_wait3A_180] : memref<10240x128xf32, #tpu.memory_space<vmem_shared>> -> memref<10240x128xf32, #tpu.memory_space<vmem_shared>>
      tpu.wait_indirect_dma semaphore(%arg19 : memref<!tpu.dma_semaphore, #tpu.memory_space<semaphore_mem>>) src(%arg10 : memref<80x128xf32, #tpu.memory_space<vmem>>) dst(%dma_wait3A_181 : memref<10240x128xf32, #tpu.memory_space<vmem_shared>>)
      %add3A_182 = arith.constant 1 : i32
      %add3A_183 = arith.addi %add3A_95, %add3A_182 : i32
      %add3A_184 = arith.constant 4 : i32
      %add3A_185 = arith.addi %add3A_183, %add3A_184 : i32
      %mul3A_186 = arith.constant 80 : i32
      %mul3A_187 = arith.muli %add3A_185, %mul3A_186 : i32
      %dma_start3A_188 = tpu.memref_slice %arg7[%mul3A_187] : memref<2560xi32, #tpu.memory_space<vmem>> -> memref<80xi32, #tpu.memory_space<vmem>>
      %dma_start3A_189 = arith.constant 0 : i32
      %dma_start3A_190 = arith.constant 0 : i32
      %dma_start3A_191 = tpu.memref_slice %arg2[%dma_start3A_189, %dma_start3A_190] : memref<10000x128xf32, #tpu.memory_space<hbm>> -> memref<10000x128xf32, #tpu.memory_space<hbm>>
      tpu.enqueue_indirect_dma source(%dma_start3A_191 : memref<10000x128xf32, #tpu.memory_space<hbm>>) target(%arg10 : memref<80x128xf32, #tpu.memory_space<vmem>>) offsets(%dma_start3A_188 : memref<80xi32, #tpu.memory_space<vmem>>) semaphore(%arg15 : memref<!tpu.dma_semaphore, #tpu.memory_space<semaphore_mem>>)
      %dma_wait3A_192 = arith.constant 0 : i32
      %dma_wait3A_193 = tpu.memref_slice %arg8[%add3A_137, %dma_wait3A_192] : memref<32x80xi32, #tpu.memory_space<vmem>> -> memref<1x80xi32, #tpu.memory_space<vmem>>
      %dma_wait3A_194 = tpu.memref_squeeze %dma_wait3A_193 : memref<1x80xi32, #tpu.memory_space<vmem>> -> memref<80xi32, #tpu.memory_space<vmem>>
      %dma_wait3A_195 = arith.constant 0 : i32
      %dma_wait3A_196 = arith.constant 0 : i32
      %dma_wait3A_197 = tpu.memref_slice %arg13[%dma_wait3A_195, %dma_wait3A_196] : memref<10240x128xf32, #tpu.memory_space<vmem_shared>> -> memref<10240x128xf32, #tpu.memory_space<vmem_shared>>
      tpu.wait_indirect_dma semaphore(%arg20 : memref<!tpu.dma_semaphore, #tpu.memory_space<semaphore_mem>>) src(%arg11 : memref<80x128xf32, #tpu.memory_space<vmem>>) dst(%dma_wait3A_197 : memref<10240x128xf32, #tpu.memory_space<vmem_shared>>)
      %add3A_198 = arith.constant 2 : i32
      %add3A_199 = arith.addi %add3A_95, %add3A_198 : i32
      %add3A_200 = arith.constant 4 : i32
      %add3A_201 = arith.addi %add3A_199, %add3A_200 : i32
      %mul3A_202 = arith.constant 80 : i32
      %mul3A_203 = arith.muli %add3A_201, %mul3A_202 : i32
      %dma_start3A_204 = tpu.memref_slice %arg7[%mul3A_203] : memref<2560xi32, #tpu.memory_space<vmem>> -> memref<80xi32, #tpu.memory_space<vmem>>
      %dma_start3A_205 = arith.constant 0 : i32
      %dma_start3A_206 = arith.constant 0 : i32
      %dma_start3A_207 = tpu.memref_slice %arg2[%dma_start3A_205, %dma_start3A_206] : memref<10000x128xf32, #tpu.memory_space<hbm>> -> memref<10000x128xf32, #tpu.memory_space<hbm>>
      tpu.enqueue_indirect_dma source(%dma_start3A_207 : memref<10000x128xf32, #tpu.memory_space<hbm>>) target(%arg11 : memref<80x128xf32, #tpu.memory_space<vmem>>) offsets(%dma_start3A_204 : memref<80xi32, #tpu.memory_space<vmem>>) semaphore(%arg16 : memref<!tpu.dma_semaphore, #tpu.memory_space<semaphore_mem>>)
      %dma_wait3A_208 = arith.constant 0 : i32
      %dma_wait3A_209 = tpu.memref_slice %arg8[%add3A_153, %dma_wait3A_208] : memref<32x80xi32, #tpu.memory_space<vmem>> -> memref<1x80xi32, #tpu.memory_space<vmem>>
      %dma_wait3A_210 = tpu.memref_squeeze %dma_wait3A_209 : memref<1x80xi32, #tpu.memory_space<vmem>> -> memref<80xi32, #tpu.memory_space<vmem>>
      %dma_wait3A_211 = arith.constant 0 : i32
      %dma_wait3A_212 = arith.constant 0 : i32
      %dma_wait3A_213 = tpu.memref_slice %arg13[%dma_wait3A_211, %dma_wait3A_212] : memref<10240x128xf32, #tpu.memory_space<vmem_shared>> -> memref<10240x128xf32, #tpu.memory_space<vmem_shared>>
      tpu.wait_indirect_dma semaphore(%arg21 : memref<!tpu.dma_semaphore, #tpu.memory_space<semaphore_mem>>) src(%arg12 : memref<80x128xf32, #tpu.memory_space<vmem>>) dst(%dma_wait3A_213 : memref<10240x128xf32, #tpu.memory_space<vmem_shared>>)
      %add3A_214 = arith.constant 3 : i32
      %add3A_215 = arith.addi %add3A_95, %add3A_214 : i32
      %add3A_216 = arith.constant 4 : i32
      %add3A_217 = arith.addi %add3A_215, %add3A_216 : i32
      %mul3A_218 = arith.constant 80 : i32
      %mul3A_219 = arith.muli %add3A_217, %mul3A_218 : i32
      %dma_start3A_220 = tpu.memref_slice %arg7[%mul3A_219] : memref<2560xi32, #tpu.memory_space<vmem>> -> memref<80xi32, #tpu.memory_space<vmem>>
      %dma_start3A_221 = arith.constant 0 : i32
      %dma_start3A_222 = arith.constant 0 : i32
      %dma_start3A_223 = tpu.memref_slice %arg2[%dma_start3A_221, %dma_start3A_222] : memref<10000x128xf32, #tpu.memory_space<hbm>> -> memref<10000x128xf32, #tpu.memory_space<hbm>>
      tpu.enqueue_indirect_dma source(%dma_start3A_223 : memref<10000x128xf32, #tpu.memory_space<hbm>>) target(%arg12 : memref<80x128xf32, #tpu.memory_space<vmem>>) offsets(%dma_start3A_220 : memref<80xi32, #tpu.memory_space<vmem>>) semaphore(%arg17 : memref<!tpu.dma_semaphore, #tpu.memory_space<semaphore_mem>>)
    }
    %scan3A_54 = arith.constant 7 : i32
    %dma_wait3A_55 = arith.constant 2240 : i32
    %dma_wait3A_56 = tpu.memref_slice %arg7[%dma_wait3A_55] : memref<2560xi32, #tpu.memory_space<vmem>> -> memref<80xi32, #tpu.memory_space<vmem>>
    %dma_wait3A_57 = arith.constant 0 : i32
    %dma_wait3A_58 = arith.constant 0 : i32
    %dma_wait3A_59 = tpu.memref_slice %arg2[%dma_wait3A_57, %dma_wait3A_58] : memref<10000x128xf32, #tpu.memory_space<hbm>> -> memref<10000x128xf32, #tpu.memory_space<hbm>>
    tpu.wait_indirect_dma semaphore(%arg14 : memref<!tpu.dma_semaphore, #tpu.memory_space<semaphore_mem>>) src(%dma_wait3A_59 : memref<10000x128xf32, #tpu.memory_space<hbm>>) dst(%arg9 : memref<80x128xf32, #tpu.memory_space<vmem>>)
    %run_scoped3A = arith.constant 28 : i32
    "tpu.region"() ({
      %run_scoped3A_91 = tpu.sem_alloc : memref<!tpu.dma_semaphore, #tpu.memory_space<semaphore_mem>>
      %dma_start3A_92 = arith.constant 0 : i32
      %dma_start3A_93 = tpu.memref_slice %arg8[%run_scoped3A, %dma_start3A_92] : memref<32x80xi32, #tpu.memory_space<vmem>> -> memref<1x80xi32, #tpu.memory_space<vmem>>
      %dma_start3A_94 = tpu.memref_squeeze %dma_start3A_93 : memref<1x80xi32, #tpu.memory_space<vmem>> -> memref<80xi32, #tpu.memory_space<vmem>>
      %dma_start3A_95 = arith.constant 0 : i32
      %dma_start3A_96 = arith.constant 0 : i32
      %dma_start3A_97 = tpu.memref_slice %arg13[%dma_start3A_95, %dma_start3A_96] : memref<10240x128xf32, #tpu.memory_space<vmem_shared>> -> memref<10240x128xf32, #tpu.memory_space<vmem_shared>>
      tpu.enqueue_indirect_dma source(%arg9 : memref<80x128xf32, #tpu.memory_space<vmem>>) target(%dma_start3A_97 : memref<10240x128xf32, #tpu.memory_space<vmem_shared>>) offsets(%dma_start3A_94 : memref<80xi32, #tpu.memory_space<vmem>>) semaphore(%run_scoped3A_91 : memref<!tpu.dma_semaphore, #tpu.memory_space<semaphore_mem>>) {add = true}
      %dma_wait3A_98 = arith.constant 0 : i32
      %dma_wait3A_99 = tpu.memref_slice %arg8[%run_scoped3A, %dma_wait3A_98] : memref<32x80xi32, #tpu.memory_space<vmem>> -> memref<1x80xi32, #tpu.memory_space<vmem>>
      %dma_wait3A_100 = tpu.memref_squeeze %dma_wait3A_99 : memref<1x80xi32, #tpu.memory_space<vmem>> -> memref<80xi32, #tpu.memory_space<vmem>>
      %dma_wait3A_101 = arith.constant 0 : i32
      %dma_wait3A_102 = arith.constant 0 : i32
      %dma_wait3A_103 = tpu.memref_slice %arg13[%dma_wait3A_101, %dma_wait3A_102] : memref<10240x128xf32, #tpu.memory_space<vmem_shared>> -> memref<10240x128xf32, #tpu.memory_space<vmem_shared>>
      tpu.wait_indirect_dma semaphore(%run_scoped3A_91 : memref<!tpu.dma_semaphore, #tpu.memory_space<semaphore_mem>>) src(%arg9 : memref<80x128xf32, #tpu.memory_space<vmem>>) dst(%dma_wait3A_103 : memref<10240x128xf32, #tpu.memory_space<vmem_shared>>)
      tpu.yield
    }) : () -> ()
    %dma_wait3A_60 = arith.constant 2320 : i32
    %dma_wait3A_61 = tpu.memref_slice %arg7[%dma_wait3A_60] : memref<2560xi32, #tpu.memory_space<vmem>> -> memref<80xi32, #tpu.memory_space<vmem>>
    %dma_wait3A_62 = arith.constant 0 : i32
    %dma_wait3A_63 = arith.constant 0 : i32
    %dma_wait3A_64 = tpu.memref_slice %arg2[%dma_wait3A_62, %dma_wait3A_63] : memref<10000x128xf32, #tpu.memory_space<hbm>> -> memref<10000x128xf32, #tpu.memory_space<hbm>>
    tpu.wait_indirect_dma semaphore(%arg15 : memref<!tpu.dma_semaphore, #tpu.memory_space<semaphore_mem>>) src(%dma_wait3A_64 : memref<10000x128xf32, #tpu.memory_space<hbm>>) dst(%arg10 : memref<80x128xf32, #tpu.memory_space<vmem>>)
    %run_scoped3A_65 = arith.constant 29 : i32
    "tpu.region"() ({
      %run_scoped3A_91 = tpu.sem_alloc : memref<!tpu.dma_semaphore, #tpu.memory_space<semaphore_mem>>
      %dma_start3A_92 = arith.constant 0 : i32
      %dma_start3A_93 = tpu.memref_slice %arg8[%run_scoped3A_65, %dma_start3A_92] : memref<32x80xi32, #tpu.memory_space<vmem>> -> memref<1x80xi32, #tpu.memory_space<vmem>>
      %dma_start3A_94 = tpu.memref_squeeze %dma_start3A_93 : memref<1x80xi32, #tpu.memory_space<vmem>> -> memref<80xi32, #tpu.memory_space<vmem>>
      %dma_start3A_95 = arith.constant 0 : i32
      %dma_start3A_96 = arith.constant 0 : i32
      %dma_start3A_97 = tpu.memref_slice %arg13[%dma_start3A_95, %dma_start3A_96] : memref<10240x128xf32, #tpu.memory_space<vmem_shared>> -> memref<10240x128xf32, #tpu.memory_space<vmem_shared>>
      tpu.enqueue_indirect_dma source(%arg10 : memref<80x128xf32, #tpu.memory_space<vmem>>) target(%dma_start3A_97 : memref<10240x128xf32, #tpu.memory_space<vmem_shared>>) offsets(%dma_start3A_94 : memref<80xi32, #tpu.memory_space<vmem>>) semaphore(%run_scoped3A_91 : memref<!tpu.dma_semaphore, #tpu.memory_space<semaphore_mem>>) {add = true}
      %dma_wait3A_98 = arith.constant 0 : i32
      %dma_wait3A_99 = tpu.memref_slice %arg8[%run_scoped3A_65, %dma_wait3A_98] : memref<32x80xi32, #tpu.memory_space<vmem>> -> memref<1x80xi32, #tpu.memory_space<vmem>>
      %dma_wait3A_100 = tpu.memref_squeeze %dma_wait3A_99 : memref<1x80xi32, #tpu.memory_space<vmem>> -> memref<80xi32, #tpu.memory_space<vmem>>
      %dma_wait3A_101 = arith.constant 0 : i32
      %dma_wait3A_102 = arith.constant 0 : i32
      %dma_wait3A_103 = tpu.memref_slice %arg13[%dma_wait3A_101, %dma_wait3A_102] : memref<10240x128xf32, #tpu.memory_space<vmem_shared>> -> memref<10240x128xf32, #tpu.memory_space<vmem_shared>>
      tpu.wait_indirect_dma semaphore(%run_scoped3A_91 : memref<!tpu.dma_semaphore, #tpu.memory_space<semaphore_mem>>) src(%arg10 : memref<80x128xf32, #tpu.memory_space<vmem>>) dst(%dma_wait3A_103 : memref<10240x128xf32, #tpu.memory_space<vmem_shared>>)
      tpu.yield
    }) : () -> ()
    %dma_wait3A_66 = arith.constant 2400 : i32
    %dma_wait3A_67 = tpu.memref_slice %arg7[%dma_wait3A_66] : memref<2560xi32, #tpu.memory_space<vmem>> -> memref<80xi32, #tpu.memory_space<vmem>>
    %dma_wait3A_68 = arith.constant 0 : i32
    %dma_wait3A_69 = arith.constant 0 : i32
    %dma_wait3A_70 = tpu.memref_slice %arg2[%dma_wait3A_68, %dma_wait3A_69] : memref<10000x128xf32, #tpu.memory_space<hbm>> -> memref<10000x128xf32, #tpu.memory_space<hbm>>
    tpu.wait_indirect_dma semaphore(%arg16 : memref<!tpu.dma_semaphore, #tpu.memory_space<semaphore_mem>>) src(%dma_wait3A_70 : memref<10000x128xf32, #tpu.memory_space<hbm>>) dst(%arg11 : memref<80x128xf32, #tpu.memory_space<vmem>>)
    %run_scoped3A_71 = arith.constant 30 : i32
    "tpu.region"() ({
      %run_scoped3A_91 = tpu.sem_alloc : memref<!tpu.dma_semaphore, #tpu.memory_space<semaphore_mem>>
      %dma_start3A_92 = arith.constant 0 : i32
      %dma_start3A_93 = tpu.memref_slice %arg8[%run_scoped3A_71, %dma_start3A_92] : memref<32x80xi32, #tpu.memory_space<vmem>> -> memref<1x80xi32, #tpu.memory_space<vmem>>
      %dma_start3A_94 = tpu.memref_squeeze %dma_start3A_93 : memref<1x80xi32, #tpu.memory_space<vmem>> -> memref<80xi32, #tpu.memory_space<vmem>>
      %dma_start3A_95 = arith.constant 0 : i32
      %dma_start3A_96 = arith.constant 0 : i32
      %dma_start3A_97 = tpu.memref_slice %arg13[%dma_start3A_95, %dma_start3A_96] : memref<10240x128xf32, #tpu.memory_space<vmem_shared>> -> memref<10240x128xf32, #tpu.memory_space<vmem_shared>>
      tpu.enqueue_indirect_dma source(%arg11 : memref<80x128xf32, #tpu.memory_space<vmem>>) target(%dma_start3A_97 : memref<10240x128xf32, #tpu.memory_space<vmem_shared>>) offsets(%dma_start3A_94 : memref<80xi32, #tpu.memory_space<vmem>>) semaphore(%run_scoped3A_91 : memref<!tpu.dma_semaphore, #tpu.memory_space<semaphore_mem>>) {add = true}
      %dma_wait3A_98 = arith.constant 0 : i32
      %dma_wait3A_99 = tpu.memref_slice %arg8[%run_scoped3A_71, %dma_wait3A_98] : memref<32x80xi32, #tpu.memory_space<vmem>> -> memref<1x80xi32, #tpu.memory_space<vmem>>
      %dma_wait3A_100 = tpu.memref_squeeze %dma_wait3A_99 : memref<1x80xi32, #tpu.memory_space<vmem>> -> memref<80xi32, #tpu.memory_space<vmem>>
      %dma_wait3A_101 = arith.constant 0 : i32
      %dma_wait3A_102 = arith.constant 0 : i32
      %dma_wait3A_103 = tpu.memref_slice %arg13[%dma_wait3A_101, %dma_wait3A_102] : memref<10240x128xf32, #tpu.memory_space<vmem_shared>> -> memref<10240x128xf32, #tpu.memory_space<vmem_shared>>
      tpu.wait_indirect_dma semaphore(%run_scoped3A_91 : memref<!tpu.dma_semaphore, #tpu.memory_space<semaphore_mem>>) src(%arg11 : memref<80x128xf32, #tpu.memory_space<vmem>>) dst(%dma_wait3A_103 : memref<10240x128xf32, #tpu.memory_space<vmem_shared>>)
      tpu.yield
    }) : () -> ()
    %dma_wait3A_72 = arith.constant 2480 : i32
    %dma_wait3A_73 = tpu.memref_slice %arg7[%dma_wait3A_72] : memref<2560xi32, #tpu.memory_space<vmem>> -> memref<80xi32, #tpu.memory_space<vmem>>
    %dma_wait3A_74 = arith.constant 0 : i32
    %dma_wait3A_75 = arith.constant 0 : i32
    %dma_wait3A_76 = tpu.memref_slice %arg2[%dma_wait3A_74, %dma_wait3A_75] : memref<10000x128xf32, #tpu.memory_space<hbm>> -> memref<10000x128xf32, #tpu.memory_space<hbm>>
    tpu.wait_indirect_dma semaphore(%arg17 : memref<!tpu.dma_semaphore, #tpu.memory_space<semaphore_mem>>) src(%dma_wait3A_76 : memref<10000x128xf32, #tpu.memory_space<hbm>>) dst(%arg12 : memref<80x128xf32, #tpu.memory_space<vmem>>)
    %run_scoped3A_77 = arith.constant 31 : i32
    "tpu.region"() ({
      %run_scoped3A_91 = tpu.sem_alloc : memref<!tpu.dma_semaphore, #tpu.memory_space<semaphore_mem>>
      %dma_start3A_92 = arith.constant 0 : i32
      %dma_start3A_93 = tpu.memref_slice %arg8[%run_scoped3A_77, %dma_start3A_92] : memref<32x80xi32, #tpu.memory_space<vmem>> -> memref<1x80xi32, #tpu.memory_space<vmem>>
      %dma_start3A_94 = tpu.memref_squeeze %dma_start3A_93 : memref<1x80xi32, #tpu.memory_space<vmem>> -> memref<80xi32, #tpu.memory_space<vmem>>
      %dma_start3A_95 = arith.constant 0 : i32
      %dma_start3A_96 = arith.constant 0 : i32
      %dma_start3A_97 = tpu.memref_slice %arg13[%dma_start3A_95, %dma_start3A_96] : memref<10240x128xf32, #tpu.memory_space<vmem_shared>> -> memref<10240x128xf32, #tpu.memory_space<vmem_shared>>
      tpu.enqueue_indirect_dma source(%arg12 : memref<80x128xf32, #tpu.memory_space<vmem>>) target(%dma_start3A_97 : memref<10240x128xf32, #tpu.memory_space<vmem_shared>>) offsets(%dma_start3A_94 : memref<80xi32, #tpu.memory_space<vmem>>) semaphore(%run_scoped3A_91 : memref<!tpu.dma_semaphore, #tpu.memory_space<semaphore_mem>>) {add = true}
      %dma_wait3A_98 = arith.constant 0 : i32
      %dma_wait3A_99 = tpu.memref_slice %arg8[%run_scoped3A_77, %dma_wait3A_98] : memref<32x80xi32, #tpu.memory_space<vmem>> -> memref<1x80xi32, #tpu.memory_space<vmem>>
      %dma_wait3A_100 = tpu.memref_squeeze %dma_wait3A_99 : memref<1x80xi32, #tpu.memory_space<vmem>> -> memref<80xi32, #tpu.memory_space<vmem>>
      %dma_wait3A_101 = arith.constant 0 : i32
      %dma_wait3A_102 = arith.constant 0 : i32
      %dma_wait3A_103 = tpu.memref_slice %arg13[%dma_wait3A_101, %dma_wait3A_102] : memref<10240x128xf32, #tpu.memory_space<vmem_shared>> -> memref<10240x128xf32, #tpu.memory_space<vmem_shared>>
      tpu.wait_indirect_dma semaphore(%run_scoped3A_91 : memref<!tpu.dma_semaphore, #tpu.memory_space<semaphore_mem>>) src(%arg12 : memref<80x128xf32, #tpu.memory_space<vmem>>) dst(%dma_wait3A_103 : memref<10240x128xf32, #tpu.memory_space<vmem_shared>>)
      tpu.yield
    }) : () -> ()
    %scan3A_78 = arith.constant 0 : i32
    %scan3A_79 = arith.constant 3 : i32
    %scan3A_80 = arith.addi %scan3A_78, %scan3A_79 : i32
    %scan3A_81 = arith.constant 1 : i32
    scf.for %scan3A_91 = %scan3A_78 to %scan3A_80 step %scan3A_81  : i32 {
      %mul3A_92 = arith.constant 1 : i32
      %mul3A_93 = arith.muli %scan3A_91, %mul3A_92 : i32
      %add3A_94 = arith.constant 1 : i32
      %add3A_95 = arith.addi %add3A_94, %mul3A_93 : i32
      %mul3A_96 = arith.constant 10240 : i32
      %mul3A_97 = arith.muli %add3A, %mul3A_96 : i32
      %mul3A_98 = arith.constant 32 : i32
      %mul3A_99 = arith.muli %add3A_95, %mul3A_98 : i32
      %mul3A_100 = arith.constant 80 : i32
      %mul3A_101 = arith.muli %mul3A_99, %mul3A_100 : i32
      %add3A_102 = arith.addi %mul3A_97, %mul3A_101 : i32
      %dma_start3A_103 = tpu.memref_slice %arg3[%add3A_102] : memref<327680xi32, #tpu.memory_space<hbm>> -> memref<2560xi32, #tpu.memory_space<hbm>>
      %dma_start3A_104 = tpu.memref_slice %arg3[%add3A_102] : memref<327680xi32, #tpu.memory_space<hbm>> -> memref<2560xi32, #tpu.memory_space<hbm>>
      tpu.enqueue_dma source(%dma_start3A_104 : memref<2560xi32, #tpu.memory_space<hbm>>) target(%arg7 : memref<2560xi32, #tpu.memory_space<vmem>>) target_semaphore(%arg14 : memref<!tpu.dma_semaphore, #tpu.memory_space<semaphore_mem>>)
      %dma_start3A_105 = arith.constant 0 : i32
      %dma_start3A_106 = arith.constant 0 : i32
      %dma_start3A_107 = tpu.memref_slice %arg4[%add3A, %add3A_95, %dma_start3A_105, %dma_start3A_106] : memref<32x4x32x80xi32, #tpu.memory_space<hbm>> -> memref<1x1x32x80xi32, #tpu.memory_space<hbm>>
      %dma_start3A_108 = tpu.memref_squeeze %dma_start3A_107 : memref<1x1x32x80xi32, #tpu.memory_space<hbm>> -> memref<32x80xi32, #tpu.memory_space<hbm>>
      %dma_start3A_109 = arith.constant 0 : i32
      %dma_start3A_110 = arith.constant 0 : i32
      %dma_start3A_111 = tpu.memref_slice %arg4[%add3A, %add3A_95, %dma_start3A_109, %dma_start3A_110] : memref<32x4x32x80xi32, #tpu.memory_space<hbm>> -> memref<1x1x32x80xi32, #tpu.memory_space<hbm>>
      %dma_start3A_112 = tpu.memref_squeeze %dma_start3A_111 : memref<1x1x32x80xi32, #tpu.memory_space<hbm>> -> memref<32x80xi32, #tpu.memory_space<hbm>>
      tpu.enqueue_dma source(%dma_start3A_112 : memref<32x80xi32, #tpu.memory_space<hbm>>) target(%arg8 : memref<32x80xi32, #tpu.memory_space<vmem>>) target_semaphore(%arg15 : memref<!tpu.dma_semaphore, #tpu.memory_space<semaphore_mem>>)
      %dma_wait3A_113 = tpu.memref_slice %arg3[%add3A_102] : memref<327680xi32, #tpu.memory_space<hbm>> -> memref<2560xi32, #tpu.memory_space<hbm>>
      %dma_wait3A_114 = tpu.memref_slice %arg3[%add3A_102] : memref<327680xi32, #tpu.memory_space<hbm>> -> memref<2560xi32, #tpu.memory_space<hbm>>
      tpu.wait_dma2 semaphore(%arg14 : memref<!tpu.dma_semaphore, #tpu.memory_space<semaphore_mem>>) src(%dma_wait3A_114 : memref<2560xi32, #tpu.memory_space<hbm>>) dst(%arg7 : memref<2560xi32, #tpu.memory_space<vmem>>)
      %dma_wait3A_115 = arith.constant 0 : i32
      %dma_wait3A_116 = arith.constant 0 : i32
      %dma_wait3A_117 = tpu.memref_slice %arg4[%add3A, %add3A_95, %dma_wait3A_115, %dma_wait3A_116] : memref<32x4x32x80xi32, #tpu.memory_space<hbm>> -> memref<1x1x32x80xi32, #tpu.memory_space<hbm>>
      %dma_wait3A_118 = tpu.memref_squeeze %dma_wait3A_117 : memref<1x1x32x80xi32, #tpu.memory_space<hbm>> -> memref<32x80xi32, #tpu.memory_space<hbm>>
      %dma_wait3A_119 = arith.constant 0 : i32
      %dma_wait3A_120 = arith.constant 0 : i32
      %dma_wait3A_121 = tpu.memref_slice %arg4[%add3A, %add3A_95, %dma_wait3A_119, %dma_wait3A_120] : memref<32x4x32x80xi32, #tpu.memory_space<hbm>> -> memref<1x1x32x80xi32, #tpu.memory_space<hbm>>
      %dma_wait3A_122 = tpu.memref_squeeze %dma_wait3A_121 : memref<1x1x32x80xi32, #tpu.memory_space<hbm>> -> memref<32x80xi32, #tpu.memory_space<hbm>>
      tpu.wait_dma2 semaphore(%arg15 : memref<!tpu.dma_semaphore, #tpu.memory_space<semaphore_mem>>) src(%dma_wait3A_122 : memref<32x80xi32, #tpu.memory_space<hbm>>) dst(%arg8 : memref<32x80xi32, #tpu.memory_space<vmem>>)
      %dma_start3A_123 = arith.constant 0 : i32
      %dma_start3A_124 = tpu.memref_slice %arg7[%dma_start3A_123] : memref<2560xi32, #tpu.memory_space<vmem>> -> memref<80xi32, #tpu.memory_space<vmem>>
      %dma_start3A_125 = arith.constant 0 : i32
      %dma_start3A_126 = arith.constant 0 : i32
      %dma_start3A_127 = tpu.memref_slice %arg2[%dma_start3A_125, %dma_start3A_126] : memref<10000x128xf32, #tpu.memory_space<hbm>> -> memref<10000x128xf32, #tpu.memory_space<hbm>>
      tpu.enqueue_indirect_dma source(%dma_start3A_127 : memref<10000x128xf32, #tpu.memory_space<hbm>>) target(%arg9 : memref<80x128xf32, #tpu.memory_space<vmem>>) offsets(%dma_start3A_124 : memref<80xi32, #tpu.memory_space<vmem>>) semaphore(%arg14 : memref<!tpu.dma_semaphore, #tpu.memory_space<semaphore_mem>>)
      %dma_start3A_128 = arith.constant 80 : i32
      %dma_start3A_129 = tpu.memref_slice %arg7[%dma_start3A_128] : memref<2560xi32, #tpu.memory_space<vmem>> -> memref<80xi32, #tpu.memory_space<vmem>>
      %dma_start3A_130 = arith.constant 0 : i32
      %dma_start3A_131 = arith.constant 0 : i32
      %dma_start3A_132 = tpu.memref_slice %arg2[%dma_start3A_130, %dma_start3A_131] : memref<10000x128xf32, #tpu.memory_space<hbm>> -> memref<10000x128xf32, #tpu.memory_space<hbm>>
      tpu.enqueue_indirect_dma source(%dma_start3A_132 : memref<10000x128xf32, #tpu.memory_space<hbm>>) target(%arg10 : memref<80x128xf32, #tpu.memory_space<vmem>>) offsets(%dma_start3A_129 : memref<80xi32, #tpu.memory_space<vmem>>) semaphore(%arg15 : memref<!tpu.dma_semaphore, #tpu.memory_space<semaphore_mem>>)
      %dma_start3A_133 = arith.constant 160 : i32
      %dma_start3A_134 = tpu.memref_slice %arg7[%dma_start3A_133] : memref<2560xi32, #tpu.memory_space<vmem>> -> memref<80xi32, #tpu.memory_space<vmem>>
      %dma_start3A_135 = arith.constant 0 : i32
      %dma_start3A_136 = arith.constant 0 : i32
      %dma_start3A_137 = tpu.memref_slice %arg2[%dma_start3A_135, %dma_start3A_136] : memref<10000x128xf32, #tpu.memory_space<hbm>> -> memref<10000x128xf32, #tpu.memory_space<hbm>>
      tpu.enqueue_indirect_dma source(%dma_start3A_137 : memref<10000x128xf32, #tpu.memory_space<hbm>>) target(%arg11 : memref<80x128xf32, #tpu.memory_space<vmem>>) offsets(%dma_start3A_134 : memref<80xi32, #tpu.memory_space<vmem>>) semaphore(%arg16 : memref<!tpu.dma_semaphore, #tpu.memory_space<semaphore_mem>>)
      %dma_start3A_138 = arith.constant 240 : i32
      %dma_start3A_139 = tpu.memref_slice %arg7[%dma_start3A_138] : memref<2560xi32, #tpu.memory_space<vmem>> -> memref<80xi32, #tpu.memory_space<vmem>>
      %dma_start3A_140 = arith.constant 0 : i32
      %dma_start3A_141 = arith.constant 0 : i32
      %dma_start3A_142 = tpu.memref_slice %arg2[%dma_start3A_140, %dma_start3A_141] : memref<10000x128xf32, #tpu.memory_space<hbm>> -> memref<10000x128xf32, #tpu.memory_space<hbm>>
      tpu.enqueue_indirect_dma source(%dma_start3A_142 : memref<10000x128xf32, #tpu.memory_space<hbm>>) target(%arg12 : memref<80x128xf32, #tpu.memory_space<vmem>>) offsets(%dma_start3A_139 : memref<80xi32, #tpu.memory_space<vmem>>) semaphore(%arg17 : memref<!tpu.dma_semaphore, #tpu.memory_space<semaphore_mem>>)
      %scan3A_143 = arith.constant 0 : i32
      %scan3A_144 = arith.constant 7 : i32
      %scan3A_145 = arith.addi %scan3A_143, %scan3A_144 : i32
      %scan3A_146 = arith.constant 1 : i32
      scf.for %scan3A_172 = %scan3A_143 to %scan3A_145 step %scan3A_146  : i32 {
        %mul3A_173 = arith.constant 4 : i32
        %mul3A_174 = arith.muli %scan3A_172, %mul3A_173 : i32
        %add3A_175 = arith.constant 0 : i32
        %add3A_176 = arith.addi %add3A_175, %mul3A_174 : i32
        %add3A_177 = arith.constant 0 : i32
        %add3A_178 = arith.addi %add3A_176, %add3A_177 : i32
        %mul3A_179 = arith.constant 80 : i32
        %mul3A_180 = arith.muli %add3A_178, %mul3A_179 : i32
        %dma_wait3A_181 = tpu.memref_slice %arg7[%mul3A_180] : memref<2560xi32, #tpu.memory_space<vmem>> -> memref<80xi32, #tpu.memory_space<vmem>>
        %dma_wait3A_182 = arith.constant 0 : i32
        %dma_wait3A_183 = arith.constant 0 : i32
        %dma_wait3A_184 = tpu.memref_slice %arg2[%dma_wait3A_182, %dma_wait3A_183] : memref<10000x128xf32, #tpu.memory_space<hbm>> -> memref<10000x128xf32, #tpu.memory_space<hbm>>
        tpu.wait_indirect_dma semaphore(%arg14 : memref<!tpu.dma_semaphore, #tpu.memory_space<semaphore_mem>>) src(%dma_wait3A_184 : memref<10000x128xf32, #tpu.memory_space<hbm>>) dst(%arg9 : memref<80x128xf32, #tpu.memory_space<vmem>>)
        %add3A_185 = arith.constant 0 : i32
        %add3A_186 = arith.addi %add3A_176, %add3A_185 : i32
        %dma_start3A_187 = arith.constant 0 : i32
        %dma_start3A_188 = tpu.memref_slice %arg8[%add3A_186, %dma_start3A_187] : memref<32x80xi32, #tpu.memory_space<vmem>> -> memref<1x80xi32, #tpu.memory_space<vmem>>
        %dma_start3A_189 = tpu.memref_squeeze %dma_start3A_188 : memref<1x80xi32, #tpu.memory_space<vmem>> -> memref<80xi32, #tpu.memory_space<vmem>>
        %dma_start3A_190 = arith.constant 0 : i32
        %dma_start3A_191 = arith.constant 0 : i32
        %dma_start3A_192 = tpu.memref_slice %arg13[%dma_start3A_190, %dma_start3A_191] : memref<10240x128xf32, #tpu.memory_space<vmem_shared>> -> memref<10240x128xf32, #tpu.memory_space<vmem_shared>>
        tpu.enqueue_indirect_dma source(%arg9 : memref<80x128xf32, #tpu.memory_space<vmem>>) target(%dma_start3A_192 : memref<10240x128xf32, #tpu.memory_space<vmem_shared>>) offsets(%dma_start3A_189 : memref<80xi32, #tpu.memory_space<vmem>>) semaphore(%arg18 : memref<!tpu.dma_semaphore, #tpu.memory_space<semaphore_mem>>) {add = true}
        %add3A_193 = arith.constant 1 : i32
        %add3A_194 = arith.addi %add3A_176, %add3A_193 : i32
        %mul3A_195 = arith.constant 80 : i32
        %mul3A_196 = arith.muli %add3A_194, %mul3A_195 : i32
        %dma_wait3A_197 = tpu.memref_slice %arg7[%mul3A_196] : memref<2560xi32, #tpu.memory_space<vmem>> -> memref<80xi32, #tpu.memory_space<vmem>>
        %dma_wait3A_198 = arith.constant 0 : i32
        %dma_wait3A_199 = arith.constant 0 : i32
        %dma_wait3A_200 = tpu.memref_slice %arg2[%dma_wait3A_198, %dma_wait3A_199] : memref<10000x128xf32, #tpu.memory_space<hbm>> -> memref<10000x128xf32, #tpu.memory_space<hbm>>
        tpu.wait_indirect_dma semaphore(%arg15 : memref<!tpu.dma_semaphore, #tpu.memory_space<semaphore_mem>>) src(%dma_wait3A_200 : memref<10000x128xf32, #tpu.memory_space<hbm>>) dst(%arg10 : memref<80x128xf32, #tpu.memory_space<vmem>>)
        %add3A_201 = arith.constant 1 : i32
        %add3A_202 = arith.addi %add3A_176, %add3A_201 : i32
        %dma_start3A_203 = arith.constant 0 : i32
        %dma_start3A_204 = tpu.memref_slice %arg8[%add3A_202, %dma_start3A_203] : memref<32x80xi32, #tpu.memory_space<vmem>> -> memref<1x80xi32, #tpu.memory_space<vmem>>
        %dma_start3A_205 = tpu.memref_squeeze %dma_start3A_204 : memref<1x80xi32, #tpu.memory_space<vmem>> -> memref<80xi32, #tpu.memory_space<vmem>>
        %dma_start3A_206 = arith.constant 0 : i32
        %dma_start3A_207 = arith.constant 0 : i32
        %dma_start3A_208 = tpu.memref_slice %arg13[%dma_start3A_206, %dma_start3A_207] : memref<10240x128xf32, #tpu.memory_space<vmem_shared>> -> memref<10240x128xf32, #tpu.memory_space<vmem_shared>>
        tpu.enqueue_indirect_dma source(%arg10 : memref<80x128xf32, #tpu.memory_space<vmem>>) target(%dma_start3A_208 : memref<10240x128xf32, #tpu.memory_space<vmem_shared>>) offsets(%dma_start3A_205 : memref<80xi32, #tpu.memory_space<vmem>>) semaphore(%arg19 : memref<!tpu.dma_semaphore, #tpu.memory_space<semaphore_mem>>) {add = true}
        %add3A_209 = arith.constant 2 : i32
        %add3A_210 = arith.addi %add3A_176, %add3A_209 : i32
        %mul3A_211 = arith.constant 80 : i32
        %mul3A_212 = arith.muli %add3A_210, %mul3A_211 : i32
        %dma_wait3A_213 = tpu.memref_slice %arg7[%mul3A_212] : memref<2560xi32, #tpu.memory_space<vmem>> -> memref<80xi32, #tpu.memory_space<vmem>>
        %dma_wait3A_214 = arith.constant 0 : i32
        %dma_wait3A_215 = arith.constant 0 : i32
        %dma_wait3A_216 = tpu.memref_slice %arg2[%dma_wait3A_214, %dma_wait3A_215] : memref<10000x128xf32, #tpu.memory_space<hbm>> -> memref<10000x128xf32, #tpu.memory_space<hbm>>
        tpu.wait_indirect_dma semaphore(%arg16 : memref<!tpu.dma_semaphore, #tpu.memory_space<semaphore_mem>>) src(%dma_wait3A_216 : memref<10000x128xf32, #tpu.memory_space<hbm>>) dst(%arg11 : memref<80x128xf32, #tpu.memory_space<vmem>>)
        %add3A_217 = arith.constant 2 : i32
        %add3A_218 = arith.addi %add3A_176, %add3A_217 : i32
        %dma_start3A_219 = arith.constant 0 : i32
        %dma_start3A_220 = tpu.memref_slice %arg8[%add3A_218, %dma_start3A_219] : memref<32x80xi32, #tpu.memory_space<vmem>> -> memref<1x80xi32, #tpu.memory_space<vmem>>
        %dma_start3A_221 = tpu.memref_squeeze %dma_start3A_220 : memref<1x80xi32, #tpu.memory_space<vmem>> -> memref<80xi32, #tpu.memory_space<vmem>>
        %dma_start3A_222 = arith.constant 0 : i32
        %dma_start3A_223 = arith.constant 0 : i32
        %dma_start3A_224 = tpu.memref_slice %arg13[%dma_start3A_222, %dma_start3A_223] : memref<10240x128xf32, #tpu.memory_space<vmem_shared>> -> memref<10240x128xf32, #tpu.memory_space<vmem_shared>>
        tpu.enqueue_indirect_dma source(%arg11 : memref<80x128xf32, #tpu.memory_space<vmem>>) target(%dma_start3A_224 : memref<10240x128xf32, #tpu.memory_space<vmem_shared>>) offsets(%dma_start3A_221 : memref<80xi32, #tpu.memory_space<vmem>>) semaphore(%arg20 : memref<!tpu.dma_semaphore, #tpu.memory_space<semaphore_mem>>) {add = true}
        %add3A_225 = arith.constant 3 : i32
        %add3A_226 = arith.addi %add3A_176, %add3A_225 : i32
        %mul3A_227 = arith.constant 80 : i32
        %mul3A_228 = arith.muli %add3A_226, %mul3A_227 : i32
        %dma_wait3A_229 = tpu.memref_slice %arg7[%mul3A_228] : memref<2560xi32, #tpu.memory_space<vmem>> -> memref<80xi32, #tpu.memory_space<vmem>>
        %dma_wait3A_230 = arith.constant 0 : i32
        %dma_wait3A_231 = arith.constant 0 : i32
        %dma_wait3A_232 = tpu.memref_slice %arg2[%dma_wait3A_230, %dma_wait3A_231] : memref<10000x128xf32, #tpu.memory_space<hbm>> -> memref<10000x128xf32, #tpu.memory_space<hbm>>
        tpu.wait_indirect_dma semaphore(%arg17 : memref<!tpu.dma_semaphore, #tpu.memory_space<semaphore_mem>>) src(%dma_wait3A_232 : memref<10000x128xf32, #tpu.memory_space<hbm>>) dst(%arg12 : memref<80x128xf32, #tpu.memory_space<vmem>>)
        %add3A_233 = arith.constant 3 : i32
        %add3A_234 = arith.addi %add3A_176, %add3A_233 : i32
        %dma_start3A_235 = arith.constant 0 : i32
        %dma_start3A_236 = tpu.memref_slice %arg8[%add3A_234, %dma_start3A_235] : memref<32x80xi32, #tpu.memory_space<vmem>> -> memref<1x80xi32, #tpu.memory_space<vmem>>
        %dma_start3A_237 = tpu.memref_squeeze %dma_start3A_236 : memref<1x80xi32, #tpu.memory_space<vmem>> -> memref<80xi32, #tpu.memory_space<vmem>>
        %dma_start3A_238 = arith.constant 0 : i32
        %dma_start3A_239 = arith.constant 0 : i32
        %dma_start3A_240 = tpu.memref_slice %arg13[%dma_start3A_238, %dma_start3A_239] : memref<10240x128xf32, #tpu.memory_space<vmem_shared>> -> memref<10240x128xf32, #tpu.memory_space<vmem_shared>>
        tpu.enqueue_indirect_dma source(%arg12 : memref<80x128xf32, #tpu.memory_space<vmem>>) target(%dma_start3A_240 : memref<10240x128xf32, #tpu.memory_space<vmem_shared>>) offsets(%dma_start3A_237 : memref<80xi32, #tpu.memory_space<vmem>>) semaphore(%arg21 : memref<!tpu.dma_semaphore, #tpu.memory_space<semaphore_mem>>) {add = true}
        %dma_wait3A_241 = arith.constant 0 : i32
        %dma_wait3A_242 = tpu.memref_slice %arg8[%add3A_186, %dma_wait3A_241] : memref<32x80xi32, #tpu.memory_space<vmem>> -> memref<1x80xi32, #tpu.memory_space<vmem>>
        %dma_wait3A_243 = tpu.memref_squeeze %dma_wait3A_242 : memref<1x80xi32, #tpu.memory_space<vmem>> -> memref<80xi32, #tpu.memory_space<vmem>>
        %dma_wait3A_244 = arith.constant 0 : i32
        %dma_wait3A_245 = arith.constant 0 : i32
        %dma_wait3A_246 = tpu.memref_slice %arg13[%dma_wait3A_244, %dma_wait3A_245] : memref<10240x128xf32, #tpu.memory_space<vmem_shared>> -> memref<10240x128xf32, #tpu.memory_space<vmem_shared>>
        tpu.wait_indirect_dma semaphore(%arg18 : memref<!tpu.dma_semaphore, #tpu.memory_space<semaphore_mem>>) src(%arg9 : memref<80x128xf32, #tpu.memory_space<vmem>>) dst(%dma_wait3A_246 : memref<10240x128xf32, #tpu.memory_space<vmem_shared>>)
        %add3A_247 = arith.constant 0 : i32
        %add3A_248 = arith.addi %add3A_176, %add3A_247 : i32
        %add3A_249 = arith.constant 4 : i32
        %add3A_250 = arith.addi %add3A_248, %add3A_249 : i32
        %mul3A_251 = arith.constant 80 : i32
        %mul3A_252 = arith.muli %add3A_250, %mul3A_251 : i32
        %dma_start3A_253 = tpu.memref_slice %arg7[%mul3A_252] : memref<2560xi32, #tpu.memory_space<vmem>> -> memref<80xi32, #tpu.memory_space<vmem>>
        %dma_start3A_254 = arith.constant 0 : i32
        %dma_start3A_255 = arith.constant 0 : i32
        %dma_start3A_256 = tpu.memref_slice %arg2[%dma_start3A_254, %dma_start3A_255] : memref<10000x128xf32, #tpu.memory_space<hbm>> -> memref<10000x128xf32, #tpu.memory_space<hbm>>
        tpu.enqueue_indirect_dma source(%dma_start3A_256 : memref<10000x128xf32, #tpu.memory_space<hbm>>) target(%arg9 : memref<80x128xf32, #tpu.memory_space<vmem>>) offsets(%dma_start3A_253 : memref<80xi32, #tpu.memory_space<vmem>>) semaphore(%arg14 : memref<!tpu.dma_semaphore, #tpu.memory_space<semaphore_mem>>)
        %dma_wait3A_257 = arith.constant 0 : i32
        %dma_wait3A_258 = tpu.memref_slice %arg8[%add3A_202, %dma_wait3A_257] : memref<32x80xi32, #tpu.memory_space<vmem>> -> memref<1x80xi32, #tpu.memory_space<vmem>>
        %dma_wait3A_259 = tpu.memref_squeeze %dma_wait3A_258 : memref<1x80xi32, #tpu.memory_space<vmem>> -> memref<80xi32, #tpu.memory_space<vmem>>
        %dma_wait3A_260 = arith.constant 0 : i32
        %dma_wait3A_261 = arith.constant 0 : i32
        %dma_wait3A_262 = tpu.memref_slice %arg13[%dma_wait3A_260, %dma_wait3A_261] : memref<10240x128xf32, #tpu.memory_space<vmem_shared>> -> memref<10240x128xf32, #tpu.memory_space<vmem_shared>>
        tpu.wait_indirect_dma semaphore(%arg19 : memref<!tpu.dma_semaphore, #tpu.memory_space<semaphore_mem>>) src(%arg10 : memref<80x128xf32, #tpu.memory_space<vmem>>) dst(%dma_wait3A_262 : memref<10240x128xf32, #tpu.memory_space<vmem_shared>>)
        %add3A_263 = arith.constant 1 : i32
        %add3A_264 = arith.addi %add3A_176, %add3A_263 : i32
        %add3A_265 = arith.constant 4 : i32
        %add3A_266 = arith.addi %add3A_264, %add3A_265 : i32
        %mul3A_267 = arith.constant 80 : i32
        %mul3A_268 = arith.muli %add3A_266, %mul3A_267 : i32
        %dma_start3A_269 = tpu.memref_slice %arg7[%mul3A_268] : memref<2560xi32, #tpu.memory_space<vmem>> -> memref<80xi32, #tpu.memory_space<vmem>>
        %dma_start3A_270 = arith.constant 0 : i32
        %dma_start3A_271 = arith.constant 0 : i32
        %dma_start3A_272 = tpu.memref_slice %arg2[%dma_start3A_270, %dma_start3A_271] : memref<10000x128xf32, #tpu.memory_space<hbm>> -> memref<10000x128xf32, #tpu.memory_space<hbm>>
        tpu.enqueue_indirect_dma source(%dma_start3A_272 : memref<10000x128xf32, #tpu.memory_space<hbm>>) target(%arg10 : memref<80x128xf32, #tpu.memory_space<vmem>>) offsets(%dma_start3A_269 : memref<80xi32, #tpu.memory_space<vmem>>) semaphore(%arg15 : memref<!tpu.dma_semaphore, #tpu.memory_space<semaphore_mem>>)
        %dma_wait3A_273 = arith.constant 0 : i32
        %dma_wait3A_274 = tpu.memref_slice %arg8[%add3A_218, %dma_wait3A_273] : memref<32x80xi32, #tpu.memory_space<vmem>> -> memref<1x80xi32, #tpu.memory_space<vmem>>
        %dma_wait3A_275 = tpu.memref_squeeze %dma_wait3A_274 : memref<1x80xi32, #tpu.memory_space<vmem>> -> memref<80xi32, #tpu.memory_space<vmem>>
        %dma_wait3A_276 = arith.constant 0 : i32
        %dma_wait3A_277 = arith.constant 0 : i32
        %dma_wait3A_278 = tpu.memref_slice %arg13[%dma_wait3A_276, %dma_wait3A_277] : memref<10240x128xf32, #tpu.memory_space<vmem_shared>> -> memref<10240x128xf32, #tpu.memory_space<vmem_shared>>
        tpu.wait_indirect_dma semaphore(%arg20 : memref<!tpu.dma_semaphore, #tpu.memory_space<semaphore_mem>>) src(%arg11 : memref<80x128xf32, #tpu.memory_space<vmem>>) dst(%dma_wait3A_278 : memref<10240x128xf32, #tpu.memory_space<vmem_shared>>)
        %add3A_279 = arith.constant 2 : i32
        %add3A_280 = arith.addi %add3A_176, %add3A_279 : i32
        %add3A_281 = arith.constant 4 : i32
        %add3A_282 = arith.addi %add3A_280, %add3A_281 : i32
        %mul3A_283 = arith.constant 80 : i32
        %mul3A_284 = arith.muli %add3A_282, %mul3A_283 : i32
        %dma_start3A_285 = tpu.memref_slice %arg7[%mul3A_284] : memref<2560xi32, #tpu.memory_space<vmem>> -> memref<80xi32, #tpu.memory_space<vmem>>
        %dma_start3A_286 = arith.constant 0 : i32
        %dma_start3A_287 = arith.constant 0 : i32
        %dma_start3A_288 = tpu.memref_slice %arg2[%dma_start3A_286, %dma_start3A_287] : memref<10000x128xf32, #tpu.memory_space<hbm>> -> memref<10000x128xf32, #tpu.memory_space<hbm>>
        tpu.enqueue_indirect_dma source(%dma_start3A_288 : memref<10000x128xf32, #tpu.memory_space<hbm>>) target(%arg11 : memref<80x128xf32, #tpu.memory_space<vmem>>) offsets(%dma_start3A_285 : memref<80xi32, #tpu.memory_space<vmem>>) semaphore(%arg16 : memref<!tpu.dma_semaphore, #tpu.memory_space<semaphore_mem>>)
        %dma_wait3A_289 = arith.constant 0 : i32
        %dma_wait3A_290 = tpu.memref_slice %arg8[%add3A_234, %dma_wait3A_289] : memref<32x80xi32, #tpu.memory_space<vmem>> -> memref<1x80xi32, #tpu.memory_space<vmem>>
        %dma_wait3A_291 = tpu.memref_squeeze %dma_wait3A_290 : memref<1x80xi32, #tpu.memory_space<vmem>> -> memref<80xi32, #tpu.memory_space<vmem>>
        %dma_wait3A_292 = arith.constant 0 : i32
        %dma_wait3A_293 = arith.constant 0 : i32
        %dma_wait3A_294 = tpu.memref_slice %arg13[%dma_wait3A_292, %dma_wait3A_293] : memref<10240x128xf32, #tpu.memory_space<vmem_shared>> -> memref<10240x128xf32, #tpu.memory_space<vmem_shared>>
        tpu.wait_indirect_dma semaphore(%arg21 : memref<!tpu.dma_semaphore, #tpu.memory_space<semaphore_mem>>) src(%arg12 : memref<80x128xf32, #tpu.memory_space<vmem>>) dst(%dma_wait3A_294 : memref<10240x128xf32, #tpu.memory_space<vmem_shared>>)
        %add3A_295 = arith.constant 3 : i32
        %add3A_296 = arith.addi %add3A_176, %add3A_295 : i32
        %add3A_297 = arith.constant 4 : i32
        %add3A_298 = arith.addi %add3A_296, %add3A_297 : i32
        %mul3A_299 = arith.constant 80 : i32
        %mul3A_300 = arith.muli %add3A_298, %mul3A_299 : i32
        %dma_start3A_301 = tpu.memref_slice %arg7[%mul3A_300] : memref<2560xi32, #tpu.memory_space<vmem>> -> memref<80xi32, #tpu.memory_space<vmem>>
        %dma_start3A_302 = arith.constant 0 : i32
        %dma_start3A_303 = arith.constant 0 : i32
        %dma_start3A_304 = tpu.memref_slice %arg2[%dma_start3A_302, %dma_start3A_303] : memref<10000x128xf32, #tpu.memory_space<hbm>> -> memref<10000x128xf32, #tpu.memory_space<hbm>>
        tpu.enqueue_indirect_dma source(%dma_start3A_304 : memref<10000x128xf32, #tpu.memory_space<hbm>>) target(%arg12 : memref<80x128xf32, #tpu.memory_space<vmem>>) offsets(%dma_start3A_301 : memref<80xi32, #tpu.memory_space<vmem>>) semaphore(%arg17 : memref<!tpu.dma_semaphore, #tpu.memory_space<semaphore_mem>>)
      }
      %scan3A_147 = arith.constant 7 : i32
      %dma_wait3A_148 = arith.constant 2240 : i32
      %dma_wait3A_149 = tpu.memref_slice %arg7[%dma_wait3A_148] : memref<2560xi32, #tpu.memory_space<vmem>> -> memref<80xi32, #tpu.memory_space<vmem>>
      %dma_wait3A_150 = arith.constant 0 : i32
      %dma_wait3A_151 = arith.constant 0 : i32
      %dma_wait3A_152 = tpu.memref_slice %arg2[%dma_wait3A_150, %dma_wait3A_151] : memref<10000x128xf32, #tpu.memory_space<hbm>> -> memref<10000x128xf32, #tpu.memory_space<hbm>>
      tpu.wait_indirect_dma semaphore(%arg14 : memref<!tpu.dma_semaphore, #tpu.memory_space<semaphore_mem>>) src(%dma_wait3A_152 : memref<10000x128xf32, #tpu.memory_space<hbm>>) dst(%arg9 : memref<80x128xf32, #tpu.memory_space<vmem>>)
      %run_scoped3A_153 = arith.constant 28 : i32
      "tpu.region"() ({
        %run_scoped3A_172 = tpu.sem_alloc : memref<!tpu.dma_semaphore, #tpu.memory_space<semaphore_mem>>
        %dma_start3A_173 = arith.constant 0 : i32
        %dma_start3A_174 = tpu.memref_slice %arg8[%run_scoped3A_153, %dma_start3A_173] : memref<32x80xi32, #tpu.memory_space<vmem>> -> memref<1x80xi32, #tpu.memory_space<vmem>>
        %dma_start3A_175 = tpu.memref_squeeze %dma_start3A_174 : memref<1x80xi32, #tpu.memory_space<vmem>> -> memref<80xi32, #tpu.memory_space<vmem>>
        %dma_start3A_176 = arith.constant 0 : i32
        %dma_start3A_177 = arith.constant 0 : i32
        %dma_start3A_178 = tpu.memref_slice %arg13[%dma_start3A_176, %dma_start3A_177] : memref<10240x128xf32, #tpu.memory_space<vmem_shared>> -> memref<10240x128xf32, #tpu.memory_space<vmem_shared>>
        tpu.enqueue_indirect_dma source(%arg9 : memref<80x128xf32, #tpu.memory_space<vmem>>) target(%dma_start3A_178 : memref<10240x128xf32, #tpu.memory_space<vmem_shared>>) offsets(%dma_start3A_175 : memref<80xi32, #tpu.memory_space<vmem>>) semaphore(%run_scoped3A_172 : memref<!tpu.dma_semaphore, #tpu.memory_space<semaphore_mem>>) {add = true}
        %dma_wait3A_179 = arith.constant 0 : i32
        %dma_wait3A_180 = tpu.memref_slice %arg8[%run_scoped3A_153, %dma_wait3A_179] : memref<32x80xi32, #tpu.memory_space<vmem>> -> memref<1x80xi32, #tpu.memory_space<vmem>>
        %dma_wait3A_181 = tpu.memref_squeeze %dma_wait3A_180 : memref<1x80xi32, #tpu.memory_space<vmem>> -> memref<80xi32, #tpu.memory_space<vmem>>
        %dma_wait3A_182 = arith.constant 0 : i32
        %dma_wait3A_183 = arith.constant 0 : i32
        %dma_wait3A_184 = tpu.memref_slice %arg13[%dma_wait3A_182, %dma_wait3A_183] : memref<10240x128xf32, #tpu.memory_space<vmem_shared>> -> memref<10240x128xf32, #tpu.memory_space<vmem_shared>>
        tpu.wait_indirect_dma semaphore(%run_scoped3A_172 : memref<!tpu.dma_semaphore, #tpu.memory_space<semaphore_mem>>) src(%arg9 : memref<80x128xf32, #tpu.memory_space<vmem>>) dst(%dma_wait3A_184 : memref<10240x128xf32, #tpu.memory_space<vmem_shared>>)
        tpu.yield
      }) : () -> ()
      %dma_wait3A_154 = arith.constant 2320 : i32
      %dma_wait3A_155 = tpu.memref_slice %arg7[%dma_wait3A_154] : memref<2560xi32, #tpu.memory_space<vmem>> -> memref<80xi32, #tpu.memory_space<vmem>>
      %dma_wait3A_156 = arith.constant 0 : i32
      %dma_wait3A_157 = arith.constant 0 : i32
      %dma_wait3A_158 = tpu.memref_slice %arg2[%dma_wait3A_156, %dma_wait3A_157] : memref<10000x128xf32, #tpu.memory_space<hbm>> -> memref<10000x128xf32, #tpu.memory_space<hbm>>
      tpu.wait_indirect_dma semaphore(%arg15 : memref<!tpu.dma_semaphore, #tpu.memory_space<semaphore_mem>>) src(%dma_wait3A_158 : memref<10000x128xf32, #tpu.memory_space<hbm>>) dst(%arg10 : memref<80x128xf32, #tpu.memory_space<vmem>>)
      %run_scoped3A_159 = arith.constant 29 : i32
      "tpu.region"() ({
        %run_scoped3A_172 = tpu.sem_alloc : memref<!tpu.dma_semaphore, #tpu.memory_space<semaphore_mem>>
        %dma_start3A_173 = arith.constant 0 : i32
        %dma_start3A_174 = tpu.memref_slice %arg8[%run_scoped3A_159, %dma_start3A_173] : memref<32x80xi32, #tpu.memory_space<vmem>> -> memref<1x80xi32, #tpu.memory_space<vmem>>
        %dma_start3A_175 = tpu.memref_squeeze %dma_start3A_174 : memref<1x80xi32, #tpu.memory_space<vmem>> -> memref<80xi32, #tpu.memory_space<vmem>>
        %dma_start3A_176 = arith.constant 0 : i32
        %dma_start3A_177 = arith.constant 0 : i32
        %dma_start3A_178 = tpu.memref_slice %arg13[%dma_start3A_176, %dma_start3A_177] : memref<10240x128xf32, #tpu.memory_space<vmem_shared>> -> memref<10240x128xf32, #tpu.memory_space<vmem_shared>>
        tpu.enqueue_indirect_dma source(%arg10 : memref<80x128xf32, #tpu.memory_space<vmem>>) target(%dma_start3A_178 : memref<10240x128xf32, #tpu.memory_space<vmem_shared>>) offsets(%dma_start3A_175 : memref<80xi32, #tpu.memory_space<vmem>>) semaphore(%run_scoped3A_172 : memref<!tpu.dma_semaphore, #tpu.memory_space<semaphore_mem>>) {add = true}
        %dma_wait3A_179 = arith.constant 0 : i32
        %dma_wait3A_180 = tpu.memref_slice %arg8[%run_scoped3A_159, %dma_wait3A_179] : memref<32x80xi32, #tpu.memory_space<vmem>> -> memref<1x80xi32, #tpu.memory_space<vmem>>
        %dma_wait3A_181 = tpu.memref_squeeze %dma_wait3A_180 : memref<1x80xi32, #tpu.memory_space<vmem>> -> memref<80xi32, #tpu.memory_space<vmem>>
        %dma_wait3A_182 = arith.constant 0 : i32
        %dma_wait3A_183 = arith.constant 0 : i32
        %dma_wait3A_184 = tpu.memref_slice %arg13[%dma_wait3A_182, %dma_wait3A_183] : memref<10240x128xf32, #tpu.memory_space<vmem_shared>> -> memref<10240x128xf32, #tpu.memory_space<vmem_shared>>
        tpu.wait_indirect_dma semaphore(%run_scoped3A_172 : memref<!tpu.dma_semaphore, #tpu.memory_space<semaphore_mem>>) src(%arg10 : memref<80x128xf32, #tpu.memory_space<vmem>>) dst(%dma_wait3A_184 : memref<10240x128xf32, #tpu.memory_space<vmem_shared>>)
        tpu.yield
      }) : () -> ()
      %dma_wait3A_160 = arith.constant 2400 : i32
      %dma_wait3A_161 = tpu.memref_slice %arg7[%dma_wait3A_160] : memref<2560xi32, #tpu.memory_space<vmem>> -> memref<80xi32, #tpu.memory_space<vmem>>
      %dma_wait3A_162 = arith.constant 0 : i32
      %dma_wait3A_163 = arith.constant 0 : i32
      %dma_wait3A_164 = tpu.memref_slice %arg2[%dma_wait3A_162, %dma_wait3A_163] : memref<10000x128xf32, #tpu.memory_space<hbm>> -> memref<10000x128xf32, #tpu.memory_space<hbm>>
      tpu.wait_indirect_dma semaphore(%arg16 : memref<!tpu.dma_semaphore, #tpu.memory_space<semaphore_mem>>) src(%dma_wait3A_164 : memref<10000x128xf32, #tpu.memory_space<hbm>>) dst(%arg11 : memref<80x128xf32, #tpu.memory_space<vmem>>)
      %run_scoped3A_165 = arith.constant 30 : i32
      "tpu.region"() ({
        %run_scoped3A_172 = tpu.sem_alloc : memref<!tpu.dma_semaphore, #tpu.memory_space<semaphore_mem>>
        %dma_start3A_173 = arith.constant 0 : i32
        %dma_start3A_174 = tpu.memref_slice %arg8[%run_scoped3A_165, %dma_start3A_173] : memref<32x80xi32, #tpu.memory_space<vmem>> -> memref<1x80xi32, #tpu.memory_space<vmem>>
        %dma_start3A_175 = tpu.memref_squeeze %dma_start3A_174 : memref<1x80xi32, #tpu.memory_space<vmem>> -> memref<80xi32, #tpu.memory_space<vmem>>
        %dma_start3A_176 = arith.constant 0 : i32
        %dma_start3A_177 = arith.constant 0 : i32
        %dma_start3A_178 = tpu.memref_slice %arg13[%dma_start3A_176, %dma_start3A_177] : memref<10240x128xf32, #tpu.memory_space<vmem_shared>> -> memref<10240x128xf32, #tpu.memory_space<vmem_shared>>
        tpu.enqueue_indirect_dma source(%arg11 : memref<80x128xf32, #tpu.memory_space<vmem>>) target(%dma_start3A_178 : memref<10240x128xf32, #tpu.memory_space<vmem_shared>>) offsets(%dma_start3A_175 : memref<80xi32, #tpu.memory_space<vmem>>) semaphore(%run_scoped3A_172 : memref<!tpu.dma_semaphore, #tpu.memory_space<semaphore_mem>>) {add = true}
        %dma_wait3A_179 = arith.constant 0 : i32
        %dma_wait3A_180 = tpu.memref_slice %arg8[%run_scoped3A_165, %dma_wait3A_179] : memref<32x80xi32, #tpu.memory_space<vmem>> -> memref<1x80xi32, #tpu.memory_space<vmem>>
        %dma_wait3A_181 = tpu.memref_squeeze %dma_wait3A_180 : memref<1x80xi32, #tpu.memory_space<vmem>> -> memref<80xi32, #tpu.memory_space<vmem>>
        %dma_wait3A_182 = arith.constant 0 : i32
        %dma_wait3A_183 = arith.constant 0 : i32
        %dma_wait3A_184 = tpu.memref_slice %arg13[%dma_wait3A_182, %dma_wait3A_183] : memref<10240x128xf32, #tpu.memory_space<vmem_shared>> -> memref<10240x128xf32, #tpu.memory_space<vmem_shared>>
        tpu.wait_indirect_dma semaphore(%run_scoped3A_172 : memref<!tpu.dma_semaphore, #tpu.memory_space<semaphore_mem>>) src(%arg11 : memref<80x128xf32, #tpu.memory_space<vmem>>) dst(%dma_wait3A_184 : memref<10240x128xf32, #tpu.memory_space<vmem_shared>>)
        tpu.yield
      }) : () -> ()
      %dma_wait3A_166 = arith.constant 2480 : i32
      %dma_wait3A_167 = tpu.memref_slice %arg7[%dma_wait3A_166] : memref<2560xi32, #tpu.memory_space<vmem>> -> memref<80xi32, #tpu.memory_space<vmem>>
      %dma_wait3A_168 = arith.constant 0 : i32
      %dma_wait3A_169 = arith.constant 0 : i32
      %dma_wait3A_170 = tpu.memref_slice %arg2[%dma_wait3A_168, %dma_wait3A_169] : memref<10000x128xf32, #tpu.memory_space<hbm>> -> memref<10000x128xf32, #tpu.memory_space<hbm>>
      tpu.wait_indirect_dma semaphore(%arg17 : memref<!tpu.dma_semaphore, #tpu.memory_space<semaphore_mem>>) src(%dma_wait3A_170 : memref<10000x128xf32, #tpu.memory_space<hbm>>) dst(%arg12 : memref<80x128xf32, #tpu.memory_space<vmem>>)
      %run_scoped3A_171 = arith.constant 31 : i32
      "tpu.region"() ({
        %run_scoped3A_172 = tpu.sem_alloc : memref<!tpu.dma_semaphore, #tpu.memory_space<semaphore_mem>>
        %dma_start3A_173 = arith.constant 0 : i32
        %dma_start3A_174 = tpu.memref_slice %arg8[%run_scoped3A_171, %dma_start3A_173] : memref<32x80xi32, #tpu.memory_space<vmem>> -> memref<1x80xi32, #tpu.memory_space<vmem>>
        %dma_start3A_175 = tpu.memref_squeeze %dma_start3A_174 : memref<1x80xi32, #tpu.memory_space<vmem>> -> memref<80xi32, #tpu.memory_space<vmem>>
        %dma_start3A_176 = arith.constant 0 : i32
        %dma_start3A_177 = arith.constant 0 : i32
        %dma_start3A_178 = tpu.memref_slice %arg13[%dma_start3A_176, %dma_start3A_177] : memref<10240x128xf32, #tpu.memory_space<vmem_shared>> -> memref<10240x128xf32, #tpu.memory_space<vmem_shared>>
        tpu.enqueue_indirect_dma source(%arg12 : memref<80x128xf32, #tpu.memory_space<vmem>>) target(%dma_start3A_178 : memref<10240x128xf32, #tpu.memory_space<vmem_shared>>) offsets(%dma_start3A_175 : memref<80xi32, #tpu.memory_space<vmem>>) semaphore(%run_scoped3A_172 : memref<!tpu.dma_semaphore, #tpu.memory_space<semaphore_mem>>) {add = true}
        %dma_wait3A_179 = arith.constant 0 : i32
        %dma_wait3A_180 = tpu.memref_slice %arg8[%run_scoped3A_171, %dma_wait3A_179] : memref<32x80xi32, #tpu.memory_space<vmem>> -> memref<1x80xi32, #tpu.memory_space<vmem>>
        %dma_wait3A_181 = tpu.memref_squeeze %dma_wait3A_180 : memref<1x80xi32, #tpu.memory_space<vmem>> -> memref<80xi32, #tpu.memory_space<vmem>>
        %dma_wait3A_182 = arith.constant 0 : i32
        %dma_wait3A_183 = arith.constant 0 : i32
        %dma_wait3A_184 = tpu.memref_slice %arg13[%dma_wait3A_182, %dma_wait3A_183] : memref<10240x128xf32, #tpu.memory_space<vmem_shared>> -> memref<10240x128xf32, #tpu.memory_space<vmem_shared>>
        tpu.wait_indirect_dma semaphore(%run_scoped3A_172 : memref<!tpu.dma_semaphore, #tpu.memory_space<semaphore_mem>>) src(%arg12 : memref<80x128xf32, #tpu.memory_space<vmem>>) dst(%dma_wait3A_184 : memref<10240x128xf32, #tpu.memory_space<vmem_shared>>)
        tpu.yield
      }) : () -> ()
    }
    %scan3A_82 = arith.constant 3 : i32
    %barrier3A_83 = arith.constant 0 : index
    tpu.barrier barrier_id(%barrier3A_83)
    %mul3A_84 = arith.constant 10240 : i32
    %mul3A_85 = arith.muli %arg0, %mul3A_84 : i32
    %mul3A_86 = arith.constant 640 : i32
    %mul3A_87 = arith.muli %arg1, %mul3A_86 : i32
    %add3A_88 = arith.addi %mul3A_85, %mul3A_87 : i32
    %mul3A_89 = arith.constant 640 : i32
    %mul3A_90 = arith.muli %arg1, %mul3A_89 : i32
    "tpu.region"() ({
      %run_scoped3A_91 = tpu.sem_alloc : memref<!tpu.dma_semaphore, #tpu.memory_space<semaphore_mem>>
      %dma_start3A_92 = arith.constant 0 : i32
      %dma_start3A_93 = tpu.memref_slice %arg6[%add3A_88, %dma_start3A_92] : memref<20480x128xf32, #tpu.memory_space<hbm>> -> memref<640x128xf32, #tpu.memory_space<hbm>>
      %dma_start3A_94 = arith.constant 0 : i32
      %dma_start3A_95 = tpu.memref_slice %arg13[%mul3A_90, %dma_start3A_94] : memref<10240x128xf32, #tpu.memory_space<vmem_shared>> -> memref<640x128xf32, #tpu.memory_space<vmem_shared>>
      tpu.enqueue_dma source(%dma_start3A_95 : memref<640x128xf32, #tpu.memory_space<vmem_shared>>) target(%dma_start3A_93 : memref<640x128xf32, #tpu.memory_space<hbm>>) target_semaphore(%run_scoped3A_91 : memref<!tpu.dma_semaphore, #tpu.memory_space<semaphore_mem>>)
      %dma_wait3A_96 = arith.constant 0 : i32
      %dma_wait3A_97 = tpu.memref_slice %arg6[%add3A_88, %dma_wait3A_96] : memref<20480x128xf32, #tpu.memory_space<hbm>> -> memref<640x128xf32, #tpu.memory_space<hbm>>
      %dma_wait3A_98 = arith.constant 0 : i32
      %dma_wait3A_99 = tpu.memref_slice %arg13[%mul3A_90, %dma_wait3A_98] : memref<10240x128xf32, #tpu.memory_space<vmem_shared>> -> memref<640x128xf32, #tpu.memory_space<vmem_shared>>
      tpu.wait_dma2 semaphore(%run_scoped3A_91 : memref<!tpu.dma_semaphore, #tpu.memory_space<semaphore_mem>>) src(%dma_wait3A_99 : memref<640x128xf32, #tpu.memory_space<vmem_shared>>) dst(%dma_wait3A_97 : memref<640x128xf32, #tpu.memory_space<hbm>>)
      tpu.yield
    }) : () -> ()
    return
  }
}

module attributes {stable_mosaic.version = 14 : i64} {
  func.func @body(%arg0: memref<10000x128xf32, #tpu.memory_space<vmem>>, %arg1: memref<2x10240x128xf32, #tpu.memory_space<vmem>>, %arg2: memref<128x128xf32, #tpu.memory_space<vmem>>, %arg3: memref<1x128xf32, #tpu.memory_space<vmem>>, %arg4: memref<128x128xf32, #tpu.memory_space<vmem>>, %arg5: memref<1x128xf32, #tpu.memory_space<vmem>>, %arg6: memref<10000x128xf32, #tpu.memory_space<vmem>>) attributes {dimension_semantics = [], scalar_prefetch = 0 : i64, scratch_operands = 0 : i64, tpu.core_type = #tpu.core_type<tc>} {
    %get3A = arith.constant 0 : index
    %get3A_0 = arith.constant 0 : index
    %get3A_1 = vector.load %arg0[%get3A, %get3A_0] : memref<10000x128xf32, #tpu.memory_space<vmem>>, vector<10000x128xf32>
    %get3A_2 = arith.constant 0 : index
    %get3A_3 = arith.constant 0 : index
    %get3A_4 = arith.constant 0 : index
    %get3A_5 = vector.load %arg1[%get3A_2, %get3A_3, %get3A_4] : memref<2x10240x128xf32, #tpu.memory_space<vmem>>, vector<1x10000x128xf32>
    %get3A_6 = vector.shape_cast %get3A_5 : vector<1x10000x128xf32> to vector<10000x128xf32>
    %add3A = arith.addf %get3A_1, %get3A_6 : vector<10000x128xf32>
    %get3A_7 = arith.constant 1 : index
    %get3A_8 = arith.constant 0 : index
    %get3A_9 = arith.constant 0 : index
    %get3A_10 = vector.load %arg1[%get3A_7, %get3A_8, %get3A_9] : memref<2x10240x128xf32, #tpu.memory_space<vmem>>, vector<1x10000x128xf32>
    %get3A_11 = vector.shape_cast %get3A_10 : vector<1x10000x128xf32> to vector<10000x128xf32>
    %add3A_12 = arith.addf %add3A, %get3A_11 : vector<10000x128xf32>
    %get3A_13 = arith.constant 0 : index
    %get3A_14 = arith.constant 0 : index
    %get3A_15 = vector.load %arg2[%get3A_13, %get3A_14] : memref<128x128xf32, #tpu.memory_space<vmem>>, vector<128x128xf32>
    %dot_general3A = arith.constant dense<0.000000e+00> : vector<10000x128xf32>
    %dot_general3A_16 = tpu.matmul %add3A_12, %get3A_15, %dot_general3A {dimension_numbers = #tpu.dot_dimension_numbers<[1], [0], [0], [1], [0, 0, 1, 1], [], []>, transpose_lhs_hint = false} : vector<10000x128xf32>, vector<128x128xf32>, vector<10000x128xf32> -> vector<10000x128xf32>
    %get3A_17 = arith.constant 0 : index
    %get3A_18 = arith.constant 0 : index
    %get3A_19 = vector.load %arg3[%get3A_17, %get3A_18] : memref<1x128xf32, #tpu.memory_space<vmem>>, vector<1x128xf32>
    %add3A_20 = vector.broadcast %get3A_19 : vector<1x128xf32> to vector<10000x128xf32>
    %add3A_21 = arith.addf %dot_general3A_16, %add3A_20 : vector<10000x128xf32>
    %max3A = arith.constant 0.000000e+00 : f32
    %max3A_22 = vector.broadcast %max3A : f32 to vector<10000x128xf32>
    %max3A_23 = arith.maximumf %add3A_21, %max3A_22 : vector<10000x128xf32>
    %get3A_24 = arith.constant 0 : index
    %get3A_25 = arith.constant 0 : index
    %get3A_26 = vector.load %arg4[%get3A_24, %get3A_25] : memref<128x128xf32, #tpu.memory_space<vmem>>, vector<128x128xf32>
    %dot_general3A_27 = arith.constant dense<0.000000e+00> : vector<10000x128xf32>
    %dot_general3A_28 = tpu.matmul %max3A_23, %get3A_26, %dot_general3A_27 {dimension_numbers = #tpu.dot_dimension_numbers<[1], [0], [0], [1], [0, 0, 1, 1], [], []>, transpose_lhs_hint = false} : vector<10000x128xf32>, vector<128x128xf32>, vector<10000x128xf32> -> vector<10000x128xf32>
    %get3A_29 = arith.constant 0 : index
    %get3A_30 = arith.constant 0 : index
    %get3A_31 = vector.load %arg5[%get3A_29, %get3A_30] : memref<1x128xf32, #tpu.memory_space<vmem>>, vector<1x128xf32>
    %add3A_32 = vector.broadcast %get3A_31 : vector<1x128xf32> to vector<10000x128xf32>
    %add3A_33 = arith.addf %dot_general3A_28, %add3A_32 : vector<10000x128xf32>
    %max3A_34 = arith.constant 0.000000e+00 : f32
    %max3A_35 = vector.broadcast %max3A_34 : f32 to vector<10000x128xf32>
    %max3A_36 = arith.maximumf %add3A_33, %max3A_35 : vector<10000x128xf32>
    %swap3A = arith.constant 0 : index
    %swap3A_37 = arith.constant 0 : index
    %swap3A_38 = vector.load %arg6[%swap3A, %swap3A_37] : memref<10000x128xf32, #tpu.memory_space<vmem>>, vector<10000x128xf32>
    tpu.vector_store %arg6[%swap3A, %swap3A_37], %max3A_36 {strides = array<i32>} : memref<10000x128xf32, #tpu.memory_space<vmem>>, vector<10000x128xf32>,
    return
  }
}

module attributes {stable_mosaic.version = 14 : i64} {
  func.func @body(%arg0: memref<10000x128xf32, #tpu.memory_space<vmem>>, %arg1: memref<2x10240x128xf32, #tpu.memory_space<vmem>>, %arg2: memref<128x128xf32, #tpu.memory_space<vmem>>, %arg3: memref<1x128xf32, #tpu.memory_space<vmem>>, %arg4: memref<128x128xf32, #tpu.memory_space<vmem>>, %arg5: memref<1x128xf32, #tpu.memory_space<vmem>>, %arg6: memref<1x10000xi32, #tpu.memory_space<vmem>>, %arg7: memref<128x10xf32, #tpu.memory_space<vmem>>, %arg8: memref<1x10xf32, #tpu.memory_space<vmem>>, %arg9: memref<64x10xf32, #tpu.memory_space<vmem>>) attributes {dimension_semantics = [], scalar_prefetch = 0 : i64, scratch_operands = 0 : i64, tpu.core_type = #tpu.core_type<tc>} {
    %get3A = arith.constant 0 : index
    %get3A_0 = arith.constant 0 : index
    %get3A_1 = vector.load %arg0[%get3A, %get3A_0] : memref<10000x128xf32, #tpu.memory_space<vmem>>, vector<10000x128xf32>
    %get3A_2 = arith.constant 0 : index
    %get3A_3 = arith.constant 0 : index
    %get3A_4 = arith.constant 0 : index
    %get3A_5 = vector.load %arg1[%get3A_2, %get3A_3, %get3A_4] : memref<2x10240x128xf32, #tpu.memory_space<vmem>>, vector<1x10000x128xf32>
    %get3A_6 = vector.shape_cast %get3A_5 : vector<1x10000x128xf32> to vector<10000x128xf32>
    %add3A = arith.addf %get3A_1, %get3A_6 : vector<10000x128xf32>
    %get3A_7 = arith.constant 1 : index
    %get3A_8 = arith.constant 0 : index
    %get3A_9 = arith.constant 0 : index
    %get3A_10 = vector.load %arg1[%get3A_7, %get3A_8, %get3A_9] : memref<2x10240x128xf32, #tpu.memory_space<vmem>>, vector<1x10000x128xf32>
    %get3A_11 = vector.shape_cast %get3A_10 : vector<1x10000x128xf32> to vector<10000x128xf32>
    %add3A_12 = arith.addf %add3A, %get3A_11 : vector<10000x128xf32>
    %get3A_13 = arith.constant 0 : index
    %get3A_14 = arith.constant 0 : index
    %get3A_15 = vector.load %arg2[%get3A_13, %get3A_14] : memref<128x128xf32, #tpu.memory_space<vmem>>, vector<128x128xf32>
    %dot_general3A = arith.constant dense<0.000000e+00> : vector<10000x128xf32>
    %dot_general3A_16 = tpu.matmul %add3A_12, %get3A_15, %dot_general3A {dimension_numbers = #tpu.dot_dimension_numbers<[1], [0], [0], [1], [0, 0, 1, 1], [], []>, transpose_lhs_hint = false} : vector<10000x128xf32>, vector<128x128xf32>, vector<10000x128xf32> -> vector<10000x128xf32>
    %get3A_17 = arith.constant 0 : index
    %get3A_18 = arith.constant 0 : index
    %get3A_19 = vector.load %arg3[%get3A_17, %get3A_18] : memref<1x128xf32, #tpu.memory_space<vmem>>, vector<1x128xf32>
    %add3A_20 = vector.broadcast %get3A_19 : vector<1x128xf32> to vector<10000x128xf32>
    %add3A_21 = arith.addf %dot_general3A_16, %add3A_20 : vector<10000x128xf32>
    %max3A = arith.constant 0.000000e+00 : f32
    %max3A_22 = vector.broadcast %max3A : f32 to vector<10000x128xf32>
    %max3A_23 = arith.maximumf %add3A_21, %max3A_22 : vector<10000x128xf32>
    %get3A_24 = arith.constant 0 : index
    %get3A_25 = arith.constant 0 : index
    %get3A_26 = vector.load %arg4[%get3A_24, %get3A_25] : memref<128x128xf32, #tpu.memory_space<vmem>>, vector<128x128xf32>
    %dot_general3A_27 = arith.constant dense<0.000000e+00> : vector<10000x128xf32>
    %dot_general3A_28 = tpu.matmul %max3A_23, %get3A_26, %dot_general3A_27 {dimension_numbers = #tpu.dot_dimension_numbers<[1], [0], [0], [1], [0, 0, 1, 1], [], []>, transpose_lhs_hint = false} : vector<10000x128xf32>, vector<128x128xf32>, vector<10000x128xf32> -> vector<10000x128xf32>
    %get3A_29 = arith.constant 0 : index
    %get3A_30 = arith.constant 0 : index
    %get3A_31 = vector.load %arg5[%get3A_29, %get3A_30] : memref<1x128xf32, #tpu.memory_space<vmem>>, vector<1x128xf32>
    %add3A_32 = vector.broadcast %get3A_31 : vector<1x128xf32> to vector<10000x128xf32>
    %add3A_33 = arith.addf %dot_general3A_28, %add3A_32 : vector<10000x128xf32>
    %max3A_34 = arith.constant 0.000000e+00 : f32
    %max3A_35 = vector.broadcast %max3A_34 : f32 to vector<10000x128xf32>
    %max3A_36 = arith.maximumf %add3A_33, %max3A_35 : vector<10000x128xf32>
    %get3A_37 = arith.constant 0 : index
    %get3A_38 = arith.constant 0 : index
    %get3A_39 = vector.load %arg6[%get3A_37, %get3A_38] : memref<1x10000xi32, #tpu.memory_space<vmem>>, vector<1x10000xi32>
    %iota3A = tpu.iota {dimensions = array<i32: 0>} : vector<64x1xi32>
    %eq3A = vector.broadcast %get3A_39 : vector<1x10000xi32> to vector<64x10000xi32>
    %eq3A_40 = vector.broadcast %iota3A : vector<64x1xi32> to vector<64x10000xi32>
    %eq3A_41 = arith.cmpi eq, %eq3A, %eq3A_40 : vector<64x10000xi32>
    %convert_element_type3A = arith.extui %eq3A_41 : vector<64x10000xi1> to vector<64x10000xi32>
    %convert_element_type3A_42 = arith.sitofp %convert_element_type3A : vector<64x10000xi32> to vector<64x10000xf32>
    %dot_general3A_43 = arith.constant dense<0.000000e+00> : vector<64x128xf32>
    %dot_general3A_44 = tpu.matmul %convert_element_type3A_42, %max3A_36, %dot_general3A_43 {dimension_numbers = #tpu.dot_dimension_numbers<[1], [0], [0], [1], [0, 0, 1, 1], [], []>, transpose_lhs_hint = false} : vector<64x10000xf32>, vector<10000x128xf32>, vector<64x128xf32> -> vector<64x128xf32>
    %reduce_sum3A = arith.constant dense<0.000000e+00> : vector<64xf32>
    %reduce_sum3A_45 = vector.multi_reduction <add>, %convert_element_type3A_42, %reduce_sum3A [1] : vector<64x10000xf32> to vector<64xf32>
    %broadcast_in_dim3A = vector.shape_cast %reduce_sum3A_45 : vector<64xf32> to vector<64x1xf32>
    %max3A_46 = arith.constant 1.000000e+00 : f32
    %max3A_47 = vector.broadcast %max3A_46 : f32 to vector<64x1xf32>
    %max3A_48 = arith.maximumf %broadcast_in_dim3A, %max3A_47 : vector<64x1xf32>
    %div3A = vector.broadcast %max3A_48 : vector<64x1xf32> to vector<64x128xf32>
    %div3A_49 = arith.divf %dot_general3A_44, %div3A : vector<64x128xf32>
    %get3A_50 = arith.constant 0 : index
    %get3A_51 = arith.constant 0 : index
    %get3A_52 = vector.load %arg7[%get3A_50, %get3A_51] : memref<128x10xf32, #tpu.memory_space<vmem>>, vector<128x10xf32>
    %dot_general3A_53 = arith.constant dense<0.000000e+00> : vector<64x10xf32>
    %dot_general3A_54 = tpu.matmul %div3A_49, %get3A_52, %dot_general3A_53 {dimension_numbers = #tpu.dot_dimension_numbers<[1], [0], [0], [1], [0, 0, 1, 1], [], []>, transpose_lhs_hint = false} : vector<64x128xf32>, vector<128x10xf32>, vector<64x10xf32> -> vector<64x10xf32>
    %get3A_55 = arith.constant 0 : index
    %get3A_56 = arith.constant 0 : index
    %get3A_57 = vector.load %arg8[%get3A_55, %get3A_56] : memref<1x10xf32, #tpu.memory_space<vmem>>, vector<1x10xf32>
    %add3A_58 = vector.broadcast %get3A_57 : vector<1x10xf32> to vector<64x10xf32>
    %add3A_59 = arith.addf %dot_general3A_54, %add3A_58 : vector<64x10xf32>
    %swap3A = arith.constant 0 : index
    %swap3A_60 = arith.constant 0 : index
    %swap3A_61 = vector.load %arg9[%swap3A, %swap3A_60] : memref<64x10xf32, #tpu.memory_space<vmem>>, vector<64x10xf32>
    tpu.vector_store %arg9[%swap3A, %swap3A_60], %add3A_59 {strides = array<i32>} : memref<64x10xf32, #tpu.memory_space<vmem>>, vector<64x10xf32>,
    return
  }
}

</mosaic_0001>

<sc_bundles>
// kernel: kernel.11.cloned.1.call-start
scs
__scs_entry_jumppad:
0x0: {  	(pc) =	sbr.rel $0x88, $3  }
0x1: {  	(tag) =	ssettag $0x0;
	lr =	simm.s32 $0x1  }
0x2: {  	[smem:$0x3F90] =	sst lr;
	_ =	strace $0xD0000000  }
0x3: {  	_ = 	snop  }
0x4: {  	_ = 	snop  }
0x5: {  	_ = 	snop  }
0x6: {  	_ = 	snop  }
0x7: {  	_ = 	snop  }
__scs_overlays_trampoline_lowered:
0x8: {  	[smem:$0x3F9F] =	sst s0  }
0x9: {  	[smem:$0x3FA0] =	sst s1  }
0xa: {  	[smem:$0x3FA1] =	sst s2  }
0xb: {  	[smem:$0x3FA2] =	sst s3  }
0xc: {  	[smem:$0x3FA3] =	sst s4  }
0xd: {  	[smem:$0x3FA4] =	sst s5  }
0xe: {  	[smem:$0x3FA5] =	sst s6  }
0xf: {  	[smem:$0x3FA6] =	sst s7  }
0x10: {  	[smem:$0x3FA7] =	sst s8  }
0x11: {  	[smem:$0x3FA8] =	sst s9;
	s0 =	simm.s32 @!p0 $0x0  }
0x12: {  	s1 =	sld [smem:$0x3F8E];
	s0 =	simm.s32 @p0 $0x1  }
0x13: {  	[smem:$0x3FA9] =	sst s0;
	s0 =	simm.s32 @!p1 $0x0  }
0x14: {  	s2 =	sld [smem:$0x3F8D];
	s0 =	simm.s32 @p1 $0x1  }
0x15: {  	[smem:$0x3FAA] =	sst s0;
	s0 =	simm.s32 @!p2 $0x0  }
0x16: {  	s3 =	sld [smem:$0x3FDB];
	s0 =	simm.s32 @p2 $0x1  }
0x17: {  	s4 =	simm.s32 $0x1BF5;
	[smem:$0x3FAC] =	sst s0  }
0x18: {  	s0 =	sld [smem:$0x3F8F];
	_ =	swait.ge [sflag:s4], $0x0  }
0x19: {  	s7 =	sld [smem:$0x3F90]  }
0x1a: {  	s8 =	sadd.s32 $0xFFFFE003, lr  }
0x1b: {  	s9 =	sadd.s32 $0xFFFFFEF7, lr;
	s5 =	simm.s32 $0xFFFFFFFF;
	p2 =	slt.u32 s8, $0xFFFFF086  }
0x1c: {  	p1 =	slt.u32 s9, $0xF7A;
	s5 =	simm.s32 @!p2 $0x0  }
0x1d: {  	s5 =	simm.s32 @p1 $0x1;
	p0 =	seq.s32 s7, s2  }
0x1e: {  	s7 =	smul.u32 @!p0 $0xF7A, s2;
	p2 =	seq.s32 @!p0 s5, $0x0  }
0x1f: {  	s9 =	smul.u32 $0xF7A, s1;
	s8 =	simm.s32 @!p0 $0x1BF5;
	p2 =	por !p2, p0  }
0x20: {  	[sflag:s8] =	ssyncset.s32 @!p0 $0xFFFFF086;
	s6 =	sadd.s32 @!p0 s3, s7;
	s7 =	simm.s32 @!p0 $0x108  }
0x21: {  	s3 =	sadd.s32 s3, s9;
	s6 =	sadd.s32 @!p0 $0x88, s6;
	s7 =	simm.s32 @p2 $0x1082  }
0x22: {  	[simem:s7], [sflag:s8] =	dma.local @!p0 [hbm:s6], $0xF7A  }
0x23: {  	s9 =	sor.u32 $0xD0000000, s2;
	s6 =	simm.s32 $0x108;
	_ =	swait.ge @!p0 [sflag:s8], $0x0  }
0x24: {  	s3 =	sadd.s32 $0x88, s3;
	s6 =	simm.s32 @!p1 $0x1082;
	[sflag:s4] =	ssyncset.s32 $0xFFFFF086  }
0x25: {  	[simem:s6], [sflag:s4] =	dma.local [hbm:s3], $0xF7A  }
0x26: {  	[smem:$0x3F90] =	sst s1;
	(tag) =	ssettag s2;
	_ =	strace s9  }
0x27: {  	s1 =	sld [smem:$0x3FA0]  }
0x28: {  	s2 =	sld [smem:$0x3FA1]  }
0x29: {  	s4 =	sld [smem:$0x3FA3]  }
0x2a: {  	p0 =	seq.s32 s5, $0x0;
	s5 =	sld [smem:$0x3FA4]  }
0x2b: {  	s6 =	sld [smem:$0x3FA5]  }
0x2c: {  	s7 =	sld [smem:$0x3FA6]  }
0x2d: {  	s3 =	simm.s32 $0x108;
	s8 =	sld [smem:$0x3FA7]  }
0x2e: {  	s3 =	simm.s32 @!p0 $0x1082;
	s9 =	sld [smem:$0x3FA8]  }
0x2f: {  	lr =	sadd.s32 s0, s3;
	s0 =	sld [smem:$0x3F9F]  }
0x30: {  	s3 =	sld [smem:$0x3FA2]  }
0x31: {  	[smem:$0x3FAB] =	sst s10  }
0x32: {  	s10 =	sld [smem:$0x3FA9];
	_ =	sdelay $0x3  }
0x33: {  	p0 =	seq.s32 s10, $0x1;
	s10 =	sld [smem:$0x3FAB];
	_ =	sdelay $0x3  }
0x34: {  	[smem:$0x3FAB] =	sst s10  }
0x35: {  	s10 =	sld [smem:$0x3FAA];
	_ =	sdelay $0x3  }
0x36: {  	p1 =	seq.s32 s10, $0x1;
	s10 =	sld [smem:$0x3FAB];
	_ =	sdelay $0x3  }
0x37: {  	[smem:$0x3FAB] =	sst s10  }
0x38: {  	s10 =	sld [smem:$0x3FAC]  }
0x39: {  	_ = 	snop;
	(pc) =	sbr.ind lr, $3  }
0x3a: {  	_ = 	snop  }
0x3b: {  	_ = 	snop  }
0x3c: {  	p2 =	seq.s32 s10, $0x1;
	s10 =	sld [smem:$0x3FAB]  }
0x3d: {  	_ =	shalt  }
0x3e: {  	_ =	shalt  }
0x3f: {  	_ =	shalt  }
0x40: {  	_ =	shalt  }
0x41: {  	_ =	shalt  }
0x42: {  	_ =	shalt  }
0x43: {  	_ =	shalt  }
0x44: {  	_ =	shalt  }
0x45: {  	_ =	shalt  }
0x46: {  	_ =	shalt  }
0x47: {  	_ =	shalt  }
0x48: {  	_ =	shalt  }
0x49: {  	_ =	shalt  }
0x4a: {  	_ =	shalt  }
0x4b: {  	_ =	shalt  }
0x4c: {  	_ =	shalt  }
0x4d: {  	_ =	shalt  }
0x4e: {  	_ =	shalt  }
0x4f: {  	_ =	shalt  }
0x50: {  	_ =	shalt  }
0x51: {  	_ =	shalt  }
0x52: {  	_ =	shalt  }
0x53: {  	_ =	shalt  }
0x54: {  	_ =	shalt  }
0x55: {  	_ =	shalt  }
0x56: {  	_ =	shalt  }
0x57: {  	_ =	shalt  }
0x58: {  	_ =	shalt  }
0x59: {  	_ =	shalt  }
0x5a: {  	_ =	shalt  }
0x5b: {  	_ =	shalt  }
0x5c: {  	_ =	shalt  }
0x5d: {  	_ =	shalt  }
0x5e: {  	_ =	shalt  }
0x5f: {  	_ =	shalt  }
0x60: {  	_ =	shalt  }
0x61: {  	_ =	shalt  }
0x62: {  	_ =	shalt  }
0x63: {  	_ =	shalt  }
0x64: {  	_ =	shalt  }
0x65: {  	_ =	shalt  }
0x66: {  	_ =	shalt  }
0x67: {  	_ =	shalt  }
0x68: {  	_ =	shalt  }
0x69: {  	_ =	shalt  }
0x6a: {  	_ =	shalt  }
0x6b: {  	_ =	shalt  }
0x6c: {  	_ =	shalt  }
0x6d: {  	_ =	shalt  }
0x6e: {  	_ =	shalt  }
0x6f: {  	_ =	shalt  }
0x70: {  	_ =	shalt  }
0x71: {  	_ =	shalt  }
0x72: {  	_ =	shalt  }
0x73: {  	_ =	shalt  }
0x74: {  	_ =	shalt  }
0x75: {  	_ =	shalt  }
0x76: {  	_ =	shalt  }
0x77: {  	_ =	shalt  }
0x78: {  	_ =	shalt  }
0x79: {  	_ =	shalt  }
0x7a: {  	_ =	shalt  }
0x7b: {  	_ =	shalt  }
0x7c: {  	_ =	shalt  }
0x7d: {  	_ =	shalt  }
0x7e: {  	_ =	shalt  }
0x7f: {  	_ =	shalt  }
0x80: {  	_ =	shalt  }
0x81: {  	_ =	shalt  }
0x82: {  	_ =	shalt  }
0x83: {  	_ =	shalt  }
0x84: {  	_ =	shalt  }
0x85: {  	_ =	shalt  }
0x86: {  	_ =	shalt  }
0x87: {  	_ =	shalt  }
.Lfunc_end0:
.L_simem_size_0:
called_computation.1_lowered:
.L_overlay_start_0:
0x88: {  	s2 =	sld [smem:$0x3FD9]  }
0x89: {  	s3 =	sld [smem:$0x3FFE];
	_ =	sdelay $0x1  }
0x8a: {  	s1 =	srdreg.scid  }
0x8b: {  	s0 =	sand.u32 $0x1, s1  }
0x8c: {  	s16 =	sshll.u32 s0, $0xA;
	s2 =	sadd.s32 s3, s2  }
0x8d: {  	s2 =	sadd.s32 s2, s16  }
0x8e: {  	[smem:$0x3FB7] =	sst s2  }
0x8f: {  	_ = 	snop  }
0x90: {  	(tm) =	ssettm $0x1  }
0x91: {  	s17 =	sld [smem:$0x3FFB];
	_ =	sdelay $0x3  }
0x92: {  	_ =	strace s17  }
0x93: {  	s2 =	sld [smem:$0x3FFC];
	_ =	sdelay $0x3  }
0x94: {  	_ =	strace s2  }
0x95: {  	s2 =	sld [smem:$0x3FFD];
	_ =	sdelay $0x3  }
0x96: {  	_ =	strace s2  }
0x97: {  	_ =	strace $0x8FFFFFFF  }
0x98: {  	s18 =	sld [smem:$0x3FDB];
	_ =	sdelay $0x1  }
0x99: {  	s19 =	simm.s32 $_scs_section_size  }
0x9a: {  	s4 =	simm.s32 $_size__tile_overlayer_lowered;
	s5 =	simm.s32 $_tile_overlayer_lowered  }
0x9b: {  	s22 =	simm.s32 $0x1BFF;
	s21 =	sshll.u32 s5, $0x1;
	s2 =	sadd.s32 s19, s18  }
0x9c: {  	s6 =	simm.s32 $0x0;
	s20 =	sshll.u32 s4, $0x1;
	s4 =	sadd.s32 s21, s2  }
0x9d: {  	[timem:s6], [sflag:s22] =	dma.local [hbm:s4], s20  }
0x9e: {  	_ =	swait.ge [sflag:s22], s20  }
0x9f: {  	s3 =	ssub.s32 $0x0, s20;
	[sflag:s22] =	ssyncset.done $0x0  }
0xa0: {  	[sflag:s22] =	ssyncadd.s32 s3;
	_ =	sdelay $0x1  }
0xa1: {  	s23 =	simm.s32 $0x1B8B  }
0xa2: {  	_ =	swait.ge [sflag:s23], $0x1  }
0xa3: {  	[sflag:s23] =	ssyncset.done $0x0  }
0xa4: {  	s25 =	simm.s32 $0x1B8E;
	s24 =	sld [smem:$0x3FFE];
	[sflag:s23] =	ssyncadd.s32 $0xFFFFFFFF  }
0xa5: {  	s26 =	simm.s32 $execute0_lowered;
	[smem:$0x3FD2] =	sst s25  }
0xa6: {  	s4 =	sshll.u32 s26, $0x1;
	_ =	strace $0x80000049;
	[dreg:$0x1] =	wrdreg $0xFFFFFFFF  }
0xa7: {  	s28 =	simm.s32 $_size_execute0_lowered;
	s2 =	sadd.s32 s2, s4;
	[dreg:$0x0] =	wrdreg $0x0  }
0xa8: {  	s4 =	sshll.u32 s28, $0x1;
	[dreg:$0x2] =	wrdreg s2  }
0xa9: {  	[dreg:$0x3] =	wrdreg s4  }
0xaa: {  	[dreg:$0x4] =	wrdreg $0xC0  }
0xab: {  	_ =	task [dreg:s6], $0x5FFFF  }
0xac: {  	[dreg:$0x1] =	wrdreg $0xFFFFFFFF  }
0xad: {  	[dreg:$0x0] =	wrdreg $0x60  }
0xae: {  	[dreg:$0x2] =	wrdreg s24  }
0xaf: {  	[dreg:$0x3] =	wrdreg $0xBA000  }
0xb0: {  	[dreg:$0x4] =	wrdreg $0x9  }
0xb1: {  	_ =	task.clear_ibuf [dreg:s6], $0x5FFFF;
	_ =	strace $0x90000049  }
0xb2: {  	s29 =	simm.s32 $0x9;
	_ =	strace $0x8000004B  }
0xb3: {  	_ =	swait.ge [sflag:s29], $0x1  }
0xb4: {  	[sflag:s29] =	ssyncadd.s32 $0xFFFFFFFF  }
0xb5: {  	_ =	strace $0x9000004B  }
0xb6: {  	_ =	sfence  }
0xb7: {  	s30 =	sld [smem:$0x0];
	_ =	sdelay $0x2  }
0xb8: {  	s31 =	sshll.u32 s1, $0xD;
	s1 =	sshrl.u32 s1, $0x2  }
0xb9: {  	s3 =	sand.u32 $0x4000, s31;
	s1 =	sadd.s32 s1, s30  }
0xba: {  	s0 =	sor.u32 s3, s0;
	s1 =	sshll.u32 s1, $0x11  }
0xbb: {  	s0 =	sor.u32 s1, s0  }
0xbc: {  	s0 =	sadd.s32 $0x8F2B, s0  }
0xbd: {  	[sflag:s0] =	ssyncadd.remote.s32 $0x1  }
0xbe: {  	_ =	sfence.sel $0xFFFF  }
0xbf: {  	[dreg:$0x0] =	wrdreg $0xFFFFFFFF;
	(pc) =	sbr.abs _section_cstart, $3  }
0xc0: {  	[dreg:$0x1] =	wrdreg $0xFFFFFFFF  }
0xc1: {  	_ =	task.clear_ibuf [dreg:s6], $0x2FFFF;
	_ =	strace $0x9FFFFFFF  }
0xc2: {  	(tm) =	ssettm $0x7FFFFFFF  }
0xc3: {  	_ =	shalt  }
tec
execute0_lowered:
.L_overlay_start_1:
0x0: {  	(tag) =	ssettag $0x1  }
0x1: {  	s0 =	rddreg [dreg:$0x0]  }
0x2: {  	s2 =	rddreg [dreg:$0x1]  }
0x3: {  	s3 =	simm.s32 $0x0;
	s1 =	srdreg.scid;
	s10 =	stileid.u32  }
0x4: {  	s16 =	simm.s32 $0x5;
	s17 =	simm.s32 $0x1;
	s18 =	simm.s32 $0x2  }
0x5: {  	s28 =	simm.s32 $0x4;
	s29 =	simm.s32 $0x6;
	s30 =	simm.s32 $0x7  }
0x6: {  	s31 =	simm.s32 $0x8;
	[smem:$0x7FF] =	sst s3;
	s1 =	sand.u32 $0x1, s1  }
0x7: {  	s19 =	sshll.u32 s10, $0x1;
	s6 =	smul.u32 $0x2800, s10;
	s4 =	sadd.s32 $0x20000, s0  }
0x8: {  	s5 =	sadd.s32 $0x13800, s0;
	s20 =	sadd.s32 $0x1D800, s0;
	s21 =	smul.u32 $0x50000, s10  }
0x9: {  	s24 =	sshll.u32 s10, $0x6;
	s10 =	simm.s32 $0x1980;
	_ =	strace $0x8000004A  }
0xa: {  	s3 =	sor.u32 s1, s19;
	s8 =	smul.u32 $0x28000, s1;
	[dreg:$0x3] =	wrdreg s20  }
0xb: {  	s1 =	ssub.s32 $0x2, s1;
	[dreg:$0x4] =	wrdreg s24;
	s19 =	simm.s32 $0x50  }
0xc: {  	s20 =	simm.s32 $0x1A00;
	s7 =	sshll.u32 s3, $0xB;
	s22 =	sshrl.u32 s1, $0x1  }
0xd: {  	s23 =	sshrl.u32 s21, $0x2;
	s21 =	simm.s32 $0x4200;
	s9 =	sadd.s32 s7, s0  }
0xe: {  	s6 =	sadd.s32 s6, s8;
	s7 =	smul.u32 $0x2800, s3;
	s1 =	ssub.s32 s1, s22  }
0xf: {  	s3 =	sadd.s32 s23, s2;
	s22 =	simm.s32 $0xA0;
	s23 =	simm.s32 $0x6A00  }
0x10: {  	s8 =	simm.s32 $0x0;
	s0 =	sadd.s32 s6, s0;
	s6 =	sor.u32 $0x1C05, s24  }
0x11: {  	s11 =	sadd.s32 $0x3800, s9;
	s26 =	smax.u32 s1, $0x1;
	s12 =	sshrl.u32 s3, $0x3  }
0x12: {  	s24 =	simm.s32 $0xF0;
	s1 =	simm.s32 $0x9;
	[dreg:$0x5] =	wrdreg s6  }
0x13: {  	s9 =	simm.s32 $0x1900;
	s25 =	sshrl.u32 s7, $0x3;
	[dreg:$0x8] =	wrdreg s26  }
0x14: {  	s0 =	sadd.s32 $0x47200, s0;
	s26 =	simm.s32 $0x3;
	[dreg:$0x9] =	wrdreg s12  }
0x15: {  	s6 =	sadd.s32 s5, s25;
	[dreg:$0x7] =	wrdreg s0;
	s25 =	simm.s32 $0x9200  }
0x16: {  	s0 =	simm.s32 $0x1800;
	[dreg:$0x6] =	wrdreg s6;
	s6 =	simm.s32 $0x1880  }
.LBB2_1:
0x17: {  	[dreg:$0xa] =	wrdreg s8  }
0x18: {  	s3 =	rddreg [dreg:$0x3]  }
0x19: {  	s15 =	rddreg [dreg:$0x5]  }
0x1a: {  	[spmem:s12], [sflag:s15] =	dma.local [hbm:s3], $0x2800  }
0x1b: {  	s12 =	simm.s32 $0x0;
	s8 =	rddreg [dreg:$0x6]  }
0x1c: {  	[tilespmem:s12], [sflag:$0x1] =	stream.linear.gather [hbm4b:s8+s12], $0xA00, $0x38;
	[tilespmem:$0x1FA00] =	vst v63  }
0x1d: {  	s13 =	simm.s32 $0xA00  }
0x1e: {  	[tilespmem:s13], [sflag:$0x2] =	stream.linear.gather [hbm4b:s11+s12], $0x1000, $0x38;
	[tilespmem:$0x1FA00] =	vst v63  }
0x1f: {  	_ =	swait.ge [sflag:s16], $0x2800  }
0x20: {  	[sflag:s16] =	ssyncset.done $0x0  }
0x21: {  	[sflag:s16] =	ssyncadd.s32 $0xFFFFD800  }
0x22: {  	[bflag:$0x0] =	sbarrier.arrive $0xFFFF  }
0x23: {  	_ =	swait.ge [sflag:s17], $0xA00  }
0x24: {  	[sflag:s17] =	ssyncset.done $0x0  }
0x25: {  	[sflag:s17] =	ssyncadd.s32 $0xFFFFF600  }
0x26: {  	_ =	swait.ge [sflag:s18], $0x1000  }
0x27: {  	[sflag:s18] =	ssyncset.done $0x0  }
0x28: {  	[sflag:s18] =	ssyncadd.s32 $0xFFFFF000  }
0x29: {  	[tilespmem:s20], [sflag:$0x1] =	stream.indirect.gather [hbm4b:s4+s19], $0x80, s12, s19, $0xb8;
	[tilespmem:$0x1FA00] =	vst v63  }
0x2a: {  	_ = 	snop  }
0x2b: {  	[tilespmem:s21], [sflag:$0x2] =	stream.indirect.gather [hbm4b:s4+s19], $0x80, s19, s19, $0xb8;
	[tilespmem:$0x1FA00] =	vst v63  }
0x2c: {  	_ = 	snop  }
0x2d: {  	[tilespmem:s23], [sflag:$0x3] =	stream.indirect.gather [hbm4b:s4+s19], $0x80, s22, s19, $0xb8;
	[tilespmem:$0x1FA00] =	vst v63  }
0x2e: {  	_ = 	snop  }
0x2f: {  	[tilespmem:s25], [sflag:$0x4] =	stream.indirect.gather [hbm4b:s4+s19], $0x80, s24, s19, $0xb8;
	[tilespmem:$0x1FA00] =	vst v63  }
0x30: {  	_ =	swait.ge [sflag:s17], $0x2800  }
0x31: {  	[sflag:s17] =	ssyncset.done $0x0  }
0x32: {  	s14 =	simm.s32 $0xA00;
	[sflag:s17] =	ssyncadd.s32 $0xFFFFD800  }
0x33: {  	[spmem:s2] =	stream.indirect.scatter.add.f32 [tilespmem:s20], [sflag:$0x5], $0x80, s14, s19, $0xb8;
	[tilespmem:$0x1FA00] =	vst v63  }
0x34: {  	_ =	swait.ge [sflag:s18], $0x2800  }
0x35: {  	[sflag:s18] =	ssyncset.done $0x0  }
0x36: {  	s15 =	simm.s32 $0xA80;
	[sflag:s18] =	ssyncadd.s32 $0xFFFFD800  }
0x37: {  	[spmem:s2] =	stream.indirect.scatter.add.f32 [tilespmem:s21], [sflag:$0x6], $0x80, s15, s19, $0xb8;
	[tilespmem:$0x1FA00] =	vst v63  }
0x38: {  	_ =	swait.ge [sflag:s26], $0x2800  }
0x39: {  	[sflag:s26] =	ssyncset.done $0x0  }
0x3a: {  	s8 =	simm.s32 $0xB00;
	[sflag:s26] =	ssyncadd.s32 $0xFFFFD800  }
0x3b: {  	[spmem:s2] =	stream.indirect.scatter.add.f32 [tilespmem:s23], [sflag:$0x7], $0x80, s8, s19, $0xb8;
	[tilespmem:$0x1FA00] =	vst v63  }
0x3c: {  	_ =	swait.ge [sflag:s28], $0x2800  }
0x3d: {  	[sflag:s28] =	ssyncset.done $0x0  }
0x3e: {  	s12 =	simm.s32 $0xB80;
	[sflag:s28] =	ssyncadd.s32 $0xFFFFD800  }
0x3f: {  	[spmem:s2] =	stream.indirect.scatter.add.f32 [tilespmem:s25], [sflag:$0x8], $0x80, s12, s19, $0xb8;
	[tilespmem:$0x1FA00] =	vst v63  }
0x40: {  	_ =	swait.ge [sflag:s16], $0x2800  }
0x41: {  	[sflag:s16] =	ssyncset.done $0x0  }
0x42: {  	s13 =	simm.s32 $0x140;
	[sflag:s16] =	ssyncadd.s32 $0xFFFFD800  }
0x43: {  	[tilespmem:s20], [sflag:$0x1] =	stream.indirect.gather [hbm4b:s4+s19], $0x80, s13, s19, $0xb8;
	[tilespmem:$0x1FA00] =	vst v63  }
0x44: {  	_ =	swait.ge [sflag:s29], $0x2800  }
0x45: {  	[sflag:s29] =	ssyncset.done $0x0  }
0x46: {  	s14 =	simm.s32 $0x190;
	[sflag:s29] =	ssyncadd.s32 $0xFFFFD800  }
0x47: {  	[tilespmem:s21], [sflag:$0x2] =	stream.indirect.gather [hbm4b:s4+s19], $0x80, s14, s19, $0xb8;
	[tilespmem:$0x1FA00] =	vst v63  }
0x48: {  	_ =	swait.ge [sflag:s30], $0x2800  }
0x49: {  	[sflag:s30] =	ssyncset.done $0x0  }
0x4a: {  	s15 =	simm.s32 $0x1E0;
	[sflag:s30] =	ssyncadd.s32 $0xFFFFD800  }
0x4b: {  	[tilespmem:s23], [sflag:$0x3] =	stream.indirect.gather [hbm4b:s4+s19], $0x80, s15, s19, $0xb8;
	[tilespmem:$0x1FA00] =	vst v63  }
0x4c: {  	_ =	swait.ge [sflag:s31], $0x2800  }
0x4d: {  	s3 =	simm.s32 $0xD80;
	[sflag:s31] =	ssyncset.done $0x0  }
0x4e: {  	s8 =	simm.s32 $0x500;
	s13 =	simm.s32 $0x230;
	[sflag:s31] =	ssyncadd.s32 $0xFFFFD800  }
.LBB2_2:
0x4f: {  	[tilespmem:s25], [sflag:$0x4] =	stream.indirect.gather [hbm4b:s4+s19], $0x80, s13, s19, $0xb8;
	[tilespmem:$0x1FA00] =	vst v63  }
0x50: {  	s12 =	smov.u32 s8  }
0x51: {  	p0 =	sne.s32 s8, $0x1E00;
	s8 =	sadd.s32 $0x500, s8;
	_ =	swait.ge [sflag:s17], $0x2800  }
0x52: {  	[sflag:s17] =	ssyncset.done $0x0  }
0x53: {  	s13 =	sadd.s32 $0xFFFFFE80, s3;
	[sflag:s17] =	ssyncadd.s32 $0xFFFFD800  }
0x54: {  	[spmem:s2] =	stream.indirect.scatter.add.f32 [tilespmem:s20], [sflag:$0x5], $0x80, s13, s19, $0xb8;
	[tilespmem:$0x1FA00] =	vst v63  }
0x55: {  	_ =	swait.ge [sflag:s18], $0x2800  }
0x56: {  	[sflag:s18] =	ssyncset.done $0x0  }
0x57: {  	s13 =	sadd.s32 $0xFFFFFF00, s3;
	[sflag:s18] =	ssyncadd.s32 $0xFFFFD800  }
0x58: {  	[spmem:s2] =	stream.indirect.scatter.add.f32 [tilespmem:s21], [sflag:$0x6], $0x80, s13, s19, $0xb8;
	[tilespmem:$0x1FA00] =	vst v63  }
0x59: {  	_ =	swait.ge [sflag:s26], $0x2800  }
0x5a: {  	[sflag:s26] =	ssyncset.done $0x0  }
0x5b: {  	s13 =	sadd.s32 $0xFFFFFF80, s3;
	[sflag:s26] =	ssyncadd.s32 $0xFFFFD800  }
0x5c: {  	[spmem:s2] =	stream.indirect.scatter.add.f32 [tilespmem:s23], [sflag:$0x7], $0x80, s13, s19, $0xb8;
	[tilespmem:$0x1FA00] =	vst v63  }
0x5d: {  	_ =	swait.ge [sflag:s28], $0x2800  }
0x5e: {  	[sflag:s28] =	ssyncset.done $0x0  }
0x5f: {  	[sflag:s28] =	ssyncadd.s32 $0xFFFFD800  }
0x60: {  	[spmem:s2] =	stream.indirect.scatter.add.f32 [tilespmem:s25], [sflag:$0x8], $0x80, s3, s19, $0xb8;
	[tilespmem:$0x1FA00] =	vst v63  }
0x61: {  	_ =	swait.ge [sflag:s16], $0x2800  }
0x62: {  	s12 =	sshra.s32 s12, $0x2;
	[sflag:s16] =	ssyncset.done $0x0  }
0x63: {  	s13 =	sadd.s32 $0x140, s12;
	[sflag:s16] =	ssyncadd.s32 $0xFFFFD800  }
0x64: {  	[tilespmem:s20], [sflag:$0x1] =	stream.indirect.gather [hbm4b:s4+s19], $0x80, s13, s19, $0xb8;
	[tilespmem:$0x1FA00] =	vst v63  }
0x65: {  	_ =	swait.ge [sflag:s29], $0x2800  }
0x66: {  	[sflag:s29] =	ssyncset.done $0x0  }
0x67: {  	s13 =	sadd.s32 $0x190, s12;
	[sflag:s29] =	ssyncadd.s32 $0xFFFFD800  }
0x68: {  	[tilespmem:s21], [sflag:$0x2] =	stream.indirect.gather [hbm4b:s4+s19], $0x80, s13, s19, $0xb8;
	[tilespmem:$0x1FA00] =	vst v63  }
0x69: {  	_ =	swait.ge [sflag:s30], $0x2800  }
0x6a: {  	[sflag:s30] =	ssyncset.done $0x0  }
.Ltmp0:
0x6b: {  	s13 =	sadd.s32 $0x1E0, s12;
	[sflag:s30] =	ssyncadd.s32 $0xFFFFD800;
	(pc) =	sbr.rel @p0 .LBB2_2-.Ltmp0, $4  }
0x6c: {  	[tilespmem:s23], [sflag:$0x3] =	stream.indirect.gather [hbm4b:s4+s19], $0x80, s13, s19, $0xb8;
	[tilespmem:$0x1FA00] =	vst v63  }
0x6d: {  	_ =	swait.ge [sflag:s31], $0x2800  }
0x6e: {  	[sflag:s31] =	ssyncset.done $0x0  }
0x6f: {  	s3 =	sadd.s32 $0x200, s3;
	s13 =	sadd.s32 $0x230, s12;
	[sflag:s31] =	ssyncadd.s32 $0xFFFFD800  }
0x70: {  	[tilespmem:s25], [sflag:$0x4] =	stream.indirect.gather [hbm4b:s4+s19], $0x80, s13, s19, $0xb8;
	[tilespmem:$0x1FA00] =	vst v63  }
0x71: {  	_ =	swait.ge [sflag:s17], $0x2800  }
0x72: {  	[sflag:s17] =	ssyncset.done $0x0  }
0x73: {  	[sflag:s17] =	ssyncadd.s32 $0xFFFFD800  }
0x74: {  	[spmem:s2] =	stream.indirect.scatter.add.f32 [tilespmem:s20], [sflag:$0x9], $0x80, s0, s19, $0xb8;
	[tilespmem:$0x1FA00] =	vst v63  }
0x75: {  	_ =	swait.ge [sflag:s1], $0x2800  }
0x76: {  	[sflag:s1] =	ssyncset.done $0x0  }
0x77: {  	[sflag:s1] =	ssyncadd.s32 $0xFFFFD800  }
0x78: {  	_ =	swait.ge [sflag:s18], $0x2800  }
0x79: {  	[sflag:s18] =	ssyncset.done $0x0  }
0x7a: {  	[sflag:s18] =	ssyncadd.s32 $0xFFFFD800  }
0x7b: {  	[spmem:s2] =	stream.indirect.scatter.add.f32 [tilespmem:s21], [sflag:$0x9], $0x80, s6, s19, $0xb8;
	[tilespmem:$0x1FA00] =	vst v63  }
0x7c: {  	_ =	swait.ge [sflag:s1], $0x2800  }
0x7d: {  	[sflag:s1] =	ssyncset.done $0x0  }
0x7e: {  	[sflag:s1] =	ssyncadd.s32 $0xFFFFD800  }
0x7f: {  	_ =	swait.ge [sflag:s26], $0x2800  }
0x80: {  	[sflag:s26] =	ssyncset.done $0x0  }
0x81: {  	[sflag:s26] =	ssyncadd.s32 $0xFFFFD800  }
0x82: {  	[spmem:s2] =	stream.indirect.scatter.add.f32 [tilespmem:s23], [sflag:$0x9], $0x80, s9, s19, $0xb8;
	[tilespmem:$0x1FA00] =	vst v63  }
0x83: {  	_ =	swait.ge [sflag:s1], $0x2800  }
0x84: {  	[sflag:s1] =	ssyncset.done $0x0  }
0x85: {  	[sflag:s1] =	ssyncadd.s32 $0xFFFFD800  }
0x86: {  	_ =	swait.ge [sflag:s28], $0x2800  }
0x87: {  	[sflag:s28] =	ssyncset.done $0x0  }
0x88: {  	[sflag:s28] =	ssyncadd.s32 $0xFFFFD800  }
0x89: {  	[spmem:s2] =	stream.indirect.scatter.add.f32 [tilespmem:s25], [sflag:$0x9], $0x80, s10, s19, $0xb8;
	[tilespmem:$0x1FA00] =	vst v63  }
0x8a: {  	_ =	swait.ge [sflag:s1], $0x2800  }
0x8b: {  	[sflag:s1] =	ssyncset.done $0x0  }
0x8c: {  	s13 =	simm.s32 $0x0;
	s8 =	simm.s32 $0x0;
	[sflag:s1] =	ssyncadd.s32 $0xFFFFD800  }
.LBB2_4:
0x8d: {  	s8 =	sadd.s32 $0x1, s8  }
0x8e: {  	s3 =	smul.u32 $0xA00, s8;
	_ =	sdelay $0x1  }
0x8f: {  	s3 =	sadd.s32 s7, s3  }
0x90: {  	s3 =	sshrl.u32 s3, $0x3  }
0x91: {  	s14 =	sshll.u32 s8, $0x9;
	s3 =	sadd.s32 s5, s3  }
0x92: {  	[tilespmem:s13], [sflag:$0x1] =	stream.linear.gather [hbm4b:s3+s13], $0xA00, $0x38;
	[tilespmem:$0x1FA00] =	vst v63  }
0x93: {  	s12 =	simm.s32 $0xA00;
	s3 =	sadd.s32 s14, s11  }
0x94: {  	[tilespmem:s12], [sflag:$0x2] =	stream.linear.gather [hbm4b:s3+s13], $0x1000, $0x38;
	[tilespmem:$0x1FA00] =	vst v63  }
0x95: {  	_ =	swait.ge [sflag:s17], $0xA00  }
0x96: {  	[sflag:s17] =	ssyncset.done $0x0  }
0x97: {  	[sflag:s17] =	ssyncadd.s32 $0xFFFFF600  }
0x98: {  	_ =	swait.ge [sflag:s18], $0x1000  }
0x99: {  	[sflag:s18] =	ssyncset.done $0x0  }
0x9a: {  	[sflag:s18] =	ssyncadd.s32 $0xFFFFF000  }
0x9b: {  	[tilespmem:s20], [sflag:$0x1] =	stream.indirect.gather [hbm4b:s4+s19], $0x80, s13, s19, $0xb8;
	[tilespmem:$0x1FA00] =	vst v63  }
0x9c: {  	_ = 	snop  }
0x9d: {  	[tilespmem:s21], [sflag:$0x2] =	stream.indirect.gather [hbm4b:s4+s19], $0x80, s19, s19, $0xb8;
	[tilespmem:$0x1FA00] =	vst v63  }
0x9e: {  	_ = 	snop  }
0x9f: {  	[tilespmem:s23], [sflag:$0x3] =	stream.indirect.gather [hbm4b:s4+s19], $0x80, s22, s19, $0xb8;
	[tilespmem:$0x1FA00] =	vst v63  }
0xa0: {  	_ = 	snop  }
0xa1: {  	[tilespmem:s25], [sflag:$0x4] =	stream.indirect.gather [hbm4b:s4+s19], $0x80, s24, s19, $0xb8;
	[tilespmem:$0x1FA00] =	vst v63  }
0xa2: {  	_ =	swait.ge [sflag:s17], $0x2800  }
0xa3: {  	[sflag:s17] =	ssyncset.done $0x0  }
0xa4: {  	s15 =	simm.s32 $0xA00;
	[sflag:s17] =	ssyncadd.s32 $0xFFFFD800  }
0xa5: {  	[spmem:s2] =	stream.indirect.scatter.add.f32 [tilespmem:s20], [sflag:$0x5], $0x80, s15, s19, $0xb8;
	[tilespmem:$0x1FA00] =	vst v63  }
0xa6: {  	_ =	swait.ge [sflag:s18], $0x2800  }
0xa7: {  	[sflag:s18] =	ssyncset.done $0x0  }
0xa8: {  	s12 =	simm.s32 $0xA80;
	[sflag:s18] =	ssyncadd.s32 $0xFFFFD800  }
0xa9: {  	[spmem:s2] =	stream.indirect.scatter.add.f32 [tilespmem:s21], [sflag:$0x6], $0x80, s12, s19, $0xb8;
	[tilespmem:$0x1FA00] =	vst v63  }
0xaa: {  	_ =	swait.ge [sflag:s26], $0x2800  }
0xab: {  	[sflag:s26] =	ssyncset.done $0x0  }
0xac: {  	s14 =	simm.s32 $0xB00;
	[sflag:s26] =	ssyncadd.s32 $0xFFFFD800  }
0xad: {  	[spmem:s2] =	stream.indirect.scatter.add.f32 [tilespmem:s23], [sflag:$0x7], $0x80, s14, s19, $0xb8;
	[tilespmem:$0x1FA00] =	vst v63  }
0xae: {  	_ =	swait.ge [sflag:s28], $0x2800  }
0xaf: {  	[sflag:s28] =	ssyncset.done $0x0  }
0xb0: {  	s15 =	simm.s32 $0xB80;
	[sflag:s28] =	ssyncadd.s32 $0xFFFFD800  }
0xb1: {  	[spmem:s2] =	stream.indirect.scatter.add.f32 [tilespmem:s25], [sflag:$0x8], $0x80, s15, s19, $0xb8;
	[tilespmem:$0x1FA00] =	vst v63  }
0xb2: {  	_ =	swait.ge [sflag:s16], $0x2800  }
0xb3: {  	[sflag:s16] =	ssyncset.done $0x0  }
0xb4: {  	s12 =	simm.s32 $0x140;
	[sflag:s16] =	ssyncadd.s32 $0xFFFFD800  }
0xb5: {  	[tilespmem:s20], [sflag:$0x1] =	stream.indirect.gather [hbm4b:s4+s19], $0x80, s12, s19, $0xb8;
	[tilespmem:$0x1FA00] =	vst v63  }
0xb6: {  	_ =	swait.ge [sflag:s29], $0x2800  }
0xb7: {  	[sflag:s29] =	ssyncset.done $0x0  }
0xb8: {  	s14 =	simm.s32 $0x190;
	[sflag:s29] =	ssyncadd.s32 $0xFFFFD800  }
0xb9: {  	[tilespmem:s21], [sflag:$0x2] =	stream.indirect.gather [hbm4b:s4+s19], $0x80, s14, s19, $0xb8;
	[tilespmem:$0x1FA00] =	vst v63  }
0xba: {  	_ =	swait.ge [sflag:s30], $0x2800  }
0xbb: {  	[sflag:s30] =	ssyncset.done $0x0  }
0xbc: {  	s15 =	simm.s32 $0x1E0;
	[sflag:s30] =	ssyncadd.s32 $0xFFFFD800  }
0xbd: {  	[tilespmem:s23], [sflag:$0x3] =	stream.indirect.gather [hbm4b:s4+s19], $0x80, s15, s19, $0xb8;
	[tilespmem:$0x1FA00] =	vst v63  }
0xbe: {  	_ =	swait.ge [sflag:s31], $0x2800  }
0xbf: {  	s3 =	simm.s32 $0x500;
	[sflag:s31] =	ssyncset.done $0x0  }
0xc0: {  	s12 =	simm.s32 $0x230;
	s14 =	simm.s32 $0xD80;
	[sflag:s31] =	ssyncadd.s32 $0xFFFFD800  }
.LBB2_5:
0xc1: {  	[tilespmem:s25], [sflag:$0x4] =	stream.indirect.gather [hbm4b:s4+s19], $0x80, s12, s19, $0xb8;
	[tilespmem:$0x1FA00] =	vst v63  }
0xc2: {  	s12 =	smov.u32 s3  }
0xc3: {  	p0 =	sne.s32 s3, $0x1E00;
	s3 =	sadd.s32 $0x500, s3;
	_ =	swait.ge [sflag:s17], $0x2800  }
0xc4: {  	[sflag:s17] =	ssyncset.done $0x0  }
0xc5: {  	s15 =	sadd.s32 $0xFFFFFE80, s14;
	[sflag:s17] =	ssyncadd.s32 $0xFFFFD800  }
0xc6: {  	[spmem:s2] =	stream.indirect.scatter.add.f32 [tilespmem:s20], [sflag:$0x5], $0x80, s15, s19, $0xb8;
	[tilespmem:$0x1FA00] =	vst v63  }
0xc7: {  	_ =	swait.ge [sflag:s18], $0x2800  }
0xc8: {  	[sflag:s18] =	ssyncset.done $0x0  }
0xc9: {  	s15 =	sadd.s32 $0xFFFFFF00, s14;
	[sflag:s18] =	ssyncadd.s32 $0xFFFFD800  }
0xca: {  	[spmem:s2] =	stream.indirect.scatter.add.f32 [tilespmem:s21], [sflag:$0x6], $0x80, s15, s19, $0xb8;
	[tilespmem:$0x1FA00] =	vst v63  }
0xcb: {  	_ =	swait.ge [sflag:s26], $0x2800  }
0xcc: {  	[sflag:s26] =	ssyncset.done $0x0  }
0xcd: {  	s15 =	sadd.s32 $0xFFFFFF80, s14;
	[sflag:s26] =	ssyncadd.s32 $0xFFFFD800  }
0xce: {  	[spmem:s2] =	stream.indirect.scatter.add.f32 [tilespmem:s23], [sflag:$0x7], $0x80, s15, s19, $0xb8;
	[tilespmem:$0x1FA00] =	vst v63  }
0xcf: {  	_ =	swait.ge [sflag:s28], $0x2800  }
0xd0: {  	[sflag:s28] =	ssyncset.done $0x0  }
0xd1: {  	[sflag:s28] =	ssyncadd.s32 $0xFFFFD800  }
0xd2: {  	[spmem:s2] =	stream.indirect.scatter.add.f32 [tilespmem:s25], [sflag:$0x8], $0x80, s14, s19, $0xb8;
	[tilespmem:$0x1FA00] =	vst v63  }
0xd3: {  	_ =	swait.ge [sflag:s16], $0x2800  }
0xd4: {  	s12 =	sshra.s32 s12, $0x2;
	[sflag:s16] =	ssyncset.done $0x0  }
0xd5: {  	s15 =	sadd.s32 $0x140, s12;
	[sflag:s16] =	ssyncadd.s32 $0xFFFFD800  }
0xd6: {  	[tilespmem:s20], [sflag:$0x1] =	stream.indirect.gather [hbm4b:s4+s19], $0x80, s15, s19, $0xb8;
	[tilespmem:$0x1FA00] =	vst v63  }
0xd7: {  	_ =	swait.ge [sflag:s29], $0x2800  }
0xd8: {  	[sflag:s29] =	ssyncset.done $0x0  }
0xd9: {  	s15 =	sadd.s32 $0x190, s12;
	[sflag:s29] =	ssyncadd.s32 $0xFFFFD800  }
0xda: {  	[tilespmem:s21], [sflag:$0x2] =	stream.indirect.gather [hbm4b:s4+s19], $0x80, s15, s19, $0xb8;
	[tilespmem:$0x1FA00] =	vst v63  }
0xdb: {  	_ =	swait.ge [sflag:s30], $0x2800  }
0xdc: {  	[sflag:s30] =	ssyncset.done $0x0  }
.Ltmp1:
0xdd: {  	s15 =	sadd.s32 $0x1E0, s12;
	[sflag:s30] =	ssyncadd.s32 $0xFFFFD800;
	(pc) =	sbr.rel @p0 .LBB2_5-.Ltmp1, $4  }
0xde: {  	[tilespmem:s23], [sflag:$0x3] =	stream.indirect.gather [hbm4b:s4+s19], $0x80, s15, s19, $0xb8;
	[tilespmem:$0x1FA00] =	vst v63  }
0xdf: {  	_ =	swait.ge [sflag:s31], $0x2800  }
0xe0: {  	[sflag:s31] =	ssyncset.done $0x0  }
0xe1: {  	s14 =	sadd.s32 $0x200, s14;
	s12 =	sadd.s32 $0x230, s12;
	[sflag:s31] =	ssyncadd.s32 $0xFFFFD800  }
0xe2: {  	[tilespmem:s25], [sflag:$0x4] =	stream.indirect.gather [hbm4b:s4+s19], $0x80, s12, s19, $0xb8;
	[tilespmem:$0x1FA00] =	vst v63  }
0xe3: {  	_ =	swait.ge [sflag:s17], $0x2800  }
0xe4: {  	[sflag:s17] =	ssyncset.done $0x0  }
0xe5: {  	[sflag:s17] =	ssyncadd.s32 $0xFFFFD800  }
0xe6: {  	[spmem:s2] =	stream.indirect.scatter.add.f32 [tilespmem:s20], [sflag:$0x9], $0x80, s0, s19, $0xb8;
	[tilespmem:$0x1FA00] =	vst v63  }
0xe7: {  	_ =	swait.ge [sflag:s1], $0x2800  }
0xe8: {  	[sflag:s1] =	ssyncset.done $0x0  }
0xe9: {  	[sflag:s1] =	ssyncadd.s32 $0xFFFFD800  }
0xea: {  	_ =	swait.ge [sflag:s18], $0x2800  }
0xeb: {  	[sflag:s18] =	ssyncset.done $0x0  }
0xec: {  	[sflag:s18] =	ssyncadd.s32 $0xFFFFD800  }
0xed: {  	[spmem:s2] =	stream.indirect.scatter.add.f32 [tilespmem:s21], [sflag:$0x9], $0x80, s6, s19, $0xb8;
	[tilespmem:$0x1FA00] =	vst v63  }
0xee: {  	_ =	swait.ge [sflag:s1], $0x2800  }
0xef: {  	[sflag:s1] =	ssyncset.done $0x0  }
0xf0: {  	[sflag:s1] =	ssyncadd.s32 $0xFFFFD800  }
0xf1: {  	_ =	swait.ge [sflag:s26], $0x2800  }
0xf2: {  	[sflag:s26] =	ssyncset.done $0x0  }
0xf3: {  	[sflag:s26] =	ssyncadd.s32 $0xFFFFD800  }
0xf4: {  	[spmem:s2] =	stream.indirect.scatter.add.f32 [tilespmem:s23], [sflag:$0x9], $0x80, s9, s19, $0xb8;
	[tilespmem:$0x1FA00] =	vst v63  }
0xf5: {  	_ =	swait.ge [sflag:s1], $0x2800  }
0xf6: {  	[sflag:s1] =	ssyncset.done $0x0  }
0xf7: {  	[sflag:s1] =	ssyncadd.s32 $0xFFFFD800  }
0xf8: {  	_ =	swait.ge [sflag:s28], $0x2800  }
0xf9: {  	p0 =	sne.s32 s8, $0x3;
	[sflag:s28] =	ssyncset.done $0x0  }
.Ltmp2:
0xfa: {  	[sflag:s28] =	ssyncadd.s32 $0xFFFFD800;
	(pc) =	sbr.rel @p0 .LBB2_4-.Ltmp2, $4  }
0xfb: {  	[spmem:s2] =	stream.indirect.scatter.add.f32 [tilespmem:s25], [sflag:$0x9], $0x80, s10, s19, $0xb8;
	[tilespmem:$0x1FA00] =	vst v63  }
0xfc: {  	_ =	swait.ge [sflag:s1], $0x2800  }
0xfd: {  	[sflag:s1] =	ssyncset.done $0x0  }
0xfe: {  	[sflag:s1] =	ssyncadd.s32 $0xFFFFD800  }
0xff: {  	[bflag:$0x0] =	sbarrier.arrive $0xFFFF  }
0x100: {  	s3 =	rddreg [dreg:$0x4]  }
0x101: {  	s8 =	rddreg [dreg:$0x7]  }
0x102: {  	s12 =	rddreg [dreg:$0x9];
	s3 =	sor.u32 $0x1C09, s3  }
0x103: {  	[hbm:s8], [sflag:s3] =	dma.local [spmem:s12], $0x2800  }
0x104: {  	_ =	swait.ge [sflag:s1], $0x2800  }
0x105: {  	s14 =	rddreg [dreg:$0xa]  }
0x106: {  	s15 =	rddreg [dreg:$0x8];
	s8 =	sadd.s32 $0x1, s14  }
0x107: {  	p0 =	sne.s32 s8, s15  }
.Ltmp3:
0x108: {  	_ = 	snop;
	(pc) =	sbr.rel @p0 .LBB2_1-.Ltmp3, $3  }
0x109: {  	_ =	sdelay $0x1  }
0x10a: {  	[sflag:s1] =	ssyncset.done $0x0  }
0x10b: {  	[sflag:s1] =	ssyncadd.s32 $0xFFFFD800  }
0x10c: {  	_ =	sfence.sel $0x180000  }
0x10d: {  	[bflag:$0x0] =	sbarrier.arrive $0xFFFF  }
0x10e: {  	_ =	strace $0x9000004A  }
0x10f: {  	s0 =	stileid.u32;
	[bflag:$0x2] =	sbarrier.arrive $0xFFFF  }
0x110: {  	p0 =	sne.s32 s0, $0x0;
	s0 =	rddreg [dreg:$0x2]  }
0x111: {  	s0 =	sadd.s32 @!p0 $0x100000, s0  }
0x112: {  	[sflag:s0] =	ssyncadd.tile.s32 @!p0 $0x1;
	_ =	shalt  }
.Lfunc_end2:
_tile_overlayer_lowered:
.L_overlay_start_2:
0x113: {  	(tag) =	ssettag $0x2  }
0x114: {  	s0 =	rddreg [dreg:$0x0];
	s2 =	stileid.u32  }
0x115: {  	s1 =	rddreg [dreg:$0x1];
	p0 =	sne.s32 s2, $0x0  }
0x116: {  	s3 =	rddreg [dreg:$0x2];
	[bflag:$0x3] =	sbarrier.arrive $0xFFFF;
	s2 =	simm.s32 @!p0 $0x1C09  }
0x117: {  	[timem:s3], [sflag:s2] =	dma.local @!p0 [hbm:s0], s1  }
0x118: {  	s0 =	simm.s32 @!p0 $0x9  }
0x119: {  	_ =	swait.ge @!p0 [sflag:s0], s1  }
0x11a: {  	s1 =	ssub.s32 @!p0 $0x0, s1;
	[sflag:s0] =	ssyncset.done @!p0 $0x0  }
0x11b: {  	[sflag:s0] =	ssyncadd.s32 @!p0 s1  }
0x11c: {  	[bflag:$0x3] =	sbarrier.arrive $0xFFFF  }
0x11d: {  	_ =	shalt  }

// kernel: kernel.14.cloned.1.call-start
scs
__scs_entry_jumppad:
0x0: {  	(pc) =	sbr.rel $0x88, $3  }
0x1: {  	(tag) =	ssettag $0x0;
	lr =	simm.s32 $0x1  }
0x2: {  	[smem:$0x3F90] =	sst lr;
	_ =	strace $0xD0000000  }
0x3: {  	_ = 	snop  }
0x4: {  	_ = 	snop  }
0x5: {  	_ = 	snop  }
0x6: {  	_ = 	snop  }
0x7: {  	_ = 	snop  }
__scs_overlays_trampoline_lowered:
0x8: {  	[smem:$0x3F9F] =	sst s0  }
0x9: {  	[smem:$0x3FA0] =	sst s1  }
0xa: {  	[smem:$0x3FA1] =	sst s2  }
0xb: {  	[smem:$0x3FA2] =	sst s3  }
0xc: {  	[smem:$0x3FA3] =	sst s4  }
0xd: {  	[smem:$0x3FA4] =	sst s5  }
0xe: {  	[smem:$0x3FA5] =	sst s6  }
0xf: {  	[smem:$0x3FA6] =	sst s7  }
0x10: {  	[smem:$0x3FA7] =	sst s8  }
0x11: {  	[smem:$0x3FA8] =	sst s9;
	s0 =	simm.s32 @!p0 $0x0  }
0x12: {  	s1 =	sld [smem:$0x3F8E];
	s0 =	simm.s32 @p0 $0x1  }
0x13: {  	[smem:$0x3FA9] =	sst s0;
	s0 =	simm.s32 @!p1 $0x0  }
0x14: {  	s2 =	sld [smem:$0x3F8D];
	s0 =	simm.s32 @p1 $0x1  }
0x15: {  	[smem:$0x3FAA] =	sst s0;
	s0 =	simm.s32 @!p2 $0x0  }
0x16: {  	s3 =	sld [smem:$0x3FDB];
	s0 =	simm.s32 @p2 $0x1  }
0x17: {  	s4 =	simm.s32 $0x1BF5;
	[smem:$0x3FAC] =	sst s0  }
0x18: {  	s0 =	sld [smem:$0x3F8F];
	_ =	swait.ge [sflag:s4], $0x0  }
0x19: {  	s7 =	sld [smem:$0x3F90]  }
0x1a: {  	s8 =	sadd.s32 $0xFFFFE003, lr  }
0x1b: {  	s9 =	sadd.s32 $0xFFFFFEF7, lr;
	s5 =	simm.s32 $0xFFFFFFFF;
	p2 =	slt.u32 s8, $0xFFFFF086  }
0x1c: {  	p1 =	slt.u32 s9, $0xF7A;
	s5 =	simm.s32 @!p2 $0x0  }
0x1d: {  	s5 =	simm.s32 @p1 $0x1;
	p0 =	seq.s32 s7, s2  }
0x1e: {  	s7 =	smul.u32 @!p0 $0xF7A, s2;
	p2 =	seq.s32 @!p0 s5, $0x0  }
0x1f: {  	s9 =	smul.u32 $0xF7A, s1;
	s8 =	simm.s32 @!p0 $0x1BF5;
	p2 =	por !p2, p0  }
0x20: {  	[sflag:s8] =	ssyncset.s32 @!p0 $0xFFFFF086;
	s6 =	sadd.s32 @!p0 s3, s7;
	s7 =	simm.s32 @!p0 $0x108  }
0x21: {  	s3 =	sadd.s32 s3, s9;
	s6 =	sadd.s32 @!p0 $0x88, s6;
	s7 =	simm.s32 @p2 $0x1082  }
0x22: {  	[simem:s7], [sflag:s8] =	dma.local @!p0 [hbm:s6], $0xF7A  }
0x23: {  	s9 =	sor.u32 $0xD0000000, s2;
	s6 =	simm.s32 $0x108;
	_ =	swait.ge @!p0 [sflag:s8], $0x0  }
0x24: {  	s3 =	sadd.s32 $0x88, s3;
	s6 =	simm.s32 @!p1 $0x1082;
	[sflag:s4] =	ssyncset.s32 $0xFFFFF086  }
0x25: {  	[simem:s6], [sflag:s4] =	dma.local [hbm:s3], $0xF7A  }
0x26: {  	[smem:$0x3F90] =	sst s1;
	(tag) =	ssettag s2;
	_ =	strace s9  }
0x27: {  	s1 =	sld [smem:$0x3FA0]  }
0x28: {  	s2 =	sld [smem:$0x3FA1]  }
0x29: {  	s4 =	sld [smem:$0x3FA3]  }
0x2a: {  	p0 =	seq.s32 s5, $0x0;
	s5 =	sld [smem:$0x3FA4]  }
0x2b: {  	s6 =	sld [smem:$0x3FA5]  }
0x2c: {  	s7 =	sld [smem:$0x3FA6]  }
0x2d: {  	s3 =	simm.s32 $0x108;
	s8 =	sld [smem:$0x3FA7]  }
0x2e: {  	s3 =	simm.s32 @!p0 $0x1082;
	s9 =	sld [smem:$0x3FA8]  }
0x2f: {  	lr =	sadd.s32 s0, s3;
	s0 =	sld [smem:$0x3F9F]  }
0x30: {  	s3 =	sld [smem:$0x3FA2]  }
0x31: {  	[smem:$0x3FAB] =	sst s10  }
0x32: {  	s10 =	sld [smem:$0x3FA9];
	_ =	sdelay $0x3  }
0x33: {  	p0 =	seq.s32 s10, $0x1;
	s10 =	sld [smem:$0x3FAB];
	_ =	sdelay $0x3  }
0x34: {  	[smem:$0x3FAB] =	sst s10  }
0x35: {  	s10 =	sld [smem:$0x3FAA];
	_ =	sdelay $0x3  }
0x36: {  	p1 =	seq.s32 s10, $0x1;
	s10 =	sld [smem:$0x3FAB];
	_ =	sdelay $0x3  }
0x37: {  	[smem:$0x3FAB] =	sst s10  }
0x38: {  	s10 =	sld [smem:$0x3FAC]  }
0x39: {  	_ = 	snop;
	(pc) =	sbr.ind lr, $3  }
0x3a: {  	_ = 	snop  }
0x3b: {  	_ = 	snop  }
0x3c: {  	p2 =	seq.s32 s10, $0x1;
	s10 =	sld [smem:$0x3FAB]  }
0x3d: {  	_ =	shalt  }
0x3e: {  	_ =	shalt  }
0x3f: {  	_ =	shalt  }
0x40: {  	_ =	shalt  }
0x41: {  	_ =	shalt  }
0x42: {  	_ =	shalt  }
0x43: {  	_ =	shalt  }
0x44: {  	_ =	shalt  }
0x45: {  	_ =	shalt  }
0x46: {  	_ =	shalt  }
0x47: {  	_ =	shalt  }
0x48: {  	_ =	shalt  }
0x49: {  	_ =	shalt  }
0x4a: {  	_ =	shalt  }
0x4b: {  	_ =	shalt  }
0x4c: {  	_ =	shalt  }
0x4d: {  	_ =	shalt  }
0x4e: {  	_ =	shalt  }
0x4f: {  	_ =	shalt  }
0x50: {  	_ =	shalt  }
0x51: {  	_ =	shalt  }
0x52: {  	_ =	shalt  }
0x53: {  	_ =	shalt  }
0x54: {  	_ =	shalt  }
0x55: {  	_ =	shalt  }
0x56: {  	_ =	shalt  }
0x57: {  	_ =	shalt  }
0x58: {  	_ =	shalt  }
0x59: {  	_ =	shalt  }
0x5a: {  	_ =	shalt  }
0x5b: {  	_ =	shalt  }
0x5c: {  	_ =	shalt  }
0x5d: {  	_ =	shalt  }
0x5e: {  	_ =	shalt  }
0x5f: {  	_ =	shalt  }
0x60: {  	_ =	shalt  }
0x61: {  	_ =	shalt  }
0x62: {  	_ =	shalt  }
0x63: {  	_ =	shalt  }
0x64: {  	_ =	shalt  }
0x65: {  	_ =	shalt  }
0x66: {  	_ =	shalt  }
0x67: {  	_ =	shalt  }
0x68: {  	_ =	shalt  }
0x69: {  	_ =	shalt  }
0x6a: {  	_ =	shalt  }
0x6b: {  	_ =	shalt  }
0x6c: {  	_ =	shalt  }
0x6d: {  	_ =	shalt  }
0x6e: {  	_ =	shalt  }
0x6f: {  	_ =	shalt  }
0x70: {  	_ =	shalt  }
0x71: {  	_ =	shalt  }
0x72: {  	_ =	shalt  }
0x73: {  	_ =	shalt  }
0x74: {  	_ =	shalt  }
0x75: {  	_ =	shalt  }
0x76: {  	_ =	shalt  }
0x77: {  	_ =	shalt  }
0x78: {  	_ =	shalt  }
0x79: {  	_ =	shalt  }
0x7a: {  	_ =	shalt  }
0x7b: {  	_ =	shalt  }
0x7c: {  	_ =	shalt  }
0x7d: {  	_ =	shalt  }
0x7e: {  	_ =	shalt  }
0x7f: {  	_ =	shalt  }
0x80: {  	_ =	shalt  }
0x81: {  	_ =	shalt  }
0x82: {  	_ =	shalt  }
0x83: {  	_ =	shalt  }
0x84: {  	_ =	shalt  }
0x85: {  	_ =	shalt  }
0x86: {  	_ =	shalt  }
0x87: {  	_ =	shalt  }
.Lfunc_end0:
.L_simem_size_0:
called_computation.2_lowered:
.L_overlay_start_0:
0x88: {  	s2 =	sld [smem:$0x3FD9]  }
0x89: {  	s3 =	sld [smem:$0x3FFE];
	_ =	sdelay $0x1  }
0x8a: {  	s1 =	srdreg.scid  }
0x8b: {  	s0 =	sand.u32 $0x1, s1  }
0x8c: {  	s16 =	sshll.u32 s0, $0xA;
	s2 =	sadd.s32 s3, s2  }
0x8d: {  	s2 =	sadd.s32 s2, s16  }
0x8e: {  	[smem:$0x3FB7] =	sst s2  }
0x8f: {  	_ = 	snop  }
0x90: {  	(tm) =	ssettm $0x1  }
0x91: {  	s17 =	sld [smem:$0x3FFB];
	_ =	sdelay $0x3  }
0x92: {  	_ =	strace s17  }
0x93: {  	s2 =	sld [smem:$0x3FFC];
	_ =	sdelay $0x3  }
0x94: {  	_ =	strace s2  }
0x95: {  	s2 =	sld [smem:$0x3FFD];
	_ =	sdelay $0x3  }
0x96: {  	_ =	strace s2  }
0x97: {  	_ =	strace $0x8FFFFFFF  }
0x98: {  	s18 =	sld [smem:$0x3FDB];
	_ =	sdelay $0x1  }
0x99: {  	s19 =	simm.s32 $_scs_section_size  }
0x9a: {  	s4 =	simm.s32 $_size__tile_overlayer_lowered;
	s5 =	simm.s32 $_tile_overlayer_lowered  }
0x9b: {  	s22 =	simm.s32 $0x1BFF;
	s21 =	sshll.u32 s5, $0x1;
	s2 =	sadd.s32 s19, s18  }
0x9c: {  	s6 =	simm.s32 $0x0;
	s20 =	sshll.u32 s4, $0x1;
	s4 =	sadd.s32 s21, s2  }
0x9d: {  	[timem:s6], [sflag:s22] =	dma.local [hbm:s4], s20  }
0x9e: {  	_ =	swait.ge [sflag:s22], s20  }
0x9f: {  	s3 =	ssub.s32 $0x0, s20;
	[sflag:s22] =	ssyncset.done $0x0  }
0xa0: {  	[sflag:s22] =	ssyncadd.s32 s3;
	_ =	sdelay $0x1  }
0xa1: {  	s23 =	simm.s32 $0x1B8B  }
0xa2: {  	_ =	swait.ge [sflag:s23], $0x1  }
0xa3: {  	[sflag:s23] =	ssyncset.done $0x0  }
0xa4: {  	s25 =	simm.s32 $0x1B8E;
	s24 =	sld [smem:$0x3FFE];
	[sflag:s23] =	ssyncadd.s32 $0xFFFFFFFF  }
0xa5: {  	s26 =	simm.s32 $execute0_lowered;
	[smem:$0x3FD2] =	sst s25  }
0xa6: {  	s4 =	sshll.u32 s26, $0x1;
	_ =	strace $0x8000004C;
	[dreg:$0x1] =	wrdreg $0xFFFFFFFF  }
0xa7: {  	s28 =	simm.s32 $_size_execute0_lowered;
	s2 =	sadd.s32 s2, s4;
	[dreg:$0x0] =	wrdreg $0x0  }
0xa8: {  	s4 =	sshll.u32 s28, $0x1;
	[dreg:$0x2] =	wrdreg s2  }
0xa9: {  	[dreg:$0x3] =	wrdreg s4  }
0xaa: {  	[dreg:$0x4] =	wrdreg $0xC0  }
0xab: {  	_ =	task [dreg:s6], $0x5FFFF  }
0xac: {  	[dreg:$0x1] =	wrdreg $0xFFFFFFFF  }
0xad: {  	[dreg:$0x0] =	wrdreg $0x60  }
0xae: {  	[dreg:$0x2] =	wrdreg s24  }
0xaf: {  	[dreg:$0x3] =	wrdreg $0xBA000  }
0xb0: {  	[dreg:$0x4] =	wrdreg $0x9  }
0xb1: {  	_ =	task.clear_ibuf [dreg:s6], $0x5FFFF;
	_ =	strace $0x9000004C  }
0xb2: {  	s29 =	simm.s32 $0x9;
	_ =	strace $0x8000004E  }
0xb3: {  	_ =	swait.ge [sflag:s29], $0x1  }
0xb4: {  	[sflag:s29] =	ssyncadd.s32 $0xFFFFFFFF  }
0xb5: {  	_ =	strace $0x9000004E  }
0xb6: {  	_ =	sfence  }
0xb7: {  	s30 =	sld [smem:$0x0];
	_ =	sdelay $0x2  }
0xb8: {  	s31 =	sshll.u32 s1, $0xD;
	s1 =	sshrl.u32 s1, $0x2  }
0xb9: {  	s3 =	sand.u32 $0x4000, s31;
	s1 =	sadd.s32 s1, s30  }
0xba: {  	s0 =	sor.u32 s3, s0;
	s1 =	sshll.u32 s1, $0x11  }
0xbb: {  	s0 =	sor.u32 s1, s0  }
0xbc: {  	s0 =	sadd.s32 $0x8F2B, s0  }
0xbd: {  	[sflag:s0] =	ssyncadd.remote.s32 $0x1  }
0xbe: {  	_ =	sfence.sel $0xFFFF  }
0xbf: {  	[dreg:$0x0] =	wrdreg $0xFFFFFFFF;
	(pc) =	sbr.abs _section_cstart, $3  }
0xc0: {  	[dreg:$0x1] =	wrdreg $0xFFFFFFFF  }
0xc1: {  	_ =	task.clear_ibuf [dreg:s6], $0x2FFFF;
	_ =	strace $0x9FFFFFFF  }
0xc2: {  	(tm) =	ssettm $0x7FFFFFFF  }
0xc3: {  	_ =	shalt  }
tec
execute0_lowered:
.L_overlay_start_1:
0x0: {  	(tag) =	ssettag $0x1  }
0x1: {  	s0 =	rddreg [dreg:$0x0]  }
0x2: {  	s2 =	rddreg [dreg:$0x1]  }
0x3: {  	s3 =	simm.s32 $0x0;
	s1 =	srdreg.scid;
	s10 =	stileid.u32  }
0x4: {  	s16 =	simm.s32 $0x5;
	s17 =	simm.s32 $0x1;
	s18 =	simm.s32 $0x2  }
0x5: {  	s28 =	simm.s32 $0x4;
	s29 =	simm.s32 $0x6;
	s30 =	simm.s32 $0x7  }
0x6: {  	s31 =	simm.s32 $0x8;
	[smem:$0x7FF] =	sst s3;
	s1 =	sand.u32 $0x1, s1  }
0x7: {  	s19 =	sshll.u32 s10, $0x1;
	s6 =	smul.u32 $0x2800, s10;
	s4 =	sadd.s32 $0x20000, s0  }
0x8: {  	s5 =	sadd.s32 $0x13800, s0;
	s20 =	sadd.s32 $0x1D800, s0;
	s21 =	smul.u32 $0x50000, s10  }
0x9: {  	s24 =	sshll.u32 s10, $0x6;
	s10 =	simm.s32 $0x1980;
	_ =	strace $0x8000004D  }
0xa: {  	s3 =	sor.u32 s1, s19;
	s8 =	smul.u32 $0x28000, s1;
	[dreg:$0x3] =	wrdreg s20  }
0xb: {  	s1 =	ssub.s32 $0x2, s1;
	[dreg:$0x4] =	wrdreg s24;
	s19 =	simm.s32 $0x50  }
0xc: {  	s20 =	simm.s32 $0x1A00;
	s7 =	sshll.u32 s3, $0xB;
	s22 =	sshrl.u32 s1, $0x1  }
0xd: {  	s23 =	sshrl.u32 s21, $0x2;
	s21 =	simm.s32 $0x4200;
	s9 =	sadd.s32 s7, s0  }
0xe: {  	s6 =	sadd.s32 s6, s8;
	s7 =	smul.u32 $0x2800, s3;
	s1 =	ssub.s32 s1, s22  }
0xf: {  	s3 =	sadd.s32 s23, s2;
	s22 =	simm.s32 $0xA0;
	s23 =	simm.s32 $0x6A00  }
0x10: {  	s8 =	simm.s32 $0x0;
	s0 =	sadd.s32 s6, s0;
	s6 =	sor.u32 $0x1C05, s24  }
0x11: {  	s11 =	sadd.s32 $0x3800, s9;
	s26 =	smax.u32 s1, $0x1;
	s12 =	sshrl.u32 s3, $0x3  }
0x12: {  	s24 =	simm.s32 $0xF0;
	s1 =	simm.s32 $0x9;
	[dreg:$0x5] =	wrdreg s6  }
0x13: {  	s9 =	simm.s32 $0x1900;
	s25 =	sshrl.u32 s7, $0x3;
	[dreg:$0x8] =	wrdreg s26  }
0x14: {  	s0 =	sadd.s32 $0x47200, s0;
	s26 =	simm.s32 $0x3;
	[dreg:$0x9] =	wrdreg s12  }
0x15: {  	s6 =	sadd.s32 s5, s25;
	[dreg:$0x7] =	wrdreg s0;
	s25 =	simm.s32 $0x9200  }
0x16: {  	s0 =	simm.s32 $0x1800;
	[dreg:$0x6] =	wrdreg s6;
	s6 =	simm.s32 $0x1880  }
.LBB2_1:
0x17: {  	[dreg:$0xa] =	wrdreg s8  }
0x18: {  	s3 =	rddreg [dreg:$0x3]  }
0x19: {  	s15 =	rddreg [dreg:$0x5]  }
0x1a: {  	[spmem:s12], [sflag:s15] =	dma.local [hbm:s3], $0x2800  }
0x1b: {  	s12 =	simm.s32 $0x0;
	s8 =	rddreg [dreg:$0x6]  }
0x1c: {  	[tilespmem:s12], [sflag:$0x1] =	stream.linear.gather [hbm4b:s8+s12], $0xA00, $0x38;
	[tilespmem:$0x1FA00] =	vst v63  }
0x1d: {  	s13 =	simm.s32 $0xA00  }
0x1e: {  	[tilespmem:s13], [sflag:$0x2] =	stream.linear.gather [hbm4b:s11+s12], $0x1000, $0x38;
	[tilespmem:$0x1FA00] =	vst v63  }
0x1f: {  	_ =	swait.ge [sflag:s16], $0x2800  }
0x20: {  	[sflag:s16] =	ssyncset.done $0x0  }
0x21: {  	[sflag:s16] =	ssyncadd.s32 $0xFFFFD800  }
0x22: {  	[bflag:$0x0] =	sbarrier.arrive $0xFFFF  }
0x23: {  	_ =	swait.ge [sflag:s17], $0xA00  }
0x24: {  	[sflag:s17] =	ssyncset.done $0x0  }
0x25: {  	[sflag:s17] =	ssyncadd.s32 $0xFFFFF600  }
0x26: {  	_ =	swait.ge [sflag:s18], $0x1000  }
0x27: {  	[sflag:s18] =	ssyncset.done $0x0  }
0x28: {  	[sflag:s18] =	ssyncadd.s32 $0xFFFFF000  }
0x29: {  	[tilespmem:s20], [sflag:$0x1] =	stream.indirect.gather [hbm4b:s4+s19], $0x80, s12, s19, $0xb8;
	[tilespmem:$0x1FA00] =	vst v63  }
0x2a: {  	_ = 	snop  }
0x2b: {  	[tilespmem:s21], [sflag:$0x2] =	stream.indirect.gather [hbm4b:s4+s19], $0x80, s19, s19, $0xb8;
	[tilespmem:$0x1FA00] =	vst v63  }
0x2c: {  	_ = 	snop  }
0x2d: {  	[tilespmem:s23], [sflag:$0x3] =	stream.indirect.gather [hbm4b:s4+s19], $0x80, s22, s19, $0xb8;
	[tilespmem:$0x1FA00] =	vst v63  }
0x2e: {  	_ = 	snop  }
0x2f: {  	[tilespmem:s25], [sflag:$0x4] =	stream.indirect.gather [hbm4b:s4+s19], $0x80, s24, s19, $0xb8;
	[tilespmem:$0x1FA00] =	vst v63  }
0x30: {  	_ =	swait.ge [sflag:s17], $0x2800  }
0x31: {  	[sflag:s17] =	ssyncset.done $0x0  }
0x32: {  	s14 =	simm.s32 $0xA00;
	[sflag:s17] =	ssyncadd.s32 $0xFFFFD800  }
0x33: {  	[spmem:s2] =	stream.indirect.scatter.add.f32 [tilespmem:s20], [sflag:$0x5], $0x80, s14, s19, $0xb8;
	[tilespmem:$0x1FA00] =	vst v63  }
0x34: {  	_ =	swait.ge [sflag:s18], $0x2800  }
0x35: {  	[sflag:s18] =	ssyncset.done $0x0  }
0x36: {  	s15 =	simm.s32 $0xA80;
	[sflag:s18] =	ssyncadd.s32 $0xFFFFD800  }
0x37: {  	[spmem:s2] =	stream.indirect.scatter.add.f32 [tilespmem:s21], [sflag:$0x6], $0x80, s15, s19, $0xb8;
	[tilespmem:$0x1FA00] =	vst v63  }
0x38: {  	_ =	swait.ge [sflag:s26], $0x2800  }
0x39: {  	[sflag:s26] =	ssyncset.done $0x0  }
0x3a: {  	s8 =	simm.s32 $0xB00;
	[sflag:s26] =	ssyncadd.s32 $0xFFFFD800  }
0x3b: {  	[spmem:s2] =	stream.indirect.scatter.add.f32 [tilespmem:s23], [sflag:$0x7], $0x80, s8, s19, $0xb8;
	[tilespmem:$0x1FA00] =	vst v63  }
0x3c: {  	_ =	swait.ge [sflag:s28], $0x2800  }
0x3d: {  	[sflag:s28] =	ssyncset.done $0x0  }
0x3e: {  	s12 =	simm.s32 $0xB80;
	[sflag:s28] =	ssyncadd.s32 $0xFFFFD800  }
0x3f: {  	[spmem:s2] =	stream.indirect.scatter.add.f32 [tilespmem:s25], [sflag:$0x8], $0x80, s12, s19, $0xb8;
	[tilespmem:$0x1FA00] =	vst v63  }
0x40: {  	_ =	swait.ge [sflag:s16], $0x2800  }
0x41: {  	[sflag:s16] =	ssyncset.done $0x0  }
0x42: {  	s13 =	simm.s32 $0x140;
	[sflag:s16] =	ssyncadd.s32 $0xFFFFD800  }
0x43: {  	[tilespmem:s20], [sflag:$0x1] =	stream.indirect.gather [hbm4b:s4+s19], $0x80, s13, s19, $0xb8;
	[tilespmem:$0x1FA00] =	vst v63  }
0x44: {  	_ =	swait.ge [sflag:s29], $0x2800  }
0x45: {  	[sflag:s29] =	ssyncset.done $0x0  }
0x46: {  	s14 =	simm.s32 $0x190;
	[sflag:s29] =	ssyncadd.s32 $0xFFFFD800  }
0x47: {  	[tilespmem:s21], [sflag:$0x2] =	stream.indirect.gather [hbm4b:s4+s19], $0x80, s14, s19, $0xb8;
	[tilespmem:$0x1FA00] =	vst v63  }
0x48: {  	_ =	swait.ge [sflag:s30], $0x2800  }
0x49: {  	[sflag:s30] =	ssyncset.done $0x0  }
0x4a: {  	s15 =	simm.s32 $0x1E0;
	[sflag:s30] =	ssyncadd.s32 $0xFFFFD800  }
0x4b: {  	[tilespmem:s23], [sflag:$0x3] =	stream.indirect.gather [hbm4b:s4+s19], $0x80, s15, s19, $0xb8;
	[tilespmem:$0x1FA00] =	vst v63  }
0x4c: {  	_ =	swait.ge [sflag:s31], $0x2800  }
0x4d: {  	s3 =	simm.s32 $0xD80;
	[sflag:s31] =	ssyncset.done $0x0  }
0x4e: {  	s8 =	simm.s32 $0x500;
	s13 =	simm.s32 $0x230;
	[sflag:s31] =	ssyncadd.s32 $0xFFFFD800  }
.LBB2_2:
0x4f: {  	[tilespmem:s25], [sflag:$0x4] =	stream.indirect.gather [hbm4b:s4+s19], $0x80, s13, s19, $0xb8;
	[tilespmem:$0x1FA00] =	vst v63  }
0x50: {  	s12 =	smov.u32 s8  }
0x51: {  	p0 =	sne.s32 s8, $0x1E00;
	s8 =	sadd.s32 $0x500, s8;
	_ =	swait.ge [sflag:s17], $0x2800  }
0x52: {  	[sflag:s17] =	ssyncset.done $0x0  }
0x53: {  	s13 =	sadd.s32 $0xFFFFFE80, s3;
	[sflag:s17] =	ssyncadd.s32 $0xFFFFD800  }
0x54: {  	[spmem:s2] =	stream.indirect.scatter.add.f32 [tilespmem:s20], [sflag:$0x5], $0x80, s13, s19, $0xb8;
	[tilespmem:$0x1FA00] =	vst v63  }
0x55: {  	_ =	swait.ge [sflag:s18], $0x2800  }
0x56: {  	[sflag:s18] =	ssyncset.done $0x0  }
0x57: {  	s13 =	sadd.s32 $0xFFFFFF00, s3;
	[sflag:s18] =	ssyncadd.s32 $0xFFFFD800  }
0x58: {  	[spmem:s2] =	stream.indirect.scatter.add.f32 [tilespmem:s21], [sflag:$0x6], $0x80, s13, s19, $0xb8;
	[tilespmem:$0x1FA00] =	vst v63  }
0x59: {  	_ =	swait.ge [sflag:s26], $0x2800  }
0x5a: {  	[sflag:s26] =	ssyncset.done $0x0  }
0x5b: {  	s13 =	sadd.s32 $0xFFFFFF80, s3;
	[sflag:s26] =	ssyncadd.s32 $0xFFFFD800  }
0x5c: {  	[spmem:s2] =	stream.indirect.scatter.add.f32 [tilespmem:s23], [sflag:$0x7], $0x80, s13, s19, $0xb8;
	[tilespmem:$0x1FA00] =	vst v63  }
0x5d: {  	_ =	swait.ge [sflag:s28], $0x2800  }
0x5e: {  	[sflag:s28] =	ssyncset.done $0x0  }
0x5f: {  	[sflag:s28] =	ssyncadd.s32 $0xFFFFD800  }
0x60: {  	[spmem:s2] =	stream.indirect.scatter.add.f32 [tilespmem:s25], [sflag:$0x8], $0x80, s3, s19, $0xb8;
	[tilespmem:$0x1FA00] =	vst v63  }
0x61: {  	_ =	swait.ge [sflag:s16], $0x2800  }
0x62: {  	s12 =	sshra.s32 s12, $0x2;
	[sflag:s16] =	ssyncset.done $0x0  }
0x63: {  	s13 =	sadd.s32 $0x140, s12;
	[sflag:s16] =	ssyncadd.s32 $0xFFFFD800  }
0x64: {  	[tilespmem:s20], [sflag:$0x1] =	stream.indirect.gather [hbm4b:s4+s19], $0x80, s13, s19, $0xb8;
	[tilespmem:$0x1FA00] =	vst v63  }
0x65: {  	_ =	swait.ge [sflag:s29], $0x2800  }
0x66: {  	[sflag:s29] =	ssyncset.done $0x0  }
0x67: {  	s13 =	sadd.s32 $0x190, s12;
	[sflag:s29] =	ssyncadd.s32 $0xFFFFD800  }
0x68: {  	[tilespmem:s21], [sflag:$0x2] =	stream.indirect.gather [hbm4b:s4+s19], $0x80, s13, s19, $0xb8;
	[tilespmem:$0x1FA00] =	vst v63  }
0x69: {  	_ =	swait.ge [sflag:s30], $0x2800  }
0x6a: {  	[sflag:s30] =	ssyncset.done $0x0  }
.Ltmp0:
0x6b: {  	s13 =	sadd.s32 $0x1E0, s12;
	[sflag:s30] =	ssyncadd.s32 $0xFFFFD800;
	(pc) =	sbr.rel @p0 .LBB2_2-.Ltmp0, $4  }
0x6c: {  	[tilespmem:s23], [sflag:$0x3] =	stream.indirect.gather [hbm4b:s4+s19], $0x80, s13, s19, $0xb8;
	[tilespmem:$0x1FA00] =	vst v63  }
0x6d: {  	_ =	swait.ge [sflag:s31], $0x2800  }
0x6e: {  	[sflag:s31] =	ssyncset.done $0x0  }
0x6f: {  	s3 =	sadd.s32 $0x200, s3;
	s13 =	sadd.s32 $0x230, s12;
	[sflag:s31] =	ssyncadd.s32 $0xFFFFD800  }
0x70: {  	[tilespmem:s25], [sflag:$0x4] =	stream.indirect.gather [hbm4b:s4+s19], $0x80, s13, s19, $0xb8;
	[tilespmem:$0x1FA00] =	vst v63  }
0x71: {  	_ =	swait.ge [sflag:s17], $0x2800  }
0x72: {  	[sflag:s17] =	ssyncset.done $0x0  }
0x73: {  	[sflag:s17] =	ssyncadd.s32 $0xFFFFD800  }
0x74: {  	[spmem:s2] =	stream.indirect.scatter.add.f32 [tilespmem:s20], [sflag:$0x9], $0x80, s0, s19, $0xb8;
	[tilespmem:$0x1FA00] =	vst v63  }
0x75: {  	_ =	swait.ge [sflag:s1], $0x2800  }
0x76: {  	[sflag:s1] =	ssyncset.done $0x0  }
0x77: {  	[sflag:s1] =	ssyncadd.s32 $0xFFFFD800  }
0x78: {  	_ =	swait.ge [sflag:s18], $0x2800  }
0x79: {  	[sflag:s18] =	ssyncset.done $0x0  }
0x7a: {  	[sflag:s18] =	ssyncadd.s32 $0xFFFFD800  }
0x7b: {  	[spmem:s2] =	stream.indirect.scatter.add.f32 [tilespmem:s21], [sflag:$0x9], $0x80, s6, s19, $0xb8;
	[tilespmem:$0x1FA00] =	vst v63  }
0x7c: {  	_ =	swait.ge [sflag:s1], $0x2800  }
0x7d: {  	[sflag:s1] =	ssyncset.done $0x0  }
0x7e: {  	[sflag:s1] =	ssyncadd.s32 $0xFFFFD800  }
0x7f: {  	_ =	swait.ge [sflag:s26], $0x2800  }
0x80: {  	[sflag:s26] =	ssyncset.done $0x0  }
0x81: {  	[sflag:s26] =	ssyncadd.s32 $0xFFFFD800  }
0x82: {  	[spmem:s2] =	stream.indirect.scatter.add.f32 [tilespmem:s23], [sflag:$0x9], $0x80, s9, s19, $0xb8;
	[tilespmem:$0x1FA00] =	vst v63  }
0x83: {  	_ =	swait.ge [sflag:s1], $0x2800  }
0x84: {  	[sflag:s1] =	ssyncset.done $0x0  }
0x85: {  	[sflag:s1] =	ssyncadd.s32 $0xFFFFD800  }
0x86: {  	_ =	swait.ge [sflag:s28], $0x2800  }
0x87: {  	[sflag:s28] =	ssyncset.done $0x0  }
0x88: {  	[sflag:s28] =	ssyncadd.s32 $0xFFFFD800  }
0x89: {  	[spmem:s2] =	stream.indirect.scatter.add.f32 [tilespmem:s25], [sflag:$0x9], $0x80, s10, s19, $0xb8;
	[tilespmem:$0x1FA00] =	vst v63  }
0x8a: {  	_ =	swait.ge [sflag:s1], $0x2800  }
0x8b: {  	[sflag:s1] =	ssyncset.done $0x0  }
0x8c: {  	s13 =	simm.s32 $0x0;
	s8 =	simm.s32 $0x0;
	[sflag:s1] =	ssyncadd.s32 $0xFFFFD800  }
.LBB2_4:
0x8d: {  	s8 =	sadd.s32 $0x1, s8  }
0x8e: {  	s3 =	smul.u32 $0xA00, s8;
	_ =	sdelay $0x1  }
0x8f: {  	s3 =	sadd.s32 s7, s3  }
0x90: {  	s3 =	sshrl.u32 s3, $0x3  }
0x91: {  	s14 =	sshll.u32 s8, $0x9;
	s3 =	sadd.s32 s5, s3  }
0x92: {  	[tilespmem:s13], [sflag:$0x1] =	stream.linear.gather [hbm4b:s3+s13], $0xA00, $0x38;
	[tilespmem:$0x1FA00] =	vst v63  }
0x93: {  	s12 =	simm.s32 $0xA00;
	s3 =	sadd.s32 s14, s11  }
0x94: {  	[tilespmem:s12], [sflag:$0x2] =	stream.linear.gather [hbm4b:s3+s13], $0x1000, $0x38;
	[tilespmem:$0x1FA00] =	vst v63  }
0x95: {  	_ =	swait.ge [sflag:s17], $0xA00  }
0x96: {  	[sflag:s17] =	ssyncset.done $0x0  }
0x97: {  	[sflag:s17] =	ssyncadd.s32 $0xFFFFF600  }
0x98: {  	_ =	swait.ge [sflag:s18], $0x1000  }
0x99: {  	[sflag:s18] =	ssyncset.done $0x0  }
0x9a: {  	[sflag:s18] =	ssyncadd.s32 $0xFFFFF000  }
0x9b: {  	[tilespmem:s20], [sflag:$0x1] =	stream.indirect.gather [hbm4b:s4+s19], $0x80, s13, s19, $0xb8;
	[tilespmem:$0x1FA00] =	vst v63  }
0x9c: {  	_ = 	snop  }
0x9d: {  	[tilespmem:s21], [sflag:$0x2] =	stream.indirect.gather [hbm4b:s4+s19], $0x80, s19, s19, $0xb8;
	[tilespmem:$0x1FA00] =	vst v63  }
0x9e: {  	_ = 	snop  }
0x9f: {  	[tilespmem:s23], [sflag:$0x3] =	stream.indirect.gather [hbm4b:s4+s19], $0x80, s22, s19, $0xb8;
	[tilespmem:$0x1FA00] =	vst v63  }
0xa0: {  	_ = 	snop  }
0xa1: {  	[tilespmem:s25], [sflag:$0x4] =	stream.indirect.gather [hbm4b:s4+s19], $0x80, s24, s19, $0xb8;
	[tilespmem:$0x1FA00] =	vst v63  }
0xa2: {  	_ =	swait.ge [sflag:s17], $0x2800  }
0xa3: {  	[sflag:s17] =	ssyncset.done $0x0  }
0xa4: {  	s15 =	simm.s32 $0xA00;
	[sflag:s17] =	ssyncadd.s32 $0xFFFFD800  }
0xa5: {  	[spmem:s2] =	stream.indirect.scatter.add.f32 [tilespmem:s20], [sflag:$0x5], $0x80, s15, s19, $0xb8;
	[tilespmem:$0x1FA00] =	vst v63  }
0xa6: {  	_ =	swait.ge [sflag:s18], $0x2800  }
0xa7: {  	[sflag:s18] =	ssyncset.done $0x0  }
0xa8: {  	s12 =	simm.s32 $0xA80;
	[sflag:s18] =	ssyncadd.s32 $0xFFFFD800  }
0xa9: {  	[spmem:s2] =	stream.indirect.scatter.add.f32 [tilespmem:s21], [sflag:$0x6], $0x80, s12, s19, $0xb8;
	[tilespmem:$0x1FA00] =	vst v63  }
0xaa: {  	_ =	swait.ge [sflag:s26], $0x2800  }
0xab: {  	[sflag:s26] =	ssyncset.done $0x0  }
0xac: {  	s14 =	simm.s32 $0xB00;
	[sflag:s26] =	ssyncadd.s32 $0xFFFFD800  }
0xad: {  	[spmem:s2] =	stream.indirect.scatter.add.f32 [tilespmem:s23], [sflag:$0x7], $0x80, s14, s19, $0xb8;
	[tilespmem:$0x1FA00] =	vst v63  }
0xae: {  	_ =	swait.ge [sflag:s28], $0x2800  }
0xaf: {  	[sflag:s28] =	ssyncset.done $0x0  }
0xb0: {  	s15 =	simm.s32 $0xB80;
	[sflag:s28] =	ssyncadd.s32 $0xFFFFD800  }
0xb1: {  	[spmem:s2] =	stream.indirect.scatter.add.f32 [tilespmem:s25], [sflag:$0x8], $0x80, s15, s19, $0xb8;
	[tilespmem:$0x1FA00] =	vst v63  }
0xb2: {  	_ =	swait.ge [sflag:s16], $0x2800  }
0xb3: {  	[sflag:s16] =	ssyncset.done $0x0  }
0xb4: {  	s12 =	simm.s32 $0x140;
	[sflag:s16] =	ssyncadd.s32 $0xFFFFD800  }
0xb5: {  	[tilespmem:s20], [sflag:$0x1] =	stream.indirect.gather [hbm4b:s4+s19], $0x80, s12, s19, $0xb8;
	[tilespmem:$0x1FA00] =	vst v63  }
0xb6: {  	_ =	swait.ge [sflag:s29], $0x2800  }
0xb7: {  	[sflag:s29] =	ssyncset.done $0x0  }
0xb8: {  	s14 =	simm.s32 $0x190;
	[sflag:s29] =	ssyncadd.s32 $0xFFFFD800  }
0xb9: {  	[tilespmem:s21], [sflag:$0x2] =	stream.indirect.gather [hbm4b:s4+s19], $0x80, s14, s19, $0xb8;
	[tilespmem:$0x1FA00] =	vst v63  }
0xba: {  	_ =	swait.ge [sflag:s30], $0x2800  }
0xbb: {  	[sflag:s30] =	ssyncset.done $0x0  }
0xbc: {  	s15 =	simm.s32 $0x1E0;
	[sflag:s30] =	ssyncadd.s32 $0xFFFFD800  }
0xbd: {  	[tilespmem:s23], [sflag:$0x3] =	stream.indirect.gather [hbm4b:s4+s19], $0x80, s15, s19, $0xb8;
	[tilespmem:$0x1FA00] =	vst v63  }
0xbe: {  	_ =	swait.ge [sflag:s31], $0x2800  }
0xbf: {  	s3 =	simm.s32 $0x500;
	[sflag:s31] =	ssyncset.done $0x0  }
0xc0: {  	s12 =	simm.s32 $0x230;
	s14 =	simm.s32 $0xD80;
	[sflag:s31] =	ssyncadd.s32 $0xFFFFD800  }
.LBB2_5:
0xc1: {  	[tilespmem:s25], [sflag:$0x4] =	stream.indirect.gather [hbm4b:s4+s19], $0x80, s12, s19, $0xb8;
	[tilespmem:$0x1FA00] =	vst v63  }
0xc2: {  	s12 =	smov.u32 s3  }
0xc3: {  	p0 =	sne.s32 s3, $0x1E00;
	s3 =	sadd.s32 $0x500, s3;
	_ =	swait.ge [sflag:s17], $0x2800  }
0xc4: {  	[sflag:s17] =	ssyncset.done $0x0  }
0xc5: {  	s15 =	sadd.s32 $0xFFFFFE80, s14;
	[sflag:s17] =	ssyncadd.s32 $0xFFFFD800  }
0xc6: {  	[spmem:s2] =	stream.indirect.scatter.add.f32 [tilespmem:s20], [sflag:$0x5], $0x80, s15, s19, $0xb8;
	[tilespmem:$0x1FA00] =	vst v63  }
0xc7: {  	_ =	swait.ge [sflag:s18], $0x2800  }
0xc8: {  	[sflag:s18] =	ssyncset.done $0x0  }
0xc9: {  	s15 =	sadd.s32 $0xFFFFFF00, s14;
	[sflag:s18] =	ssyncadd.s32 $0xFFFFD800  }
0xca: {  	[spmem:s2] =	stream.indirect.scatter.add.f32 [tilespmem:s21], [sflag:$0x6], $0x80, s15, s19, $0xb8;
	[tilespmem:$0x1FA00] =	vst v63  }
0xcb: {  	_ =	swait.ge [sflag:s26], $0x2800  }
0xcc: {  	[sflag:s26] =	ssyncset.done $0x0  }
0xcd: {  	s15 =	sadd.s32 $0xFFFFFF80, s14;
	[sflag:s26] =	ssyncadd.s32 $0xFFFFD800  }
0xce: {  	[spmem:s2] =	stream.indirect.scatter.add.f32 [tilespmem:s23], [sflag:$0x7], $0x80, s15, s19, $0xb8;
	[tilespmem:$0x1FA00] =	vst v63  }
0xcf: {  	_ =	swait.ge [sflag:s28], $0x2800  }
0xd0: {  	[sflag:s28] =	ssyncset.done $0x0  }
0xd1: {  	[sflag:s28] =	ssyncadd.s32 $0xFFFFD800  }
0xd2: {  	[spmem:s2] =	stream.indirect.scatter.add.f32 [tilespmem:s25], [sflag:$0x8], $0x80, s14, s19, $0xb8;
	[tilespmem:$0x1FA00] =	vst v63  }
0xd3: {  	_ =	swait.ge [sflag:s16], $0x2800  }
0xd4: {  	s12 =	sshra.s32 s12, $0x2;
	[sflag:s16] =	ssyncset.done $0x0  }
0xd5: {  	s15 =	sadd.s32 $0x140, s12;
	[sflag:s16] =	ssyncadd.s32 $0xFFFFD800  }
0xd6: {  	[tilespmem:s20], [sflag:$0x1] =	stream.indirect.gather [hbm4b:s4+s19], $0x80, s15, s19, $0xb8;
	[tilespmem:$0x1FA00] =	vst v63  }
0xd7: {  	_ =	swait.ge [sflag:s29], $0x2800  }
0xd8: {  	[sflag:s29] =	ssyncset.done $0x0  }
0xd9: {  	s15 =	sadd.s32 $0x190, s12;
	[sflag:s29] =	ssyncadd.s32 $0xFFFFD800  }
0xda: {  	[tilespmem:s21], [sflag:$0x2] =	stream.indirect.gather [hbm4b:s4+s19], $0x80, s15, s19, $0xb8;
	[tilespmem:$0x1FA00] =	vst v63  }
0xdb: {  	_ =	swait.ge [sflag:s30], $0x2800  }
0xdc: {  	[sflag:s30] =	ssyncset.done $0x0  }
.Ltmp1:
0xdd: {  	s15 =	sadd.s32 $0x1E0, s12;
	[sflag:s30] =	ssyncadd.s32 $0xFFFFD800;
	(pc) =	sbr.rel @p0 .LBB2_5-.Ltmp1, $4  }
0xde: {  	[tilespmem:s23], [sflag:$0x3] =	stream.indirect.gather [hbm4b:s4+s19], $0x80, s15, s19, $0xb8;
	[tilespmem:$0x1FA00] =	vst v63  }
0xdf: {  	_ =	swait.ge [sflag:s31], $0x2800  }
0xe0: {  	[sflag:s31] =	ssyncset.done $0x0  }
0xe1: {  	s14 =	sadd.s32 $0x200, s14;
	s12 =	sadd.s32 $0x230, s12;
	[sflag:s31] =	ssyncadd.s32 $0xFFFFD800  }
0xe2: {  	[tilespmem:s25], [sflag:$0x4] =	stream.indirect.gather [hbm4b:s4+s19], $0x80, s12, s19, $0xb8;
	[tilespmem:$0x1FA00] =	vst v63  }
0xe3: {  	_ =	swait.ge [sflag:s17], $0x2800  }
0xe4: {  	[sflag:s17] =	ssyncset.done $0x0  }
0xe5: {  	[sflag:s17] =	ssyncadd.s32 $0xFFFFD800  }
0xe6: {  	[spmem:s2] =	stream.indirect.scatter.add.f32 [tilespmem:s20], [sflag:$0x9], $0x80, s0, s19, $0xb8;
	[tilespmem:$0x1FA00] =	vst v63  }
0xe7: {  	_ =	swait.ge [sflag:s1], $0x2800  }
0xe8: {  	[sflag:s1] =	ssyncset.done $0x0  }
0xe9: {  	[sflag:s1] =	ssyncadd.s32 $0xFFFFD800  }
0xea: {  	_ =	swait.ge [sflag:s18], $0x2800  }
0xeb: {  	[sflag:s18] =	ssyncset.done $0x0  }
0xec: {  	[sflag:s18] =	ssyncadd.s32 $0xFFFFD800  }
0xed: {  	[spmem:s2] =	stream.indirect.scatter.add.f32 [tilespmem:s21], [sflag:$0x9], $0x80, s6, s19, $0xb8;
	[tilespmem:$0x1FA00] =	vst v63  }
0xee: {  	_ =	swait.ge [sflag:s1], $0x2800  }
0xef: {  	[sflag:s1] =	ssyncset.done $0x0  }
0xf0: {  	[sflag:s1] =	ssyncadd.s32 $0xFFFFD800  }
0xf1: {  	_ =	swait.ge [sflag:s26], $0x2800  }
0xf2: {  	[sflag:s26] =	ssyncset.done $0x0  }
0xf3: {  	[sflag:s26] =	ssyncadd.s32 $0xFFFFD800  }
0xf4: {  	[spmem:s2] =	stream.indirect.scatter.add.f32 [tilespmem:s23], [sflag:$0x9], $0x80, s9, s19, $0xb8;
	[tilespmem:$0x1FA00] =	vst v63  }
0xf5: {  	_ =	swait.ge [sflag:s1], $0x2800  }
0xf6: {  	[sflag:s1] =	ssyncset.done $0x0  }
0xf7: {  	[sflag:s1] =	ssyncadd.s32 $0xFFFFD800  }
0xf8: {  	_ =	swait.ge [sflag:s28], $0x2800  }
0xf9: {  	p0 =	sne.s32 s8, $0x3;
	[sflag:s28] =	ssyncset.done $0x0  }
.Ltmp2:
0xfa: {  	[sflag:s28] =	ssyncadd.s32 $0xFFFFD800;
	(pc) =	sbr.rel @p0 .LBB2_4-.Ltmp2, $4  }
0xfb: {  	[spmem:s2] =	stream.indirect.scatter.add.f32 [tilespmem:s25], [sflag:$0x9], $0x80, s10, s19, $0xb8;
	[tilespmem:$0x1FA00] =	vst v63  }
0xfc: {  	_ =	swait.ge [sflag:s1], $0x2800  }
0xfd: {  	[sflag:s1] =	ssyncset.done $0x0  }
0xfe: {  	[sflag:s1] =	ssyncadd.s32 $0xFFFFD800  }
0xff: {  	[bflag:$0x0] =	sbarrier.arrive $0xFFFF  }
0x100: {  	s3 =	rddreg [dreg:$0x4]  }
0x101: {  	s8 =	rddreg [dreg:$0x7]  }
0x102: {  	s12 =	rddreg [dreg:$0x9];
	s3 =	sor.u32 $0x1C09, s3  }
0x103: {  	[hbm:s8], [sflag:s3] =	dma.local [spmem:s12], $0x2800  }
0x104: {  	_ =	swait.ge [sflag:s1], $0x2800  }
0x105: {  	s14 =	rddreg [dreg:$0xa]  }
0x106: {  	s15 =	rddreg [dreg:$0x8];
	s8 =	sadd.s32 $0x1, s14  }
0x107: {  	p0 =	sne.s32 s8, s15  }
.Ltmp3:
0x108: {  	_ = 	snop;
	(pc) =	sbr.rel @p0 .LBB2_1-.Ltmp3, $3  }
0x109: {  	_ =	sdelay $0x1  }
0x10a: {  	[sflag:s1] =	ssyncset.done $0x0  }
0x10b: {  	[sflag:s1] =	ssyncadd.s32 $0xFFFFD800  }
0x10c: {  	_ =	sfence.sel $0x180000  }
0x10d: {  	[bflag:$0x0] =	sbarrier.arrive $0xFFFF  }
0x10e: {  	_ =	strace $0x9000004D  }
0x10f: {  	s0 =	stileid.u32;
	[bflag:$0x2] =	sbarrier.arrive $0xFFFF  }
0x110: {  	p0 =	sne.s32 s0, $0x0;
	s0 =	rddreg [dreg:$0x2]  }
0x111: {  	s0 =	sadd.s32 @!p0 $0x100000, s0  }
0x112: {  	[sflag:s0] =	ssyncadd.tile.s32 @!p0 $0x1;
	_ =	shalt  }
.Lfunc_end2:
_tile_overlayer_lowered:
.L_overlay_start_2:
0x113: {  	(tag) =	ssettag $0x2  }
0x114: {  	s0 =	rddreg [dreg:$0x0];
	s2 =	stileid.u32  }
0x115: {  	s1 =	rddreg [dreg:$0x1];
	p0 =	sne.s32 s2, $0x0  }
0x116: {  	s3 =	rddreg [dreg:$0x2];
	[bflag:$0x3] =	sbarrier.arrive $0xFFFF;
	s2 =	simm.s32 @!p0 $0x1C09  }
0x117: {  	[timem:s3], [sflag:s2] =	dma.local @!p0 [hbm:s0], s1  }
0x118: {  	s0 =	simm.s32 @!p0 $0x9  }
0x119: {  	_ =	swait.ge @!p0 [sflag:s0], s1  }
0x11a: {  	s1 =	ssub.s32 @!p0 $0x0, s1;
	[sflag:s0] =	ssyncset.done @!p0 $0x0  }
0x11b: {  	[sflag:s0] =	ssyncadd.s32 @!p0 s1  }
0x11c: {  	[bflag:$0x3] =	sbarrier.arrive $0xFFFF  }
0x11d: {  	_ =	shalt  }

// kernel: kernel.8.cloned.1.call-start
scs
__scs_entry_jumppad:
0x0: {  	(pc) =	sbr.rel $0x88, $3  }
0x1: {  	(tag) =	ssettag $0x0;
	lr =	simm.s32 $0x1  }
0x2: {  	[smem:$0x3F90] =	sst lr;
	_ =	strace $0xD0000000  }
0x3: {  	_ = 	snop  }
0x4: {  	_ = 	snop  }
0x5: {  	_ = 	snop  }
0x6: {  	_ = 	snop  }
0x7: {  	_ = 	snop  }
__scs_overlays_trampoline_lowered:
0x8: {  	[smem:$0x3F9F] =	sst s0  }
0x9: {  	[smem:$0x3FA0] =	sst s1  }
0xa: {  	[smem:$0x3FA1] =	sst s2  }
0xb: {  	[smem:$0x3FA2] =	sst s3  }
0xc: {  	[smem:$0x3FA3] =	sst s4  }
0xd: {  	[smem:$0x3FA4] =	sst s5  }
0xe: {  	[smem:$0x3FA5] =	sst s6  }
0xf: {  	[smem:$0x3FA6] =	sst s7  }
0x10: {  	[smem:$0x3FA7] =	sst s8  }
0x11: {  	[smem:$0x3FA8] =	sst s9;
	s0 =	simm.s32 @!p0 $0x0  }
0x12: {  	s1 =	sld [smem:$0x3F8E];
	s0 =	simm.s32 @p0 $0x1  }
0x13: {  	[smem:$0x3FA9] =	sst s0;
	s0 =	simm.s32 @!p1 $0x0  }
0x14: {  	s2 =	sld [smem:$0x3F8D];
	s0 =	simm.s32 @p1 $0x1  }
0x15: {  	[smem:$0x3FAA] =	sst s0;
	s0 =	simm.s32 @!p2 $0x0  }
0x16: {  	s3 =	sld [smem:$0x3FDB];
	s0 =	simm.s32 @p2 $0x1  }
0x17: {  	s4 =	simm.s32 $0x1BF5;
	[smem:$0x3FAC] =	sst s0  }
0x18: {  	s0 =	sld [smem:$0x3F8F];
	_ =	swait.ge [sflag:s4], $0x0  }
0x19: {  	s7 =	sld [smem:$0x3F90]  }
0x1a: {  	s8 =	sadd.s32 $0xFFFFE003, lr  }
0x1b: {  	s9 =	sadd.s32 $0xFFFFFEF7, lr;
	s5 =	simm.s32 $0xFFFFFFFF;
	p2 =	slt.u32 s8, $0xFFFFF086  }
0x1c: {  	p1 =	slt.u32 s9, $0xF7A;
	s5 =	simm.s32 @!p2 $0x0  }
0x1d: {  	s5 =	simm.s32 @p1 $0x1;
	p0 =	seq.s32 s7, s2  }
0x1e: {  	s7 =	smul.u32 @!p0 $0xF7A, s2;
	p2 =	seq.s32 @!p0 s5, $0x0  }
0x1f: {  	s9 =	smul.u32 $0xF7A, s1;
	s8 =	simm.s32 @!p0 $0x1BF5;
	p2 =	por !p2, p0  }
0x20: {  	[sflag:s8] =	ssyncset.s32 @!p0 $0xFFFFF086;
	s6 =	sadd.s32 @!p0 s3, s7;
	s7 =	simm.s32 @!p0 $0x108  }
0x21: {  	s3 =	sadd.s32 s3, s9;
	s6 =	sadd.s32 @!p0 $0x88, s6;
	s7 =	simm.s32 @p2 $0x1082  }
0x22: {  	[simem:s7], [sflag:s8] =	dma.local @!p0 [hbm:s6], $0xF7A  }
0x23: {  	s9 =	sor.u32 $0xD0000000, s2;
	s6 =	simm.s32 $0x108;
	_ =	swait.ge @!p0 [sflag:s8], $0x0  }
0x24: {  	s3 =	sadd.s32 $0x88, s3;
	s6 =	simm.s32 @!p1 $0x1082;
	[sflag:s4] =	ssyncset.s32 $0xFFFFF086  }
0x25: {  	[simem:s6], [sflag:s4] =	dma.local [hbm:s3], $0xF7A  }
0x26: {  	[smem:$0x3F90] =	sst s1;
	(tag) =	ssettag s2;
	_ =	strace s9  }
0x27: {  	s1 =	sld [smem:$0x3FA0]  }
0x28: {  	s2 =	sld [smem:$0x3FA1]  }
0x29: {  	s4 =	sld [smem:$0x3FA3]  }
0x2a: {  	p0 =	seq.s32 s5, $0x0;
	s5 =	sld [smem:$0x3FA4]  }
0x2b: {  	s6 =	sld [smem:$0x3FA5]  }
0x2c: {  	s7 =	sld [smem:$0x3FA6]  }
0x2d: {  	s3 =	simm.s32 $0x108;
	s8 =	sld [smem:$0x3FA7]  }
0x2e: {  	s3 =	simm.s32 @!p0 $0x1082;
	s9 =	sld [smem:$0x3FA8]  }
0x2f: {  	lr =	sadd.s32 s0, s3;
	s0 =	sld [smem:$0x3F9F]  }
0x30: {  	s3 =	sld [smem:$0x3FA2]  }
0x31: {  	[smem:$0x3FAB] =	sst s10  }
0x32: {  	s10 =	sld [smem:$0x3FA9];
	_ =	sdelay $0x3  }
0x33: {  	p0 =	seq.s32 s10, $0x1;
	s10 =	sld [smem:$0x3FAB];
	_ =	sdelay $0x3  }
0x34: {  	[smem:$0x3FAB] =	sst s10  }
0x35: {  	s10 =	sld [smem:$0x3FAA];
	_ =	sdelay $0x3  }
0x36: {  	p1 =	seq.s32 s10, $0x1;
	s10 =	sld [smem:$0x3FAB];
	_ =	sdelay $0x3  }
0x37: {  	[smem:$0x3FAB] =	sst s10  }
0x38: {  	s10 =	sld [smem:$0x3FAC]  }
0x39: {  	_ = 	snop;
	(pc) =	sbr.ind lr, $3  }
0x3a: {  	_ = 	snop  }
0x3b: {  	_ = 	snop  }
0x3c: {  	p2 =	seq.s32 s10, $0x1;
	s10 =	sld [smem:$0x3FAB]  }
0x3d: {  	_ =	shalt  }
0x3e: {  	_ =	shalt  }
0x3f: {  	_ =	shalt  }
0x40: {  	_ =	shalt  }
0x41: {  	_ =	shalt  }
0x42: {  	_ =	shalt  }
0x43: {  	_ =	shalt  }
0x44: {  	_ =	shalt  }
0x45: {  	_ =	shalt  }
0x46: {  	_ =	shalt  }
0x47: {  	_ =	shalt  }
0x48: {  	_ =	shalt  }
0x49: {  	_ =	shalt  }
0x4a: {  	_ =	shalt  }
0x4b: {  	_ =	shalt  }
0x4c: {  	_ =	shalt  }
0x4d: {  	_ =	shalt  }
0x4e: {  	_ =	shalt  }
0x4f: {  	_ =	shalt  }
0x50: {  	_ =	shalt  }
0x51: {  	_ =	shalt  }
0x52: {  	_ =	shalt  }
0x53: {  	_ =	shalt  }
0x54: {  	_ =	shalt  }
0x55: {  	_ =	shalt  }
0x56: {  	_ =	shalt  }
0x57: {  	_ =	shalt  }
0x58: {  	_ =	shalt  }
0x59: {  	_ =	shalt  }
0x5a: {  	_ =	shalt  }
0x5b: {  	_ =	shalt  }
0x5c: {  	_ =	shalt  }
0x5d: {  	_ =	shalt  }
0x5e: {  	_ =	shalt  }
0x5f: {  	_ =	shalt  }
0x60: {  	_ =	shalt  }
0x61: {  	_ =	shalt  }
0x62: {  	_ =	shalt  }
0x63: {  	_ =	shalt  }
0x64: {  	_ =	shalt  }
0x65: {  	_ =	shalt  }
0x66: {  	_ =	shalt  }
0x67: {  	_ =	shalt  }
0x68: {  	_ =	shalt  }
0x69: {  	_ =	shalt  }
0x6a: {  	_ =	shalt  }
0x6b: {  	_ =	shalt  }
0x6c: {  	_ =	shalt  }
0x6d: {  	_ =	shalt  }
0x6e: {  	_ =	shalt  }
0x6f: {  	_ =	shalt  }
0x70: {  	_ =	shalt  }
0x71: {  	_ =	shalt  }
0x72: {  	_ =	shalt  }
0x73: {  	_ =	shalt  }
0x74: {  	_ =	shalt  }
0x75: {  	_ =	shalt  }
0x76: {  	_ =	shalt  }
0x77: {  	_ =	shalt  }
0x78: {  	_ =	shalt  }
0x79: {  	_ =	shalt  }
0x7a: {  	_ =	shalt  }
0x7b: {  	_ =	shalt  }
0x7c: {  	_ =	shalt  }
0x7d: {  	_ =	shalt  }
0x7e: {  	_ =	shalt  }
0x7f: {  	_ =	shalt  }
0x80: {  	_ =	shalt  }
0x81: {  	_ =	shalt  }
0x82: {  	_ =	shalt  }
0x83: {  	_ =	shalt  }
0x84: {  	_ =	shalt  }
0x85: {  	_ =	shalt  }
0x86: {  	_ =	shalt  }
0x87: {  	_ =	shalt  }
.Lfunc_end0:
.L_simem_size_0:
called_computation_lowered:
.L_overlay_start_0:
0x88: {  	s2 =	sld [smem:$0x3FD9]  }
0x89: {  	s3 =	sld [smem:$0x3FFE];
	_ =	sdelay $0x1  }
0x8a: {  	s1 =	srdreg.scid  }
0x8b: {  	s0 =	sand.u32 $0x1, s1  }
0x8c: {  	s17 =	sshll.u32 s0, $0xA;
	s2 =	sadd.s32 s3, s2  }
0x8d: {  	s2 =	sadd.s32 s2, s17  }
0x8e: {  	[smem:$0x3FB7] =	sst s2  }
0x8f: {  	_ = 	snop  }
0x90: {  	s2 =	sld [smem:$0x3FC9];
	(tm) =	ssettm $0x1  }
0x91: {  	s18 =	sld [smem:$0x3FFB];
	_ =	sdelay $0x3  }
0x92: {  	_ =	strace s18  }
0x93: {  	s3 =	sld [smem:$0x3FFC];
	_ =	sdelay $0x3  }
0x94: {  	_ =	strace s3  }
0x95: {  	s3 =	sld [smem:$0x3FFD];
	_ =	sdelay $0x3  }
0x96: {  	_ =	strace s3  }
0x97: {  	_ =	strace $0x8FFFFFFF  }
0x98: {  	s19 =	sld [smem:$0x3FDB];
	_ =	sdelay $0x1  }
0x99: {  	s4 =	simm.s32 $_scs_section_size  }
0x9a: {  	s5 =	simm.s32 $_size__tile_overlayer_lowered;
	s6 =	simm.s32 $_tile_overlayer_lowered  }
0x9b: {  	s22 =	simm.s32 $0x1BFF;
	s21 =	sshll.u32 s6, $0x1;
	s3 =	sadd.s32 s4, s19  }
0x9c: {  	s7 =	simm.s32 $0x0;
	s20 =	sshll.u32 s5, $0x1;
	s5 =	sadd.s32 s21, s3  }
0x9d: {  	[timem:s7], [sflag:s22] =	dma.local [hbm:s5], s20  }
0x9e: {  	_ =	swait.ge [sflag:s22], s20  }
0x9f: {  	s4 =	ssub.s32 $0x0, s20;
	[sflag:s22] =	ssyncset.done $0x0  }
0xa0: {  	[sflag:s22] =	ssyncadd.s32 s4;
	_ =	sdelay $0x1  }
0xa1: {  	s23 =	simm.s32 $0x1B8B  }
0xa2: {  	_ =	swait.ge [sflag:s23], $0x1  }
0xa3: {  	[sflag:s23] =	ssyncset.done $0x0  }
0xa4: {  	s25 =	simm.s32 $0x1B8E;
	s24 =	sld [smem:$0x3FFE];
	[sflag:s23] =	ssyncadd.s32 $0xFFFFFFFF  }
0xa5: {  	s26 =	simm.s32 $execute0_lowered;
	[smem:$0x3FD2] =	sst s25  }
0xa6: {  	s5 =	sshll.u32 s26, $0x1;
	_ =	strace $0x80000046;
	[dreg:$0x1] =	wrdreg $0xFFFFFFFF  }
0xa7: {  	s28 =	simm.s32 $_size_execute0_lowered;
	s3 =	sadd.s32 s3, s5;
	[dreg:$0x0] =	wrdreg $0x0  }
0xa8: {  	s5 =	sshll.u32 s28, $0x1;
	[dreg:$0x2] =	wrdreg s3  }
0xa9: {  	[dreg:$0x3] =	wrdreg s5  }
0xaa: {  	[dreg:$0x4] =	wrdreg $0xC0  }
0xab: {  	_ =	task [dreg:s7], $0x5FFFF  }
0xac: {  	[dreg:$0x1] =	wrdreg $0xFFFFFFFF  }
0xad: {  	[dreg:$0x0] =	wrdreg $0x60  }
0xae: {  	[dreg:$0x2] =	wrdreg s2  }
0xaf: {  	[dreg:$0x3] =	wrdreg s24  }
0xb0: {  	[dreg:$0x4] =	wrdreg $0xBA000  }
0xb1: {  	[dreg:$0x5] =	wrdreg $0x9  }
0xb2: {  	_ =	task.clear_ibuf [dreg:s7], $0x6FFFF;
	_ =	strace $0x90000046  }
0xb3: {  	s29 =	simm.s32 $0x9;
	_ =	strace $0x80000048  }
0xb4: {  	_ =	swait.ge [sflag:s29], $0x1  }
0xb5: {  	[sflag:s29] =	ssyncadd.s32 $0xFFFFFFFF  }
0xb6: {  	_ =	strace $0x90000048  }
0xb7: {  	_ =	sfence  }
0xb8: {  	s30 =	sld [smem:$0x0];
	_ =	sdelay $0x2  }
0xb9: {  	s31 =	sshll.u32 s1, $0xD;
	s1 =	sshrl.u32 s1, $0x2  }
0xba: {  	s3 =	sand.u32 $0x4000, s31;
	s1 =	sadd.s32 s1, s30  }
0xbb: {  	s0 =	sor.u32 s3, s0;
	s1 =	sshll.u32 s1, $0x11  }
0xbc: {  	s0 =	sor.u32 s1, s0  }
0xbd: {  	s0 =	sadd.s32 $0x8F2B, s0  }
0xbe: {  	[sflag:s0] =	ssyncadd.remote.s32 $0x1  }
0xbf: {  	_ =	sfence.sel $0xFFFF  }
0xc0: {  	[dreg:$0x0] =	wrdreg $0xFFFFFFFF;
	(pc) =	sbr.abs _section_cstart, $3  }
0xc1: {  	[dreg:$0x1] =	wrdreg $0xFFFFFFFF  }
0xc2: {  	_ =	task.clear_ibuf [dreg:s7], $0x2FFFF;
	_ =	strace $0x9FFFFFFF  }
0xc3: {  	(tm) =	ssettm $0x7FFFFFFF  }
tec
execute0_lowered:
.L_overlay_start_1:
0x0: {  	(tag) =	ssettag $0x1  }
0x1: {  	s1 =	rddreg [dreg:$0x0]  }
0x2: {  	s0 =	rddreg [dreg:$0x1]  }
0x3: {  	s3 =	rddreg [dreg:$0x2]  }
0x4: {  	s2 =	srdreg.scid;
	s10 =	stileid.u32  }
0x5: {  	s5 =	simm.s32 $0x0;
	s16 =	simm.s32 $0x5;
	s17 =	simm.s32 $0x1  }
0x6: {  	s18 =	simm.s32 $0x2;
	s19 =	simm.s32 $0x50;
	s28 =	simm.s32 $0x4  }
0x7: {  	s29 =	simm.s32 $0x6;
	s30 =	simm.s32 $0x7;
	s31 =	simm.s32 $0x8  }
0x8: {  	s2 =	sand.u32 $0x1, s2;
	s4 =	sshll.u32 s10, $0x1;
	[smem:$0x7FF] =	sst s5  }
0x9: {  	s6 =	smul.u32 $0x2800, s10;
	s5 =	sadd.s32 $0x13800, s0;
	s20 =	sadd.s32 $0x1D800, s0  }
0xa: {  	s21 =	smul.u32 $0x50000, s10;
	s24 =	sshll.u32 s10, $0x6;
	s10 =	simm.s32 $0x1980  }
0xb: {  	s4 =	sor.u32 s2, s4;
	_ =	strace $0x80000047;
	[dreg:$0x4] =	wrdreg s20  }
0xc: {  	s8 =	smul.u32 $0x28000, s2;
	s2 =	ssub.s32 $0x2, s2;
	[dreg:$0x5] =	wrdreg s24  }
0xd: {  	s20 =	simm.s32 $0x1A00;
	s7 =	sshll.u32 s4, $0xB;
	s22 =	sshrl.u32 s2, $0x1  }
0xe: {  	s23 =	sshrl.u32 s21, $0x2;
	s21 =	simm.s32 $0x4200;
	s9 =	sadd.s32 s7, s0  }
0xf: {  	s6 =	sadd.s32 s6, s8;
	s7 =	smul.u32 $0x2800, s4;
	s2 =	ssub.s32 s2, s22  }
0x10: {  	s4 =	sadd.s32 s23, s3;
	s22 =	simm.s32 $0xA0;
	s23 =	simm.s32 $0x6A00  }
0x11: {  	s8 =	simm.s32 $0x0;
	s0 =	sadd.s32 s6, s0;
	s6 =	sor.u32 $0x1C05, s24  }
0x12: {  	s11 =	sadd.s32 $0x3800, s9;
	s26 =	smax.u32 s2, $0x1;
	s12 =	sshrl.u32 s4, $0x3  }
0x13: {  	s24 =	simm.s32 $0xF0;
	s2 =	simm.s32 $0x9;
	[dreg:$0x6] =	wrdreg s6  }
0x14: {  	s9 =	simm.s32 $0x1900;
	s25 =	sshrl.u32 s7, $0x3;
	[dreg:$0x9] =	wrdreg s26  }
0x15: {  	s0 =	sadd.s32 $0x20000, s0;
	s26 =	simm.s32 $0x3;
	[dreg:$0xa] =	wrdreg s12  }
0x16: {  	s6 =	sadd.s32 s5, s25;
	[dreg:$0x8] =	wrdreg s0;
	s25 =	simm.s32 $0x9200  }
0x17: {  	s0 =	simm.s32 $0x1800;
	[dreg:$0x7] =	wrdreg s6;
	s6 =	simm.s32 $0x1880  }
.LBB2_1:
0x18: {  	[dreg:$0xb] =	wrdreg s8  }
0x19: {  	s4 =	rddreg [dreg:$0x4]  }
0x1a: {  	s15 =	rddreg [dreg:$0x6]  }
0x1b: {  	[spmem:s12], [sflag:s15] =	dma.local [hbm:s4], $0x2800  }
0x1c: {  	s12 =	simm.s32 $0x0;
	s8 =	rddreg [dreg:$0x7]  }
0x1d: {  	[tilespmem:s12], [sflag:$0x1] =	stream.linear.gather [hbm4b:s8+s12], $0xA00, $0x38;
	[tilespmem:$0x1FA00] =	vst v63  }
0x1e: {  	s13 =	simm.s32 $0xA00  }
0x1f: {  	[tilespmem:s13], [sflag:$0x2] =	stream.linear.gather [hbm4b:s11+s12], $0x1000, $0x38;
	[tilespmem:$0x1FA00] =	vst v63  }
0x20: {  	_ =	swait.ge [sflag:s16], $0x2800  }
0x21: {  	[sflag:s16] =	ssyncset.done $0x0  }
0x22: {  	[sflag:s16] =	ssyncadd.s32 $0xFFFFD800  }
0x23: {  	[bflag:$0x0] =	sbarrier.arrive $0xFFFF  }
0x24: {  	_ =	swait.ge [sflag:s17], $0xA00  }
0x25: {  	[sflag:s17] =	ssyncset.done $0x0  }
0x26: {  	[sflag:s17] =	ssyncadd.s32 $0xFFFFF600  }
0x27: {  	_ =	swait.ge [sflag:s18], $0x1000  }
0x28: {  	[sflag:s18] =	ssyncset.done $0x0  }
0x29: {  	[sflag:s18] =	ssyncadd.s32 $0xFFFFF000  }
0x2a: {  	[tilespmem:s20], [sflag:$0x1] =	stream.indirect.gather [hbm4b:s1+s19], $0x80, s12, s19, $0xb8;
	[tilespmem:$0x1FA00] =	vst v63  }
0x2b: {  	_ = 	snop  }
0x2c: {  	[tilespmem:s21], [sflag:$0x2] =	stream.indirect.gather [hbm4b:s1+s19], $0x80, s19, s19, $0xb8;
	[tilespmem:$0x1FA00] =	vst v63  }
0x2d: {  	_ = 	snop  }
0x2e: {  	[tilespmem:s23], [sflag:$0x3] =	stream.indirect.gather [hbm4b:s1+s19], $0x80, s22, s19, $0xb8;
	[tilespmem:$0x1FA00] =	vst v63  }
0x2f: {  	_ = 	snop  }
0x30: {  	[tilespmem:s25], [sflag:$0x4] =	stream.indirect.gather [hbm4b:s1+s19], $0x80, s24, s19, $0xb8;
	[tilespmem:$0x1FA00] =	vst v63  }
0x31: {  	_ =	swait.ge [sflag:s17], $0x2800  }
0x32: {  	[sflag:s17] =	ssyncset.done $0x0  }
0x33: {  	s14 =	simm.s32 $0xA00;
	[sflag:s17] =	ssyncadd.s32 $0xFFFFD800  }
0x34: {  	[spmem:s3] =	stream.indirect.scatter.add.f32 [tilespmem:s20], [sflag:$0x5], $0x80, s14, s19, $0xb8;
	[tilespmem:$0x1FA00] =	vst v63  }
0x35: {  	_ =	swait.ge [sflag:s18], $0x2800  }
0x36: {  	[sflag:s18] =	ssyncset.done $0x0  }
0x37: {  	s15 =	simm.s32 $0xA80;
	[sflag:s18] =	ssyncadd.s32 $0xFFFFD800  }
0x38: {  	[spmem:s3] =	stream.indirect.scatter.add.f32 [tilespmem:s21], [sflag:$0x6], $0x80, s15, s19, $0xb8;
	[tilespmem:$0x1FA00] =	vst v63  }
0x39: {  	_ =	swait.ge [sflag:s26], $0x2800  }
0x3a: {  	[sflag:s26] =	ssyncset.done $0x0  }
0x3b: {  	s8 =	simm.s32 $0xB00;
	[sflag:s26] =	ssyncadd.s32 $0xFFFFD800  }
0x3c: {  	[spmem:s3] =	stream.indirect.scatter.add.f32 [tilespmem:s23], [sflag:$0x7], $0x80, s8, s19, $0xb8;
	[tilespmem:$0x1FA00] =	vst v63  }
0x3d: {  	_ =	swait.ge [sflag:s28], $0x2800  }
0x3e: {  	[sflag:s28] =	ssyncset.done $0x0  }
0x3f: {  	s12 =	simm.s32 $0xB80;
	[sflag:s28] =	ssyncadd.s32 $0xFFFFD800  }
0x40: {  	[spmem:s3] =	stream.indirect.scatter.add.f32 [tilespmem:s25], [sflag:$0x8], $0x80, s12, s19, $0xb8;
	[tilespmem:$0x1FA00] =	vst v63  }
0x41: {  	_ =	swait.ge [sflag:s16], $0x2800  }
0x42: {  	[sflag:s16] =	ssyncset.done $0x0  }
0x43: {  	s13 =	simm.s32 $0x140;
	[sflag:s16] =	ssyncadd.s32 $0xFFFFD800  }
0x44: {  	[tilespmem:s20], [sflag:$0x1] =	stream.indirect.gather [hbm4b:s1+s19], $0x80, s13, s19, $0xb8;
	[tilespmem:$0x1FA00] =	vst v63  }
0x45: {  	_ =	swait.ge [sflag:s29], $0x2800  }
0x46: {  	[sflag:s29] =	ssyncset.done $0x0  }
0x47: {  	s14 =	simm.s32 $0x190;
	[sflag:s29] =	ssyncadd.s32 $0xFFFFD800  }
0x48: {  	[tilespmem:s21], [sflag:$0x2] =	stream.indirect.gather [hbm4b:s1+s19], $0x80, s14, s19, $0xb8;
	[tilespmem:$0x1FA00] =	vst v63  }
0x49: {  	_ =	swait.ge [sflag:s30], $0x2800  }
0x4a: {  	[sflag:s30] =	ssyncset.done $0x0  }
0x4b: {  	s15 =	simm.s32 $0x1E0;
	[sflag:s30] =	ssyncadd.s32 $0xFFFFD800  }
0x4c: {  	[tilespmem:s23], [sflag:$0x3] =	stream.indirect.gather [hbm4b:s1+s19], $0x80, s15, s19, $0xb8;
	[tilespmem:$0x1FA00] =	vst v63  }
0x4d: {  	_ =	swait.ge [sflag:s31], $0x2800  }
0x4e: {  	s4 =	simm.s32 $0xD80;
	[sflag:s31] =	ssyncset.done $0x0  }
0x4f: {  	s8 =	simm.s32 $0x500;
	s13 =	simm.s32 $0x230;
	[sflag:s31] =	ssyncadd.s32 $0xFFFFD800  }
.LBB2_2:
0x50: {  	[tilespmem:s25], [sflag:$0x4] =	stream.indirect.gather [hbm4b:s1+s19], $0x80, s13, s19, $0xb8;
	[tilespmem:$0x1FA00] =	vst v63  }
0x51: {  	s12 =	smov.u32 s8  }
0x52: {  	p0 =	sne.s32 s8, $0x1E00;
	s8 =	sadd.s32 $0x500, s8;
	_ =	swait.ge [sflag:s17], $0x2800  }
0x53: {  	[sflag:s17] =	ssyncset.done $0x0  }
0x54: {  	s13 =	sadd.s32 $0xFFFFFE80, s4;
	[sflag:s17] =	ssyncadd.s32 $0xFFFFD800  }
0x55: {  	[spmem:s3] =	stream.indirect.scatter.add.f32 [tilespmem:s20], [sflag:$0x5], $0x80, s13, s19, $0xb8;
	[tilespmem:$0x1FA00] =	vst v63  }
0x56: {  	_ =	swait.ge [sflag:s18], $0x2800  }
0x57: {  	[sflag:s18] =	ssyncset.done $0x0  }
0x58: {  	s13 =	sadd.s32 $0xFFFFFF00, s4;
	[sflag:s18] =	ssyncadd.s32 $0xFFFFD800  }
0x59: {  	[spmem:s3] =	stream.indirect.scatter.add.f32 [tilespmem:s21], [sflag:$0x6], $0x80, s13, s19, $0xb8;
	[tilespmem:$0x1FA00] =	vst v63  }
0x5a: {  	_ =	swait.ge [sflag:s26], $0x2800  }
0x5b: {  	[sflag:s26] =	ssyncset.done $0x0  }
0x5c: {  	s13 =	sadd.s32 $0xFFFFFF80, s4;
	[sflag:s26] =	ssyncadd.s32 $0xFFFFD800  }
0x5d: {  	[spmem:s3] =	stream.indirect.scatter.add.f32 [tilespmem:s23], [sflag:$0x7], $0x80, s13, s19, $0xb8;
	[tilespmem:$0x1FA00] =	vst v63  }
0x5e: {  	_ =	swait.ge [sflag:s28], $0x2800  }
0x5f: {  	[sflag:s28] =	ssyncset.done $0x0  }
0x60: {  	[sflag:s28] =	ssyncadd.s32 $0xFFFFD800  }
0x61: {  	[spmem:s3] =	stream.indirect.scatter.add.f32 [tilespmem:s25], [sflag:$0x8], $0x80, s4, s19, $0xb8;
	[tilespmem:$0x1FA00] =	vst v63  }
0x62: {  	_ =	swait.ge [sflag:s16], $0x2800  }
0x63: {  	s12 =	sshra.s32 s12, $0x2;
	[sflag:s16] =	ssyncset.done $0x0  }
0x64: {  	s13 =	sadd.s32 $0x140, s12;
	[sflag:s16] =	ssyncadd.s32 $0xFFFFD800  }
0x65: {  	[tilespmem:s20], [sflag:$0x1] =	stream.indirect.gather [hbm4b:s1+s19], $0x80, s13, s19, $0xb8;
	[tilespmem:$0x1FA00] =	vst v63  }
0x66: {  	_ =	swait.ge [sflag:s29], $0x2800  }
0x67: {  	[sflag:s29] =	ssyncset.done $0x0  }
0x68: {  	s13 =	sadd.s32 $0x190, s12;
	[sflag:s29] =	ssyncadd.s32 $0xFFFFD800  }
0x69: {  	[tilespmem:s21], [sflag:$0x2] =	stream.indirect.gather [hbm4b:s1+s19], $0x80, s13, s19, $0xb8;
	[tilespmem:$0x1FA00] =	vst v63  }
0x6a: {  	_ =	swait.ge [sflag:s30], $0x2800  }
0x6b: {  	[sflag:s30] =	ssyncset.done $0x0  }
.Ltmp0:
0x6c: {  	s13 =	sadd.s32 $0x1E0, s12;
	[sflag:s30] =	ssyncadd.s32 $0xFFFFD800;
	(pc) =	sbr.rel @p0 .LBB2_2-.Ltmp0, $4  }
0x6d: {  	[tilespmem:s23], [sflag:$0x3] =	stream.indirect.gather [hbm4b:s1+s19], $0x80, s13, s19, $0xb8;
	[tilespmem:$0x1FA00] =	vst v63  }
0x6e: {  	_ =	swait.ge [sflag:s31], $0x2800  }
0x6f: {  	[sflag:s31] =	ssyncset.done $0x0  }
0x70: {  	s4 =	sadd.s32 $0x200, s4;
	s13 =	sadd.s32 $0x230, s12;
	[sflag:s31] =	ssyncadd.s32 $0xFFFFD800  }
0x71: {  	[tilespmem:s25], [sflag:$0x4] =	stream.indirect.gather [hbm4b:s1+s19], $0x80, s13, s19, $0xb8;
	[tilespmem:$0x1FA00] =	vst v63  }
0x72: {  	_ =	swait.ge [sflag:s17], $0x2800  }
0x73: {  	[sflag:s17] =	ssyncset.done $0x0  }
0x74: {  	[sflag:s17] =	ssyncadd.s32 $0xFFFFD800  }
0x75: {  	[spmem:s3] =	stream.indirect.scatter.add.f32 [tilespmem:s20], [sflag:$0x9], $0x80, s0, s19, $0xb8;
	[tilespmem:$0x1FA00] =	vst v63  }
0x76: {  	_ =	swait.ge [sflag:s2], $0x2800  }
0x77: {  	[sflag:s2] =	ssyncset.done $0x0  }
0x78: {  	[sflag:s2] =	ssyncadd.s32 $0xFFFFD800  }
0x79: {  	_ =	swait.ge [sflag:s18], $0x2800  }
0x7a: {  	[sflag:s18] =	ssyncset.done $0x0  }
0x7b: {  	[sflag:s18] =	ssyncadd.s32 $0xFFFFD800  }
0x7c: {  	[spmem:s3] =	stream.indirect.scatter.add.f32 [tilespmem:s21], [sflag:$0x9], $0x80, s6, s19, $0xb8;
	[tilespmem:$0x1FA00] =	vst v63  }
0x7d: {  	_ =	swait.ge [sflag:s2], $0x2800  }
0x7e: {  	[sflag:s2] =	ssyncset.done $0x0  }
0x7f: {  	[sflag:s2] =	ssyncadd.s32 $0xFFFFD800  }
0x80: {  	_ =	swait.ge [sflag:s26], $0x2800  }
0x81: {  	[sflag:s26] =	ssyncset.done $0x0  }
0x82: {  	[sflag:s26] =	ssyncadd.s32 $0xFFFFD800  }
0x83: {  	[spmem:s3] =	stream.indirect.scatter.add.f32 [tilespmem:s23], [sflag:$0x9], $0x80, s9, s19, $0xb8;
	[tilespmem:$0x1FA00] =	vst v63  }
0x84: {  	_ =	swait.ge [sflag:s2], $0x2800  }
0x85: {  	[sflag:s2] =	ssyncset.done $0x0  }
0x86: {  	[sflag:s2] =	ssyncadd.s32 $0xFFFFD800  }
0x87: {  	_ =	swait.ge [sflag:s28], $0x2800  }
0x88: {  	[sflag:s28] =	ssyncset.done $0x0  }
0x89: {  	[sflag:s28] =	ssyncadd.s32 $0xFFFFD800  }
0x8a: {  	[spmem:s3] =	stream.indirect.scatter.add.f32 [tilespmem:s25], [sflag:$0x9], $0x80, s10, s19, $0xb8;
	[tilespmem:$0x1FA00] =	vst v63  }
0x8b: {  	_ =	swait.ge [sflag:s2], $0x2800  }
0x8c: {  	[sflag:s2] =	ssyncset.done $0x0  }
0x8d: {  	s13 =	simm.s32 $0x0;
	s8 =	simm.s32 $0x0;
	[sflag:s2] =	ssyncadd.s32 $0xFFFFD800  }
.LBB2_4:
0x8e: {  	s8 =	sadd.s32 $0x1, s8  }
0x8f: {  	s4 =	smul.u32 $0xA00, s8;
	_ =	sdelay $0x1  }
0x90: {  	s4 =	sadd.s32 s7, s4  }
0x91: {  	s4 =	sshrl.u32 s4, $0x3  }
0x92: {  	s14 =	sshll.u32 s8, $0x9;
	s4 =	sadd.s32 s5, s4  }
0x93: {  	[tilespmem:s13], [sflag:$0x1] =	stream.linear.gather [hbm4b:s4+s13], $0xA00, $0x38;
	[tilespmem:$0x1FA00] =	vst v63  }
0x94: {  	s12 =	simm.s32 $0xA00;
	s4 =	sadd.s32 s14, s11  }
0x95: {  	[tilespmem:s12], [sflag:$0x2] =	stream.linear.gather [hbm4b:s4+s13], $0x1000, $0x38;
	[tilespmem:$0x1FA00] =	vst v63  }
0x96: {  	_ =	swait.ge [sflag:s17], $0xA00  }
0x97: {  	[sflag:s17] =	ssyncset.done $0x0  }
0x98: {  	[sflag:s17] =	ssyncadd.s32 $0xFFFFF600  }
0x99: {  	_ =	swait.ge [sflag:s18], $0x1000  }
0x9a: {  	[sflag:s18] =	ssyncset.done $0x0  }
0x9b: {  	[sflag:s18] =	ssyncadd.s32 $0xFFFFF000  }
0x9c: {  	[tilespmem:s20], [sflag:$0x1] =	stream.indirect.gather [hbm4b:s1+s19], $0x80, s13, s19, $0xb8;
	[tilespmem:$0x1FA00] =	vst v63  }
0x9d: {  	_ = 	snop  }
0x9e: {  	[tilespmem:s21], [sflag:$0x2] =	stream.indirect.gather [hbm4b:s1+s19], $0x80, s19, s19, $0xb8;
	[tilespmem:$0x1FA00] =	vst v63  }
0x9f: {  	_ = 	snop  }
0xa0: {  	[tilespmem:s23], [sflag:$0x3] =	stream.indirect.gather [hbm4b:s1+s19], $0x80, s22, s19, $0xb8;
	[tilespmem:$0x1FA00] =	vst v63  }
0xa1: {  	_ = 	snop  }
0xa2: {  	[tilespmem:s25], [sflag:$0x4] =	stream.indirect.gather [hbm4b:s1+s19], $0x80, s24, s19, $0xb8;
	[tilespmem:$0x1FA00] =	vst v63  }
0xa3: {  	_ =	swait.ge [sflag:s17], $0x2800  }
0xa4: {  	[sflag:s17] =	ssyncset.done $0x0  }
0xa5: {  	s15 =	simm.s32 $0xA00;
	[sflag:s17] =	ssyncadd.s32 $0xFFFFD800  }
0xa6: {  	[spmem:s3] =	stream.indirect.scatter.add.f32 [tilespmem:s20], [sflag:$0x5], $0x80, s15, s19, $0xb8;
	[tilespmem:$0x1FA00] =	vst v63  }
0xa7: {  	_ =	swait.ge [sflag:s18], $0x2800  }
0xa8: {  	[sflag:s18] =	ssyncset.done $0x0  }
0xa9: {  	s12 =	simm.s32 $0xA80;
	[sflag:s18] =	ssyncadd.s32 $0xFFFFD800  }
0xaa: {  	[spmem:s3] =	stream.indirect.scatter.add.f32 [tilespmem:s21], [sflag:$0x6], $0x80, s12, s19, $0xb8;
	[tilespmem:$0x1FA00] =	vst v63  }
0xab: {  	_ =	swait.ge [sflag:s26], $0x2800  }
0xac: {  	[sflag:s26] =	ssyncset.done $0x0  }
0xad: {  	s14 =	simm.s32 $0xB00;
	[sflag:s26] =	ssyncadd.s32 $0xFFFFD800  }
0xae: {  	[spmem:s3] =	stream.indirect.scatter.add.f32 [tilespmem:s23], [sflag:$0x7], $0x80, s14, s19, $0xb8;
	[tilespmem:$0x1FA00] =	vst v63  }
0xaf: {  	_ =	swait.ge [sflag:s28], $0x2800  }
0xb0: {  	[sflag:s28] =	ssyncset.done $0x0  }
0xb1: {  	s15 =	simm.s32 $0xB80;
	[sflag:s28] =	ssyncadd.s32 $0xFFFFD800  }
0xb2: {  	[spmem:s3] =	stream.indirect.scatter.add.f32 [tilespmem:s25], [sflag:$0x8], $0x80, s15, s19, $0xb8;
	[tilespmem:$0x1FA00] =	vst v63  }
0xb3: {  	_ =	swait.ge [sflag:s16], $0x2800  }
0xb4: {  	[sflag:s16] =	ssyncset.done $0x0  }
0xb5: {  	s12 =	simm.s32 $0x140;
	[sflag:s16] =	ssyncadd.s32 $0xFFFFD800  }
0xb6: {  	[tilespmem:s20], [sflag:$0x1] =	stream.indirect.gather [hbm4b:s1+s19], $0x80, s12, s19, $0xb8;
	[tilespmem:$0x1FA00] =	vst v63  }
0xb7: {  	_ =	swait.ge [sflag:s29], $0x2800  }
0xb8: {  	[sflag:s29] =	ssyncset.done $0x0  }
0xb9: {  	s14 =	simm.s32 $0x190;
	[sflag:s29] =	ssyncadd.s32 $0xFFFFD800  }
0xba: {  	[tilespmem:s21], [sflag:$0x2] =	stream.indirect.gather [hbm4b:s1+s19], $0x80, s14, s19, $0xb8;
	[tilespmem:$0x1FA00] =	vst v63  }
0xbb: {  	_ =	swait.ge [sflag:s30], $0x2800  }
0xbc: {  	[sflag:s30] =	ssyncset.done $0x0  }
0xbd: {  	s15 =	simm.s32 $0x1E0;
	[sflag:s30] =	ssyncadd.s32 $0xFFFFD800  }
0xbe: {  	[tilespmem:s23], [sflag:$0x3] =	stream.indirect.gather [hbm4b:s1+s19], $0x80, s15, s19, $0xb8;
	[tilespmem:$0x1FA00] =	vst v63  }
0xbf: {  	_ =	swait.ge [sflag:s31], $0x2800  }
0xc0: {  	s4 =	simm.s32 $0x500;
	[sflag:s31] =	ssyncset.done $0x0  }
0xc1: {  	s12 =	simm.s32 $0x230;
	s14 =	simm.s32 $0xD80;
	[sflag:s31] =	ssyncadd.s32 $0xFFFFD800  }
.LBB2_5:
0xc2: {  	[tilespmem:s25], [sflag:$0x4] =	stream.indirect.gather [hbm4b:s1+s19], $0x80, s12, s19, $0xb8;
	[tilespmem:$0x1FA00] =	vst v63  }
0xc3: {  	s12 =	smov.u32 s4  }
0xc4: {  	p0 =	sne.s32 s4, $0x1E00;
	s4 =	sadd.s32 $0x500, s4;
	_ =	swait.ge [sflag:s17], $0x2800  }
0xc5: {  	[sflag:s17] =	ssyncset.done $0x0  }
0xc6: {  	s15 =	sadd.s32 $0xFFFFFE80, s14;
	[sflag:s17] =	ssyncadd.s32 $0xFFFFD800  }
0xc7: {  	[spmem:s3] =	stream.indirect.scatter.add.f32 [tilespmem:s20], [sflag:$0x5], $0x80, s15, s19, $0xb8;
	[tilespmem:$0x1FA00] =	vst v63  }
0xc8: {  	_ =	swait.ge [sflag:s18], $0x2800  }
0xc9: {  	[sflag:s18] =	ssyncset.done $0x0  }
0xca: {  	s15 =	sadd.s32 $0xFFFFFF00, s14;
	[sflag:s18] =	ssyncadd.s32 $0xFFFFD800  }
0xcb: {  	[spmem:s3] =	stream.indirect.scatter.add.f32 [tilespmem:s21], [sflag:$0x6], $0x80, s15, s19, $0xb8;
	[tilespmem:$0x1FA00] =	vst v63  }
0xcc: {  	_ =	swait.ge [sflag:s26], $0x2800  }
0xcd: {  	[sflag:s26] =	ssyncset.done $0x0  }
0xce: {  	s15 =	sadd.s32 $0xFFFFFF80, s14;
	[sflag:s26] =	ssyncadd.s32 $0xFFFFD800  }
0xcf: {  	[spmem:s3] =	stream.indirect.scatter.add.f32 [tilespmem:s23], [sflag:$0x7], $0x80, s15, s19, $0xb8;
	[tilespmem:$0x1FA00] =	vst v63  }
0xd0: {  	_ =	swait.ge [sflag:s28], $0x2800  }
0xd1: {  	[sflag:s28] =	ssyncset.done $0x0  }
0xd2: {  	[sflag:s28] =	ssyncadd.s32 $0xFFFFD800  }
0xd3: {  	[spmem:s3] =	stream.indirect.scatter.add.f32 [tilespmem:s25], [sflag:$0x8], $0x80, s14, s19, $0xb8;
	[tilespmem:$0x1FA00] =	vst v63  }
0xd4: {  	_ =	swait.ge [sflag:s16], $0x2800  }
0xd5: {  	s12 =	sshra.s32 s12, $0x2;
	[sflag:s16] =	ssyncset.done $0x0  }
0xd6: {  	s15 =	sadd.s32 $0x140, s12;
	[sflag:s16] =	ssyncadd.s32 $0xFFFFD800  }
0xd7: {  	[tilespmem:s20], [sflag:$0x1] =	stream.indirect.gather [hbm4b:s1+s19], $0x80, s15, s19, $0xb8;
	[tilespmem:$0x1FA00] =	vst v63  }
0xd8: {  	_ =	swait.ge [sflag:s29], $0x2800  }
0xd9: {  	[sflag:s29] =	ssyncset.done $0x0  }
0xda: {  	s15 =	sadd.s32 $0x190, s12;
	[sflag:s29] =	ssyncadd.s32 $0xFFFFD800  }
0xdb: {  	[tilespmem:s21], [sflag:$0x2] =	stream.indirect.gather [hbm4b:s1+s19], $0x80, s15, s19, $0xb8;
	[tilespmem:$0x1FA00] =	vst v63  }
0xdc: {  	_ =	swait.ge [sflag:s30], $0x2800  }
0xdd: {  	[sflag:s30] =	ssyncset.done $0x0  }
.Ltmp1:
0xde: {  	s15 =	sadd.s32 $0x1E0, s12;
	[sflag:s30] =	ssyncadd.s32 $0xFFFFD800;
	(pc) =	sbr.rel @p0 .LBB2_5-.Ltmp1, $4  }
0xdf: {  	[tilespmem:s23], [sflag:$0x3] =	stream.indirect.gather [hbm4b:s1+s19], $0x80, s15, s19, $0xb8;
	[tilespmem:$0x1FA00] =	vst v63  }
0xe0: {  	_ =	swait.ge [sflag:s31], $0x2800  }
0xe1: {  	[sflag:s31] =	ssyncset.done $0x0  }
0xe2: {  	s14 =	sadd.s32 $0x200, s14;
	s12 =	sadd.s32 $0x230, s12;
	[sflag:s31] =	ssyncadd.s32 $0xFFFFD800  }
0xe3: {  	[tilespmem:s25], [sflag:$0x4] =	stream.indirect.gather [hbm4b:s1+s19], $0x80, s12, s19, $0xb8;
	[tilespmem:$0x1FA00] =	vst v63  }
0xe4: {  	_ =	swait.ge [sflag:s17], $0x2800  }
0xe5: {  	[sflag:s17] =	ssyncset.done $0x0  }
0xe6: {  	[sflag:s17] =	ssyncadd.s32 $0xFFFFD800  }
0xe7: {  	[spmem:s3] =	stream.indirect.scatter.add.f32 [tilespmem:s20], [sflag:$0x9], $0x80, s0, s19, $0xb8;
	[tilespmem:$0x1FA00] =	vst v63  }
0xe8: {  	_ =	swait.ge [sflag:s2], $0x2800  }
0xe9: {  	[sflag:s2] =	ssyncset.done $0x0  }
0xea: {  	[sflag:s2] =	ssyncadd.s32 $0xFFFFD800  }
0xeb: {  	_ =	swait.ge [sflag:s18], $0x2800  }
0xec: {  	[sflag:s18] =	ssyncset.done $0x0  }
0xed: {  	[sflag:s18] =	ssyncadd.s32 $0xFFFFD800  }
0xee: {  	[spmem:s3] =	stream.indirect.scatter.add.f32 [tilespmem:s21], [sflag:$0x9], $0x80, s6, s19, $0xb8;
	[tilespmem:$0x1FA00] =	vst v63  }
0xef: {  	_ =	swait.ge [sflag:s2], $0x2800  }
0xf0: {  	[sflag:s2] =	ssyncset.done $0x0  }
0xf1: {  	[sflag:s2] =	ssyncadd.s32 $0xFFFFD800  }
0xf2: {  	_ =	swait.ge [sflag:s26], $0x2800  }
0xf3: {  	[sflag:s26] =	ssyncset.done $0x0  }
0xf4: {  	[sflag:s26] =	ssyncadd.s32 $0xFFFFD800  }
0xf5: {  	[spmem:s3] =	stream.indirect.scatter.add.f32 [tilespmem:s23], [sflag:$0x9], $0x80, s9, s19, $0xb8;
	[tilespmem:$0x1FA00] =	vst v63  }
0xf6: {  	_ =	swait.ge [sflag:s2], $0x2800  }
0xf7: {  	[sflag:s2] =	ssyncset.done $0x0  }
0xf8: {  	[sflag:s2] =	ssyncadd.s32 $0xFFFFD800  }
0xf9: {  	_ =	swait.ge [sflag:s28], $0x2800  }
0xfa: {  	p0 =	sne.s32 s8, $0x3;
	[sflag:s28] =	ssyncset.done $0x0  }
.Ltmp2:
0xfb: {  	[sflag:s28] =	ssyncadd.s32 $0xFFFFD800;
	(pc) =	sbr.rel @p0 .LBB2_4-.Ltmp2, $4  }
0xfc: {  	[spmem:s3] =	stream.indirect.scatter.add.f32 [tilespmem:s25], [sflag:$0x9], $0x80, s10, s19, $0xb8;
	[tilespmem:$0x1FA00] =	vst v63  }
0xfd: {  	_ =	swait.ge [sflag:s2], $0x2800  }
0xfe: {  	[sflag:s2] =	ssyncset.done $0x0  }
0xff: {  	[sflag:s2] =	ssyncadd.s32 $0xFFFFD800  }
0x100: {  	[bflag:$0x0] =	sbarrier.arrive $0xFFFF  }
0x101: {  	s4 =	rddreg [dreg:$0x5]  }
0x102: {  	s8 =	rddreg [dreg:$0x8]  }
0x103: {  	s12 =	rddreg [dreg:$0xa];
	s4 =	sor.u32 $0x1C09, s4  }
0x104: {  	[hbm:s8], [sflag:s4] =	dma.local [spmem:s12], $0x2800  }
0x105: {  	_ =	swait.ge [sflag:s2], $0x2800  }
0x106: {  	s14 =	rddreg [dreg:$0xb]  }
0x107: {  	s15 =	rddreg [dreg:$0x9];
	s8 =	sadd.s32 $0x1, s14  }
0x108: {  	p0 =	sne.s32 s8, s15  }
.Ltmp3:
0x109: {  	_ = 	snop;
	(pc) =	sbr.rel @p0 .LBB2_1-.Ltmp3, $3  }
0x10a: {  	_ =	sdelay $0x1  }
0x10b: {  	[sflag:s2] =	ssyncset.done $0x0  }
0x10c: {  	[sflag:s2] =	ssyncadd.s32 $0xFFFFD800  }
0x10d: {  	_ =	sfence.sel $0x180000  }
0x10e: {  	[bflag:$0x0] =	sbarrier.arrive $0xFFFF  }
0x10f: {  	_ =	strace $0x90000047  }
0x110: {  	s0 =	stileid.u32;
	[bflag:$0x2] =	sbarrier.arrive $0xFFFF  }
0x111: {  	p0 =	sne.s32 s0, $0x0;
	s0 =	rddreg [dreg:$0x3]  }
0x112: {  	s0 =	sadd.s32 @!p0 $0x100000, s0  }
0x113: {  	[sflag:s0] =	ssyncadd.tile.s32 @!p0 $0x1;
	_ =	shalt  }
.Lfunc_end2:
_tile_overlayer_lowered:
.L_overlay_start_2:
0x114: {  	(tag) =	ssettag $0x2  }
0x115: {  	s0 =	rddreg [dreg:$0x0];
	s2 =	stileid.u32  }
0x116: {  	s1 =	rddreg [dreg:$0x1];
	p0 =	sne.s32 s2, $0x0  }
0x117: {  	s3 =	rddreg [dreg:$0x2];
	[bflag:$0x3] =	sbarrier.arrive $0xFFFF;
	s2 =	simm.s32 @!p0 $0x1C09  }
0x118: {  	[timem:s3], [sflag:s2] =	dma.local @!p0 [hbm:s0], s1  }
0x119: {  	s0 =	simm.s32 @!p0 $0x9  }
0x11a: {  	_ =	swait.ge @!p0 [sflag:s0], s1  }
0x11b: {  	s1 =	ssub.s32 @!p0 $0x0, s1;
	[sflag:s0] =	ssyncset.done @!p0 $0x0  }
0x11c: {  	[sflag:s0] =	ssyncadd.s32 @!p0 s1  }
0x11d: {  	[bflag:$0x3] =	sbarrier.arrive $0xFFFF  }
0x11e: {  	_ =	shalt  }

</sc_bundles>
